<compile_context>
chip_gen: v7x
topology: tpu7x:2x2x1
jax: 0.10.2.dev20260603
libtpu: 0.0.44.dev20260713+nightly
codegen_flags: <defaults>
</compile_context>

<pallas_src>
import jax
import jax.numpy as jnp
from jax import lax
from jax.experimental import pallas as pl
from jax.experimental.pallas import tpu as pltpu
from jax.experimental.pallas import tpu_sc as plsc

VOCAB = 1000000
D = 64
B = 16384
C = 50

NC = 2
NS = 16
L = 16
NW = NC * NS
QPW = B // NW
QCHUNK = 16
NCHUNK = QPW // QCHUNK
IDX_MINOR = 100
NSTREAM = (QCHUNK * C) // IDX_MINOR
KD = D // L


def _body(qid_hbm, cid_hbm, table_hbm, out_hbm,
          cidx0, cidx1, qidx0, qidx1, rows0, rows1, qrows0, qrows1,
          scores_v, sem0, sem1):
    wid = lax.axis_index("s") * NC + lax.axis_index("c")
    lanes = lax.iota(jnp.int32, L)
    cidx = (cidx0, cidx1)
    qidx = (qidx0, qidx1)
    rows = (rows0, rows1)
    qrows = (qrows0, qrows1)
    sems = (sem0, sem1)

    def issue(buf, t):
        qbase = wid * QPW + t * QCHUNK
        cid_off = pl.multiple_of(qbase * C // IDX_MINOR, 8)
        pltpu.sync_copy(cid_hbm.at[pl.ds(cid_off, NSTREAM)], cidx[buf])
        pltpu.sync_copy(qid_hbm.at[pl.ds(pl.multiple_of(qbase, 8), QCHUNK)],
                        qidx[buf])
        for j in range(NSTREAM):
            pltpu.async_copy(
                table_hbm.at[cidx[buf].at[j]],
                rows[buf].at[pl.ds(j * IDX_MINOR, IDX_MINOR)], sems[buf])
        pltpu.async_copy(table_hbm.at[qidx[buf]], qrows[buf], sems[buf])

    def drain(buf):
        for j in range(NSTREAM):
            pltpu.make_async_copy(
                table_hbm.at[cidx[buf].at[j]],
                rows[buf].at[pl.ds(j * IDX_MINOR, IDX_MINOR)],
                sems[buf]).wait()
        pltpu.make_async_copy(table_hbm.at[qidx[buf]], qrows[buf],
                              sems[buf]).wait()

    def compute(buf, t):
        qbase = wid * QPW + t * QCHUNK
        rows_v = rows[buf]
        qrows_v = qrows[buf]

        def q_body(q, carry2):
            qv = [qrows_v[q, pl.ds(k * L, L)] for k in range(KD)]
            for c0 in range(0, C, L):
                n = min(L, C - c0)
                cur = jnp.zeros((L,), jnp.float32)
                for jj in range(n):
                    row = q * C + (c0 + jj)
                    p = qv[0] * rows_v[row, pl.ds(0, L)]
                    for k in range(1, KD):
                        p = p + qv[k] * rows_v[row, pl.ds(k * L, L)]
                    s = jnp.sum(p)
                    cur = jnp.where(lanes == jj, s, cur)
                sig = 1.0 / (1.0 + jnp.exp(-cur))
                scores_v[pl.ds(q * C + c0, L)] = sig
            return carry2

        lax.fori_loop(0, QCHUNK, q_body, 0, unroll=False)
        pltpu.sync_copy(
            scores_v.at[pl.ds(0, QCHUNK * C)],
            out_hbm.at[pl.ds(pl.multiple_of(qbase * C, 8), QCHUNK * C)])

    issue(0, 0)

    def pair_body(tt, carry):
        t0 = 2 * tt
        drain(0)
        issue(1, t0 + 1)
        compute(0, t0)
        drain(1)

        @pl.when(tt + 1 < NCHUNK // 2)
        def _():
            issue(0, t0 + 2)

        compute(1, t0 + 1)
        return carry

    lax.fori_loop(0, NCHUNK // 2, pair_body, 0, unroll=False)


@jax.jit
def _frame(query_id, cand_ids_2d, table):
    kern = pl.kernel(
        _body,
        out_type=jax.ShapeDtypeStruct((B * C,), jnp.float32),
        mesh=plsc.VectorSubcoreMesh(core_axis_name="c", subcore_axis_name="s",
                                    num_cores=NC, num_subcores=NS),
        compiler_params=pltpu.CompilerParams(needs_layout_passes=False,
                                             use_tc_tiling_on_sc=False),
        scratch_types=[
            pltpu.VMEM((NSTREAM, IDX_MINOR), jnp.int32),
            pltpu.VMEM((NSTREAM, IDX_MINOR), jnp.int32),
            pltpu.VMEM((QCHUNK,), jnp.int32),
            pltpu.VMEM((QCHUNK,), jnp.int32),
            pltpu.VMEM((QCHUNK * C, D), jnp.float32),
            pltpu.VMEM((QCHUNK * C, D), jnp.float32),
            pltpu.VMEM((QCHUNK, D), jnp.float32),
            pltpu.VMEM((QCHUNK, D), jnp.float32),
            pltpu.VMEM((QCHUNK * C + L,), jnp.float32),
            pltpu.SemaphoreType.DMA,
            pltpu.SemaphoreType.DMA,
        ],
    )
    return kern(query_id, cand_ids_2d, table)


def kernel(query_id, candidate_hyper_ids, table):
    cand_ids_2d = candidate_hyper_ids.reshape(B * C // IDX_MINOR, IDX_MINOR)
    out = _frame(query_id, cand_ids_2d, table)
    return out.reshape(B, C)

# --- scband reference (transcript-rebuilt; emitter-appended) ---
"""Pipeline reference for scband-frame-60370060313027 (READ-ONLY COPY).

The authoritative reference and input builder live on the scoring server;
editing this copy changes nothing except your own understanding.
"""

import jax, jax.numpy as jnp
import numpy as np

VOCAB = 1000000
EMBED_DIM = 64
BATCH = 16384
N_CAND = 50

def setup_inputs(seed: int = 0) -> dict:
    key = jax.random.key(seed)
    k1, k2, k3 = jax.random.split(key, 3)
    query_id = jax.random.randint(k1, (BATCH,), 0, VOCAB, dtype=jnp.int64 if jax.config.jax_enable_x64 else jnp.int32).astype(jnp.int32)
    candidate_hyper_ids = jax.random.randint(k2, (BATCH, N_CAND), 0, VOCAB).astype(jnp.int32)
    # learned parameter: embedding table (pretrained word vectors, trainable)
    table = jax.random.normal(k3, (VOCAB, EMBED_DIM), dtype=jnp.float32) * 0.02
    return {"query_id": query_id, "candidate_hyper_ids": candidate_hyper_ids, "table": table}

def reference(query_id, candidate_hyper_ids, table):
    # hyper_vectors = self.embedding(candidate_hyper_ids)
    hyper_vectors = jnp.take(table, candidate_hyper_ids, axis=0)      # [B, C, d]
    # query_vectors = self.embedding(query_id)
    query_vectors = jnp.take(table, query_id, axis=0)                  # [B, d]
    # inner_module: dot-product scorer with sigmoid (hypernymy score per candidate,
    # matching the BCELoss-based loss_fct which expects probabilities)
    scores = jnp.einsum('bd,bcd->bc', query_vectors, hyper_vectors)    # [B, C]
    return jax.nn.sigmoid(scores)

if __name__ == "__main__":
    import jax
    _d = setup_inputs()
    print(jax.jit(kernel)(*tuple(_d.values())))

</pallas_src>

<mosaic_0001>
#map = affine_map<(d0, d1) -> (0)>
#map1 = affine_map<(d0, d1) -> (0, 0)>
module attributes {stable_mosaic.version = 14 : i64} {
  func.func @_body(%arg0: i32, %arg1: i32, %arg2: memref<16384xi32, #tpu.memory_space<hbm>>, %arg3: memref<8192x100xi32, #tpu.memory_space<hbm>>, %arg4: memref<1000000x64xf32, #tpu.memory_space<hbm>>, %arg5: memref<819200xf32, #tpu.memory_space<hbm>>, %arg6: memref<8x100xi32, #tpu.memory_space<vmem>>, %arg7: memref<8x100xi32, #tpu.memory_space<vmem>>, %arg8: memref<16xi32, #tpu.memory_space<vmem>>, %arg9: memref<16xi32, #tpu.memory_space<vmem>>, %arg10: memref<800x64xf32, #tpu.memory_space<vmem>>, %arg11: memref<800x64xf32, #tpu.memory_space<vmem>>, %arg12: memref<16x64xf32, #tpu.memory_space<vmem>>, %arg13: memref<16x64xf32, #tpu.memory_space<vmem>>, %arg14: memref<816xf32, #tpu.memory_space<vmem>>, %arg15: memref<!tpu.dma_semaphore, #tpu.memory_space<semaphore_mem>>, %arg16: memref<!tpu.dma_semaphore, #tpu.memory_space<semaphore_mem>>) attributes {dimension_semantics = [#tpu.dimension_semantics<core_parallel>, #tpu.dimension_semantics<subcore_parallel>], iteration_bounds = array<i64: 2, 16>, scalar_prefetch = 0 : i64, scratch_operands = 11 : i64, tpu.core_type = #tpu.core_type<sc_vector_subcore>, window_params = [{transform_indices = #map}, {transform_indices = #map1}, {transform_indices = #map1}, {transform_indices = #map}]} {
    %mul3A = arith.constant 2 : i32
    %mul3A_0 = arith.muli %arg1, %mul3A : i32
    %add3A = arith.addi %mul3A_0, %arg0 : i32
    %iota3A = tpu.iota {dimensions = array<i32: 0>} : vector<16xi32>
    %mul3A_1 = arith.constant 512 : i32
    %mul3A_2 = arith.muli %add3A, %mul3A_1 : i32
    %add3A_3 = arith.constant 0 : i32
    %add3A_4 = arith.addi %mul3A_2, %add3A_3 : i32
    %mul3A_5 = arith.constant 50 : i32
    %mul3A_6 = arith.muli %add3A_4, %mul3A_5 : i32
    %jit3A = arith.constant 100 : i32
    %div3A = arith.divsi %mul3A_6, %jit3A : i32
    %sign3A = arith.constant 0 : i32
    %sign3A_7 = arith.cmpi sgt, %mul3A_6, %sign3A : i32
    %sign3A_8 = arith.extui %sign3A_7 : i1 to i32
    %sign3A_9 = arith.constant 0 : i32
    %sign3A_10 = arith.cmpi slt, %mul3A_6, %sign3A_9 : i32
    %sign3A_11 = arith.extui %sign3A_10 : i1 to i32
    %sign3A_12 = arith.subi %sign3A_8, %sign3A_11 : i32
    %sign3A_13 = arith.constant 0 : i32
    %sign3A_14 = arith.cmpi sgt, %jit3A, %sign3A_13 : i32
    %sign3A_15 = arith.extui %sign3A_14 : i1 to i32
    %sign3A_16 = arith.constant 0 : i32
    %sign3A_17 = arith.cmpi slt, %jit3A, %sign3A_16 : i32
    %sign3A_18 = arith.extui %sign3A_17 : i1 to i32
    %sign3A_19 = arith.subi %sign3A_15, %sign3A_18 : i32
    %ne3A = arith.cmpi ne, %sign3A_12, %sign3A_19 : i32
    %rem3A = arith.remsi %mul3A_6, %jit3A : i32
    %ne3A_20 = arith.constant 0 : i32
    %ne3A_21 = arith.cmpi ne, %rem3A, %ne3A_20 : i32
    %and3A = arith.andi %ne3A, %ne3A_21 : i1
    %sub3A = arith.constant 1 : i32
    %sub3A_22 = arith.subi %div3A, %sub3A : i32
    %select_n3A = arith.select %and3A, %sub3A_22, %div3A : i32
    %multiple_of3A = tpu.assume_multiple %select_n3A, 8 : i32
    "tpu.region"() ({
      %run_scoped3A = tpu.sem_alloc : memref<!tpu.dma_semaphore, #tpu.memory_space<semaphore_mem>>
      %dma_start3A_111 = arith.constant 0 : i32
      %dma_start3A_112 = tpu.memref_slice %arg3[%multiple_of3A, %dma_start3A_111] : memref<8192x100xi32, #tpu.memory_space<hbm>> -> memref<8x100xi32, #tpu.memory_space<hbm>>
      %dma_start3A_113 = arith.constant 0 : i32
      %dma_start3A_114 = tpu.memref_slice %arg3[%multiple_of3A, %dma_start3A_113] : memref<8192x100xi32, #tpu.memory_space<hbm>> -> memref<8x100xi32, #tpu.memory_space<hbm>>
      tpu.enqueue_dma source(%dma_start3A_114 : memref<8x100xi32, #tpu.memory_space<hbm>>) target(%arg6 : memref<8x100xi32, #tpu.memory_space<vmem>>) target_semaphore(%run_scoped3A : memref<!tpu.dma_semaphore, #tpu.memory_space<semaphore_mem>>)
      %dma_wait3A = arith.constant 0 : i32
      %dma_wait3A_115 = tpu.memref_slice %arg3[%multiple_of3A, %dma_wait3A] : memref<8192x100xi32, #tpu.memory_space<hbm>> -> memref<8x100xi32, #tpu.memory_space<hbm>>
      %dma_wait3A_116 = arith.constant 0 : i32
      %dma_wait3A_117 = tpu.memref_slice %arg3[%multiple_of3A, %dma_wait3A_116] : memref<8192x100xi32, #tpu.memory_space<hbm>> -> memref<8x100xi32, #tpu.memory_space<hbm>>
      tpu.wait_dma2 semaphore(%run_scoped3A : memref<!tpu.dma_semaphore, #tpu.memory_space<semaphore_mem>>) src(%dma_wait3A_117 : memref<8x100xi32, #tpu.memory_space<hbm>>) dst(%arg6 : memref<8x100xi32, #tpu.memory_space<vmem>>)
      tpu.yield
    }) : () -> ()
    %multiple_of3A_23 = tpu.assume_multiple %add3A_4, 8 : i32
    "tpu.region"() ({
      %run_scoped3A = tpu.sem_alloc : memref<!tpu.dma_semaphore, #tpu.memory_space<semaphore_mem>>
      %dma_start3A_111 = tpu.memref_slice %arg2[%multiple_of3A_23] : memref<16384xi32, #tpu.memory_space<hbm>> -> memref<16xi32, #tpu.memory_space<hbm>>
      %dma_start3A_112 = tpu.memref_slice %arg2[%multiple_of3A_23] : memref<16384xi32, #tpu.memory_space<hbm>> -> memref<16xi32, #tpu.memory_space<hbm>>
      tpu.enqueue_dma source(%dma_start3A_112 : memref<16xi32, #tpu.memory_space<hbm>>) target(%arg8 : memref<16xi32, #tpu.memory_space<vmem>>) target_semaphore(%run_scoped3A : memref<!tpu.dma_semaphore, #tpu.memory_space<semaphore_mem>>)
      %dma_wait3A = tpu.memref_slice %arg2[%multiple_of3A_23] : memref<16384xi32, #tpu.memory_space<hbm>> -> memref<16xi32, #tpu.memory_space<hbm>>
      %dma_wait3A_113 = tpu.memref_slice %arg2[%multiple_of3A_23] : memref<16384xi32, #tpu.memory_space<hbm>> -> memref<16xi32, #tpu.memory_space<hbm>>
      tpu.wait_dma2 semaphore(%run_scoped3A : memref<!tpu.dma_semaphore, #tpu.memory_space<semaphore_mem>>) src(%dma_wait3A_113 : memref<16xi32, #tpu.memory_space<hbm>>) dst(%arg8 : memref<16xi32, #tpu.memory_space<vmem>>)
      tpu.yield
    }) : () -> ()
    %dma_start3A = arith.constant 0 : i32
    %dma_start3A_24 = arith.constant 0 : i32
    %dma_start3A_25 = arith.constant 0 : i32
    %dma_start3A_26 = tpu.memref_slice %arg10[%dma_start3A_24, %dma_start3A_25] : memref<800x64xf32, #tpu.memory_space<vmem>> -> memref<100x64xf32, #tpu.memory_space<vmem>>
    %dma_start3A_27 = arith.constant 0 : i32
    %dma_start3A_28 = tpu.memref_slice %arg6[%dma_start3A, %dma_start3A_27] : memref<8x100xi32, #tpu.memory_space<vmem>> -> memref<1x100xi32, #tpu.memory_space<vmem>>
    %dma_start3A_29 = tpu.memref_squeeze %dma_start3A_28 : memref<1x100xi32, #tpu.memory_space<vmem>> -> memref<100xi32, #tpu.memory_space<vmem>>
    %dma_start3A_30 = arith.constant 0 : i32
    %dma_start3A_31 = arith.constant 0 : i32
    %dma_start3A_32 = tpu.memref_slice %arg4[%dma_start3A_30, %dma_start3A_31] : memref<1000000x64xf32, #tpu.memory_space<hbm>> -> memref<1000000x64xf32, #tpu.memory_space<hbm>>
    tpu.enqueue_indirect_dma source(%dma_start3A_32 : memref<1000000x64xf32, #tpu.memory_space<hbm>>) target(%dma_start3A_26 : memref<100x64xf32, #tpu.memory_space<vmem>>) offsets(%dma_start3A_29 : memref<100xi32, #tpu.memory_space<vmem>>) semaphore(%arg15 : memref<!tpu.dma_semaphore, #tpu.memory_space<semaphore_mem>>)
    %dma_start3A_33 = arith.constant 1 : i32
    %dma_start3A_34 = arith.constant 100 : i32
    %dma_start3A_35 = arith.constant 0 : i32
    %dma_start3A_36 = tpu.memref_slice %arg10[%dma_start3A_34, %dma_start3A_35] : memref<800x64xf32, #tpu.memory_space<vmem>> -> memref<100x64xf32, #tpu.memory_space<vmem>>
    %dma_start3A_37 = arith.constant 0 : i32
    %dma_start3A_38 = tpu.memref_slice %arg6[%dma_start3A_33, %dma_start3A_37] : memref<8x100xi32, #tpu.memory_space<vmem>> -> memref<1x100xi32, #tpu.memory_space<vmem>>
    %dma_start3A_39 = tpu.memref_squeeze %dma_start3A_38 : memref<1x100xi32, #tpu.memory_space<vmem>> -> memref<100xi32, #tpu.memory_space<vmem>>
    %dma_start3A_40 = arith.constant 0 : i32
    %dma_start3A_41 = arith.constant 0 : i32
    %dma_start3A_42 = tpu.memref_slice %arg4[%dma_start3A_40, %dma_start3A_41] : memref<1000000x64xf32, #tpu.memory_space<hbm>> -> memref<1000000x64xf32, #tpu.memory_space<hbm>>
    tpu.enqueue_indirect_dma source(%dma_start3A_42 : memref<1000000x64xf32, #tpu.memory_space<hbm>>) target(%dma_start3A_36 : memref<100x64xf32, #tpu.memory_space<vmem>>) offsets(%dma_start3A_39 : memref<100xi32, #tpu.memory_space<vmem>>) semaphore(%arg15 : memref<!tpu.dma_semaphore, #tpu.memory_space<semaphore_mem>>)
    %dma_start3A_43 = arith.constant 2 : i32
    %dma_start3A_44 = arith.constant 200 : i32
    %dma_start3A_45 = arith.constant 0 : i32
    %dma_start3A_46 = tpu.memref_slice %arg10[%dma_start3A_44, %dma_start3A_45] : memref<800x64xf32, #tpu.memory_space<vmem>> -> memref<100x64xf32, #tpu.memory_space<vmem>>
    %dma_start3A_47 = arith.constant 0 : i32
    %dma_start3A_48 = tpu.memref_slice %arg6[%dma_start3A_43, %dma_start3A_47] : memref<8x100xi32, #tpu.memory_space<vmem>> -> memref<1x100xi32, #tpu.memory_space<vmem>>
    %dma_start3A_49 = tpu.memref_squeeze %dma_start3A_48 : memref<1x100xi32, #tpu.memory_space<vmem>> -> memref<100xi32, #tpu.memory_space<vmem>>
    %dma_start3A_50 = arith.constant 0 : i32
    %dma_start3A_51 = arith.constant 0 : i32
    %dma_start3A_52 = tpu.memref_slice %arg4[%dma_start3A_50, %dma_start3A_51] : memref<1000000x64xf32, #tpu.memory_space<hbm>> -> memref<1000000x64xf32, #tpu.memory_space<hbm>>
    tpu.enqueue_indirect_dma source(%dma_start3A_52 : memref<1000000x64xf32, #tpu.memory_space<hbm>>) target(%dma_start3A_46 : memref<100x64xf32, #tpu.memory_space<vmem>>) offsets(%dma_start3A_49 : memref<100xi32, #tpu.memory_space<vmem>>) semaphore(%arg15 : memref<!tpu.dma_semaphore, #tpu.memory_space<semaphore_mem>>)
    %dma_start3A_53 = arith.constant 3 : i32
    %dma_start3A_54 = arith.constant 300 : i32
    %dma_start3A_55 = arith.constant 0 : i32
    %dma_start3A_56 = tpu.memref_slice %arg10[%dma_start3A_54, %dma_start3A_55] : memref<800x64xf32, #tpu.memory_space<vmem>> -> memref<100x64xf32, #tpu.memory_space<vmem>>
    %dma_start3A_57 = arith.constant 0 : i32
    %dma_start3A_58 = tpu.memref_slice %arg6[%dma_start3A_53, %dma_start3A_57] : memref<8x100xi32, #tpu.memory_space<vmem>> -> memref<1x100xi32, #tpu.memory_space<vmem>>
    %dma_start3A_59 = tpu.memref_squeeze %dma_start3A_58 : memref<1x100xi32, #tpu.memory_space<vmem>> -> memref<100xi32, #tpu.memory_space<vmem>>
    %dma_start3A_60 = arith.constant 0 : i32
    %dma_start3A_61 = arith.constant 0 : i32
    %dma_start3A_62 = tpu.memref_slice %arg4[%dma_start3A_60, %dma_start3A_61] : memref<1000000x64xf32, #tpu.memory_space<hbm>> -> memref<1000000x64xf32, #tpu.memory_space<hbm>>
    tpu.enqueue_indirect_dma source(%dma_start3A_62 : memref<1000000x64xf32, #tpu.memory_space<hbm>>) target(%dma_start3A_56 : memref<100x64xf32, #tpu.memory_space<vmem>>) offsets(%dma_start3A_59 : memref<100xi32, #tpu.memory_space<vmem>>) semaphore(%arg15 : memref<!tpu.dma_semaphore, #tpu.memory_space<semaphore_mem>>)
    %dma_start3A_63 = arith.constant 4 : i32
    %dma_start3A_64 = arith.constant 400 : i32
    %dma_start3A_65 = arith.constant 0 : i32
    %dma_start3A_66 = tpu.memref_slice %arg10[%dma_start3A_64, %dma_start3A_65] : memref<800x64xf32, #tpu.memory_space<vmem>> -> memref<100x64xf32, #tpu.memory_space<vmem>>
    %dma_start3A_67 = arith.constant 0 : i32
    %dma_start3A_68 = tpu.memref_slice %arg6[%dma_start3A_63, %dma_start3A_67] : memref<8x100xi32, #tpu.memory_space<vmem>> -> memref<1x100xi32, #tpu.memory_space<vmem>>
    %dma_start3A_69 = tpu.memref_squeeze %dma_start3A_68 : memref<1x100xi32, #tpu.memory_space<vmem>> -> memref<100xi32, #tpu.memory_space<vmem>>
    %dma_start3A_70 = arith.constant 0 : i32
    %dma_start3A_71 = arith.constant 0 : i32
    %dma_start3A_72 = tpu.memref_slice %arg4[%dma_start3A_70, %dma_start3A_71] : memref<1000000x64xf32, #tpu.memory_space<hbm>> -> memref<1000000x64xf32, #tpu.memory_space<hbm>>
    tpu.enqueue_indirect_dma source(%dma_start3A_72 : memref<1000000x64xf32, #tpu.memory_space<hbm>>) target(%dma_start3A_66 : memref<100x64xf32, #tpu.memory_space<vmem>>) offsets(%dma_start3A_69 : memref<100xi32, #tpu.memory_space<vmem>>) semaphore(%arg15 : memref<!tpu.dma_semaphore, #tpu.memory_space<semaphore_mem>>)
    %dma_start3A_73 = arith.constant 5 : i32
    %dma_start3A_74 = arith.constant 500 : i32
    %dma_start3A_75 = arith.constant 0 : i32
    %dma_start3A_76 = tpu.memref_slice %arg10[%dma_start3A_74, %dma_start3A_75] : memref<800x64xf32, #tpu.memory_space<vmem>> -> memref<100x64xf32, #tpu.memory_space<vmem>>
    %dma_start3A_77 = arith.constant 0 : i32
    %dma_start3A_78 = tpu.memref_slice %arg6[%dma_start3A_73, %dma_start3A_77] : memref<8x100xi32, #tpu.memory_space<vmem>> -> memref<1x100xi32, #tpu.memory_space<vmem>>
    %dma_start3A_79 = tpu.memref_squeeze %dma_start3A_78 : memref<1x100xi32, #tpu.memory_space<vmem>> -> memref<100xi32, #tpu.memory_space<vmem>>
    %dma_start3A_80 = arith.constant 0 : i32
    %dma_start3A_81 = arith.constant 0 : i32
    %dma_start3A_82 = tpu.memref_slice %arg4[%dma_start3A_80, %dma_start3A_81] : memref<1000000x64xf32, #tpu.memory_space<hbm>> -> memref<1000000x64xf32, #tpu.memory_space<hbm>>
    tpu.enqueue_indirect_dma source(%dma_start3A_82 : memref<1000000x64xf32, #tpu.memory_space<hbm>>) target(%dma_start3A_76 : memref<100x64xf32, #tpu.memory_space<vmem>>) offsets(%dma_start3A_79 : memref<100xi32, #tpu.memory_space<vmem>>) semaphore(%arg15 : memref<!tpu.dma_semaphore, #tpu.memory_space<semaphore_mem>>)
    %dma_start3A_83 = arith.constant 6 : i32
    %dma_start3A_84 = arith.constant 600 : i32
    %dma_start3A_85 = arith.constant 0 : i32
    %dma_start3A_86 = tpu.memref_slice %arg10[%dma_start3A_84, %dma_start3A_85] : memref<800x64xf32, #tpu.memory_space<vmem>> -> memref<100x64xf32, #tpu.memory_space<vmem>>
    %dma_start3A_87 = arith.constant 0 : i32
    %dma_start3A_88 = tpu.memref_slice %arg6[%dma_start3A_83, %dma_start3A_87] : memref<8x100xi32, #tpu.memory_space<vmem>> -> memref<1x100xi32, #tpu.memory_space<vmem>>
    %dma_start3A_89 = tpu.memref_squeeze %dma_start3A_88 : memref<1x100xi32, #tpu.memory_space<vmem>> -> memref<100xi32, #tpu.memory_space<vmem>>
    %dma_start3A_90 = arith.constant 0 : i32
    %dma_start3A_91 = arith.constant 0 : i32
    %dma_start3A_92 = tpu.memref_slice %arg4[%dma_start3A_90, %dma_start3A_91] : memref<1000000x64xf32, #tpu.memory_space<hbm>> -> memref<1000000x64xf32, #tpu.memory_space<hbm>>
    tpu.enqueue_indirect_dma source(%dma_start3A_92 : memref<1000000x64xf32, #tpu.memory_space<hbm>>) target(%dma_start3A_86 : memref<100x64xf32, #tpu.memory_space<vmem>>) offsets(%dma_start3A_89 : memref<100xi32, #tpu.memory_space<vmem>>) semaphore(%arg15 : memref<!tpu.dma_semaphore, #tpu.memory_space<semaphore_mem>>)
    %dma_start3A_93 = arith.constant 7 : i32
    %dma_start3A_94 = arith.constant 700 : i32
    %dma_start3A_95 = arith.constant 0 : i32
    %dma_start3A_96 = tpu.memref_slice %arg10[%dma_start3A_94, %dma_start3A_95] : memref<800x64xf32, #tpu.memory_space<vmem>> -> memref<100x64xf32, #tpu.memory_space<vmem>>
    %dma_start3A_97 = arith.constant 0 : i32
    %dma_start3A_98 = tpu.memref_slice %arg6[%dma_start3A_93, %dma_start3A_97] : memref<8x100xi32, #tpu.memory_space<vmem>> -> memref<1x100xi32, #tpu.memory_space<vmem>>
    %dma_start3A_99 = tpu.memref_squeeze %dma_start3A_98 : memref<1x100xi32, #tpu.memory_space<vmem>> -> memref<100xi32, #tpu.memory_space<vmem>>
    %dma_start3A_100 = arith.constant 0 : i32
    %dma_start3A_101 = arith.constant 0 : i32
    %dma_start3A_102 = tpu.memref_slice %arg4[%dma_start3A_100, %dma_start3A_101] : memref<1000000x64xf32, #tpu.memory_space<hbm>> -> memref<1000000x64xf32, #tpu.memory_space<hbm>>
    tpu.enqueue_indirect_dma source(%dma_start3A_102 : memref<1000000x64xf32, #tpu.memory_space<hbm>>) target(%dma_start3A_96 : memref<100x64xf32, #tpu.memory_space<vmem>>) offsets(%dma_start3A_99 : memref<100xi32, #tpu.memory_space<vmem>>) semaphore(%arg15 : memref<!tpu.dma_semaphore, #tpu.memory_space<semaphore_mem>>)
    %dma_start3A_103 = arith.constant 0 : i32
    %dma_start3A_104 = arith.constant 0 : i32
    %dma_start3A_105 = tpu.memref_slice %arg4[%dma_start3A_103, %dma_start3A_104] : memref<1000000x64xf32, #tpu.memory_space<hbm>> -> memref<1000000x64xf32, #tpu.memory_space<hbm>>
    tpu.enqueue_indirect_dma source(%dma_start3A_105 : memref<1000000x64xf32, #tpu.memory_space<hbm>>) target(%arg12 : memref<16x64xf32, #tpu.memory_space<vmem>>) offsets(%arg8 : memref<16xi32, #tpu.memory_space<vmem>>) semaphore(%arg15 : memref<!tpu.dma_semaphore, #tpu.memory_space<semaphore_mem>>)
    %scan3A = arith.constant 0 : i32
    %scan3A_106 = arith.constant 0 : i32
    %scan3A_107 = arith.constant 16 : i32
    %scan3A_108 = arith.addi %scan3A_106, %scan3A_107 : i32
    %scan3A_109 = arith.constant 1 : i32
    scf.for %scan3A_111 = %scan3A_106 to %scan3A_108 step %scan3A_109  : i32 {
      %mul3A_112 = arith.constant 2 : i32
      %mul3A_113 = arith.muli %mul3A_112, %scan3A_111 : i32
      %dma_wait3A = arith.constant 0 : i32
      %dma_wait3A_114 = arith.constant 0 : i32
      %dma_wait3A_115 = arith.constant 0 : i32
      %dma_wait3A_116 = tpu.memref_slice %arg10[%dma_wait3A_114, %dma_wait3A_115] : memref<800x64xf32, #tpu.memory_space<vmem>> -> memref<100x64xf32, #tpu.memory_space<vmem>>
      %dma_wait3A_117 = arith.constant 0 : i32
      %dma_wait3A_118 = tpu.memref_slice %arg6[%dma_wait3A, %dma_wait3A_117] : memref<8x100xi32, #tpu.memory_space<vmem>> -> memref<1x100xi32, #tpu.memory_space<vmem>>
      %dma_wait3A_119 = tpu.memref_squeeze %dma_wait3A_118 : memref<1x100xi32, #tpu.memory_space<vmem>> -> memref<100xi32, #tpu.memory_space<vmem>>
      %dma_wait3A_120 = arith.constant 0 : i32
      %dma_wait3A_121 = arith.constant 0 : i32
      %dma_wait3A_122 = tpu.memref_slice %arg4[%dma_wait3A_120, %dma_wait3A_121] : memref<1000000x64xf32, #tpu.memory_space<hbm>> -> memref<1000000x64xf32, #tpu.memory_space<hbm>>
      tpu.wait_indirect_dma semaphore(%arg15 : memref<!tpu.dma_semaphore, #tpu.memory_space<semaphore_mem>>) src(%dma_wait3A_122 : memref<1000000x64xf32, #tpu.memory_space<hbm>>) dst(%dma_wait3A_116 : memref<100x64xf32, #tpu.memory_space<vmem>>)
      %dma_wait3A_123 = arith.constant 1 : i32
      %dma_wait3A_124 = arith.constant 100 : i32
      %dma_wait3A_125 = arith.constant 0 : i32
      %dma_wait3A_126 = tpu.memref_slice %arg10[%dma_wait3A_124, %dma_wait3A_125] : memref<800x64xf32, #tpu.memory_space<vmem>> -> memref<100x64xf32, #tpu.memory_space<vmem>>
      %dma_wait3A_127 = arith.constant 0 : i32
      %dma_wait3A_128 = tpu.memref_slice %arg6[%dma_wait3A_123, %dma_wait3A_127] : memref<8x100xi32, #tpu.memory_space<vmem>> -> memref<1x100xi32, #tpu.memory_space<vmem>>
      %dma_wait3A_129 = tpu.memref_squeeze %dma_wait3A_128 : memref<1x100xi32, #tpu.memory_space<vmem>> -> memref<100xi32, #tpu.memory_space<vmem>>
      %dma_wait3A_130 = arith.constant 0 : i32
      %dma_wait3A_131 = arith.constant 0 : i32
      %dma_wait3A_132 = tpu.memref_slice %arg4[%dma_wait3A_130, %dma_wait3A_131] : memref<1000000x64xf32, #tpu.memory_space<hbm>> -> memref<1000000x64xf32, #tpu.memory_space<hbm>>
      tpu.wait_indirect_dma semaphore(%arg15 : memref<!tpu.dma_semaphore, #tpu.memory_space<semaphore_mem>>) src(%dma_wait3A_132 : memref<1000000x64xf32, #tpu.memory_space<hbm>>) dst(%dma_wait3A_126 : memref<100x64xf32, #tpu.memory_space<vmem>>)
      %dma_wait3A_133 = arith.constant 2 : i32
      %dma_wait3A_134 = arith.constant 200 : i32
      %dma_wait3A_135 = arith.constant 0 : i32
      %dma_wait3A_136 = tpu.memref_slice %arg10[%dma_wait3A_134, %dma_wait3A_135] : memref<800x64xf32, #tpu.memory_space<vmem>> -> memref<100x64xf32, #tpu.memory_space<vmem>>
      %dma_wait3A_137 = arith.constant 0 : i32
      %dma_wait3A_138 = tpu.memref_slice %arg6[%dma_wait3A_133, %dma_wait3A_137] : memref<8x100xi32, #tpu.memory_space<vmem>> -> memref<1x100xi32, #tpu.memory_space<vmem>>
      %dma_wait3A_139 = tpu.memref_squeeze %dma_wait3A_138 : memref<1x100xi32, #tpu.memory_space<vmem>> -> memref<100xi32, #tpu.memory_space<vmem>>
      %dma_wait3A_140 = arith.constant 0 : i32
      %dma_wait3A_141 = arith.constant 0 : i32
      %dma_wait3A_142 = tpu.memref_slice %arg4[%dma_wait3A_140, %dma_wait3A_141] : memref<1000000x64xf32, #tpu.memory_space<hbm>> -> memref<1000000x64xf32, #tpu.memory_space<hbm>>
      tpu.wait_indirect_dma semaphore(%arg15 : memref<!tpu.dma_semaphore, #tpu.memory_space<semaphore_mem>>) src(%dma_wait3A_142 : memref<1000000x64xf32, #tpu.memory_space<hbm>>) dst(%dma_wait3A_136 : memref<100x64xf32, #tpu.memory_space<vmem>>)
      %dma_wait3A_143 = arith.constant 3 : i32
      %dma_wait3A_144 = arith.constant 300 : i32
      %dma_wait3A_145 = arith.constant 0 : i32
      %dma_wait3A_146 = tpu.memref_slice %arg10[%dma_wait3A_144, %dma_wait3A_145] : memref<800x64xf32, #tpu.memory_space<vmem>> -> memref<100x64xf32, #tpu.memory_space<vmem>>
      %dma_wait3A_147 = arith.constant 0 : i32
      %dma_wait3A_148 = tpu.memref_slice %arg6[%dma_wait3A_143, %dma_wait3A_147] : memref<8x100xi32, #tpu.memory_space<vmem>> -> memref<1x100xi32, #tpu.memory_space<vmem>>
      %dma_wait3A_149 = tpu.memref_squeeze %dma_wait3A_148 : memref<1x100xi32, #tpu.memory_space<vmem>> -> memref<100xi32, #tpu.memory_space<vmem>>
      %dma_wait3A_150 = arith.constant 0 : i32
      %dma_wait3A_151 = arith.constant 0 : i32
      %dma_wait3A_152 = tpu.memref_slice %arg4[%dma_wait3A_150, %dma_wait3A_151] : memref<1000000x64xf32, #tpu.memory_space<hbm>> -> memref<1000000x64xf32, #tpu.memory_space<hbm>>
      tpu.wait_indirect_dma semaphore(%arg15 : memref<!tpu.dma_semaphore, #tpu.memory_space<semaphore_mem>>) src(%dma_wait3A_152 : memref<1000000x64xf32, #tpu.memory_space<hbm>>) dst(%dma_wait3A_146 : memref<100x64xf32, #tpu.memory_space<vmem>>)
      %dma_wait3A_153 = arith.constant 4 : i32
      %dma_wait3A_154 = arith.constant 400 : i32
      %dma_wait3A_155 = arith.constant 0 : i32
      %dma_wait3A_156 = tpu.memref_slice %arg10[%dma_wait3A_154, %dma_wait3A_155] : memref<800x64xf32, #tpu.memory_space<vmem>> -> memref<100x64xf32, #tpu.memory_space<vmem>>
      %dma_wait3A_157 = arith.constant 0 : i32
      %dma_wait3A_158 = tpu.memref_slice %arg6[%dma_wait3A_153, %dma_wait3A_157] : memref<8x100xi32, #tpu.memory_space<vmem>> -> memref<1x100xi32, #tpu.memory_space<vmem>>
      %dma_wait3A_159 = tpu.memref_squeeze %dma_wait3A_158 : memref<1x100xi32, #tpu.memory_space<vmem>> -> memref<100xi32, #tpu.memory_space<vmem>>
      %dma_wait3A_160 = arith.constant 0 : i32
      %dma_wait3A_161 = arith.constant 0 : i32
      %dma_wait3A_162 = tpu.memref_slice %arg4[%dma_wait3A_160, %dma_wait3A_161] : memref<1000000x64xf32, #tpu.memory_space<hbm>> -> memref<1000000x64xf32, #tpu.memory_space<hbm>>
      tpu.wait_indirect_dma semaphore(%arg15 : memref<!tpu.dma_semaphore, #tpu.memory_space<semaphore_mem>>) src(%dma_wait3A_162 : memref<1000000x64xf32, #tpu.memory_space<hbm>>) dst(%dma_wait3A_156 : memref<100x64xf32, #tpu.memory_space<vmem>>)
      %dma_wait3A_163 = arith.constant 5 : i32
      %dma_wait3A_164 = arith.constant 500 : i32
      %dma_wait3A_165 = arith.constant 0 : i32
      %dma_wait3A_166 = tpu.memref_slice %arg10[%dma_wait3A_164, %dma_wait3A_165] : memref<800x64xf32, #tpu.memory_space<vmem>> -> memref<100x64xf32, #tpu.memory_space<vmem>>
      %dma_wait3A_167 = arith.constant 0 : i32
      %dma_wait3A_168 = tpu.memref_slice %arg6[%dma_wait3A_163, %dma_wait3A_167] : memref<8x100xi32, #tpu.memory_space<vmem>> -> memref<1x100xi32, #tpu.memory_space<vmem>>
      %dma_wait3A_169 = tpu.memref_squeeze %dma_wait3A_168 : memref<1x100xi32, #tpu.memory_space<vmem>> -> memref<100xi32, #tpu.memory_space<vmem>>
      %dma_wait3A_170 = arith.constant 0 : i32
      %dma_wait3A_171 = arith.constant 0 : i32
      %dma_wait3A_172 = tpu.memref_slice %arg4[%dma_wait3A_170, %dma_wait3A_171] : memref<1000000x64xf32, #tpu.memory_space<hbm>> -> memref<1000000x64xf32, #tpu.memory_space<hbm>>
      tpu.wait_indirect_dma semaphore(%arg15 : memref<!tpu.dma_semaphore, #tpu.memory_space<semaphore_mem>>) src(%dma_wait3A_172 : memref<1000000x64xf32, #tpu.memory_space<hbm>>) dst(%dma_wait3A_166 : memref<100x64xf32, #tpu.memory_space<vmem>>)
      %dma_wait3A_173 = arith.constant 6 : i32
      %dma_wait3A_174 = arith.constant 600 : i32
      %dma_wait3A_175 = arith.constant 0 : i32
      %dma_wait3A_176 = tpu.memref_slice %arg10[%dma_wait3A_174, %dma_wait3A_175] : memref<800x64xf32, #tpu.memory_space<vmem>> -> memref<100x64xf32, #tpu.memory_space<vmem>>
      %dma_wait3A_177 = arith.constant 0 : i32
      %dma_wait3A_178 = tpu.memref_slice %arg6[%dma_wait3A_173, %dma_wait3A_177] : memref<8x100xi32, #tpu.memory_space<vmem>> -> memref<1x100xi32, #tpu.memory_space<vmem>>
      %dma_wait3A_179 = tpu.memref_squeeze %dma_wait3A_178 : memref<1x100xi32, #tpu.memory_space<vmem>> -> memref<100xi32, #tpu.memory_space<vmem>>
      %dma_wait3A_180 = arith.constant 0 : i32
      %dma_wait3A_181 = arith.constant 0 : i32
      %dma_wait3A_182 = tpu.memref_slice %arg4[%dma_wait3A_180, %dma_wait3A_181] : memref<1000000x64xf32, #tpu.memory_space<hbm>> -> memref<1000000x64xf32, #tpu.memory_space<hbm>>
      tpu.wait_indirect_dma semaphore(%arg15 : memref<!tpu.dma_semaphore, #tpu.memory_space<semaphore_mem>>) src(%dma_wait3A_182 : memref<1000000x64xf32, #tpu.memory_space<hbm>>) dst(%dma_wait3A_176 : memref<100x64xf32, #tpu.memory_space<vmem>>)
      %dma_wait3A_183 = arith.constant 7 : i32
      %dma_wait3A_184 = arith.constant 700 : i32
      %dma_wait3A_185 = arith.constant 0 : i32
      %dma_wait3A_186 = tpu.memref_slice %arg10[%dma_wait3A_184, %dma_wait3A_185] : memref<800x64xf32, #tpu.memory_space<vmem>> -> memref<100x64xf32, #tpu.memory_space<vmem>>
      %dma_wait3A_187 = arith.constant 0 : i32
      %dma_wait3A_188 = tpu.memref_slice %arg6[%dma_wait3A_183, %dma_wait3A_187] : memref<8x100xi32, #tpu.memory_space<vmem>> -> memref<1x100xi32, #tpu.memory_space<vmem>>
      %dma_wait3A_189 = tpu.memref_squeeze %dma_wait3A_188 : memref<1x100xi32, #tpu.memory_space<vmem>> -> memref<100xi32, #tpu.memory_space<vmem>>
      %dma_wait3A_190 = arith.constant 0 : i32
      %dma_wait3A_191 = arith.constant 0 : i32
      %dma_wait3A_192 = tpu.memref_slice %arg4[%dma_wait3A_190, %dma_wait3A_191] : memref<1000000x64xf32, #tpu.memory_space<hbm>> -> memref<1000000x64xf32, #tpu.memory_space<hbm>>
      tpu.wait_indirect_dma semaphore(%arg15 : memref<!tpu.dma_semaphore, #tpu.memory_space<semaphore_mem>>) src(%dma_wait3A_192 : memref<1000000x64xf32, #tpu.memory_space<hbm>>) dst(%dma_wait3A_186 : memref<100x64xf32, #tpu.memory_space<vmem>>)
      %dma_wait3A_193 = arith.constant 0 : i32
      %dma_wait3A_194 = arith.constant 0 : i32
      %dma_wait3A_195 = tpu.memref_slice %arg4[%dma_wait3A_193, %dma_wait3A_194] : memref<1000000x64xf32, #tpu.memory_space<hbm>> -> memref<1000000x64xf32, #tpu.memory_space<hbm>>
      tpu.wait_indirect_dma semaphore(%arg15 : memref<!tpu.dma_semaphore, #tpu.memory_space<semaphore_mem>>) src(%dma_wait3A_195 : memref<1000000x64xf32, #tpu.memory_space<hbm>>) dst(%arg12 : memref<16x64xf32, #tpu.memory_space<vmem>>)
      %add3A_196 = arith.constant 1 : i32
      %add3A_197 = arith.addi %mul3A_113, %add3A_196 : i32
      %mul3A_198 = arith.constant 512 : i32
      %mul3A_199 = arith.muli %add3A, %mul3A_198 : i32
      %mul3A_200 = arith.constant 16 : i32
      %mul3A_201 = arith.muli %add3A_197, %mul3A_200 : i32
      %add3A_202 = arith.addi %mul3A_199, %mul3A_201 : i32
      %mul3A_203 = arith.constant 50 : i32
      %mul3A_204 = arith.muli %add3A_202, %mul3A_203 : i32
      %jit3A_205 = arith.constant 100 : i32
      %div3A_206 = arith.divsi %mul3A_204, %jit3A_205 : i32
      %sign3A_207 = arith.constant 0 : i32
      %sign3A_208 = arith.cmpi sgt, %mul3A_204, %sign3A_207 : i32
      %sign3A_209 = arith.extui %sign3A_208 : i1 to i32
      %sign3A_210 = arith.constant 0 : i32
      %sign3A_211 = arith.cmpi slt, %mul3A_204, %sign3A_210 : i32
      %sign3A_212 = arith.extui %sign3A_211 : i1 to i32
      %sign3A_213 = arith.subi %sign3A_209, %sign3A_212 : i32
      %sign3A_214 = arith.constant 0 : i32
      %sign3A_215 = arith.cmpi sgt, %jit3A_205, %sign3A_214 : i32
      %sign3A_216 = arith.extui %sign3A_215 : i1 to i32
      %sign3A_217 = arith.constant 0 : i32
      %sign3A_218 = arith.cmpi slt, %jit3A_205, %sign3A_217 : i32
      %sign3A_219 = arith.extui %sign3A_218 : i1 to i32
      %sign3A_220 = arith.subi %sign3A_216, %sign3A_219 : i32
      %ne3A_221 = arith.cmpi ne, %sign3A_213, %sign3A_220 : i32
      %rem3A_222 = arith.remsi %mul3A_204, %jit3A_205 : i32
      %ne3A_223 = arith.constant 0 : i32
      %ne3A_224 = arith.cmpi ne, %rem3A_222, %ne3A_223 : i32
      %and3A_225 = arith.andi %ne3A_221, %ne3A_224 : i1
      %sub3A_226 = arith.constant 1 : i32
      %sub3A_227 = arith.subi %div3A_206, %sub3A_226 : i32
      %select_n3A_228 = arith.select %and3A_225, %sub3A_227, %div3A_206 : i32
      %multiple_of3A_229 = tpu.assume_multiple %select_n3A_228, 8 : i32
      "tpu.region"() ({
        %run_scoped3A = tpu.sem_alloc : memref<!tpu.dma_semaphore, #tpu.memory_space<semaphore_mem>>
        %dma_start3A_431 = arith.constant 0 : i32
        %dma_start3A_432 = tpu.memref_slice %arg3[%multiple_of3A_229, %dma_start3A_431] : memref<8192x100xi32, #tpu.memory_space<hbm>> -> memref<8x100xi32, #tpu.memory_space<hbm>>
        %dma_start3A_433 = arith.constant 0 : i32
        %dma_start3A_434 = tpu.memref_slice %arg3[%multiple_of3A_229, %dma_start3A_433] : memref<8192x100xi32, #tpu.memory_space<hbm>> -> memref<8x100xi32, #tpu.memory_space<hbm>>
        tpu.enqueue_dma source(%dma_start3A_434 : memref<8x100xi32, #tpu.memory_space<hbm>>) target(%arg7 : memref<8x100xi32, #tpu.memory_space<vmem>>) target_semaphore(%run_scoped3A : memref<!tpu.dma_semaphore, #tpu.memory_space<semaphore_mem>>)
        %dma_wait3A_435 = arith.constant 0 : i32
        %dma_wait3A_436 = tpu.memref_slice %arg3[%multiple_of3A_229, %dma_wait3A_435] : memref<8192x100xi32, #tpu.memory_space<hbm>> -> memref<8x100xi32, #tpu.memory_space<hbm>>
        %dma_wait3A_437 = arith.constant 0 : i32
        %dma_wait3A_438 = tpu.memref_slice %arg3[%multiple_of3A_229, %dma_wait3A_437] : memref<8192x100xi32, #tpu.memory_space<hbm>> -> memref<8x100xi32, #tpu.memory_space<hbm>>
        tpu.wait_dma2 semaphore(%run_scoped3A : memref<!tpu.dma_semaphore, #tpu.memory_space<semaphore_mem>>) src(%dma_wait3A_438 : memref<8x100xi32, #tpu.memory_space<hbm>>) dst(%arg7 : memref<8x100xi32, #tpu.memory_space<vmem>>)
        tpu.yield
      }) : () -> ()
      %multiple_of3A_230 = tpu.assume_multiple %add3A_202, 8 : i32
      "tpu.region"() ({
        %run_scoped3A = tpu.sem_alloc : memref<!tpu.dma_semaphore, #tpu.memory_space<semaphore_mem>>
        %dma_start3A_431 = tpu.memref_slice %arg2[%multiple_of3A_230] : memref<16384xi32, #tpu.memory_space<hbm>> -> memref<16xi32, #tpu.memory_space<hbm>>
        %dma_start3A_432 = tpu.memref_slice %arg2[%multiple_of3A_230] : memref<16384xi32, #tpu.memory_space<hbm>> -> memref<16xi32, #tpu.memory_space<hbm>>
        tpu.enqueue_dma source(%dma_start3A_432 : memref<16xi32, #tpu.memory_space<hbm>>) target(%arg9 : memref<16xi32, #tpu.memory_space<vmem>>) target_semaphore(%run_scoped3A : memref<!tpu.dma_semaphore, #tpu.memory_space<semaphore_mem>>)
        %dma_wait3A_433 = tpu.memref_slice %arg2[%multiple_of3A_230] : memref<16384xi32, #tpu.memory_space<hbm>> -> memref<16xi32, #tpu.memory_space<hbm>>
        %dma_wait3A_434 = tpu.memref_slice %arg2[%multiple_of3A_230] : memref<16384xi32, #tpu.memory_space<hbm>> -> memref<16xi32, #tpu.memory_space<hbm>>
        tpu.wait_dma2 semaphore(%run_scoped3A : memref<!tpu.dma_semaphore, #tpu.memory_space<semaphore_mem>>) src(%dma_wait3A_434 : memref<16xi32, #tpu.memory_space<hbm>>) dst(%arg9 : memref<16xi32, #tpu.memory_space<vmem>>)
        tpu.yield
      }) : () -> ()
      %dma_start3A_231 = arith.constant 0 : i32
      %dma_start3A_232 = arith.constant 0 : i32
      %dma_start3A_233 = arith.constant 0 : i32
      %dma_start3A_234 = tpu.memref_slice %arg11[%dma_start3A_232, %dma_start3A_233] : memref<800x64xf32, #tpu.memory_space<vmem>> -> memref<100x64xf32, #tpu.memory_space<vmem>>
      %dma_start3A_235 = arith.constant 0 : i32
      %dma_start3A_236 = tpu.memref_slice %arg7[%dma_start3A_231, %dma_start3A_235] : memref<8x100xi32, #tpu.memory_space<vmem>> -> memref<1x100xi32, #tpu.memory_space<vmem>>
      %dma_start3A_237 = tpu.memref_squeeze %dma_start3A_236 : memref<1x100xi32, #tpu.memory_space<vmem>> -> memref<100xi32, #tpu.memory_space<vmem>>
      %dma_start3A_238 = arith.constant 0 : i32
      %dma_start3A_239 = arith.constant 0 : i32
      %dma_start3A_240 = tpu.memref_slice %arg4[%dma_start3A_238, %dma_start3A_239] : memref<1000000x64xf32, #tpu.memory_space<hbm>> -> memref<1000000x64xf32, #tpu.memory_space<hbm>>
      tpu.enqueue_indirect_dma source(%dma_start3A_240 : memref<1000000x64xf32, #tpu.memory_space<hbm>>) target(%dma_start3A_234 : memref<100x64xf32, #tpu.memory_space<vmem>>) offsets(%dma_start3A_237 : memref<100xi32, #tpu.memory_space<vmem>>) semaphore(%arg16 : memref<!tpu.dma_semaphore, #tpu.memory_space<semaphore_mem>>)
      %dma_start3A_241 = arith.constant 1 : i32
      %dma_start3A_242 = arith.constant 100 : i32
      %dma_start3A_243 = arith.constant 0 : i32
      %dma_start3A_244 = tpu.memref_slice %arg11[%dma_start3A_242, %dma_start3A_243] : memref<800x64xf32, #tpu.memory_space<vmem>> -> memref<100x64xf32, #tpu.memory_space<vmem>>
      %dma_start3A_245 = arith.constant 0 : i32
      %dma_start3A_246 = tpu.memref_slice %arg7[%dma_start3A_241, %dma_start3A_245] : memref<8x100xi32, #tpu.memory_space<vmem>> -> memref<1x100xi32, #tpu.memory_space<vmem>>
      %dma_start3A_247 = tpu.memref_squeeze %dma_start3A_246 : memref<1x100xi32, #tpu.memory_space<vmem>> -> memref<100xi32, #tpu.memory_space<vmem>>
      %dma_start3A_248 = arith.constant 0 : i32
      %dma_start3A_249 = arith.constant 0 : i32
      %dma_start3A_250 = tpu.memref_slice %arg4[%dma_start3A_248, %dma_start3A_249] : memref<1000000x64xf32, #tpu.memory_space<hbm>> -> memref<1000000x64xf32, #tpu.memory_space<hbm>>
      tpu.enqueue_indirect_dma source(%dma_start3A_250 : memref<1000000x64xf32, #tpu.memory_space<hbm>>) target(%dma_start3A_244 : memref<100x64xf32, #tpu.memory_space<vmem>>) offsets(%dma_start3A_247 : memref<100xi32, #tpu.memory_space<vmem>>) semaphore(%arg16 : memref<!tpu.dma_semaphore, #tpu.memory_space<semaphore_mem>>)
      %dma_start3A_251 = arith.constant 2 : i32
      %dma_start3A_252 = arith.constant 200 : i32
      %dma_start3A_253 = arith.constant 0 : i32
      %dma_start3A_254 = tpu.memref_slice %arg11[%dma_start3A_252, %dma_start3A_253] : memref<800x64xf32, #tpu.memory_space<vmem>> -> memref<100x64xf32, #tpu.memory_space<vmem>>
      %dma_start3A_255 = arith.constant 0 : i32
      %dma_start3A_256 = tpu.memref_slice %arg7[%dma_start3A_251, %dma_start3A_255] : memref<8x100xi32, #tpu.memory_space<vmem>> -> memref<1x100xi32, #tpu.memory_space<vmem>>
      %dma_start3A_257 = tpu.memref_squeeze %dma_start3A_256 : memref<1x100xi32, #tpu.memory_space<vmem>> -> memref<100xi32, #tpu.memory_space<vmem>>
      %dma_start3A_258 = arith.constant 0 : i32
      %dma_start3A_259 = arith.constant 0 : i32
      %dma_start3A_260 = tpu.memref_slice %arg4[%dma_start3A_258, %dma_start3A_259] : memref<1000000x64xf32, #tpu.memory_space<hbm>> -> memref<1000000x64xf32, #tpu.memory_space<hbm>>
      tpu.enqueue_indirect_dma source(%dma_start3A_260 : memref<1000000x64xf32, #tpu.memory_space<hbm>>) target(%dma_start3A_254 : memref<100x64xf32, #tpu.memory_space<vmem>>) offsets(%dma_start3A_257 : memref<100xi32, #tpu.memory_space<vmem>>) semaphore(%arg16 : memref<!tpu.dma_semaphore, #tpu.memory_space<semaphore_mem>>)
      %dma_start3A_261 = arith.constant 3 : i32
      %dma_start3A_262 = arith.constant 300 : i32
      %dma_start3A_263 = arith.constant 0 : i32
      %dma_start3A_264 = tpu.memref_slice %arg11[%dma_start3A_262, %dma_start3A_263] : memref<800x64xf32, #tpu.memory_space<vmem>> -> memref<100x64xf32, #tpu.memory_space<vmem>>
      %dma_start3A_265 = arith.constant 0 : i32
      %dma_start3A_266 = tpu.memref_slice %arg7[%dma_start3A_261, %dma_start3A_265] : memref<8x100xi32, #tpu.memory_space<vmem>> -> memref<1x100xi32, #tpu.memory_space<vmem>>
      %dma_start3A_267 = tpu.memref_squeeze %dma_start3A_266 : memref<1x100xi32, #tpu.memory_space<vmem>> -> memref<100xi32, #tpu.memory_space<vmem>>
      %dma_start3A_268 = arith.constant 0 : i32
      %dma_start3A_269 = arith.constant 0 : i32
      %dma_start3A_270 = tpu.memref_slice %arg4[%dma_start3A_268, %dma_start3A_269] : memref<1000000x64xf32, #tpu.memory_space<hbm>> -> memref<1000000x64xf32, #tpu.memory_space<hbm>>
      tpu.enqueue_indirect_dma source(%dma_start3A_270 : memref<1000000x64xf32, #tpu.memory_space<hbm>>) target(%dma_start3A_264 : memref<100x64xf32, #tpu.memory_space<vmem>>) offsets(%dma_start3A_267 : memref<100xi32, #tpu.memory_space<vmem>>) semaphore(%arg16 : memref<!tpu.dma_semaphore, #tpu.memory_space<semaphore_mem>>)
      %dma_start3A_271 = arith.constant 4 : i32
      %dma_start3A_272 = arith.constant 400 : i32
      %dma_start3A_273 = arith.constant 0 : i32
      %dma_start3A_274 = tpu.memref_slice %arg11[%dma_start3A_272, %dma_start3A_273] : memref<800x64xf32, #tpu.memory_space<vmem>> -> memref<100x64xf32, #tpu.memory_space<vmem>>
      %dma_start3A_275 = arith.constant 0 : i32
      %dma_start3A_276 = tpu.memref_slice %arg7[%dma_start3A_271, %dma_start3A_275] : memref<8x100xi32, #tpu.memory_space<vmem>> -> memref<1x100xi32, #tpu.memory_space<vmem>>
      %dma_start3A_277 = tpu.memref_squeeze %dma_start3A_276 : memref<1x100xi32, #tpu.memory_space<vmem>> -> memref<100xi32, #tpu.memory_space<vmem>>
      %dma_start3A_278 = arith.constant 0 : i32
      %dma_start3A_279 = arith.constant 0 : i32
      %dma_start3A_280 = tpu.memref_slice %arg4[%dma_start3A_278, %dma_start3A_279] : memref<1000000x64xf32, #tpu.memory_space<hbm>> -> memref<1000000x64xf32, #tpu.memory_space<hbm>>
      tpu.enqueue_indirect_dma source(%dma_start3A_280 : memref<1000000x64xf32, #tpu.memory_space<hbm>>) target(%dma_start3A_274 : memref<100x64xf32, #tpu.memory_space<vmem>>) offsets(%dma_start3A_277 : memref<100xi32, #tpu.memory_space<vmem>>) semaphore(%arg16 : memref<!tpu.dma_semaphore, #tpu.memory_space<semaphore_mem>>)
      %dma_start3A_281 = arith.constant 5 : i32
      %dma_start3A_282 = arith.constant 500 : i32
      %dma_start3A_283 = arith.constant 0 : i32
      %dma_start3A_284 = tpu.memref_slice %arg11[%dma_start3A_282, %dma_start3A_283] : memref<800x64xf32, #tpu.memory_space<vmem>> -> memref<100x64xf32, #tpu.memory_space<vmem>>
      %dma_start3A_285 = arith.constant 0 : i32
      %dma_start3A_286 = tpu.memref_slice %arg7[%dma_start3A_281, %dma_start3A_285] : memref<8x100xi32, #tpu.memory_space<vmem>> -> memref<1x100xi32, #tpu.memory_space<vmem>>
      %dma_start3A_287 = tpu.memref_squeeze %dma_start3A_286 : memref<1x100xi32, #tpu.memory_space<vmem>> -> memref<100xi32, #tpu.memory_space<vmem>>
      %dma_start3A_288 = arith.constant 0 : i32
      %dma_start3A_289 = arith.constant 0 : i32
      %dma_start3A_290 = tpu.memref_slice %arg4[%dma_start3A_288, %dma_start3A_289] : memref<1000000x64xf32, #tpu.memory_space<hbm>> -> memref<1000000x64xf32, #tpu.memory_space<hbm>>
      tpu.enqueue_indirect_dma source(%dma_start3A_290 : memref<1000000x64xf32, #tpu.memory_space<hbm>>) target(%dma_start3A_284 : memref<100x64xf32, #tpu.memory_space<vmem>>) offsets(%dma_start3A_287 : memref<100xi32, #tpu.memory_space<vmem>>) semaphore(%arg16 : memref<!tpu.dma_semaphore, #tpu.memory_space<semaphore_mem>>)
      %dma_start3A_291 = arith.constant 6 : i32
      %dma_start3A_292 = arith.constant 600 : i32
      %dma_start3A_293 = arith.constant 0 : i32
      %dma_start3A_294 = tpu.memref_slice %arg11[%dma_start3A_292, %dma_start3A_293] : memref<800x64xf32, #tpu.memory_space<vmem>> -> memref<100x64xf32, #tpu.memory_space<vmem>>
      %dma_start3A_295 = arith.constant 0 : i32
      %dma_start3A_296 = tpu.memref_slice %arg7[%dma_start3A_291, %dma_start3A_295] : memref<8x100xi32, #tpu.memory_space<vmem>> -> memref<1x100xi32, #tpu.memory_space<vmem>>
      %dma_start3A_297 = tpu.memref_squeeze %dma_start3A_296 : memref<1x100xi32, #tpu.memory_space<vmem>> -> memref<100xi32, #tpu.memory_space<vmem>>
      %dma_start3A_298 = arith.constant 0 : i32
      %dma_start3A_299 = arith.constant 0 : i32
      %dma_start3A_300 = tpu.memref_slice %arg4[%dma_start3A_298, %dma_start3A_299] : memref<1000000x64xf32, #tpu.memory_space<hbm>> -> memref<1000000x64xf32, #tpu.memory_space<hbm>>
      tpu.enqueue_indirect_dma source(%dma_start3A_300 : memref<1000000x64xf32, #tpu.memory_space<hbm>>) target(%dma_start3A_294 : memref<100x64xf32, #tpu.memory_space<vmem>>) offsets(%dma_start3A_297 : memref<100xi32, #tpu.memory_space<vmem>>) semaphore(%arg16 : memref<!tpu.dma_semaphore, #tpu.memory_space<semaphore_mem>>)
      %dma_start3A_301 = arith.constant 7 : i32
      %dma_start3A_302 = arith.constant 700 : i32
      %dma_start3A_303 = arith.constant 0 : i32
      %dma_start3A_304 = tpu.memref_slice %arg11[%dma_start3A_302, %dma_start3A_303] : memref<800x64xf32, #tpu.memory_space<vmem>> -> memref<100x64xf32, #tpu.memory_space<vmem>>
      %dma_start3A_305 = arith.constant 0 : i32
      %dma_start3A_306 = tpu.memref_slice %arg7[%dma_start3A_301, %dma_start3A_305] : memref<8x100xi32, #tpu.memory_space<vmem>> -> memref<1x100xi32, #tpu.memory_space<vmem>>
      %dma_start3A_307 = tpu.memref_squeeze %dma_start3A_306 : memref<1x100xi32, #tpu.memory_space<vmem>> -> memref<100xi32, #tpu.memory_space<vmem>>
      %dma_start3A_308 = arith.constant 0 : i32
      %dma_start3A_309 = arith.constant 0 : i32
      %dma_start3A_310 = tpu.memref_slice %arg4[%dma_start3A_308, %dma_start3A_309] : memref<1000000x64xf32, #tpu.memory_space<hbm>> -> memref<1000000x64xf32, #tpu.memory_space<hbm>>
      tpu.enqueue_indirect_dma source(%dma_start3A_310 : memref<1000000x64xf32, #tpu.memory_space<hbm>>) target(%dma_start3A_304 : memref<100x64xf32, #tpu.memory_space<vmem>>) offsets(%dma_start3A_307 : memref<100xi32, #tpu.memory_space<vmem>>) semaphore(%arg16 : memref<!tpu.dma_semaphore, #tpu.memory_space<semaphore_mem>>)
      %dma_start3A_311 = arith.constant 0 : i32
      %dma_start3A_312 = arith.constant 0 : i32
      %dma_start3A_313 = tpu.memref_slice %arg4[%dma_start3A_311, %dma_start3A_312] : memref<1000000x64xf32, #tpu.memory_space<hbm>> -> memref<1000000x64xf32, #tpu.memory_space<hbm>>
      tpu.enqueue_indirect_dma source(%dma_start3A_313 : memref<1000000x64xf32, #tpu.memory_space<hbm>>) target(%arg13 : memref<16x64xf32, #tpu.memory_space<vmem>>) offsets(%arg9 : memref<16xi32, #tpu.memory_space<vmem>>) semaphore(%arg16 : memref<!tpu.dma_semaphore, #tpu.memory_space<semaphore_mem>>)
      %mul3A_314 = arith.constant 512 : i32
      %mul3A_315 = arith.muli %add3A, %mul3A_314 : i32
      %mul3A_316 = arith.constant 16 : i32
      %mul3A_317 = arith.muli %mul3A_113, %mul3A_316 : i32
      %add3A_318 = arith.addi %mul3A_315, %mul3A_317 : i32
      %scan3A_319 = arith.constant 0 : i32
      %scan3A_320 = arith.constant 0 : i32
      %scan3A_321 = arith.constant 16 : i32
      %scan3A_322 = arith.addi %scan3A_320, %scan3A_321 : i32
      %scan3A_323 = arith.constant 1 : i32
      scf.for %scan3A_431 = %scan3A_320 to %scan3A_322 step %scan3A_323  : i32 {
        %get3A = arith.index_cast %scan3A_431 : i32 to index
        %get3A_432 = arith.constant 0 : index
        %get3A_433 = tpu.vector_load %arg12[%get3A, %get3A_432] {strides = array<i32>} : memref<16x64xf32, #tpu.memory_space<vmem>>, vector<16xf32>,
        %get3A_434 = arith.index_cast %scan3A_431 : i32 to index
        %get3A_435 = arith.constant 16 : index
        %get3A_436 = tpu.vector_load %arg12[%get3A_434, %get3A_435] {strides = array<i32>} : memref<16x64xf32, #tpu.memory_space<vmem>>, vector<16xf32>,
        %get3A_437 = arith.index_cast %scan3A_431 : i32 to index
        %get3A_438 = arith.constant 32 : index
        %get3A_439 = tpu.vector_load %arg12[%get3A_437, %get3A_438] {strides = array<i32>} : memref<16x64xf32, #tpu.memory_space<vmem>>, vector<16xf32>,
        %get3A_440 = arith.index_cast %scan3A_431 : i32 to index
        %get3A_441 = arith.constant 48 : index
        %get3A_442 = tpu.vector_load %arg12[%get3A_440, %get3A_441] {strides = array<i32>} : memref<16x64xf32, #tpu.memory_space<vmem>>, vector<16xf32>,
        %broadcast_in_dim3A = arith.constant 0.000000e+00 : f32
        %broadcast_in_dim3A_443 = vector.broadcast %broadcast_in_dim3A : f32 to vector<16xf32>
        %mul3A_444 = arith.constant 50 : i32
        %mul3A_445 = arith.muli %scan3A_431, %mul3A_444 : i32
        %add3A_446 = arith.constant 0 : i32
        %add3A_447 = arith.addi %mul3A_445, %add3A_446 : i32
        %get3A_448 = arith.index_cast %add3A_447 : i32 to index
        %get3A_449 = arith.constant 0 : index
        %get3A_450 = tpu.vector_load %arg10[%get3A_448, %get3A_449] {strides = array<i32>} : memref<800x64xf32, #tpu.memory_space<vmem>>, vector<16xf32>,
        %mul3A_451 = arith.mulf %get3A_433, %get3A_450 : vector<16xf32>
        %get3A_452 = arith.index_cast %add3A_447 : i32 to index
        %get3A_453 = arith.constant 16 : index
        %get3A_454 = tpu.vector_load %arg10[%get3A_452, %get3A_453] {strides = array<i32>} : memref<800x64xf32, #tpu.memory_space<vmem>>, vector<16xf32>,
        %mul3A_455 = arith.mulf %get3A_436, %get3A_454 : vector<16xf32>
        %add3A_456 = arith.addf %mul3A_451, %mul3A_455 : vector<16xf32>
        %get3A_457 = arith.index_cast %add3A_447 : i32 to index
        %get3A_458 = arith.constant 32 : index
        %get3A_459 = tpu.vector_load %arg10[%get3A_457, %get3A_458] {strides = array<i32>} : memref<800x64xf32, #tpu.memory_space<vmem>>, vector<16xf32>,
        %mul3A_460 = arith.mulf %get3A_439, %get3A_459 : vector<16xf32>
        %add3A_461 = arith.addf %add3A_456, %mul3A_460 : vector<16xf32>
        %get3A_462 = arith.index_cast %add3A_447 : i32 to index
        %get3A_463 = arith.constant 48 : index
        %get3A_464 = tpu.vector_load %arg10[%get3A_462, %get3A_463] {strides = array<i32>} : memref<800x64xf32, #tpu.memory_space<vmem>>, vector<16xf32>,
        %mul3A_465 = arith.mulf %get3A_442, %get3A_464 : vector<16xf32>
        %add3A_466 = arith.addf %add3A_461, %mul3A_465 : vector<16xf32>
        %reduce_sum3A = arith.constant true
        %reduce_sum3A_467 = vector.broadcast %reduce_sum3A : i1 to vector<16xi1>
        %reduce_sum3A_468 = tpu.scan <sum>, %add3A_466 masked %reduce_sum3A_467 : vector<16xf32>, vector<16xi1> -> vector<16xf32>
        %reduce_sum3A_469 = vector.extract %reduce_sum3A_468[15] : f32 from vector<16xf32>
        %eq3A = arith.constant 0 : i32
        %eq3A_470 = vector.broadcast %eq3A : i32 to vector<16xi32>
        %eq3A_471 = arith.cmpi eq, %iota3A, %eq3A_470 : vector<16xi32>
        %broadcast_in_dim3A_472 = vector.broadcast %reduce_sum3A_469 : f32 to vector<16xf32>
        %select_n3A_473 = arith.select %eq3A_471, %broadcast_in_dim3A_472, %broadcast_in_dim3A_443 : vector<16xi1>, vector<16xf32>
        %mul3A_474 = arith.constant 50 : i32
        %mul3A_475 = arith.muli %scan3A_431, %mul3A_474 : i32
        %add3A_476 = arith.constant 1 : i32
        %add3A_477 = arith.addi %mul3A_475, %add3A_476 : i32
        %get3A_478 = arith.index_cast %add3A_477 : i32 to index
        %get3A_479 = arith.constant 0 : index
        %get3A_480 = tpu.vector_load %arg10[%get3A_478, %get3A_479] {strides = array<i32>} : memref<800x64xf32, #tpu.memory_space<vmem>>, vector<16xf32>,
        %mul3A_481 = arith.mulf %get3A_433, %get3A_480 : vector<16xf32>
        %get3A_482 = arith.index_cast %add3A_477 : i32 to index
        %get3A_483 = arith.constant 16 : index
        %get3A_484 = tpu.vector_load %arg10[%get3A_482, %get3A_483] {strides = array<i32>} : memref<800x64xf32, #tpu.memory_space<vmem>>, vector<16xf32>,
        %mul3A_485 = arith.mulf %get3A_436, %get3A_484 : vector<16xf32>
        %add3A_486 = arith.addf %mul3A_481, %mul3A_485 : vector<16xf32>
        %get3A_487 = arith.index_cast %add3A_477 : i32 to index
        %get3A_488 = arith.constant 32 : index
        %get3A_489 = tpu.vector_load %arg10[%get3A_487, %get3A_488] {strides = array<i32>} : memref<800x64xf32, #tpu.memory_space<vmem>>, vector<16xf32>,
        %mul3A_490 = arith.mulf %get3A_439, %get3A_489 : vector<16xf32>
        %add3A_491 = arith.addf %add3A_486, %mul3A_490 : vector<16xf32>
        %get3A_492 = arith.index_cast %add3A_477 : i32 to index
        %get3A_493 = arith.constant 48 : index
        %get3A_494 = tpu.vector_load %arg10[%get3A_492, %get3A_493] {strides = array<i32>} : memref<800x64xf32, #tpu.memory_space<vmem>>, vector<16xf32>,
        %mul3A_495 = arith.mulf %get3A_442, %get3A_494 : vector<16xf32>
        %add3A_496 = arith.addf %add3A_491, %mul3A_495 : vector<16xf32>
        %reduce_sum3A_497 = arith.constant true
        %reduce_sum3A_498 = vector.broadcast %reduce_sum3A_497 : i1 to vector<16xi1>
        %reduce_sum3A_499 = tpu.scan <sum>, %add3A_496 masked %reduce_sum3A_498 : vector<16xf32>, vector<16xi1> -> vector<16xf32>
        %reduce_sum3A_500 = vector.extract %reduce_sum3A_499[15] : f32 from vector<16xf32>
        %eq3A_501 = arith.constant 1 : i32
        %eq3A_502 = vector.broadcast %eq3A_501 : i32 to vector<16xi32>
        %eq3A_503 = arith.cmpi eq, %iota3A, %eq3A_502 : vector<16xi32>
        %broadcast_in_dim3A_504 = vector.broadcast %reduce_sum3A_500 : f32 to vector<16xf32>
        %select_n3A_505 = arith.select %eq3A_503, %broadcast_in_dim3A_504, %select_n3A_473 : vector<16xi1>, vector<16xf32>
        %mul3A_506 = arith.constant 50 : i32
        %mul3A_507 = arith.muli %scan3A_431, %mul3A_506 : i32
        %add3A_508 = arith.constant 2 : i32
        %add3A_509 = arith.addi %mul3A_507, %add3A_508 : i32
        %get3A_510 = arith.index_cast %add3A_509 : i32 to index
        %get3A_511 = arith.constant 0 : index
        %get3A_512 = tpu.vector_load %arg10[%get3A_510, %get3A_511] {strides = array<i32>} : memref<800x64xf32, #tpu.memory_space<vmem>>, vector<16xf32>,
        %mul3A_513 = arith.mulf %get3A_433, %get3A_512 : vector<16xf32>
        %get3A_514 = arith.index_cast %add3A_509 : i32 to index
        %get3A_515 = arith.constant 16 : index
        %get3A_516 = tpu.vector_load %arg10[%get3A_514, %get3A_515] {strides = array<i32>} : memref<800x64xf32, #tpu.memory_space<vmem>>, vector<16xf32>,
        %mul3A_517 = arith.mulf %get3A_436, %get3A_516 : vector<16xf32>
        %add3A_518 = arith.addf %mul3A_513, %mul3A_517 : vector<16xf32>
        %get3A_519 = arith.index_cast %add3A_509 : i32 to index
        %get3A_520 = arith.constant 32 : index
        %get3A_521 = tpu.vector_load %arg10[%get3A_519, %get3A_520] {strides = array<i32>} : memref<800x64xf32, #tpu.memory_space<vmem>>, vector<16xf32>,
        %mul3A_522 = arith.mulf %get3A_439, %get3A_521 : vector<16xf32>
        %add3A_523 = arith.addf %add3A_518, %mul3A_522 : vector<16xf32>
        %get3A_524 = arith.index_cast %add3A_509 : i32 to index
        %get3A_525 = arith.constant 48 : index
        %get3A_526 = tpu.vector_load %arg10[%get3A_524, %get3A_525] {strides = array<i32>} : memref<800x64xf32, #tpu.memory_space<vmem>>, vector<16xf32>,
        %mul3A_527 = arith.mulf %get3A_442, %get3A_526 : vector<16xf32>
        %add3A_528 = arith.addf %add3A_523, %mul3A_527 : vector<16xf32>
        %reduce_sum3A_529 = arith.constant true
        %reduce_sum3A_530 = vector.broadcast %reduce_sum3A_529 : i1 to vector<16xi1>
        %reduce_sum3A_531 = tpu.scan <sum>, %add3A_528 masked %reduce_sum3A_530 : vector<16xf32>, vector<16xi1> -> vector<16xf32>
        %reduce_sum3A_532 = vector.extract %reduce_sum3A_531[15] : f32 from vector<16xf32>
        %eq3A_533 = arith.constant 2 : i32
        %eq3A_534 = vector.broadcast %eq3A_533 : i32 to vector<16xi32>
        %eq3A_535 = arith.cmpi eq, %iota3A, %eq3A_534 : vector<16xi32>
        %broadcast_in_dim3A_536 = vector.broadcast %reduce_sum3A_532 : f32 to vector<16xf32>
        %select_n3A_537 = arith.select %eq3A_535, %broadcast_in_dim3A_536, %select_n3A_505 : vector<16xi1>, vector<16xf32>
        %mul3A_538 = arith.constant 50 : i32
        %mul3A_539 = arith.muli %scan3A_431, %mul3A_538 : i32
        %add3A_540 = arith.constant 3 : i32
        %add3A_541 = arith.addi %mul3A_539, %add3A_540 : i32
        %get3A_542 = arith.index_cast %add3A_541 : i32 to index
        %get3A_543 = arith.constant 0 : index
        %get3A_544 = tpu.vector_load %arg10[%get3A_542, %get3A_543] {strides = array<i32>} : memref<800x64xf32, #tpu.memory_space<vmem>>, vector<16xf32>,
        %mul3A_545 = arith.mulf %get3A_433, %get3A_544 : vector<16xf32>
        %get3A_546 = arith.index_cast %add3A_541 : i32 to index
        %get3A_547 = arith.constant 16 : index
        %get3A_548 = tpu.vector_load %arg10[%get3A_546, %get3A_547] {strides = array<i32>} : memref<800x64xf32, #tpu.memory_space<vmem>>, vector<16xf32>,
        %mul3A_549 = arith.mulf %get3A_436, %get3A_548 : vector<16xf32>
        %add3A_550 = arith.addf %mul3A_545, %mul3A_549 : vector<16xf32>
        %get3A_551 = arith.index_cast %add3A_541 : i32 to index
        %get3A_552 = arith.constant 32 : index
        %get3A_553 = tpu.vector_load %arg10[%get3A_551, %get3A_552] {strides = array<i32>} : memref<800x64xf32, #tpu.memory_space<vmem>>, vector<16xf32>,
        %mul3A_554 = arith.mulf %get3A_439, %get3A_553 : vector<16xf32>
        %add3A_555 = arith.addf %add3A_550, %mul3A_554 : vector<16xf32>
        %get3A_556 = arith.index_cast %add3A_541 : i32 to index
        %get3A_557 = arith.constant 48 : index
        %get3A_558 = tpu.vector_load %arg10[%get3A_556, %get3A_557] {strides = array<i32>} : memref<800x64xf32, #tpu.memory_space<vmem>>, vector<16xf32>,
        %mul3A_559 = arith.mulf %get3A_442, %get3A_558 : vector<16xf32>
        %add3A_560 = arith.addf %add3A_555, %mul3A_559 : vector<16xf32>
        %reduce_sum3A_561 = arith.constant true
        %reduce_sum3A_562 = vector.broadcast %reduce_sum3A_561 : i1 to vector<16xi1>
        %reduce_sum3A_563 = tpu.scan <sum>, %add3A_560 masked %reduce_sum3A_562 : vector<16xf32>, vector<16xi1> -> vector<16xf32>
        %reduce_sum3A_564 = vector.extract %reduce_sum3A_563[15] : f32 from vector<16xf32>
        %eq3A_565 = arith.constant 3 : i32
        %eq3A_566 = vector.broadcast %eq3A_565 : i32 to vector<16xi32>
        %eq3A_567 = arith.cmpi eq, %iota3A, %eq3A_566 : vector<16xi32>
        %broadcast_in_dim3A_568 = vector.broadcast %reduce_sum3A_564 : f32 to vector<16xf32>
        %select_n3A_569 = arith.select %eq3A_567, %broadcast_in_dim3A_568, %select_n3A_537 : vector<16xi1>, vector<16xf32>
        %mul3A_570 = arith.constant 50 : i32
        %mul3A_571 = arith.muli %scan3A_431, %mul3A_570 : i32
        %add3A_572 = arith.constant 4 : i32
        %add3A_573 = arith.addi %mul3A_571, %add3A_572 : i32
        %get3A_574 = arith.index_cast %add3A_573 : i32 to index
        %get3A_575 = arith.constant 0 : index
        %get3A_576 = tpu.vector_load %arg10[%get3A_574, %get3A_575] {strides = array<i32>} : memref<800x64xf32, #tpu.memory_space<vmem>>, vector<16xf32>,
        %mul3A_577 = arith.mulf %get3A_433, %get3A_576 : vector<16xf32>
        %get3A_578 = arith.index_cast %add3A_573 : i32 to index
        %get3A_579 = arith.constant 16 : index
        %get3A_580 = tpu.vector_load %arg10[%get3A_578, %get3A_579] {strides = array<i32>} : memref<800x64xf32, #tpu.memory_space<vmem>>, vector<16xf32>,
        %mul3A_581 = arith.mulf %get3A_436, %get3A_580 : vector<16xf32>
        %add3A_582 = arith.addf %mul3A_577, %mul3A_581 : vector<16xf32>
        %get3A_583 = arith.index_cast %add3A_573 : i32 to index
        %get3A_584 = arith.constant 32 : index
        %get3A_585 = tpu.vector_load %arg10[%get3A_583, %get3A_584] {strides = array<i32>} : memref<800x64xf32, #tpu.memory_space<vmem>>, vector<16xf32>,
        %mul3A_586 = arith.mulf %get3A_439, %get3A_585 : vector<16xf32>
        %add3A_587 = arith.addf %add3A_582, %mul3A_586 : vector<16xf32>
        %get3A_588 = arith.index_cast %add3A_573 : i32 to index
        %get3A_589 = arith.constant 48 : index
        %get3A_590 = tpu.vector_load %arg10[%get3A_588, %get3A_589] {strides = array<i32>} : memref<800x64xf32, #tpu.memory_space<vmem>>, vector<16xf32>,
        %mul3A_591 = arith.mulf %get3A_442, %get3A_590 : vector<16xf32>
        %add3A_592 = arith.addf %add3A_587, %mul3A_591 : vector<16xf32>
        %reduce_sum3A_593 = arith.constant true
        %reduce_sum3A_594 = vector.broadcast %reduce_sum3A_593 : i1 to vector<16xi1>
        %reduce_sum3A_595 = tpu.scan <sum>, %add3A_592 masked %reduce_sum3A_594 : vector<16xf32>, vector<16xi1> -> vector<16xf32>
        %reduce_sum3A_596 = vector.extract %reduce_sum3A_595[15] : f32 from vector<16xf32>
        %eq3A_597 = arith.constant 4 : i32
        %eq3A_598 = vector.broadcast %eq3A_597 : i32 to vector<16xi32>
        %eq3A_599 = arith.cmpi eq, %iota3A, %eq3A_598 : vector<16xi32>
        %broadcast_in_dim3A_600 = vector.broadcast %reduce_sum3A_596 : f32 to vector<16xf32>
        %select_n3A_601 = arith.select %eq3A_599, %broadcast_in_dim3A_600, %select_n3A_569 : vector<16xi1>, vector<16xf32>
        %mul3A_602 = arith.constant 50 : i32
        %mul3A_603 = arith.muli %scan3A_431, %mul3A_602 : i32
        %add3A_604 = arith.constant 5 : i32
        %add3A_605 = arith.addi %mul3A_603, %add3A_604 : i32
        %get3A_606 = arith.index_cast %add3A_605 : i32 to index
        %get3A_607 = arith.constant 0 : index
        %get3A_608 = tpu.vector_load %arg10[%get3A_606, %get3A_607] {strides = array<i32>} : memref<800x64xf32, #tpu.memory_space<vmem>>, vector<16xf32>,
        %mul3A_609 = arith.mulf %get3A_433, %get3A_608 : vector<16xf32>
        %get3A_610 = arith.index_cast %add3A_605 : i32 to index
        %get3A_611 = arith.constant 16 : index
        %get3A_612 = tpu.vector_load %arg10[%get3A_610, %get3A_611] {strides = array<i32>} : memref<800x64xf32, #tpu.memory_space<vmem>>, vector<16xf32>,
        %mul3A_613 = arith.mulf %get3A_436, %get3A_612 : vector<16xf32>
        %add3A_614 = arith.addf %mul3A_609, %mul3A_613 : vector<16xf32>
        %get3A_615 = arith.index_cast %add3A_605 : i32 to index
        %get3A_616 = arith.constant 32 : index
        %get3A_617 = tpu.vector_load %arg10[%get3A_615, %get3A_616] {strides = array<i32>} : memref<800x64xf32, #tpu.memory_space<vmem>>, vector<16xf32>,
        %mul3A_618 = arith.mulf %get3A_439, %get3A_617 : vector<16xf32>
        %add3A_619 = arith.addf %add3A_614, %mul3A_618 : vector<16xf32>
        %get3A_620 = arith.index_cast %add3A_605 : i32 to index
        %get3A_621 = arith.constant 48 : index
        %get3A_622 = tpu.vector_load %arg10[%get3A_620, %get3A_621] {strides = array<i32>} : memref<800x64xf32, #tpu.memory_space<vmem>>, vector<16xf32>,
        %mul3A_623 = arith.mulf %get3A_442, %get3A_622 : vector<16xf32>
        %add3A_624 = arith.addf %add3A_619, %mul3A_623 : vector<16xf32>
        %reduce_sum3A_625 = arith.constant true
        %reduce_sum3A_626 = vector.broadcast %reduce_sum3A_625 : i1 to vector<16xi1>
        %reduce_sum3A_627 = tpu.scan <sum>, %add3A_624 masked %reduce_sum3A_626 : vector<16xf32>, vector<16xi1> -> vector<16xf32>
        %reduce_sum3A_628 = vector.extract %reduce_sum3A_627[15] : f32 from vector<16xf32>
        %eq3A_629 = arith.constant 5 : i32
        %eq3A_630 = vector.broadcast %eq3A_629 : i32 to vector<16xi32>
        %eq3A_631 = arith.cmpi eq, %iota3A, %eq3A_630 : vector<16xi32>
        %broadcast_in_dim3A_632 = vector.broadcast %reduce_sum3A_628 : f32 to vector<16xf32>
        %select_n3A_633 = arith.select %eq3A_631, %broadcast_in_dim3A_632, %select_n3A_601 : vector<16xi1>, vector<16xf32>
        %mul3A_634 = arith.constant 50 : i32
        %mul3A_635 = arith.muli %scan3A_431, %mul3A_634 : i32
        %add3A_636 = arith.constant 6 : i32
        %add3A_637 = arith.addi %mul3A_635, %add3A_636 : i32
        %get3A_638 = arith.index_cast %add3A_637 : i32 to index
        %get3A_639 = arith.constant 0 : index
        %get3A_640 = tpu.vector_load %arg10[%get3A_638, %get3A_639] {strides = array<i32>} : memref<800x64xf32, #tpu.memory_space<vmem>>, vector<16xf32>,
        %mul3A_641 = arith.mulf %get3A_433, %get3A_640 : vector<16xf32>
        %get3A_642 = arith.index_cast %add3A_637 : i32 to index
        %get3A_643 = arith.constant 16 : index
        %get3A_644 = tpu.vector_load %arg10[%get3A_642, %get3A_643] {strides = array<i32>} : memref<800x64xf32, #tpu.memory_space<vmem>>, vector<16xf32>,
        %mul3A_645 = arith.mulf %get3A_436, %get3A_644 : vector<16xf32>
        %add3A_646 = arith.addf %mul3A_641, %mul3A_645 : vector<16xf32>
        %get3A_647 = arith.index_cast %add3A_637 : i32 to index
        %get3A_648 = arith.constant 32 : index
        %get3A_649 = tpu.vector_load %arg10[%get3A_647, %get3A_648] {strides = array<i32>} : memref<800x64xf32, #tpu.memory_space<vmem>>, vector<16xf32>,
        %mul3A_650 = arith.mulf %get3A_439, %get3A_649 : vector<16xf32>
        %add3A_651 = arith.addf %add3A_646, %mul3A_650 : vector<16xf32>
        %get3A_652 = arith.index_cast %add3A_637 : i32 to index
        %get3A_653 = arith.constant 48 : index
        %get3A_654 = tpu.vector_load %arg10[%get3A_652, %get3A_653] {strides = array<i32>} : memref<800x64xf32, #tpu.memory_space<vmem>>, vector<16xf32>,
        %mul3A_655 = arith.mulf %get3A_442, %get3A_654 : vector<16xf32>
        %add3A_656 = arith.addf %add3A_651, %mul3A_655 : vector<16xf32>
        %reduce_sum3A_657 = arith.constant true
        %reduce_sum3A_658 = vector.broadcast %reduce_sum3A_657 : i1 to vector<16xi1>
        %reduce_sum3A_659 = tpu.scan <sum>, %add3A_656 masked %reduce_sum3A_658 : vector<16xf32>, vector<16xi1> -> vector<16xf32>
        %reduce_sum3A_660 = vector.extract %reduce_sum3A_659[15] : f32 from vector<16xf32>
        %eq3A_661 = arith.constant 6 : i32
        %eq3A_662 = vector.broadcast %eq3A_661 : i32 to vector<16xi32>
        %eq3A_663 = arith.cmpi eq, %iota3A, %eq3A_662 : vector<16xi32>
        %broadcast_in_dim3A_664 = vector.broadcast %reduce_sum3A_660 : f32 to vector<16xf32>
        %select_n3A_665 = arith.select %eq3A_663, %broadcast_in_dim3A_664, %select_n3A_633 : vector<16xi1>, vector<16xf32>
        %mul3A_666 = arith.constant 50 : i32
        %mul3A_667 = arith.muli %scan3A_431, %mul3A_666 : i32
        %add3A_668 = arith.constant 7 : i32
        %add3A_669 = arith.addi %mul3A_667, %add3A_668 : i32
        %get3A_670 = arith.index_cast %add3A_669 : i32 to index
        %get3A_671 = arith.constant 0 : index
        %get3A_672 = tpu.vector_load %arg10[%get3A_670, %get3A_671] {strides = array<i32>} : memref<800x64xf32, #tpu.memory_space<vmem>>, vector<16xf32>,
        %mul3A_673 = arith.mulf %get3A_433, %get3A_672 : vector<16xf32>
        %get3A_674 = arith.index_cast %add3A_669 : i32 to index
        %get3A_675 = arith.constant 16 : index
        %get3A_676 = tpu.vector_load %arg10[%get3A_674, %get3A_675] {strides = array<i32>} : memref<800x64xf32, #tpu.memory_space<vmem>>, vector<16xf32>,
        %mul3A_677 = arith.mulf %get3A_436, %get3A_676 : vector<16xf32>
        %add3A_678 = arith.addf %mul3A_673, %mul3A_677 : vector<16xf32>
        %get3A_679 = arith.index_cast %add3A_669 : i32 to index
        %get3A_680 = arith.constant 32 : index
        %get3A_681 = tpu.vector_load %arg10[%get3A_679, %get3A_680] {strides = array<i32>} : memref<800x64xf32, #tpu.memory_space<vmem>>, vector<16xf32>,
        %mul3A_682 = arith.mulf %get3A_439, %get3A_681 : vector<16xf32>
        %add3A_683 = arith.addf %add3A_678, %mul3A_682 : vector<16xf32>
        %get3A_684 = arith.index_cast %add3A_669 : i32 to index
        %get3A_685 = arith.constant 48 : index
        %get3A_686 = tpu.vector_load %arg10[%get3A_684, %get3A_685] {strides = array<i32>} : memref<800x64xf32, #tpu.memory_space<vmem>>, vector<16xf32>,
        %mul3A_687 = arith.mulf %get3A_442, %get3A_686 : vector<16xf32>
        %add3A_688 = arith.addf %add3A_683, %mul3A_687 : vector<16xf32>
        %reduce_sum3A_689 = arith.constant true
        %reduce_sum3A_690 = vector.broadcast %reduce_sum3A_689 : i1 to vector<16xi1>
        %reduce_sum3A_691 = tpu.scan <sum>, %add3A_688 masked %reduce_sum3A_690 : vector<16xf32>, vector<16xi1> -> vector<16xf32>
        %reduce_sum3A_692 = vector.extract %reduce_sum3A_691[15] : f32 from vector<16xf32>
        %eq3A_693 = arith.constant 7 : i32
        %eq3A_694 = vector.broadcast %eq3A_693 : i32 to vector<16xi32>
        %eq3A_695 = arith.cmpi eq, %iota3A, %eq3A_694 : vector<16xi32>
        %broadcast_in_dim3A_696 = vector.broadcast %reduce_sum3A_692 : f32 to vector<16xf32>
        %select_n3A_697 = arith.select %eq3A_695, %broadcast_in_dim3A_696, %select_n3A_665 : vector<16xi1>, vector<16xf32>
        %mul3A_698 = arith.constant 50 : i32
        %mul3A_699 = arith.muli %scan3A_431, %mul3A_698 : i32
        %add3A_700 = arith.constant 8 : i32
        %add3A_701 = arith.addi %mul3A_699, %add3A_700 : i32
        %get3A_702 = arith.index_cast %add3A_701 : i32 to index
        %get3A_703 = arith.constant 0 : index
        %get3A_704 = tpu.vector_load %arg10[%get3A_702, %get3A_703] {strides = array<i32>} : memref<800x64xf32, #tpu.memory_space<vmem>>, vector<16xf32>,
        %mul3A_705 = arith.mulf %get3A_433, %get3A_704 : vector<16xf32>
        %get3A_706 = arith.index_cast %add3A_701 : i32 to index
        %get3A_707 = arith.constant 16 : index
        %get3A_708 = tpu.vector_load %arg10[%get3A_706, %get3A_707] {strides = array<i32>} : memref<800x64xf32, #tpu.memory_space<vmem>>, vector<16xf32>,
        %mul3A_709 = arith.mulf %get3A_436, %get3A_708 : vector<16xf32>
        %add3A_710 = arith.addf %mul3A_705, %mul3A_709 : vector<16xf32>
        %get3A_711 = arith.index_cast %add3A_701 : i32 to index
        %get3A_712 = arith.constant 32 : index
        %get3A_713 = tpu.vector_load %arg10[%get3A_711, %get3A_712] {strides = array<i32>} : memref<800x64xf32, #tpu.memory_space<vmem>>, vector<16xf32>,
        %mul3A_714 = arith.mulf %get3A_439, %get3A_713 : vector<16xf32>
        %add3A_715 = arith.addf %add3A_710, %mul3A_714 : vector<16xf32>
        %get3A_716 = arith.index_cast %add3A_701 : i32 to index
        %get3A_717 = arith.constant 48 : index
        %get3A_718 = tpu.vector_load %arg10[%get3A_716, %get3A_717] {strides = array<i32>} : memref<800x64xf32, #tpu.memory_space<vmem>>, vector<16xf32>,
        %mul3A_719 = arith.mulf %get3A_442, %get3A_718 : vector<16xf32>
        %add3A_720 = arith.addf %add3A_715, %mul3A_719 : vector<16xf32>
        %reduce_sum3A_721 = arith.constant true
        %reduce_sum3A_722 = vector.broadcast %reduce_sum3A_721 : i1 to vector<16xi1>
        %reduce_sum3A_723 = tpu.scan <sum>, %add3A_720 masked %reduce_sum3A_722 : vector<16xf32>, vector<16xi1> -> vector<16xf32>
        %reduce_sum3A_724 = vector.extract %reduce_sum3A_723[15] : f32 from vector<16xf32>
        %eq3A_725 = arith.constant 8 : i32
        %eq3A_726 = vector.broadcast %eq3A_725 : i32 to vector<16xi32>
        %eq3A_727 = arith.cmpi eq, %iota3A, %eq3A_726 : vector<16xi32>
        %broadcast_in_dim3A_728 = vector.broadcast %reduce_sum3A_724 : f32 to vector<16xf32>
        %select_n3A_729 = arith.select %eq3A_727, %broadcast_in_dim3A_728, %select_n3A_697 : vector<16xi1>, vector<16xf32>
        %mul3A_730 = arith.constant 50 : i32
        %mul3A_731 = arith.muli %scan3A_431, %mul3A_730 : i32
        %add3A_732 = arith.constant 9 : i32
        %add3A_733 = arith.addi %mul3A_731, %add3A_732 : i32
        %get3A_734 = arith.index_cast %add3A_733 : i32 to index
        %get3A_735 = arith.constant 0 : index
        %get3A_736 = tpu.vector_load %arg10[%get3A_734, %get3A_735] {strides = array<i32>} : memref<800x64xf32, #tpu.memory_space<vmem>>, vector<16xf32>,
        %mul3A_737 = arith.mulf %get3A_433, %get3A_736 : vector<16xf32>
        %get3A_738 = arith.index_cast %add3A_733 : i32 to index
        %get3A_739 = arith.constant 16 : index
        %get3A_740 = tpu.vector_load %arg10[%get3A_738, %get3A_739] {strides = array<i32>} : memref<800x64xf32, #tpu.memory_space<vmem>>, vector<16xf32>,
        %mul3A_741 = arith.mulf %get3A_436, %get3A_740 : vector<16xf32>
        %add3A_742 = arith.addf %mul3A_737, %mul3A_741 : vector<16xf32>
        %get3A_743 = arith.index_cast %add3A_733 : i32 to index
        %get3A_744 = arith.constant 32 : index
        %get3A_745 = tpu.vector_load %arg10[%get3A_743, %get3A_744] {strides = array<i32>} : memref<800x64xf32, #tpu.memory_space<vmem>>, vector<16xf32>,
        %mul3A_746 = arith.mulf %get3A_439, %get3A_745 : vector<16xf32>
        %add3A_747 = arith.addf %add3A_742, %mul3A_746 : vector<16xf32>
        %get3A_748 = arith.index_cast %add3A_733 : i32 to index
        %get3A_749 = arith.constant 48 : index
        %get3A_750 = tpu.vector_load %arg10[%get3A_748, %get3A_749] {strides = array<i32>} : memref<800x64xf32, #tpu.memory_space<vmem>>, vector<16xf32>,
        %mul3A_751 = arith.mulf %get3A_442, %get3A_750 : vector<16xf32>
        %add3A_752 = arith.addf %add3A_747, %mul3A_751 : vector<16xf32>
        %reduce_sum3A_753 = arith.constant true
        %reduce_sum3A_754 = vector.broadcast %reduce_sum3A_753 : i1 to vector<16xi1>
        %reduce_sum3A_755 = tpu.scan <sum>, %add3A_752 masked %reduce_sum3A_754 : vector<16xf32>, vector<16xi1> -> vector<16xf32>
        %reduce_sum3A_756 = vector.extract %reduce_sum3A_755[15] : f32 from vector<16xf32>
        %eq3A_757 = arith.constant 9 : i32
        %eq3A_758 = vector.broadcast %eq3A_757 : i32 to vector<16xi32>
        %eq3A_759 = arith.cmpi eq, %iota3A, %eq3A_758 : vector<16xi32>
        %broadcast_in_dim3A_760 = vector.broadcast %reduce_sum3A_756 : f32 to vector<16xf32>
        %select_n3A_761 = arith.select %eq3A_759, %broadcast_in_dim3A_760, %select_n3A_729 : vector<16xi1>, vector<16xf32>
        %mul3A_762 = arith.constant 50 : i32
        %mul3A_763 = arith.muli %scan3A_431, %mul3A_762 : i32
        %add3A_764 = arith.constant 10 : i32
        %add3A_765 = arith.addi %mul3A_763, %add3A_764 : i32
        %get3A_766 = arith.index_cast %add3A_765 : i32 to index
        %get3A_767 = arith.constant 0 : index
        %get3A_768 = tpu.vector_load %arg10[%get3A_766, %get3A_767] {strides = array<i32>} : memref<800x64xf32, #tpu.memory_space<vmem>>, vector<16xf32>,
        %mul3A_769 = arith.mulf %get3A_433, %get3A_768 : vector<16xf32>
        %get3A_770 = arith.index_cast %add3A_765 : i32 to index
        %get3A_771 = arith.constant 16 : index
        %get3A_772 = tpu.vector_load %arg10[%get3A_770, %get3A_771] {strides = array<i32>} : memref<800x64xf32, #tpu.memory_space<vmem>>, vector<16xf32>,
        %mul3A_773 = arith.mulf %get3A_436, %get3A_772 : vector<16xf32>
        %add3A_774 = arith.addf %mul3A_769, %mul3A_773 : vector<16xf32>
        %get3A_775 = arith.index_cast %add3A_765 : i32 to index
        %get3A_776 = arith.constant 32 : index
        %get3A_777 = tpu.vector_load %arg10[%get3A_775, %get3A_776] {strides = array<i32>} : memref<800x64xf32, #tpu.memory_space<vmem>>, vector<16xf32>,
        %mul3A_778 = arith.mulf %get3A_439, %get3A_777 : vector<16xf32>
        %add3A_779 = arith.addf %add3A_774, %mul3A_778 : vector<16xf32>
        %get3A_780 = arith.index_cast %add3A_765 : i32 to index
        %get3A_781 = arith.constant 48 : index
        %get3A_782 = tpu.vector_load %arg10[%get3A_780, %get3A_781] {strides = array<i32>} : memref<800x64xf32, #tpu.memory_space<vmem>>, vector<16xf32>,
        %mul3A_783 = arith.mulf %get3A_442, %get3A_782 : vector<16xf32>
        %add3A_784 = arith.addf %add3A_779, %mul3A_783 : vector<16xf32>
        %reduce_sum3A_785 = arith.constant true
        %reduce_sum3A_786 = vector.broadcast %reduce_sum3A_785 : i1 to vector<16xi1>
        %reduce_sum3A_787 = tpu.scan <sum>, %add3A_784 masked %reduce_sum3A_786 : vector<16xf32>, vector<16xi1> -> vector<16xf32>
        %reduce_sum3A_788 = vector.extract %reduce_sum3A_787[15] : f32 from vector<16xf32>
        %eq3A_789 = arith.constant 10 : i32
        %eq3A_790 = vector.broadcast %eq3A_789 : i32 to vector<16xi32>
        %eq3A_791 = arith.cmpi eq, %iota3A, %eq3A_790 : vector<16xi32>
        %broadcast_in_dim3A_792 = vector.broadcast %reduce_sum3A_788 : f32 to vector<16xf32>
        %select_n3A_793 = arith.select %eq3A_791, %broadcast_in_dim3A_792, %select_n3A_761 : vector<16xi1>, vector<16xf32>
        %mul3A_794 = arith.constant 50 : i32
        %mul3A_795 = arith.muli %scan3A_431, %mul3A_794 : i32
        %add3A_796 = arith.constant 11 : i32
        %add3A_797 = arith.addi %mul3A_795, %add3A_796 : i32
        %get3A_798 = arith.index_cast %add3A_797 : i32 to index
        %get3A_799 = arith.constant 0 : index
        %get3A_800 = tpu.vector_load %arg10[%get3A_798, %get3A_799] {strides = array<i32>} : memref<800x64xf32, #tpu.memory_space<vmem>>, vector<16xf32>,
        %mul3A_801 = arith.mulf %get3A_433, %get3A_800 : vector<16xf32>
        %get3A_802 = arith.index_cast %add3A_797 : i32 to index
        %get3A_803 = arith.constant 16 : index
        %get3A_804 = tpu.vector_load %arg10[%get3A_802, %get3A_803] {strides = array<i32>} : memref<800x64xf32, #tpu.memory_space<vmem>>, vector<16xf32>,
        %mul3A_805 = arith.mulf %get3A_436, %get3A_804 : vector<16xf32>
        %add3A_806 = arith.addf %mul3A_801, %mul3A_805 : vector<16xf32>
        %get3A_807 = arith.index_cast %add3A_797 : i32 to index
        %get3A_808 = arith.constant 32 : index
        %get3A_809 = tpu.vector_load %arg10[%get3A_807, %get3A_808] {strides = array<i32>} : memref<800x64xf32, #tpu.memory_space<vmem>>, vector<16xf32>,
        %mul3A_810 = arith.mulf %get3A_439, %get3A_809 : vector<16xf32>
        %add3A_811 = arith.addf %add3A_806, %mul3A_810 : vector<16xf32>
        %get3A_812 = arith.index_cast %add3A_797 : i32 to index
        %get3A_813 = arith.constant 48 : index
        %get3A_814 = tpu.vector_load %arg10[%get3A_812, %get3A_813] {strides = array<i32>} : memref<800x64xf32, #tpu.memory_space<vmem>>, vector<16xf32>,
        %mul3A_815 = arith.mulf %get3A_442, %get3A_814 : vector<16xf32>
        %add3A_816 = arith.addf %add3A_811, %mul3A_815 : vector<16xf32>
        %reduce_sum3A_817 = arith.constant true
        %reduce_sum3A_818 = vector.broadcast %reduce_sum3A_817 : i1 to vector<16xi1>
        %reduce_sum3A_819 = tpu.scan <sum>, %add3A_816 masked %reduce_sum3A_818 : vector<16xf32>, vector<16xi1> -> vector<16xf32>
        %reduce_sum3A_820 = vector.extract %reduce_sum3A_819[15] : f32 from vector<16xf32>
        %eq3A_821 = arith.constant 11 : i32
        %eq3A_822 = vector.broadcast %eq3A_821 : i32 to vector<16xi32>
        %eq3A_823 = arith.cmpi eq, %iota3A, %eq3A_822 : vector<16xi32>
        %broadcast_in_dim3A_824 = vector.broadcast %reduce_sum3A_820 : f32 to vector<16xf32>
        %select_n3A_825 = arith.select %eq3A_823, %broadcast_in_dim3A_824, %select_n3A_793 : vector<16xi1>, vector<16xf32>
        %mul3A_826 = arith.constant 50 : i32
        %mul3A_827 = arith.muli %scan3A_431, %mul3A_826 : i32
        %add3A_828 = arith.constant 12 : i32
        %add3A_829 = arith.addi %mul3A_827, %add3A_828 : i32
        %get3A_830 = arith.index_cast %add3A_829 : i32 to index
        %get3A_831 = arith.constant 0 : index
        %get3A_832 = tpu.vector_load %arg10[%get3A_830, %get3A_831] {strides = array<i32>} : memref<800x64xf32, #tpu.memory_space<vmem>>, vector<16xf32>,
        %mul3A_833 = arith.mulf %get3A_433, %get3A_832 : vector<16xf32>
        %get3A_834 = arith.index_cast %add3A_829 : i32 to index
        %get3A_835 = arith.constant 16 : index
        %get3A_836 = tpu.vector_load %arg10[%get3A_834, %get3A_835] {strides = array<i32>} : memref<800x64xf32, #tpu.memory_space<vmem>>, vector<16xf32>,
        %mul3A_837 = arith.mulf %get3A_436, %get3A_836 : vector<16xf32>
        %add3A_838 = arith.addf %mul3A_833, %mul3A_837 : vector<16xf32>
        %get3A_839 = arith.index_cast %add3A_829 : i32 to index
        %get3A_840 = arith.constant 32 : index
        %get3A_841 = tpu.vector_load %arg10[%get3A_839, %get3A_840] {strides = array<i32>} : memref<800x64xf32, #tpu.memory_space<vmem>>, vector<16xf32>,
        %mul3A_842 = arith.mulf %get3A_439, %get3A_841 : vector<16xf32>
        %add3A_843 = arith.addf %add3A_838, %mul3A_842 : vector<16xf32>
        %get3A_844 = arith.index_cast %add3A_829 : i32 to index
        %get3A_845 = arith.constant 48 : index
        %get3A_846 = tpu.vector_load %arg10[%get3A_844, %get3A_845] {strides = array<i32>} : memref<800x64xf32, #tpu.memory_space<vmem>>, vector<16xf32>,
        %mul3A_847 = arith.mulf %get3A_442, %get3A_846 : vector<16xf32>
        %add3A_848 = arith.addf %add3A_843, %mul3A_847 : vector<16xf32>
        %reduce_sum3A_849 = arith.constant true
        %reduce_sum3A_850 = vector.broadcast %reduce_sum3A_849 : i1 to vector<16xi1>
        %reduce_sum3A_851 = tpu.scan <sum>, %add3A_848 masked %reduce_sum3A_850 : vector<16xf32>, vector<16xi1> -> vector<16xf32>
        %reduce_sum3A_852 = vector.extract %reduce_sum3A_851[15] : f32 from vector<16xf32>
        %eq3A_853 = arith.constant 12 : i32
        %eq3A_854 = vector.broadcast %eq3A_853 : i32 to vector<16xi32>
        %eq3A_855 = arith.cmpi eq, %iota3A, %eq3A_854 : vector<16xi32>
        %broadcast_in_dim3A_856 = vector.broadcast %reduce_sum3A_852 : f32 to vector<16xf32>
        %select_n3A_857 = arith.select %eq3A_855, %broadcast_in_dim3A_856, %select_n3A_825 : vector<16xi1>, vector<16xf32>
        %mul3A_858 = arith.constant 50 : i32
        %mul3A_859 = arith.muli %scan3A_431, %mul3A_858 : i32
        %add3A_860 = arith.constant 13 : i32
        %add3A_861 = arith.addi %mul3A_859, %add3A_860 : i32
        %get3A_862 = arith.index_cast %add3A_861 : i32 to index
        %get3A_863 = arith.constant 0 : index
        %get3A_864 = tpu.vector_load %arg10[%get3A_862, %get3A_863] {strides = array<i32>} : memref<800x64xf32, #tpu.memory_space<vmem>>, vector<16xf32>,
        %mul3A_865 = arith.mulf %get3A_433, %get3A_864 : vector<16xf32>
        %get3A_866 = arith.index_cast %add3A_861 : i32 to index
        %get3A_867 = arith.constant 16 : index
        %get3A_868 = tpu.vector_load %arg10[%get3A_866, %get3A_867] {strides = array<i32>} : memref<800x64xf32, #tpu.memory_space<vmem>>, vector<16xf32>,
        %mul3A_869 = arith.mulf %get3A_436, %get3A_868 : vector<16xf32>
        %add3A_870 = arith.addf %mul3A_865, %mul3A_869 : vector<16xf32>
        %get3A_871 = arith.index_cast %add3A_861 : i32 to index
        %get3A_872 = arith.constant 32 : index
        %get3A_873 = tpu.vector_load %arg10[%get3A_871, %get3A_872] {strides = array<i32>} : memref<800x64xf32, #tpu.memory_space<vmem>>, vector<16xf32>,
        %mul3A_874 = arith.mulf %get3A_439, %get3A_873 : vector<16xf32>
        %add3A_875 = arith.addf %add3A_870, %mul3A_874 : vector<16xf32>
        %get3A_876 = arith.index_cast %add3A_861 : i32 to index
        %get3A_877 = arith.constant 48 : index
        %get3A_878 = tpu.vector_load %arg10[%get3A_876, %get3A_877] {strides = array<i32>} : memref<800x64xf32, #tpu.memory_space<vmem>>, vector<16xf32>,
        %mul3A_879 = arith.mulf %get3A_442, %get3A_878 : vector<16xf32>
        %add3A_880 = arith.addf %add3A_875, %mul3A_879 : vector<16xf32>
        %reduce_sum3A_881 = arith.constant true
        %reduce_sum3A_882 = vector.broadcast %reduce_sum3A_881 : i1 to vector<16xi1>
        %reduce_sum3A_883 = tpu.scan <sum>, %add3A_880 masked %reduce_sum3A_882 : vector<16xf32>, vector<16xi1> -> vector<16xf32>
        %reduce_sum3A_884 = vector.extract %reduce_sum3A_883[15] : f32 from vector<16xf32>
        %eq3A_885 = arith.constant 13 : i32
        %eq3A_886 = vector.broadcast %eq3A_885 : i32 to vector<16xi32>
        %eq3A_887 = arith.cmpi eq, %iota3A, %eq3A_886 : vector<16xi32>
        %broadcast_in_dim3A_888 = vector.broadcast %reduce_sum3A_884 : f32 to vector<16xf32>
        %select_n3A_889 = arith.select %eq3A_887, %broadcast_in_dim3A_888, %select_n3A_857 : vector<16xi1>, vector<16xf32>
        %mul3A_890 = arith.constant 50 : i32
        %mul3A_891 = arith.muli %scan3A_431, %mul3A_890 : i32
        %add3A_892 = arith.constant 14 : i32
        %add3A_893 = arith.addi %mul3A_891, %add3A_892 : i32
        %get3A_894 = arith.index_cast %add3A_893 : i32 to index
        %get3A_895 = arith.constant 0 : index
        %get3A_896 = tpu.vector_load %arg10[%get3A_894, %get3A_895] {strides = array<i32>} : memref<800x64xf32, #tpu.memory_space<vmem>>, vector<16xf32>,
        %mul3A_897 = arith.mulf %get3A_433, %get3A_896 : vector<16xf32>
        %get3A_898 = arith.index_cast %add3A_893 : i32 to index
        %get3A_899 = arith.constant 16 : index
        %get3A_900 = tpu.vector_load %arg10[%get3A_898, %get3A_899] {strides = array<i32>} : memref<800x64xf32, #tpu.memory_space<vmem>>, vector<16xf32>,
        %mul3A_901 = arith.mulf %get3A_436, %get3A_900 : vector<16xf32>
        %add3A_902 = arith.addf %mul3A_897, %mul3A_901 : vector<16xf32>
        %get3A_903 = arith.index_cast %add3A_893 : i32 to index
        %get3A_904 = arith.constant 32 : index
        %get3A_905 = tpu.vector_load %arg10[%get3A_903, %get3A_904] {strides = array<i32>} : memref<800x64xf32, #tpu.memory_space<vmem>>, vector<16xf32>,
        %mul3A_906 = arith.mulf %get3A_439, %get3A_905 : vector<16xf32>
        %add3A_907 = arith.addf %add3A_902, %mul3A_906 : vector<16xf32>
        %get3A_908 = arith.index_cast %add3A_893 : i32 to index
        %get3A_909 = arith.constant 48 : index
        %get3A_910 = tpu.vector_load %arg10[%get3A_908, %get3A_909] {strides = array<i32>} : memref<800x64xf32, #tpu.memory_space<vmem>>, vector<16xf32>,
        %mul3A_911 = arith.mulf %get3A_442, %get3A_910 : vector<16xf32>
        %add3A_912 = arith.addf %add3A_907, %mul3A_911 : vector<16xf32>
        %reduce_sum3A_913 = arith.constant true
        %reduce_sum3A_914 = vector.broadcast %reduce_sum3A_913 : i1 to vector<16xi1>
        %reduce_sum3A_915 = tpu.scan <sum>, %add3A_912 masked %reduce_sum3A_914 : vector<16xf32>, vector<16xi1> -> vector<16xf32>
        %reduce_sum3A_916 = vector.extract %reduce_sum3A_915[15] : f32 from vector<16xf32>
        %eq3A_917 = arith.constant 14 : i32
        %eq3A_918 = vector.broadcast %eq3A_917 : i32 to vector<16xi32>
        %eq3A_919 = arith.cmpi eq, %iota3A, %eq3A_918 : vector<16xi32>
        %broadcast_in_dim3A_920 = vector.broadcast %reduce_sum3A_916 : f32 to vector<16xf32>
        %select_n3A_921 = arith.select %eq3A_919, %broadcast_in_dim3A_920, %select_n3A_889 : vector<16xi1>, vector<16xf32>
        %mul3A_922 = arith.constant 50 : i32
        %mul3A_923 = arith.muli %scan3A_431, %mul3A_922 : i32
        %add3A_924 = arith.constant 15 : i32
        %add3A_925 = arith.addi %mul3A_923, %add3A_924 : i32
        %get3A_926 = arith.index_cast %add3A_925 : i32 to index
        %get3A_927 = arith.constant 0 : index
        %get3A_928 = tpu.vector_load %arg10[%get3A_926, %get3A_927] {strides = array<i32>} : memref<800x64xf32, #tpu.memory_space<vmem>>, vector<16xf32>,
        %mul3A_929 = arith.mulf %get3A_433, %get3A_928 : vector<16xf32>
        %get3A_930 = arith.index_cast %add3A_925 : i32 to index
        %get3A_931 = arith.constant 16 : index
        %get3A_932 = tpu.vector_load %arg10[%get3A_930, %get3A_931] {strides = array<i32>} : memref<800x64xf32, #tpu.memory_space<vmem>>, vector<16xf32>,
        %mul3A_933 = arith.mulf %get3A_436, %get3A_932 : vector<16xf32>
        %add3A_934 = arith.addf %mul3A_929, %mul3A_933 : vector<16xf32>
        %get3A_935 = arith.index_cast %add3A_925 : i32 to index
        %get3A_936 = arith.constant 32 : index
        %get3A_937 = tpu.vector_load %arg10[%get3A_935, %get3A_936] {strides = array<i32>} : memref<800x64xf32, #tpu.memory_space<vmem>>, vector<16xf32>,
        %mul3A_938 = arith.mulf %get3A_439, %get3A_937 : vector<16xf32>
        %add3A_939 = arith.addf %add3A_934, %mul3A_938 : vector<16xf32>
        %get3A_940 = arith.index_cast %add3A_925 : i32 to index
        %get3A_941 = arith.constant 48 : index
        %get3A_942 = tpu.vector_load %arg10[%get3A_940, %get3A_941] {strides = array<i32>} : memref<800x64xf32, #tpu.memory_space<vmem>>, vector<16xf32>,
        %mul3A_943 = arith.mulf %get3A_442, %get3A_942 : vector<16xf32>
        %add3A_944 = arith.addf %add3A_939, %mul3A_943 : vector<16xf32>
        %reduce_sum3A_945 = arith.constant true
        %reduce_sum3A_946 = vector.broadcast %reduce_sum3A_945 : i1 to vector<16xi1>
        %reduce_sum3A_947 = tpu.scan <sum>, %add3A_944 masked %reduce_sum3A_946 : vector<16xf32>, vector<16xi1> -> vector<16xf32>
        %reduce_sum3A_948 = vector.extract %reduce_sum3A_947[15] : f32 from vector<16xf32>
        %eq3A_949 = arith.constant 15 : i32
        %eq3A_950 = vector.broadcast %eq3A_949 : i32 to vector<16xi32>
        %eq3A_951 = arith.cmpi eq, %iota3A, %eq3A_950 : vector<16xi32>
        %broadcast_in_dim3A_952 = vector.broadcast %reduce_sum3A_948 : f32 to vector<16xf32>
        %select_n3A_953 = arith.select %eq3A_951, %broadcast_in_dim3A_952, %select_n3A_921 : vector<16xi1>, vector<16xf32>
        %neg3A = arith.constant 0.000000e+00 : f32
        %neg3A_954 = vector.broadcast %neg3A : f32 to vector<16xf32>
        %neg3A_955 = arith.subf %neg3A_954, %select_n3A_953 : vector<16xf32>
        %exp3A = math.exp %neg3A_955 : vector<16xf32>
        %add3A_956 = arith.constant 1.000000e+00 : f32
        %add3A_957 = vector.broadcast %add3A_956 : f32 to vector<16xf32>
        %add3A_958 = arith.addf %add3A_957, %exp3A : vector<16xf32>
        %div3A_959 = arith.constant 1.000000e+00 : f32
        %div3A_960 = vector.broadcast %div3A_959 : f32 to vector<16xf32>
        %div3A_961 = arith.divf %div3A_960, %add3A_958 : vector<16xf32>
        %mul3A_962 = arith.constant 50 : i32
        %mul3A_963 = arith.muli %scan3A_431, %mul3A_962 : i32
        %add3A_964 = arith.constant 0 : i32
        %add3A_965 = arith.addi %mul3A_963, %add3A_964 : i32
        %swap3A = arith.index_cast %add3A_965 : i32 to index
        %swap3A_966 = tpu.vector_load %arg14[%swap3A] {strides = array<i32>} : memref<816xf32, #tpu.memory_space<vmem>>, vector<16xf32>,
        tpu.vector_store %arg14[%swap3A], %div3A_961 {strides = array<i32>} : memref<816xf32, #tpu.memory_space<vmem>>, vector<16xf32>,
        %broadcast_in_dim3A_967 = arith.constant 0.000000e+00 : f32
        %broadcast_in_dim3A_968 = vector.broadcast %broadcast_in_dim3A_967 : f32 to vector<16xf32>
        %mul3A_969 = arith.constant 50 : i32
        %mul3A_970 = arith.muli %scan3A_431, %mul3A_969 : i32
        %add3A_971 = arith.constant 16 : i32
        %add3A_972 = arith.addi %mul3A_970, %add3A_971 : i32
        %get3A_973 = arith.index_cast %add3A_972 : i32 to index
        %get3A_974 = arith.constant 0 : index
        %get3A_975 = tpu.vector_load %arg10[%get3A_973, %get3A_974] {strides = array<i32>} : memref<800x64xf32, #tpu.memory_space<vmem>>, vector<16xf32>,
        %mul3A_976 = arith.mulf %get3A_433, %get3A_975 : vector<16xf32>
        %get3A_977 = arith.index_cast %add3A_972 : i32 to index
        %get3A_978 = arith.constant 16 : index
        %get3A_979 = tpu.vector_load %arg10[%get3A_977, %get3A_978] {strides = array<i32>} : memref<800x64xf32, #tpu.memory_space<vmem>>, vector<16xf32>,
        %mul3A_980 = arith.mulf %get3A_436, %get3A_979 : vector<16xf32>
        %add3A_981 = arith.addf %mul3A_976, %mul3A_980 : vector<16xf32>
        %get3A_982 = arith.index_cast %add3A_972 : i32 to index
        %get3A_983 = arith.constant 32 : index
        %get3A_984 = tpu.vector_load %arg10[%get3A_982, %get3A_983] {strides = array<i32>} : memref<800x64xf32, #tpu.memory_space<vmem>>, vector<16xf32>,
        %mul3A_985 = arith.mulf %get3A_439, %get3A_984 : vector<16xf32>
        %add3A_986 = arith.addf %add3A_981, %mul3A_985 : vector<16xf32>
        %get3A_987 = arith.index_cast %add3A_972 : i32 to index
        %get3A_988 = arith.constant 48 : index
        %get3A_989 = tpu.vector_load %arg10[%get3A_987, %get3A_988] {strides = array<i32>} : memref<800x64xf32, #tpu.memory_space<vmem>>, vector<16xf32>,
        %mul3A_990 = arith.mulf %get3A_442, %get3A_989 : vector<16xf32>
        %add3A_991 = arith.addf %add3A_986, %mul3A_990 : vector<16xf32>
        %reduce_sum3A_992 = arith.constant true
        %reduce_sum3A_993 = vector.broadcast %reduce_sum3A_992 : i1 to vector<16xi1>
        %reduce_sum3A_994 = tpu.scan <sum>, %add3A_991 masked %reduce_sum3A_993 : vector<16xf32>, vector<16xi1> -> vector<16xf32>
        %reduce_sum3A_995 = vector.extract %reduce_sum3A_994[15] : f32 from vector<16xf32>
        %eq3A_996 = arith.constant 0 : i32
        %eq3A_997 = vector.broadcast %eq3A_996 : i32 to vector<16xi32>
        %eq3A_998 = arith.cmpi eq, %iota3A, %eq3A_997 : vector<16xi32>
        %broadcast_in_dim3A_999 = vector.broadcast %reduce_sum3A_995 : f32 to vector<16xf32>
        %select_n3A_1000 = arith.select %eq3A_998, %broadcast_in_dim3A_999, %broadcast_in_dim3A_968 : vector<16xi1>, vector<16xf32>
        %mul3A_1001 = arith.constant 50 : i32
        %mul3A_1002 = arith.muli %scan3A_431, %mul3A_1001 : i32
        %add3A_1003 = arith.constant 17 : i32
        %add3A_1004 = arith.addi %mul3A_1002, %add3A_1003 : i32
        %get3A_1005 = arith.index_cast %add3A_1004 : i32 to index
        %get3A_1006 = arith.constant 0 : index
        %get3A_1007 = tpu.vector_load %arg10[%get3A_1005, %get3A_1006] {strides = array<i32>} : memref<800x64xf32, #tpu.memory_space<vmem>>, vector<16xf32>,
        %mul3A_1008 = arith.mulf %get3A_433, %get3A_1007 : vector<16xf32>
        %get3A_1009 = arith.index_cast %add3A_1004 : i32 to index
        %get3A_1010 = arith.constant 16 : index
        %get3A_1011 = tpu.vector_load %arg10[%get3A_1009, %get3A_1010] {strides = array<i32>} : memref<800x64xf32, #tpu.memory_space<vmem>>, vector<16xf32>,
        %mul3A_1012 = arith.mulf %get3A_436, %get3A_1011 : vector<16xf32>
        %add3A_1013 = arith.addf %mul3A_1008, %mul3A_1012 : vector<16xf32>
        %get3A_1014 = arith.index_cast %add3A_1004 : i32 to index
        %get3A_1015 = arith.constant 32 : index
        %get3A_1016 = tpu.vector_load %arg10[%get3A_1014, %get3A_1015] {strides = array<i32>} : memref<800x64xf32, #tpu.memory_space<vmem>>, vector<16xf32>,
        %mul3A_1017 = arith.mulf %get3A_439, %get3A_1016 : vector<16xf32>
        %add3A_1018 = arith.addf %add3A_1013, %mul3A_1017 : vector<16xf32>
        %get3A_1019 = arith.index_cast %add3A_1004 : i32 to index
        %get3A_1020 = arith.constant 48 : index
        %get3A_1021 = tpu.vector_load %arg10[%get3A_1019, %get3A_1020] {strides = array<i32>} : memref<800x64xf32, #tpu.memory_space<vmem>>, vector<16xf32>,
        %mul3A_1022 = arith.mulf %get3A_442, %get3A_1021 : vector<16xf32>
        %add3A_1023 = arith.addf %add3A_1018, %mul3A_1022 : vector<16xf32>
        %reduce_sum3A_1024 = arith.constant true
        %reduce_sum3A_1025 = vector.broadcast %reduce_sum3A_1024 : i1 to vector<16xi1>
        %reduce_sum3A_1026 = tpu.scan <sum>, %add3A_1023 masked %reduce_sum3A_1025 : vector<16xf32>, vector<16xi1> -> vector<16xf32>
        %reduce_sum3A_1027 = vector.extract %reduce_sum3A_1026[15] : f32 from vector<16xf32>
        %eq3A_1028 = arith.constant 1 : i32
        %eq3A_1029 = vector.broadcast %eq3A_1028 : i32 to vector<16xi32>
        %eq3A_1030 = arith.cmpi eq, %iota3A, %eq3A_1029 : vector<16xi32>
        %broadcast_in_dim3A_1031 = vector.broadcast %reduce_sum3A_1027 : f32 to vector<16xf32>
        %select_n3A_1032 = arith.select %eq3A_1030, %broadcast_in_dim3A_1031, %select_n3A_1000 : vector<16xi1>, vector<16xf32>
        %mul3A_1033 = arith.constant 50 : i32
        %mul3A_1034 = arith.muli %scan3A_431, %mul3A_1033 : i32
        %add3A_1035 = arith.constant 18 : i32
        %add3A_1036 = arith.addi %mul3A_1034, %add3A_1035 : i32
        %get3A_1037 = arith.index_cast %add3A_1036 : i32 to index
        %get3A_1038 = arith.constant 0 : index
        %get3A_1039 = tpu.vector_load %arg10[%get3A_1037, %get3A_1038] {strides = array<i32>} : memref<800x64xf32, #tpu.memory_space<vmem>>, vector<16xf32>,
        %mul3A_1040 = arith.mulf %get3A_433, %get3A_1039 : vector<16xf32>
        %get3A_1041 = arith.index_cast %add3A_1036 : i32 to index
        %get3A_1042 = arith.constant 16 : index
        %get3A_1043 = tpu.vector_load %arg10[%get3A_1041, %get3A_1042] {strides = array<i32>} : memref<800x64xf32, #tpu.memory_space<vmem>>, vector<16xf32>,
        %mul3A_1044 = arith.mulf %get3A_436, %get3A_1043 : vector<16xf32>
        %add3A_1045 = arith.addf %mul3A_1040, %mul3A_1044 : vector<16xf32>
        %get3A_1046 = arith.index_cast %add3A_1036 : i32 to index
        %get3A_1047 = arith.constant 32 : index
        %get3A_1048 = tpu.vector_load %arg10[%get3A_1046, %get3A_1047] {strides = array<i32>} : memref<800x64xf32, #tpu.memory_space<vmem>>, vector<16xf32>,
        %mul3A_1049 = arith.mulf %get3A_439, %get3A_1048 : vector<16xf32>
        %add3A_1050 = arith.addf %add3A_1045, %mul3A_1049 : vector<16xf32>
        %get3A_1051 = arith.index_cast %add3A_1036 : i32 to index
        %get3A_1052 = arith.constant 48 : index
        %get3A_1053 = tpu.vector_load %arg10[%get3A_1051, %get3A_1052] {strides = array<i32>} : memref<800x64xf32, #tpu.memory_space<vmem>>, vector<16xf32>,
        %mul3A_1054 = arith.mulf %get3A_442, %get3A_1053 : vector<16xf32>
        %add3A_1055 = arith.addf %add3A_1050, %mul3A_1054 : vector<16xf32>
        %reduce_sum3A_1056 = arith.constant true
        %reduce_sum3A_1057 = vector.broadcast %reduce_sum3A_1056 : i1 to vector<16xi1>
        %reduce_sum3A_1058 = tpu.scan <sum>, %add3A_1055 masked %reduce_sum3A_1057 : vector<16xf32>, vector<16xi1> -> vector<16xf32>
        %reduce_sum3A_1059 = vector.extract %reduce_sum3A_1058[15] : f32 from vector<16xf32>
        %eq3A_1060 = arith.constant 2 : i32
        %eq3A_1061 = vector.broadcast %eq3A_1060 : i32 to vector<16xi32>
        %eq3A_1062 = arith.cmpi eq, %iota3A, %eq3A_1061 : vector<16xi32>
        %broadcast_in_dim3A_1063 = vector.broadcast %reduce_sum3A_1059 : f32 to vector<16xf32>
        %select_n3A_1064 = arith.select %eq3A_1062, %broadcast_in_dim3A_1063, %select_n3A_1032 : vector<16xi1>, vector<16xf32>
        %mul3A_1065 = arith.constant 50 : i32
        %mul3A_1066 = arith.muli %scan3A_431, %mul3A_1065 : i32
        %add3A_1067 = arith.constant 19 : i32
        %add3A_1068 = arith.addi %mul3A_1066, %add3A_1067 : i32
        %get3A_1069 = arith.index_cast %add3A_1068 : i32 to index
        %get3A_1070 = arith.constant 0 : index
        %get3A_1071 = tpu.vector_load %arg10[%get3A_1069, %get3A_1070] {strides = array<i32>} : memref<800x64xf32, #tpu.memory_space<vmem>>, vector<16xf32>,
        %mul3A_1072 = arith.mulf %get3A_433, %get3A_1071 : vector<16xf32>
        %get3A_1073 = arith.index_cast %add3A_1068 : i32 to index
        %get3A_1074 = arith.constant 16 : index
        %get3A_1075 = tpu.vector_load %arg10[%get3A_1073, %get3A_1074] {strides = array<i32>} : memref<800x64xf32, #tpu.memory_space<vmem>>, vector<16xf32>,
        %mul3A_1076 = arith.mulf %get3A_436, %get3A_1075 : vector<16xf32>
        %add3A_1077 = arith.addf %mul3A_1072, %mul3A_1076 : vector<16xf32>
        %get3A_1078 = arith.index_cast %add3A_1068 : i32 to index
        %get3A_1079 = arith.constant 32 : index
        %get3A_1080 = tpu.vector_load %arg10[%get3A_1078, %get3A_1079] {strides = array<i32>} : memref<800x64xf32, #tpu.memory_space<vmem>>, vector<16xf32>,
        %mul3A_1081 = arith.mulf %get3A_439, %get3A_1080 : vector<16xf32>
        %add3A_1082 = arith.addf %add3A_1077, %mul3A_1081 : vector<16xf32>
        %get3A_1083 = arith.index_cast %add3A_1068 : i32 to index
        %get3A_1084 = arith.constant 48 : index
        %get3A_1085 = tpu.vector_load %arg10[%get3A_1083, %get3A_1084] {strides = array<i32>} : memref<800x64xf32, #tpu.memory_space<vmem>>, vector<16xf32>,
        %mul3A_1086 = arith.mulf %get3A_442, %get3A_1085 : vector<16xf32>
        %add3A_1087 = arith.addf %add3A_1082, %mul3A_1086 : vector<16xf32>
        %reduce_sum3A_1088 = arith.constant true
        %reduce_sum3A_1089 = vector.broadcast %reduce_sum3A_1088 : i1 to vector<16xi1>
        %reduce_sum3A_1090 = tpu.scan <sum>, %add3A_1087 masked %reduce_sum3A_1089 : vector<16xf32>, vector<16xi1> -> vector<16xf32>
        %reduce_sum3A_1091 = vector.extract %reduce_sum3A_1090[15] : f32 from vector<16xf32>
        %eq3A_1092 = arith.constant 3 : i32
        %eq3A_1093 = vector.broadcast %eq3A_1092 : i32 to vector<16xi32>
        %eq3A_1094 = arith.cmpi eq, %iota3A, %eq3A_1093 : vector<16xi32>
        %broadcast_in_dim3A_1095 = vector.broadcast %reduce_sum3A_1091 : f32 to vector<16xf32>
        %select_n3A_1096 = arith.select %eq3A_1094, %broadcast_in_dim3A_1095, %select_n3A_1064 : vector<16xi1>, vector<16xf32>
        %mul3A_1097 = arith.constant 50 : i32
        %mul3A_1098 = arith.muli %scan3A_431, %mul3A_1097 : i32
        %add3A_1099 = arith.constant 20 : i32
        %add3A_1100 = arith.addi %mul3A_1098, %add3A_1099 : i32
        %get3A_1101 = arith.index_cast %add3A_1100 : i32 to index
        %get3A_1102 = arith.constant 0 : index
        %get3A_1103 = tpu.vector_load %arg10[%get3A_1101, %get3A_1102] {strides = array<i32>} : memref<800x64xf32, #tpu.memory_space<vmem>>, vector<16xf32>,
        %mul3A_1104 = arith.mulf %get3A_433, %get3A_1103 : vector<16xf32>
        %get3A_1105 = arith.index_cast %add3A_1100 : i32 to index
        %get3A_1106 = arith.constant 16 : index
        %get3A_1107 = tpu.vector_load %arg10[%get3A_1105, %get3A_1106] {strides = array<i32>} : memref<800x64xf32, #tpu.memory_space<vmem>>, vector<16xf32>,
        %mul3A_1108 = arith.mulf %get3A_436, %get3A_1107 : vector<16xf32>
        %add3A_1109 = arith.addf %mul3A_1104, %mul3A_1108 : vector<16xf32>
        %get3A_1110 = arith.index_cast %add3A_1100 : i32 to index
        %get3A_1111 = arith.constant 32 : index
        %get3A_1112 = tpu.vector_load %arg10[%get3A_1110, %get3A_1111] {strides = array<i32>} : memref<800x64xf32, #tpu.memory_space<vmem>>, vector<16xf32>,
        %mul3A_1113 = arith.mulf %get3A_439, %get3A_1112 : vector<16xf32>
        %add3A_1114 = arith.addf %add3A_1109, %mul3A_1113 : vector<16xf32>
        %get3A_1115 = arith.index_cast %add3A_1100 : i32 to index
        %get3A_1116 = arith.constant 48 : index
        %get3A_1117 = tpu.vector_load %arg10[%get3A_1115, %get3A_1116] {strides = array<i32>} : memref<800x64xf32, #tpu.memory_space<vmem>>, vector<16xf32>,
        %mul3A_1118 = arith.mulf %get3A_442, %get3A_1117 : vector<16xf32>
        %add3A_1119 = arith.addf %add3A_1114, %mul3A_1118 : vector<16xf32>
        %reduce_sum3A_1120 = arith.constant true
        %reduce_sum3A_1121 = vector.broadcast %reduce_sum3A_1120 : i1 to vector<16xi1>
        %reduce_sum3A_1122 = tpu.scan <sum>, %add3A_1119 masked %reduce_sum3A_1121 : vector<16xf32>, vector<16xi1> -> vector<16xf32>
        %reduce_sum3A_1123 = vector.extract %reduce_sum3A_1122[15] : f32 from vector<16xf32>
        %eq3A_1124 = arith.constant 4 : i32
        %eq3A_1125 = vector.broadcast %eq3A_1124 : i32 to vector<16xi32>
        %eq3A_1126 = arith.cmpi eq, %iota3A, %eq3A_1125 : vector<16xi32>
        %broadcast_in_dim3A_1127 = vector.broadcast %reduce_sum3A_1123 : f32 to vector<16xf32>
        %select_n3A_1128 = arith.select %eq3A_1126, %broadcast_in_dim3A_1127, %select_n3A_1096 : vector<16xi1>, vector<16xf32>
        %mul3A_1129 = arith.constant 50 : i32
        %mul3A_1130 = arith.muli %scan3A_431, %mul3A_1129 : i32
        %add3A_1131 = arith.constant 21 : i32
        %add3A_1132 = arith.addi %mul3A_1130, %add3A_1131 : i32
        %get3A_1133 = arith.index_cast %add3A_1132 : i32 to index
        %get3A_1134 = arith.constant 0 : index
        %get3A_1135 = tpu.vector_load %arg10[%get3A_1133, %get3A_1134] {strides = array<i32>} : memref<800x64xf32, #tpu.memory_space<vmem>>, vector<16xf32>,
        %mul3A_1136 = arith.mulf %get3A_433, %get3A_1135 : vector<16xf32>
        %get3A_1137 = arith.index_cast %add3A_1132 : i32 to index
        %get3A_1138 = arith.constant 16 : index
        %get3A_1139 = tpu.vector_load %arg10[%get3A_1137, %get3A_1138] {strides = array<i32>} : memref<800x64xf32, #tpu.memory_space<vmem>>, vector<16xf32>,
        %mul3A_1140 = arith.mulf %get3A_436, %get3A_1139 : vector<16xf32>
        %add3A_1141 = arith.addf %mul3A_1136, %mul3A_1140 : vector<16xf32>
        %get3A_1142 = arith.index_cast %add3A_1132 : i32 to index
        %get3A_1143 = arith.constant 32 : index
        %get3A_1144 = tpu.vector_load %arg10[%get3A_1142, %get3A_1143] {strides = array<i32>} : memref<800x64xf32, #tpu.memory_space<vmem>>, vector<16xf32>,
        %mul3A_1145 = arith.mulf %get3A_439, %get3A_1144 : vector<16xf32>
        %add3A_1146 = arith.addf %add3A_1141, %mul3A_1145 : vector<16xf32>
        %get3A_1147 = arith.index_cast %add3A_1132 : i32 to index
        %get3A_1148 = arith.constant 48 : index
        %get3A_1149 = tpu.vector_load %arg10[%get3A_1147, %get3A_1148] {strides = array<i32>} : memref<800x64xf32, #tpu.memory_space<vmem>>, vector<16xf32>,
        %mul3A_1150 = arith.mulf %get3A_442, %get3A_1149 : vector<16xf32>
        %add3A_1151 = arith.addf %add3A_1146, %mul3A_1150 : vector<16xf32>
        %reduce_sum3A_1152 = arith.constant true
        %reduce_sum3A_1153 = vector.broadcast %reduce_sum3A_1152 : i1 to vector<16xi1>
        %reduce_sum3A_1154 = tpu.scan <sum>, %add3A_1151 masked %reduce_sum3A_1153 : vector<16xf32>, vector<16xi1> -> vector<16xf32>
        %reduce_sum3A_1155 = vector.extract %reduce_sum3A_1154[15] : f32 from vector<16xf32>
        %eq3A_1156 = arith.constant 5 : i32
        %eq3A_1157 = vector.broadcast %eq3A_1156 : i32 to vector<16xi32>
        %eq3A_1158 = arith.cmpi eq, %iota3A, %eq3A_1157 : vector<16xi32>
        %broadcast_in_dim3A_1159 = vector.broadcast %reduce_sum3A_1155 : f32 to vector<16xf32>
        %select_n3A_1160 = arith.select %eq3A_1158, %broadcast_in_dim3A_1159, %select_n3A_1128 : vector<16xi1>, vector<16xf32>
        %mul3A_1161 = arith.constant 50 : i32
        %mul3A_1162 = arith.muli %scan3A_431, %mul3A_1161 : i32
        %add3A_1163 = arith.constant 22 : i32
        %add3A_1164 = arith.addi %mul3A_1162, %add3A_1163 : i32
        %get3A_1165 = arith.index_cast %add3A_1164 : i32 to index
        %get3A_1166 = arith.constant 0 : index
        %get3A_1167 = tpu.vector_load %arg10[%get3A_1165, %get3A_1166] {strides = array<i32>} : memref<800x64xf32, #tpu.memory_space<vmem>>, vector<16xf32>,
        %mul3A_1168 = arith.mulf %get3A_433, %get3A_1167 : vector<16xf32>
        %get3A_1169 = arith.index_cast %add3A_1164 : i32 to index
        %get3A_1170 = arith.constant 16 : index
        %get3A_1171 = tpu.vector_load %arg10[%get3A_1169, %get3A_1170] {strides = array<i32>} : memref<800x64xf32, #tpu.memory_space<vmem>>, vector<16xf32>,
        %mul3A_1172 = arith.mulf %get3A_436, %get3A_1171 : vector<16xf32>
        %add3A_1173 = arith.addf %mul3A_1168, %mul3A_1172 : vector<16xf32>
        %get3A_1174 = arith.index_cast %add3A_1164 : i32 to index
        %get3A_1175 = arith.constant 32 : index
        %get3A_1176 = tpu.vector_load %arg10[%get3A_1174, %get3A_1175] {strides = array<i32>} : memref<800x64xf32, #tpu.memory_space<vmem>>, vector<16xf32>,
        %mul3A_1177 = arith.mulf %get3A_439, %get3A_1176 : vector<16xf32>
        %add3A_1178 = arith.addf %add3A_1173, %mul3A_1177 : vector<16xf32>
        %get3A_1179 = arith.index_cast %add3A_1164 : i32 to index
        %get3A_1180 = arith.constant 48 : index
        %get3A_1181 = tpu.vector_load %arg10[%get3A_1179, %get3A_1180] {strides = array<i32>} : memref<800x64xf32, #tpu.memory_space<vmem>>, vector<16xf32>,
        %mul3A_1182 = arith.mulf %get3A_442, %get3A_1181 : vector<16xf32>
        %add3A_1183 = arith.addf %add3A_1178, %mul3A_1182 : vector<16xf32>
        %reduce_sum3A_1184 = arith.constant true
        %reduce_sum3A_1185 = vector.broadcast %reduce_sum3A_1184 : i1 to vector<16xi1>
        %reduce_sum3A_1186 = tpu.scan <sum>, %add3A_1183 masked %reduce_sum3A_1185 : vector<16xf32>, vector<16xi1> -> vector<16xf32>
        %reduce_sum3A_1187 = vector.extract %reduce_sum3A_1186[15] : f32 from vector<16xf32>
        %eq3A_1188 = arith.constant 6 : i32
        %eq3A_1189 = vector.broadcast %eq3A_1188 : i32 to vector<16xi32>
        %eq3A_1190 = arith.cmpi eq, %iota3A, %eq3A_1189 : vector<16xi32>
        %broadcast_in_dim3A_1191 = vector.broadcast %reduce_sum3A_1187 : f32 to vector<16xf32>
        %select_n3A_1192 = arith.select %eq3A_1190, %broadcast_in_dim3A_1191, %select_n3A_1160 : vector<16xi1>, vector<16xf32>
        %mul3A_1193 = arith.constant 50 : i32
        %mul3A_1194 = arith.muli %scan3A_431, %mul3A_1193 : i32
        %add3A_1195 = arith.constant 23 : i32
        %add3A_1196 = arith.addi %mul3A_1194, %add3A_1195 : i32
        %get3A_1197 = arith.index_cast %add3A_1196 : i32 to index
        %get3A_1198 = arith.constant 0 : index
        %get3A_1199 = tpu.vector_load %arg10[%get3A_1197, %get3A_1198] {strides = array<i32>} : memref<800x64xf32, #tpu.memory_space<vmem>>, vector<16xf32>,
        %mul3A_1200 = arith.mulf %get3A_433, %get3A_1199 : vector<16xf32>
        %get3A_1201 = arith.index_cast %add3A_1196 : i32 to index
        %get3A_1202 = arith.constant 16 : index
        %get3A_1203 = tpu.vector_load %arg10[%get3A_1201, %get3A_1202] {strides = array<i32>} : memref<800x64xf32, #tpu.memory_space<vmem>>, vector<16xf32>,
        %mul3A_1204 = arith.mulf %get3A_436, %get3A_1203 : vector<16xf32>
        %add3A_1205 = arith.addf %mul3A_1200, %mul3A_1204 : vector<16xf32>
        %get3A_1206 = arith.index_cast %add3A_1196 : i32 to index
        %get3A_1207 = arith.constant 32 : index
        %get3A_1208 = tpu.vector_load %arg10[%get3A_1206, %get3A_1207] {strides = array<i32>} : memref<800x64xf32, #tpu.memory_space<vmem>>, vector<16xf32>,
        %mul3A_1209 = arith.mulf %get3A_439, %get3A_1208 : vector<16xf32>
        %add3A_1210 = arith.addf %add3A_1205, %mul3A_1209 : vector<16xf32>
        %get3A_1211 = arith.index_cast %add3A_1196 : i32 to index
        %get3A_1212 = arith.constant 48 : index
        %get3A_1213 = tpu.vector_load %arg10[%get3A_1211, %get3A_1212] {strides = array<i32>} : memref<800x64xf32, #tpu.memory_space<vmem>>, vector<16xf32>,
        %mul3A_1214 = arith.mulf %get3A_442, %get3A_1213 : vector<16xf32>
        %add3A_1215 = arith.addf %add3A_1210, %mul3A_1214 : vector<16xf32>
        %reduce_sum3A_1216 = arith.constant true
        %reduce_sum3A_1217 = vector.broadcast %reduce_sum3A_1216 : i1 to vector<16xi1>
        %reduce_sum3A_1218 = tpu.scan <sum>, %add3A_1215 masked %reduce_sum3A_1217 : vector<16xf32>, vector<16xi1> -> vector<16xf32>
        %reduce_sum3A_1219 = vector.extract %reduce_sum3A_1218[15] : f32 from vector<16xf32>
        %eq3A_1220 = arith.constant 7 : i32
        %eq3A_1221 = vector.broadcast %eq3A_1220 : i32 to vector<16xi32>
        %eq3A_1222 = arith.cmpi eq, %iota3A, %eq3A_1221 : vector<16xi32>
        %broadcast_in_dim3A_1223 = vector.broadcast %reduce_sum3A_1219 : f32 to vector<16xf32>
        %select_n3A_1224 = arith.select %eq3A_1222, %broadcast_in_dim3A_1223, %select_n3A_1192 : vector<16xi1>, vector<16xf32>
        %mul3A_1225 = arith.constant 50 : i32
        %mul3A_1226 = arith.muli %scan3A_431, %mul3A_1225 : i32
        %add3A_1227 = arith.constant 24 : i32
        %add3A_1228 = arith.addi %mul3A_1226, %add3A_1227 : i32
        %get3A_1229 = arith.index_cast %add3A_1228 : i32 to index
        %get3A_1230 = arith.constant 0 : index
        %get3A_1231 = tpu.vector_load %arg10[%get3A_1229, %get3A_1230] {strides = array<i32>} : memref<800x64xf32, #tpu.memory_space<vmem>>, vector<16xf32>,
        %mul3A_1232 = arith.mulf %get3A_433, %get3A_1231 : vector<16xf32>
        %get3A_1233 = arith.index_cast %add3A_1228 : i32 to index
        %get3A_1234 = arith.constant 16 : index
        %get3A_1235 = tpu.vector_load %arg10[%get3A_1233, %get3A_1234] {strides = array<i32>} : memref<800x64xf32, #tpu.memory_space<vmem>>, vector<16xf32>,
        %mul3A_1236 = arith.mulf %get3A_436, %get3A_1235 : vector<16xf32>
        %add3A_1237 = arith.addf %mul3A_1232, %mul3A_1236 : vector<16xf32>
        %get3A_1238 = arith.index_cast %add3A_1228 : i32 to index
        %get3A_1239 = arith.constant 32 : index
        %get3A_1240 = tpu.vector_load %arg10[%get3A_1238, %get3A_1239] {strides = array<i32>} : memref<800x64xf32, #tpu.memory_space<vmem>>, vector<16xf32>,
        %mul3A_1241 = arith.mulf %get3A_439, %get3A_1240 : vector<16xf32>
        %add3A_1242 = arith.addf %add3A_1237, %mul3A_1241 : vector<16xf32>
        %get3A_1243 = arith.index_cast %add3A_1228 : i32 to index
        %get3A_1244 = arith.constant 48 : index
        %get3A_1245 = tpu.vector_load %arg10[%get3A_1243, %get3A_1244] {strides = array<i32>} : memref<800x64xf32, #tpu.memory_space<vmem>>, vector<16xf32>,
        %mul3A_1246 = arith.mulf %get3A_442, %get3A_1245 : vector<16xf32>
        %add3A_1247 = arith.addf %add3A_1242, %mul3A_1246 : vector<16xf32>
        %reduce_sum3A_1248 = arith.constant true
        %reduce_sum3A_1249 = vector.broadcast %reduce_sum3A_1248 : i1 to vector<16xi1>
        %reduce_sum3A_1250 = tpu.scan <sum>, %add3A_1247 masked %reduce_sum3A_1249 : vector<16xf32>, vector<16xi1> -> vector<16xf32>
        %reduce_sum3A_1251 = vector.extract %reduce_sum3A_1250[15] : f32 from vector<16xf32>
        %eq3A_1252 = arith.constant 8 : i32
        %eq3A_1253 = vector.broadcast %eq3A_1252 : i32 to vector<16xi32>
        %eq3A_1254 = arith.cmpi eq, %iota3A, %eq3A_1253 : vector<16xi32>
        %broadcast_in_dim3A_1255 = vector.broadcast %reduce_sum3A_1251 : f32 to vector<16xf32>
        %select_n3A_1256 = arith.select %eq3A_1254, %broadcast_in_dim3A_1255, %select_n3A_1224 : vector<16xi1>, vector<16xf32>
        %mul3A_1257 = arith.constant 50 : i32
        %mul3A_1258 = arith.muli %scan3A_431, %mul3A_1257 : i32
        %add3A_1259 = arith.constant 25 : i32
        %add3A_1260 = arith.addi %mul3A_1258, %add3A_1259 : i32
        %get3A_1261 = arith.index_cast %add3A_1260 : i32 to index
        %get3A_1262 = arith.constant 0 : index
        %get3A_1263 = tpu.vector_load %arg10[%get3A_1261, %get3A_1262] {strides = array<i32>} : memref<800x64xf32, #tpu.memory_space<vmem>>, vector<16xf32>,
        %mul3A_1264 = arith.mulf %get3A_433, %get3A_1263 : vector<16xf32>
        %get3A_1265 = arith.index_cast %add3A_1260 : i32 to index
        %get3A_1266 = arith.constant 16 : index
        %get3A_1267 = tpu.vector_load %arg10[%get3A_1265, %get3A_1266] {strides = array<i32>} : memref<800x64xf32, #tpu.memory_space<vmem>>, vector<16xf32>,
        %mul3A_1268 = arith.mulf %get3A_436, %get3A_1267 : vector<16xf32>
        %add3A_1269 = arith.addf %mul3A_1264, %mul3A_1268 : vector<16xf32>
        %get3A_1270 = arith.index_cast %add3A_1260 : i32 to index
        %get3A_1271 = arith.constant 32 : index
        %get3A_1272 = tpu.vector_load %arg10[%get3A_1270, %get3A_1271] {strides = array<i32>} : memref<800x64xf32, #tpu.memory_space<vmem>>, vector<16xf32>,
        %mul3A_1273 = arith.mulf %get3A_439, %get3A_1272 : vector<16xf32>
        %add3A_1274 = arith.addf %add3A_1269, %mul3A_1273 : vector<16xf32>
        %get3A_1275 = arith.index_cast %add3A_1260 : i32 to index
        %get3A_1276 = arith.constant 48 : index
        %get3A_1277 = tpu.vector_load %arg10[%get3A_1275, %get3A_1276] {strides = array<i32>} : memref<800x64xf32, #tpu.memory_space<vmem>>, vector<16xf32>,
        %mul3A_1278 = arith.mulf %get3A_442, %get3A_1277 : vector<16xf32>
        %add3A_1279 = arith.addf %add3A_1274, %mul3A_1278 : vector<16xf32>
        %reduce_sum3A_1280 = arith.constant true
        %reduce_sum3A_1281 = vector.broadcast %reduce_sum3A_1280 : i1 to vector<16xi1>
        %reduce_sum3A_1282 = tpu.scan <sum>, %add3A_1279 masked %reduce_sum3A_1281 : vector<16xf32>, vector<16xi1> -> vector<16xf32>
        %reduce_sum3A_1283 = vector.extract %reduce_sum3A_1282[15] : f32 from vector<16xf32>
        %eq3A_1284 = arith.constant 9 : i32
        %eq3A_1285 = vector.broadcast %eq3A_1284 : i32 to vector<16xi32>
        %eq3A_1286 = arith.cmpi eq, %iota3A, %eq3A_1285 : vector<16xi32>
        %broadcast_in_dim3A_1287 = vector.broadcast %reduce_sum3A_1283 : f32 to vector<16xf32>
        %select_n3A_1288 = arith.select %eq3A_1286, %broadcast_in_dim3A_1287, %select_n3A_1256 : vector<16xi1>, vector<16xf32>
        %mul3A_1289 = arith.constant 50 : i32
        %mul3A_1290 = arith.muli %scan3A_431, %mul3A_1289 : i32
        %add3A_1291 = arith.constant 26 : i32
        %add3A_1292 = arith.addi %mul3A_1290, %add3A_1291 : i32
        %get3A_1293 = arith.index_cast %add3A_1292 : i32 to index
        %get3A_1294 = arith.constant 0 : index
        %get3A_1295 = tpu.vector_load %arg10[%get3A_1293, %get3A_1294] {strides = array<i32>} : memref<800x64xf32, #tpu.memory_space<vmem>>, vector<16xf32>,
        %mul3A_1296 = arith.mulf %get3A_433, %get3A_1295 : vector<16xf32>
        %get3A_1297 = arith.index_cast %add3A_1292 : i32 to index
        %get3A_1298 = arith.constant 16 : index
        %get3A_1299 = tpu.vector_load %arg10[%get3A_1297, %get3A_1298] {strides = array<i32>} : memref<800x64xf32, #tpu.memory_space<vmem>>, vector<16xf32>,
        %mul3A_1300 = arith.mulf %get3A_436, %get3A_1299 : vector<16xf32>
        %add3A_1301 = arith.addf %mul3A_1296, %mul3A_1300 : vector<16xf32>
        %get3A_1302 = arith.index_cast %add3A_1292 : i32 to index
        %get3A_1303 = arith.constant 32 : index
        %get3A_1304 = tpu.vector_load %arg10[%get3A_1302, %get3A_1303] {strides = array<i32>} : memref<800x64xf32, #tpu.memory_space<vmem>>, vector<16xf32>,
        %mul3A_1305 = arith.mulf %get3A_439, %get3A_1304 : vector<16xf32>
        %add3A_1306 = arith.addf %add3A_1301, %mul3A_1305 : vector<16xf32>
        %get3A_1307 = arith.index_cast %add3A_1292 : i32 to index
        %get3A_1308 = arith.constant 48 : index
        %get3A_1309 = tpu.vector_load %arg10[%get3A_1307, %get3A_1308] {strides = array<i32>} : memref<800x64xf32, #tpu.memory_space<vmem>>, vector<16xf32>,
        %mul3A_1310 = arith.mulf %get3A_442, %get3A_1309 : vector<16xf32>
        %add3A_1311 = arith.addf %add3A_1306, %mul3A_1310 : vector<16xf32>
        %reduce_sum3A_1312 = arith.constant true
        %reduce_sum3A_1313 = vector.broadcast %reduce_sum3A_1312 : i1 to vector<16xi1>
        %reduce_sum3A_1314 = tpu.scan <sum>, %add3A_1311 masked %reduce_sum3A_1313 : vector<16xf32>, vector<16xi1> -> vector<16xf32>
        %reduce_sum3A_1315 = vector.extract %reduce_sum3A_1314[15] : f32 from vector<16xf32>
        %eq3A_1316 = arith.constant 10 : i32
        %eq3A_1317 = vector.broadcast %eq3A_1316 : i32 to vector<16xi32>
        %eq3A_1318 = arith.cmpi eq, %iota3A, %eq3A_1317 : vector<16xi32>
        %broadcast_in_dim3A_1319 = vector.broadcast %reduce_sum3A_1315 : f32 to vector<16xf32>
        %select_n3A_1320 = arith.select %eq3A_1318, %broadcast_in_dim3A_1319, %select_n3A_1288 : vector<16xi1>, vector<16xf32>
        %mul3A_1321 = arith.constant 50 : i32
        %mul3A_1322 = arith.muli %scan3A_431, %mul3A_1321 : i32
        %add3A_1323 = arith.constant 27 : i32
        %add3A_1324 = arith.addi %mul3A_1322, %add3A_1323 : i32
        %get3A_1325 = arith.index_cast %add3A_1324 : i32 to index
        %get3A_1326 = arith.constant 0 : index
        %get3A_1327 = tpu.vector_load %arg10[%get3A_1325, %get3A_1326] {strides = array<i32>} : memref<800x64xf32, #tpu.memory_space<vmem>>, vector<16xf32>,
        %mul3A_1328 = arith.mulf %get3A_433, %get3A_1327 : vector<16xf32>
        %get3A_1329 = arith.index_cast %add3A_1324 : i32 to index
        %get3A_1330 = arith.constant 16 : index
        %get3A_1331 = tpu.vector_load %arg10[%get3A_1329, %get3A_1330] {strides = array<i32>} : memref<800x64xf32, #tpu.memory_space<vmem>>, vector<16xf32>,
        %mul3A_1332 = arith.mulf %get3A_436, %get3A_1331 : vector<16xf32>
        %add3A_1333 = arith.addf %mul3A_1328, %mul3A_1332 : vector<16xf32>
        %get3A_1334 = arith.index_cast %add3A_1324 : i32 to index
        %get3A_1335 = arith.constant 32 : index
        %get3A_1336 = tpu.vector_load %arg10[%get3A_1334, %get3A_1335] {strides = array<i32>} : memref<800x64xf32, #tpu.memory_space<vmem>>, vector<16xf32>,
        %mul3A_1337 = arith.mulf %get3A_439, %get3A_1336 : vector<16xf32>
        %add3A_1338 = arith.addf %add3A_1333, %mul3A_1337 : vector<16xf32>
        %get3A_1339 = arith.index_cast %add3A_1324 : i32 to index
        %get3A_1340 = arith.constant 48 : index
        %get3A_1341 = tpu.vector_load %arg10[%get3A_1339, %get3A_1340] {strides = array<i32>} : memref<800x64xf32, #tpu.memory_space<vmem>>, vector<16xf32>,
        %mul3A_1342 = arith.mulf %get3A_442, %get3A_1341 : vector<16xf32>
        %add3A_1343 = arith.addf %add3A_1338, %mul3A_1342 : vector<16xf32>
        %reduce_sum3A_1344 = arith.constant true
        %reduce_sum3A_1345 = vector.broadcast %reduce_sum3A_1344 : i1 to vector<16xi1>
        %reduce_sum3A_1346 = tpu.scan <sum>, %add3A_1343 masked %reduce_sum3A_1345 : vector<16xf32>, vector<16xi1> -> vector<16xf32>
        %reduce_sum3A_1347 = vector.extract %reduce_sum3A_1346[15] : f32 from vector<16xf32>
        %eq3A_1348 = arith.constant 11 : i32
        %eq3A_1349 = vector.broadcast %eq3A_1348 : i32 to vector<16xi32>
        %eq3A_1350 = arith.cmpi eq, %iota3A, %eq3A_1349 : vector<16xi32>
        %broadcast_in_dim3A_1351 = vector.broadcast %reduce_sum3A_1347 : f32 to vector<16xf32>
        %select_n3A_1352 = arith.select %eq3A_1350, %broadcast_in_dim3A_1351, %select_n3A_1320 : vector<16xi1>, vector<16xf32>
        %mul3A_1353 = arith.constant 50 : i32
        %mul3A_1354 = arith.muli %scan3A_431, %mul3A_1353 : i32
        %add3A_1355 = arith.constant 28 : i32
        %add3A_1356 = arith.addi %mul3A_1354, %add3A_1355 : i32
        %get3A_1357 = arith.index_cast %add3A_1356 : i32 to index
        %get3A_1358 = arith.constant 0 : index
        %get3A_1359 = tpu.vector_load %arg10[%get3A_1357, %get3A_1358] {strides = array<i32>} : memref<800x64xf32, #tpu.memory_space<vmem>>, vector<16xf32>,
        %mul3A_1360 = arith.mulf %get3A_433, %get3A_1359 : vector<16xf32>
        %get3A_1361 = arith.index_cast %add3A_1356 : i32 to index
        %get3A_1362 = arith.constant 16 : index
        %get3A_1363 = tpu.vector_load %arg10[%get3A_1361, %get3A_1362] {strides = array<i32>} : memref<800x64xf32, #tpu.memory_space<vmem>>, vector<16xf32>,
        %mul3A_1364 = arith.mulf %get3A_436, %get3A_1363 : vector<16xf32>
        %add3A_1365 = arith.addf %mul3A_1360, %mul3A_1364 : vector<16xf32>
        %get3A_1366 = arith.index_cast %add3A_1356 : i32 to index
        %get3A_1367 = arith.constant 32 : index
        %get3A_1368 = tpu.vector_load %arg10[%get3A_1366, %get3A_1367] {strides = array<i32>} : memref<800x64xf32, #tpu.memory_space<vmem>>, vector<16xf32>,
        %mul3A_1369 = arith.mulf %get3A_439, %get3A_1368 : vector<16xf32>
        %add3A_1370 = arith.addf %add3A_1365, %mul3A_1369 : vector<16xf32>
        %get3A_1371 = arith.index_cast %add3A_1356 : i32 to index
        %get3A_1372 = arith.constant 48 : index
        %get3A_1373 = tpu.vector_load %arg10[%get3A_1371, %get3A_1372] {strides = array<i32>} : memref<800x64xf32, #tpu.memory_space<vmem>>, vector<16xf32>,
        %mul3A_1374 = arith.mulf %get3A_442, %get3A_1373 : vector<16xf32>
        %add3A_1375 = arith.addf %add3A_1370, %mul3A_1374 : vector<16xf32>
        %reduce_sum3A_1376 = arith.constant true
        %reduce_sum3A_1377 = vector.broadcast %reduce_sum3A_1376 : i1 to vector<16xi1>
        %reduce_sum3A_1378 = tpu.scan <sum>, %add3A_1375 masked %reduce_sum3A_1377 : vector<16xf32>, vector<16xi1> -> vector<16xf32>
        %reduce_sum3A_1379 = vector.extract %reduce_sum3A_1378[15] : f32 from vector<16xf32>
        %eq3A_1380 = arith.constant 12 : i32
        %eq3A_1381 = vector.broadcast %eq3A_1380 : i32 to vector<16xi32>
        %eq3A_1382 = arith.cmpi eq, %iota3A, %eq3A_1381 : vector<16xi32>
        %broadcast_in_dim3A_1383 = vector.broadcast %reduce_sum3A_1379 : f32 to vector<16xf32>
        %select_n3A_1384 = arith.select %eq3A_1382, %broadcast_in_dim3A_1383, %select_n3A_1352 : vector<16xi1>, vector<16xf32>
        %mul3A_1385 = arith.constant 50 : i32
        %mul3A_1386 = arith.muli %scan3A_431, %mul3A_1385 : i32
        %add3A_1387 = arith.constant 29 : i32
        %add3A_1388 = arith.addi %mul3A_1386, %add3A_1387 : i32
        %get3A_1389 = arith.index_cast %add3A_1388 : i32 to index
        %get3A_1390 = arith.constant 0 : index
        %get3A_1391 = tpu.vector_load %arg10[%get3A_1389, %get3A_1390] {strides = array<i32>} : memref<800x64xf32, #tpu.memory_space<vmem>>, vector<16xf32>,
        %mul3A_1392 = arith.mulf %get3A_433, %get3A_1391 : vector<16xf32>
        %get3A_1393 = arith.index_cast %add3A_1388 : i32 to index
        %get3A_1394 = arith.constant 16 : index
        %get3A_1395 = tpu.vector_load %arg10[%get3A_1393, %get3A_1394] {strides = array<i32>} : memref<800x64xf32, #tpu.memory_space<vmem>>, vector<16xf32>,
        %mul3A_1396 = arith.mulf %get3A_436, %get3A_1395 : vector<16xf32>
        %add3A_1397 = arith.addf %mul3A_1392, %mul3A_1396 : vector<16xf32>
        %get3A_1398 = arith.index_cast %add3A_1388 : i32 to index
        %get3A_1399 = arith.constant 32 : index
        %get3A_1400 = tpu.vector_load %arg10[%get3A_1398, %get3A_1399] {strides = array<i32>} : memref<800x64xf32, #tpu.memory_space<vmem>>, vector<16xf32>,
        %mul3A_1401 = arith.mulf %get3A_439, %get3A_1400 : vector<16xf32>
        %add3A_1402 = arith.addf %add3A_1397, %mul3A_1401 : vector<16xf32>
        %get3A_1403 = arith.index_cast %add3A_1388 : i32 to index
        %get3A_1404 = arith.constant 48 : index
        %get3A_1405 = tpu.vector_load %arg10[%get3A_1403, %get3A_1404] {strides = array<i32>} : memref<800x64xf32, #tpu.memory_space<vmem>>, vector<16xf32>,
        %mul3A_1406 = arith.mulf %get3A_442, %get3A_1405 : vector<16xf32>
        %add3A_1407 = arith.addf %add3A_1402, %mul3A_1406 : vector<16xf32>
        %reduce_sum3A_1408 = arith.constant true
        %reduce_sum3A_1409 = vector.broadcast %reduce_sum3A_1408 : i1 to vector<16xi1>
        %reduce_sum3A_1410 = tpu.scan <sum>, %add3A_1407 masked %reduce_sum3A_1409 : vector<16xf32>, vector<16xi1> -> vector<16xf32>
        %reduce_sum3A_1411 = vector.extract %reduce_sum3A_1410[15] : f32 from vector<16xf32>
        %eq3A_1412 = arith.constant 13 : i32
        %eq3A_1413 = vector.broadcast %eq3A_1412 : i32 to vector<16xi32>
        %eq3A_1414 = arith.cmpi eq, %iota3A, %eq3A_1413 : vector<16xi32>
        %broadcast_in_dim3A_1415 = vector.broadcast %reduce_sum3A_1411 : f32 to vector<16xf32>
        %select_n3A_1416 = arith.select %eq3A_1414, %broadcast_in_dim3A_1415, %select_n3A_1384 : vector<16xi1>, vector<16xf32>
        %mul3A_1417 = arith.constant 50 : i32
        %mul3A_1418 = arith.muli %scan3A_431, %mul3A_1417 : i32
        %add3A_1419 = arith.constant 30 : i32
        %add3A_1420 = arith.addi %mul3A_1418, %add3A_1419 : i32
        %get3A_1421 = arith.index_cast %add3A_1420 : i32 to index
        %get3A_1422 = arith.constant 0 : index
        %get3A_1423 = tpu.vector_load %arg10[%get3A_1421, %get3A_1422] {strides = array<i32>} : memref<800x64xf32, #tpu.memory_space<vmem>>, vector<16xf32>,
        %mul3A_1424 = arith.mulf %get3A_433, %get3A_1423 : vector<16xf32>
        %get3A_1425 = arith.index_cast %add3A_1420 : i32 to index
        %get3A_1426 = arith.constant 16 : index
        %get3A_1427 = tpu.vector_load %arg10[%get3A_1425, %get3A_1426] {strides = array<i32>} : memref<800x64xf32, #tpu.memory_space<vmem>>, vector<16xf32>,
        %mul3A_1428 = arith.mulf %get3A_436, %get3A_1427 : vector<16xf32>
        %add3A_1429 = arith.addf %mul3A_1424, %mul3A_1428 : vector<16xf32>
        %get3A_1430 = arith.index_cast %add3A_1420 : i32 to index
        %get3A_1431 = arith.constant 32 : index
        %get3A_1432 = tpu.vector_load %arg10[%get3A_1430, %get3A_1431] {strides = array<i32>} : memref<800x64xf32, #tpu.memory_space<vmem>>, vector<16xf32>,
        %mul3A_1433 = arith.mulf %get3A_439, %get3A_1432 : vector<16xf32>
        %add3A_1434 = arith.addf %add3A_1429, %mul3A_1433 : vector<16xf32>
        %get3A_1435 = arith.index_cast %add3A_1420 : i32 to index
        %get3A_1436 = arith.constant 48 : index
        %get3A_1437 = tpu.vector_load %arg10[%get3A_1435, %get3A_1436] {strides = array<i32>} : memref<800x64xf32, #tpu.memory_space<vmem>>, vector<16xf32>,
        %mul3A_1438 = arith.mulf %get3A_442, %get3A_1437 : vector<16xf32>
        %add3A_1439 = arith.addf %add3A_1434, %mul3A_1438 : vector<16xf32>
        %reduce_sum3A_1440 = arith.constant true
        %reduce_sum3A_1441 = vector.broadcast %reduce_sum3A_1440 : i1 to vector<16xi1>
        %reduce_sum3A_1442 = tpu.scan <sum>, %add3A_1439 masked %reduce_sum3A_1441 : vector<16xf32>, vector<16xi1> -> vector<16xf32>
        %reduce_sum3A_1443 = vector.extract %reduce_sum3A_1442[15] : f32 from vector<16xf32>
        %eq3A_1444 = arith.constant 14 : i32
        %eq3A_1445 = vector.broadcast %eq3A_1444 : i32 to vector<16xi32>
        %eq3A_1446 = arith.cmpi eq, %iota3A, %eq3A_1445 : vector<16xi32>
        %broadcast_in_dim3A_1447 = vector.broadcast %reduce_sum3A_1443 : f32 to vector<16xf32>
        %select_n3A_1448 = arith.select %eq3A_1446, %broadcast_in_dim3A_1447, %select_n3A_1416 : vector<16xi1>, vector<16xf32>
        %mul3A_1449 = arith.constant 50 : i32
        %mul3A_1450 = arith.muli %scan3A_431, %mul3A_1449 : i32
        %add3A_1451 = arith.constant 31 : i32
        %add3A_1452 = arith.addi %mul3A_1450, %add3A_1451 : i32
        %get3A_1453 = arith.index_cast %add3A_1452 : i32 to index
        %get3A_1454 = arith.constant 0 : index
        %get3A_1455 = tpu.vector_load %arg10[%get3A_1453, %get3A_1454] {strides = array<i32>} : memref<800x64xf32, #tpu.memory_space<vmem>>, vector<16xf32>,
        %mul3A_1456 = arith.mulf %get3A_433, %get3A_1455 : vector<16xf32>
        %get3A_1457 = arith.index_cast %add3A_1452 : i32 to index
        %get3A_1458 = arith.constant 16 : index
        %get3A_1459 = tpu.vector_load %arg10[%get3A_1457, %get3A_1458] {strides = array<i32>} : memref<800x64xf32, #tpu.memory_space<vmem>>, vector<16xf32>,
        %mul3A_1460 = arith.mulf %get3A_436, %get3A_1459 : vector<16xf32>
        %add3A_1461 = arith.addf %mul3A_1456, %mul3A_1460 : vector<16xf32>
        %get3A_1462 = arith.index_cast %add3A_1452 : i32 to index
        %get3A_1463 = arith.constant 32 : index
        %get3A_1464 = tpu.vector_load %arg10[%get3A_1462, %get3A_1463] {strides = array<i32>} : memref<800x64xf32, #tpu.memory_space<vmem>>, vector<16xf32>,
        %mul3A_1465 = arith.mulf %get3A_439, %get3A_1464 : vector<16xf32>
        %add3A_1466 = arith.addf %add3A_1461, %mul3A_1465 : vector<16xf32>
        %get3A_1467 = arith.index_cast %add3A_1452 : i32 to index
        %get3A_1468 = arith.constant 48 : index
        %get3A_1469 = tpu.vector_load %arg10[%get3A_1467, %get3A_1468] {strides = array<i32>} : memref<800x64xf32, #tpu.memory_space<vmem>>, vector<16xf32>,
        %mul3A_1470 = arith.mulf %get3A_442, %get3A_1469 : vector<16xf32>
        %add3A_1471 = arith.addf %add3A_1466, %mul3A_1470 : vector<16xf32>
        %reduce_sum3A_1472 = arith.constant true
        %reduce_sum3A_1473 = vector.broadcast %reduce_sum3A_1472 : i1 to vector<16xi1>
        %reduce_sum3A_1474 = tpu.scan <sum>, %add3A_1471 masked %reduce_sum3A_1473 : vector<16xf32>, vector<16xi1> -> vector<16xf32>
        %reduce_sum3A_1475 = vector.extract %reduce_sum3A_1474[15] : f32 from vector<16xf32>
        %eq3A_1476 = arith.constant 15 : i32
        %eq3A_1477 = vector.broadcast %eq3A_1476 : i32 to vector<16xi32>
        %eq3A_1478 = arith.cmpi eq, %iota3A, %eq3A_1477 : vector<16xi32>
        %broadcast_in_dim3A_1479 = vector.broadcast %reduce_sum3A_1475 : f32 to vector<16xf32>
        %select_n3A_1480 = arith.select %eq3A_1478, %broadcast_in_dim3A_1479, %select_n3A_1448 : vector<16xi1>, vector<16xf32>
        %neg3A_1481 = arith.constant 0.000000e+00 : f32
        %neg3A_1482 = vector.broadcast %neg3A_1481 : f32 to vector<16xf32>
        %neg3A_1483 = arith.subf %neg3A_1482, %select_n3A_1480 : vector<16xf32>
        %exp3A_1484 = math.exp %neg3A_1483 : vector<16xf32>
        %add3A_1485 = arith.constant 1.000000e+00 : f32
        %add3A_1486 = vector.broadcast %add3A_1485 : f32 to vector<16xf32>
        %add3A_1487 = arith.addf %add3A_1486, %exp3A_1484 : vector<16xf32>
        %div3A_1488 = arith.constant 1.000000e+00 : f32
        %div3A_1489 = vector.broadcast %div3A_1488 : f32 to vector<16xf32>
        %div3A_1490 = arith.divf %div3A_1489, %add3A_1487 : vector<16xf32>
        %mul3A_1491 = arith.constant 50 : i32
        %mul3A_1492 = arith.muli %scan3A_431, %mul3A_1491 : i32
        %add3A_1493 = arith.constant 16 : i32
        %add3A_1494 = arith.addi %mul3A_1492, %add3A_1493 : i32
        %swap3A_1495 = arith.index_cast %add3A_1494 : i32 to index
        %swap3A_1496 = tpu.vector_load %arg14[%swap3A_1495] {strides = array<i32>} : memref<816xf32, #tpu.memory_space<vmem>>, vector<16xf32>,
        tpu.vector_store %arg14[%swap3A_1495], %div3A_1490 {strides = array<i32>} : memref<816xf32, #tpu.memory_space<vmem>>, vector<16xf32>,
        %broadcast_in_dim3A_1497 = arith.constant 0.000000e+00 : f32
        %broadcast_in_dim3A_1498 = vector.broadcast %broadcast_in_dim3A_1497 : f32 to vector<16xf32>
        %mul3A_1499 = arith.constant 50 : i32
        %mul3A_1500 = arith.muli %scan3A_431, %mul3A_1499 : i32
        %add3A_1501 = arith.constant 32 : i32
        %add3A_1502 = arith.addi %mul3A_1500, %add3A_1501 : i32
        %get3A_1503 = arith.index_cast %add3A_1502 : i32 to index
        %get3A_1504 = arith.constant 0 : index
        %get3A_1505 = tpu.vector_load %arg10[%get3A_1503, %get3A_1504] {strides = array<i32>} : memref<800x64xf32, #tpu.memory_space<vmem>>, vector<16xf32>,
        %mul3A_1506 = arith.mulf %get3A_433, %get3A_1505 : vector<16xf32>
        %get3A_1507 = arith.index_cast %add3A_1502 : i32 to index
        %get3A_1508 = arith.constant 16 : index
        %get3A_1509 = tpu.vector_load %arg10[%get3A_1507, %get3A_1508] {strides = array<i32>} : memref<800x64xf32, #tpu.memory_space<vmem>>, vector<16xf32>,
        %mul3A_1510 = arith.mulf %get3A_436, %get3A_1509 : vector<16xf32>
        %add3A_1511 = arith.addf %mul3A_1506, %mul3A_1510 : vector<16xf32>
        %get3A_1512 = arith.index_cast %add3A_1502 : i32 to index
        %get3A_1513 = arith.constant 32 : index
        %get3A_1514 = tpu.vector_load %arg10[%get3A_1512, %get3A_1513] {strides = array<i32>} : memref<800x64xf32, #tpu.memory_space<vmem>>, vector<16xf32>,
        %mul3A_1515 = arith.mulf %get3A_439, %get3A_1514 : vector<16xf32>
        %add3A_1516 = arith.addf %add3A_1511, %mul3A_1515 : vector<16xf32>
        %get3A_1517 = arith.index_cast %add3A_1502 : i32 to index
        %get3A_1518 = arith.constant 48 : index
        %get3A_1519 = tpu.vector_load %arg10[%get3A_1517, %get3A_1518] {strides = array<i32>} : memref<800x64xf32, #tpu.memory_space<vmem>>, vector<16xf32>,
        %mul3A_1520 = arith.mulf %get3A_442, %get3A_1519 : vector<16xf32>
        %add3A_1521 = arith.addf %add3A_1516, %mul3A_1520 : vector<16xf32>
        %reduce_sum3A_1522 = arith.constant true
        %reduce_sum3A_1523 = vector.broadcast %reduce_sum3A_1522 : i1 to vector<16xi1>
        %reduce_sum3A_1524 = tpu.scan <sum>, %add3A_1521 masked %reduce_sum3A_1523 : vector<16xf32>, vector<16xi1> -> vector<16xf32>
        %reduce_sum3A_1525 = vector.extract %reduce_sum3A_1524[15] : f32 from vector<16xf32>
        %eq3A_1526 = arith.constant 0 : i32
        %eq3A_1527 = vector.broadcast %eq3A_1526 : i32 to vector<16xi32>
        %eq3A_1528 = arith.cmpi eq, %iota3A, %eq3A_1527 : vector<16xi32>
        %broadcast_in_dim3A_1529 = vector.broadcast %reduce_sum3A_1525 : f32 to vector<16xf32>
        %select_n3A_1530 = arith.select %eq3A_1528, %broadcast_in_dim3A_1529, %broadcast_in_dim3A_1498 : vector<16xi1>, vector<16xf32>
        %mul3A_1531 = arith.constant 50 : i32
        %mul3A_1532 = arith.muli %scan3A_431, %mul3A_1531 : i32
        %add3A_1533 = arith.constant 33 : i32
        %add3A_1534 = arith.addi %mul3A_1532, %add3A_1533 : i32
        %get3A_1535 = arith.index_cast %add3A_1534 : i32 to index
        %get3A_1536 = arith.constant 0 : index
        %get3A_1537 = tpu.vector_load %arg10[%get3A_1535, %get3A_1536] {strides = array<i32>} : memref<800x64xf32, #tpu.memory_space<vmem>>, vector<16xf32>,
        %mul3A_1538 = arith.mulf %get3A_433, %get3A_1537 : vector<16xf32>
        %get3A_1539 = arith.index_cast %add3A_1534 : i32 to index
        %get3A_1540 = arith.constant 16 : index
        %get3A_1541 = tpu.vector_load %arg10[%get3A_1539, %get3A_1540] {strides = array<i32>} : memref<800x64xf32, #tpu.memory_space<vmem>>, vector<16xf32>,
        %mul3A_1542 = arith.mulf %get3A_436, %get3A_1541 : vector<16xf32>
        %add3A_1543 = arith.addf %mul3A_1538, %mul3A_1542 : vector<16xf32>
        %get3A_1544 = arith.index_cast %add3A_1534 : i32 to index
        %get3A_1545 = arith.constant 32 : index
        %get3A_1546 = tpu.vector_load %arg10[%get3A_1544, %get3A_1545] {strides = array<i32>} : memref<800x64xf32, #tpu.memory_space<vmem>>, vector<16xf32>,
        %mul3A_1547 = arith.mulf %get3A_439, %get3A_1546 : vector<16xf32>
        %add3A_1548 = arith.addf %add3A_1543, %mul3A_1547 : vector<16xf32>
        %get3A_1549 = arith.index_cast %add3A_1534 : i32 to index
        %get3A_1550 = arith.constant 48 : index
        %get3A_1551 = tpu.vector_load %arg10[%get3A_1549, %get3A_1550] {strides = array<i32>} : memref<800x64xf32, #tpu.memory_space<vmem>>, vector<16xf32>,
        %mul3A_1552 = arith.mulf %get3A_442, %get3A_1551 : vector<16xf32>
        %add3A_1553 = arith.addf %add3A_1548, %mul3A_1552 : vector<16xf32>
        %reduce_sum3A_1554 = arith.constant true
        %reduce_sum3A_1555 = vector.broadcast %reduce_sum3A_1554 : i1 to vector<16xi1>
        %reduce_sum3A_1556 = tpu.scan <sum>, %add3A_1553 masked %reduce_sum3A_1555 : vector<16xf32>, vector<16xi1> -> vector<16xf32>
        %reduce_sum3A_1557 = vector.extract %reduce_sum3A_1556[15] : f32 from vector<16xf32>
        %eq3A_1558 = arith.constant 1 : i32
        %eq3A_1559 = vector.broadcast %eq3A_1558 : i32 to vector<16xi32>
        %eq3A_1560 = arith.cmpi eq, %iota3A, %eq3A_1559 : vector<16xi32>
        %broadcast_in_dim3A_1561 = vector.broadcast %reduce_sum3A_1557 : f32 to vector<16xf32>
        %select_n3A_1562 = arith.select %eq3A_1560, %broadcast_in_dim3A_1561, %select_n3A_1530 : vector<16xi1>, vector<16xf32>
        %mul3A_1563 = arith.constant 50 : i32
        %mul3A_1564 = arith.muli %scan3A_431, %mul3A_1563 : i32
        %add3A_1565 = arith.constant 34 : i32
        %add3A_1566 = arith.addi %mul3A_1564, %add3A_1565 : i32
        %get3A_1567 = arith.index_cast %add3A_1566 : i32 to index
        %get3A_1568 = arith.constant 0 : index
        %get3A_1569 = tpu.vector_load %arg10[%get3A_1567, %get3A_1568] {strides = array<i32>} : memref<800x64xf32, #tpu.memory_space<vmem>>, vector<16xf32>,
        %mul3A_1570 = arith.mulf %get3A_433, %get3A_1569 : vector<16xf32>
        %get3A_1571 = arith.index_cast %add3A_1566 : i32 to index
        %get3A_1572 = arith.constant 16 : index
        %get3A_1573 = tpu.vector_load %arg10[%get3A_1571, %get3A_1572] {strides = array<i32>} : memref<800x64xf32, #tpu.memory_space<vmem>>, vector<16xf32>,
        %mul3A_1574 = arith.mulf %get3A_436, %get3A_1573 : vector<16xf32>
        %add3A_1575 = arith.addf %mul3A_1570, %mul3A_1574 : vector<16xf32>
        %get3A_1576 = arith.index_cast %add3A_1566 : i32 to index
        %get3A_1577 = arith.constant 32 : index
        %get3A_1578 = tpu.vector_load %arg10[%get3A_1576, %get3A_1577] {strides = array<i32>} : memref<800x64xf32, #tpu.memory_space<vmem>>, vector<16xf32>,
        %mul3A_1579 = arith.mulf %get3A_439, %get3A_1578 : vector<16xf32>
        %add3A_1580 = arith.addf %add3A_1575, %mul3A_1579 : vector<16xf32>
        %get3A_1581 = arith.index_cast %add3A_1566 : i32 to index
        %get3A_1582 = arith.constant 48 : index
        %get3A_1583 = tpu.vector_load %arg10[%get3A_1581, %get3A_1582] {strides = array<i32>} : memref<800x64xf32, #tpu.memory_space<vmem>>, vector<16xf32>,
        %mul3A_1584 = arith.mulf %get3A_442, %get3A_1583 : vector<16xf32>
        %add3A_1585 = arith.addf %add3A_1580, %mul3A_1584 : vector<16xf32>
        %reduce_sum3A_1586 = arith.constant true
        %reduce_sum3A_1587 = vector.broadcast %reduce_sum3A_1586 : i1 to vector<16xi1>
        %reduce_sum3A_1588 = tpu.scan <sum>, %add3A_1585 masked %reduce_sum3A_1587 : vector<16xf32>, vector<16xi1> -> vector<16xf32>
        %reduce_sum3A_1589 = vector.extract %reduce_sum3A_1588[15] : f32 from vector<16xf32>
        %eq3A_1590 = arith.constant 2 : i32
        %eq3A_1591 = vector.broadcast %eq3A_1590 : i32 to vector<16xi32>
        %eq3A_1592 = arith.cmpi eq, %iota3A, %eq3A_1591 : vector<16xi32>
        %broadcast_in_dim3A_1593 = vector.broadcast %reduce_sum3A_1589 : f32 to vector<16xf32>
        %select_n3A_1594 = arith.select %eq3A_1592, %broadcast_in_dim3A_1593, %select_n3A_1562 : vector<16xi1>, vector<16xf32>
        %mul3A_1595 = arith.constant 50 : i32
        %mul3A_1596 = arith.muli %scan3A_431, %mul3A_1595 : i32
        %add3A_1597 = arith.constant 35 : i32
        %add3A_1598 = arith.addi %mul3A_1596, %add3A_1597 : i32
        %get3A_1599 = arith.index_cast %add3A_1598 : i32 to index
        %get3A_1600 = arith.constant 0 : index
        %get3A_1601 = tpu.vector_load %arg10[%get3A_1599, %get3A_1600] {strides = array<i32>} : memref<800x64xf32, #tpu.memory_space<vmem>>, vector<16xf32>,
        %mul3A_1602 = arith.mulf %get3A_433, %get3A_1601 : vector<16xf32>
        %get3A_1603 = arith.index_cast %add3A_1598 : i32 to index
        %get3A_1604 = arith.constant 16 : index
        %get3A_1605 = tpu.vector_load %arg10[%get3A_1603, %get3A_1604] {strides = array<i32>} : memref<800x64xf32, #tpu.memory_space<vmem>>, vector<16xf32>,
        %mul3A_1606 = arith.mulf %get3A_436, %get3A_1605 : vector<16xf32>
        %add3A_1607 = arith.addf %mul3A_1602, %mul3A_1606 : vector<16xf32>
        %get3A_1608 = arith.index_cast %add3A_1598 : i32 to index
        %get3A_1609 = arith.constant 32 : index
        %get3A_1610 = tpu.vector_load %arg10[%get3A_1608, %get3A_1609] {strides = array<i32>} : memref<800x64xf32, #tpu.memory_space<vmem>>, vector<16xf32>,
        %mul3A_1611 = arith.mulf %get3A_439, %get3A_1610 : vector<16xf32>
        %add3A_1612 = arith.addf %add3A_1607, %mul3A_1611 : vector<16xf32>
        %get3A_1613 = arith.index_cast %add3A_1598 : i32 to index
        %get3A_1614 = arith.constant 48 : index
        %get3A_1615 = tpu.vector_load %arg10[%get3A_1613, %get3A_1614] {strides = array<i32>} : memref<800x64xf32, #tpu.memory_space<vmem>>, vector<16xf32>,
        %mul3A_1616 = arith.mulf %get3A_442, %get3A_1615 : vector<16xf32>
        %add3A_1617 = arith.addf %add3A_1612, %mul3A_1616 : vector<16xf32>
        %reduce_sum3A_1618 = arith.constant true
        %reduce_sum3A_1619 = vector.broadcast %reduce_sum3A_1618 : i1 to vector<16xi1>
        %reduce_sum3A_1620 = tpu.scan <sum>, %add3A_1617 masked %reduce_sum3A_1619 : vector<16xf32>, vector<16xi1> -> vector<16xf32>
        %reduce_sum3A_1621 = vector.extract %reduce_sum3A_1620[15] : f32 from vector<16xf32>
        %eq3A_1622 = arith.constant 3 : i32
        %eq3A_1623 = vector.broadcast %eq3A_1622 : i32 to vector<16xi32>
        %eq3A_1624 = arith.cmpi eq, %iota3A, %eq3A_1623 : vector<16xi32>
        %broadcast_in_dim3A_1625 = vector.broadcast %reduce_sum3A_1621 : f32 to vector<16xf32>
        %select_n3A_1626 = arith.select %eq3A_1624, %broadcast_in_dim3A_1625, %select_n3A_1594 : vector<16xi1>, vector<16xf32>
        %mul3A_1627 = arith.constant 50 : i32
        %mul3A_1628 = arith.muli %scan3A_431, %mul3A_1627 : i32
        %add3A_1629 = arith.constant 36 : i32
        %add3A_1630 = arith.addi %mul3A_1628, %add3A_1629 : i32
        %get3A_1631 = arith.index_cast %add3A_1630 : i32 to index
        %get3A_1632 = arith.constant 0 : index
        %get3A_1633 = tpu.vector_load %arg10[%get3A_1631, %get3A_1632] {strides = array<i32>} : memref<800x64xf32, #tpu.memory_space<vmem>>, vector<16xf32>,
        %mul3A_1634 = arith.mulf %get3A_433, %get3A_1633 : vector<16xf32>
        %get3A_1635 = arith.index_cast %add3A_1630 : i32 to index
        %get3A_1636 = arith.constant 16 : index
        %get3A_1637 = tpu.vector_load %arg10[%get3A_1635, %get3A_1636] {strides = array<i32>} : memref<800x64xf32, #tpu.memory_space<vmem>>, vector<16xf32>,
        %mul3A_1638 = arith.mulf %get3A_436, %get3A_1637 : vector<16xf32>
        %add3A_1639 = arith.addf %mul3A_1634, %mul3A_1638 : vector<16xf32>
        %get3A_1640 = arith.index_cast %add3A_1630 : i32 to index
        %get3A_1641 = arith.constant 32 : index
        %get3A_1642 = tpu.vector_load %arg10[%get3A_1640, %get3A_1641] {strides = array<i32>} : memref<800x64xf32, #tpu.memory_space<vmem>>, vector<16xf32>,
        %mul3A_1643 = arith.mulf %get3A_439, %get3A_1642 : vector<16xf32>
        %add3A_1644 = arith.addf %add3A_1639, %mul3A_1643 : vector<16xf32>
        %get3A_1645 = arith.index_cast %add3A_1630 : i32 to index
        %get3A_1646 = arith.constant 48 : index
        %get3A_1647 = tpu.vector_load %arg10[%get3A_1645, %get3A_1646] {strides = array<i32>} : memref<800x64xf32, #tpu.memory_space<vmem>>, vector<16xf32>,
        %mul3A_1648 = arith.mulf %get3A_442, %get3A_1647 : vector<16xf32>
        %add3A_1649 = arith.addf %add3A_1644, %mul3A_1648 : vector<16xf32>
        %reduce_sum3A_1650 = arith.constant true
        %reduce_sum3A_1651 = vector.broadcast %reduce_sum3A_1650 : i1 to vector<16xi1>
        %reduce_sum3A_1652 = tpu.scan <sum>, %add3A_1649 masked %reduce_sum3A_1651 : vector<16xf32>, vector<16xi1> -> vector<16xf32>
        %reduce_sum3A_1653 = vector.extract %reduce_sum3A_1652[15] : f32 from vector<16xf32>
        %eq3A_1654 = arith.constant 4 : i32
        %eq3A_1655 = vector.broadcast %eq3A_1654 : i32 to vector<16xi32>
        %eq3A_1656 = arith.cmpi eq, %iota3A, %eq3A_1655 : vector<16xi32>
        %broadcast_in_dim3A_1657 = vector.broadcast %reduce_sum3A_1653 : f32 to vector<16xf32>
        %select_n3A_1658 = arith.select %eq3A_1656, %broadcast_in_dim3A_1657, %select_n3A_1626 : vector<16xi1>, vector<16xf32>
        %mul3A_1659 = arith.constant 50 : i32
        %mul3A_1660 = arith.muli %scan3A_431, %mul3A_1659 : i32
        %add3A_1661 = arith.constant 37 : i32
        %add3A_1662 = arith.addi %mul3A_1660, %add3A_1661 : i32
        %get3A_1663 = arith.index_cast %add3A_1662 : i32 to index
        %get3A_1664 = arith.constant 0 : index
        %get3A_1665 = tpu.vector_load %arg10[%get3A_1663, %get3A_1664] {strides = array<i32>} : memref<800x64xf32, #tpu.memory_space<vmem>>, vector<16xf32>,
        %mul3A_1666 = arith.mulf %get3A_433, %get3A_1665 : vector<16xf32>
        %get3A_1667 = arith.index_cast %add3A_1662 : i32 to index
        %get3A_1668 = arith.constant 16 : index
        %get3A_1669 = tpu.vector_load %arg10[%get3A_1667, %get3A_1668] {strides = array<i32>} : memref<800x64xf32, #tpu.memory_space<vmem>>, vector<16xf32>,
        %mul3A_1670 = arith.mulf %get3A_436, %get3A_1669 : vector<16xf32>
        %add3A_1671 = arith.addf %mul3A_1666, %mul3A_1670 : vector<16xf32>
        %get3A_1672 = arith.index_cast %add3A_1662 : i32 to index
        %get3A_1673 = arith.constant 32 : index
        %get3A_1674 = tpu.vector_load %arg10[%get3A_1672, %get3A_1673] {strides = array<i32>} : memref<800x64xf32, #tpu.memory_space<vmem>>, vector<16xf32>,
        %mul3A_1675 = arith.mulf %get3A_439, %get3A_1674 : vector<16xf32>
        %add3A_1676 = arith.addf %add3A_1671, %mul3A_1675 : vector<16xf32>
        %get3A_1677 = arith.index_cast %add3A_1662 : i32 to index
        %get3A_1678 = arith.constant 48 : index
        %get3A_1679 = tpu.vector_load %arg10[%get3A_1677, %get3A_1678] {strides = array<i32>} : memref<800x64xf32, #tpu.memory_space<vmem>>, vector<16xf32>,
        %mul3A_1680 = arith.mulf %get3A_442, %get3A_1679 : vector<16xf32>
        %add3A_1681 = arith.addf %add3A_1676, %mul3A_1680 : vector<16xf32>
        %reduce_sum3A_1682 = arith.constant true
        %reduce_sum3A_1683 = vector.broadcast %reduce_sum3A_1682 : i1 to vector<16xi1>
        %reduce_sum3A_1684 = tpu.scan <sum>, %add3A_1681 masked %reduce_sum3A_1683 : vector<16xf32>, vector<16xi1> -> vector<16xf32>
        %reduce_sum3A_1685 = vector.extract %reduce_sum3A_1684[15] : f32 from vector<16xf32>
        %eq3A_1686 = arith.constant 5 : i32
        %eq3A_1687 = vector.broadcast %eq3A_1686 : i32 to vector<16xi32>
        %eq3A_1688 = arith.cmpi eq, %iota3A, %eq3A_1687 : vector<16xi32>
        %broadcast_in_dim3A_1689 = vector.broadcast %reduce_sum3A_1685 : f32 to vector<16xf32>
        %select_n3A_1690 = arith.select %eq3A_1688, %broadcast_in_dim3A_1689, %select_n3A_1658 : vector<16xi1>, vector<16xf32>
        %mul3A_1691 = arith.constant 50 : i32
        %mul3A_1692 = arith.muli %scan3A_431, %mul3A_1691 : i32
        %add3A_1693 = arith.constant 38 : i32
        %add3A_1694 = arith.addi %mul3A_1692, %add3A_1693 : i32
        %get3A_1695 = arith.index_cast %add3A_1694 : i32 to index
        %get3A_1696 = arith.constant 0 : index
        %get3A_1697 = tpu.vector_load %arg10[%get3A_1695, %get3A_1696] {strides = array<i32>} : memref<800x64xf32, #tpu.memory_space<vmem>>, vector<16xf32>,
        %mul3A_1698 = arith.mulf %get3A_433, %get3A_1697 : vector<16xf32>
        %get3A_1699 = arith.index_cast %add3A_1694 : i32 to index
        %get3A_1700 = arith.constant 16 : index
        %get3A_1701 = tpu.vector_load %arg10[%get3A_1699, %get3A_1700] {strides = array<i32>} : memref<800x64xf32, #tpu.memory_space<vmem>>, vector<16xf32>,
        %mul3A_1702 = arith.mulf %get3A_436, %get3A_1701 : vector<16xf32>
        %add3A_1703 = arith.addf %mul3A_1698, %mul3A_1702 : vector<16xf32>
        %get3A_1704 = arith.index_cast %add3A_1694 : i32 to index
        %get3A_1705 = arith.constant 32 : index
        %get3A_1706 = tpu.vector_load %arg10[%get3A_1704, %get3A_1705] {strides = array<i32>} : memref<800x64xf32, #tpu.memory_space<vmem>>, vector<16xf32>,
        %mul3A_1707 = arith.mulf %get3A_439, %get3A_1706 : vector<16xf32>
        %add3A_1708 = arith.addf %add3A_1703, %mul3A_1707 : vector<16xf32>
        %get3A_1709 = arith.index_cast %add3A_1694 : i32 to index
        %get3A_1710 = arith.constant 48 : index
        %get3A_1711 = tpu.vector_load %arg10[%get3A_1709, %get3A_1710] {strides = array<i32>} : memref<800x64xf32, #tpu.memory_space<vmem>>, vector<16xf32>,
        %mul3A_1712 = arith.mulf %get3A_442, %get3A_1711 : vector<16xf32>
        %add3A_1713 = arith.addf %add3A_1708, %mul3A_1712 : vector<16xf32>
        %reduce_sum3A_1714 = arith.constant true
        %reduce_sum3A_1715 = vector.broadcast %reduce_sum3A_1714 : i1 to vector<16xi1>
        %reduce_sum3A_1716 = tpu.scan <sum>, %add3A_1713 masked %reduce_sum3A_1715 : vector<16xf32>, vector<16xi1> -> vector<16xf32>
        %reduce_sum3A_1717 = vector.extract %reduce_sum3A_1716[15] : f32 from vector<16xf32>
        %eq3A_1718 = arith.constant 6 : i32
        %eq3A_1719 = vector.broadcast %eq3A_1718 : i32 to vector<16xi32>
        %eq3A_1720 = arith.cmpi eq, %iota3A, %eq3A_1719 : vector<16xi32>
        %broadcast_in_dim3A_1721 = vector.broadcast %reduce_sum3A_1717 : f32 to vector<16xf32>
        %select_n3A_1722 = arith.select %eq3A_1720, %broadcast_in_dim3A_1721, %select_n3A_1690 : vector<16xi1>, vector<16xf32>
        %mul3A_1723 = arith.constant 50 : i32
        %mul3A_1724 = arith.muli %scan3A_431, %mul3A_1723 : i32
        %add3A_1725 = arith.constant 39 : i32
        %add3A_1726 = arith.addi %mul3A_1724, %add3A_1725 : i32
        %get3A_1727 = arith.index_cast %add3A_1726 : i32 to index
        %get3A_1728 = arith.constant 0 : index
        %get3A_1729 = tpu.vector_load %arg10[%get3A_1727, %get3A_1728] {strides = array<i32>} : memref<800x64xf32, #tpu.memory_space<vmem>>, vector<16xf32>,
        %mul3A_1730 = arith.mulf %get3A_433, %get3A_1729 : vector<16xf32>
        %get3A_1731 = arith.index_cast %add3A_1726 : i32 to index
        %get3A_1732 = arith.constant 16 : index
        %get3A_1733 = tpu.vector_load %arg10[%get3A_1731, %get3A_1732] {strides = array<i32>} : memref<800x64xf32, #tpu.memory_space<vmem>>, vector<16xf32>,
        %mul3A_1734 = arith.mulf %get3A_436, %get3A_1733 : vector<16xf32>
        %add3A_1735 = arith.addf %mul3A_1730, %mul3A_1734 : vector<16xf32>
        %get3A_1736 = arith.index_cast %add3A_1726 : i32 to index
        %get3A_1737 = arith.constant 32 : index
        %get3A_1738 = tpu.vector_load %arg10[%get3A_1736, %get3A_1737] {strides = array<i32>} : memref<800x64xf32, #tpu.memory_space<vmem>>, vector<16xf32>,
        %mul3A_1739 = arith.mulf %get3A_439, %get3A_1738 : vector<16xf32>
        %add3A_1740 = arith.addf %add3A_1735, %mul3A_1739 : vector<16xf32>
        %get3A_1741 = arith.index_cast %add3A_1726 : i32 to index
        %get3A_1742 = arith.constant 48 : index
        %get3A_1743 = tpu.vector_load %arg10[%get3A_1741, %get3A_1742] {strides = array<i32>} : memref<800x64xf32, #tpu.memory_space<vmem>>, vector<16xf32>,
        %mul3A_1744 = arith.mulf %get3A_442, %get3A_1743 : vector<16xf32>
        %add3A_1745 = arith.addf %add3A_1740, %mul3A_1744 : vector<16xf32>
        %reduce_sum3A_1746 = arith.constant true
        %reduce_sum3A_1747 = vector.broadcast %reduce_sum3A_1746 : i1 to vector<16xi1>
        %reduce_sum3A_1748 = tpu.scan <sum>, %add3A_1745 masked %reduce_sum3A_1747 : vector<16xf32>, vector<16xi1> -> vector<16xf32>
        %reduce_sum3A_1749 = vector.extract %reduce_sum3A_1748[15] : f32 from vector<16xf32>
        %eq3A_1750 = arith.constant 7 : i32
        %eq3A_1751 = vector.broadcast %eq3A_1750 : i32 to vector<16xi32>
        %eq3A_1752 = arith.cmpi eq, %iota3A, %eq3A_1751 : vector<16xi32>
        %broadcast_in_dim3A_1753 = vector.broadcast %reduce_sum3A_1749 : f32 to vector<16xf32>
        %select_n3A_1754 = arith.select %eq3A_1752, %broadcast_in_dim3A_1753, %select_n3A_1722 : vector<16xi1>, vector<16xf32>
        %mul3A_1755 = arith.constant 50 : i32
        %mul3A_1756 = arith.muli %scan3A_431, %mul3A_1755 : i32
        %add3A_1757 = arith.constant 40 : i32
        %add3A_1758 = arith.addi %mul3A_1756, %add3A_1757 : i32
        %get3A_1759 = arith.index_cast %add3A_1758 : i32 to index
        %get3A_1760 = arith.constant 0 : index
        %get3A_1761 = tpu.vector_load %arg10[%get3A_1759, %get3A_1760] {strides = array<i32>} : memref<800x64xf32, #tpu.memory_space<vmem>>, vector<16xf32>,
        %mul3A_1762 = arith.mulf %get3A_433, %get3A_1761 : vector<16xf32>
        %get3A_1763 = arith.index_cast %add3A_1758 : i32 to index
        %get3A_1764 = arith.constant 16 : index
        %get3A_1765 = tpu.vector_load %arg10[%get3A_1763, %get3A_1764] {strides = array<i32>} : memref<800x64xf32, #tpu.memory_space<vmem>>, vector<16xf32>,
        %mul3A_1766 = arith.mulf %get3A_436, %get3A_1765 : vector<16xf32>
        %add3A_1767 = arith.addf %mul3A_1762, %mul3A_1766 : vector<16xf32>
        %get3A_1768 = arith.index_cast %add3A_1758 : i32 to index
        %get3A_1769 = arith.constant 32 : index
        %get3A_1770 = tpu.vector_load %arg10[%get3A_1768, %get3A_1769] {strides = array<i32>} : memref<800x64xf32, #tpu.memory_space<vmem>>, vector<16xf32>,
        %mul3A_1771 = arith.mulf %get3A_439, %get3A_1770 : vector<16xf32>
        %add3A_1772 = arith.addf %add3A_1767, %mul3A_1771 : vector<16xf32>
        %get3A_1773 = arith.index_cast %add3A_1758 : i32 to index
        %get3A_1774 = arith.constant 48 : index
        %get3A_1775 = tpu.vector_load %arg10[%get3A_1773, %get3A_1774] {strides = array<i32>} : memref<800x64xf32, #tpu.memory_space<vmem>>, vector<16xf32>,
        %mul3A_1776 = arith.mulf %get3A_442, %get3A_1775 : vector<16xf32>
        %add3A_1777 = arith.addf %add3A_1772, %mul3A_1776 : vector<16xf32>
        %reduce_sum3A_1778 = arith.constant true
        %reduce_sum3A_1779 = vector.broadcast %reduce_sum3A_1778 : i1 to vector<16xi1>
        %reduce_sum3A_1780 = tpu.scan <sum>, %add3A_1777 masked %reduce_sum3A_1779 : vector<16xf32>, vector<16xi1> -> vector<16xf32>
        %reduce_sum3A_1781 = vector.extract %reduce_sum3A_1780[15] : f32 from vector<16xf32>
        %eq3A_1782 = arith.constant 8 : i32
        %eq3A_1783 = vector.broadcast %eq3A_1782 : i32 to vector<16xi32>
        %eq3A_1784 = arith.cmpi eq, %iota3A, %eq3A_1783 : vector<16xi32>
        %broadcast_in_dim3A_1785 = vector.broadcast %reduce_sum3A_1781 : f32 to vector<16xf32>
        %select_n3A_1786 = arith.select %eq3A_1784, %broadcast_in_dim3A_1785, %select_n3A_1754 : vector<16xi1>, vector<16xf32>
        %mul3A_1787 = arith.constant 50 : i32
        %mul3A_1788 = arith.muli %scan3A_431, %mul3A_1787 : i32
        %add3A_1789 = arith.constant 41 : i32
        %add3A_1790 = arith.addi %mul3A_1788, %add3A_1789 : i32
        %get3A_1791 = arith.index_cast %add3A_1790 : i32 to index
        %get3A_1792 = arith.constant 0 : index
        %get3A_1793 = tpu.vector_load %arg10[%get3A_1791, %get3A_1792] {strides = array<i32>} : memref<800x64xf32, #tpu.memory_space<vmem>>, vector<16xf32>,
        %mul3A_1794 = arith.mulf %get3A_433, %get3A_1793 : vector<16xf32>
        %get3A_1795 = arith.index_cast %add3A_1790 : i32 to index
        %get3A_1796 = arith.constant 16 : index
        %get3A_1797 = tpu.vector_load %arg10[%get3A_1795, %get3A_1796] {strides = array<i32>} : memref<800x64xf32, #tpu.memory_space<vmem>>, vector<16xf32>,
        %mul3A_1798 = arith.mulf %get3A_436, %get3A_1797 : vector<16xf32>
        %add3A_1799 = arith.addf %mul3A_1794, %mul3A_1798 : vector<16xf32>
        %get3A_1800 = arith.index_cast %add3A_1790 : i32 to index
        %get3A_1801 = arith.constant 32 : index
        %get3A_1802 = tpu.vector_load %arg10[%get3A_1800, %get3A_1801] {strides = array<i32>} : memref<800x64xf32, #tpu.memory_space<vmem>>, vector<16xf32>,
        %mul3A_1803 = arith.mulf %get3A_439, %get3A_1802 : vector<16xf32>
        %add3A_1804 = arith.addf %add3A_1799, %mul3A_1803 : vector<16xf32>
        %get3A_1805 = arith.index_cast %add3A_1790 : i32 to index
        %get3A_1806 = arith.constant 48 : index
        %get3A_1807 = tpu.vector_load %arg10[%get3A_1805, %get3A_1806] {strides = array<i32>} : memref<800x64xf32, #tpu.memory_space<vmem>>, vector<16xf32>,
        %mul3A_1808 = arith.mulf %get3A_442, %get3A_1807 : vector<16xf32>
        %add3A_1809 = arith.addf %add3A_1804, %mul3A_1808 : vector<16xf32>
        %reduce_sum3A_1810 = arith.constant true
        %reduce_sum3A_1811 = vector.broadcast %reduce_sum3A_1810 : i1 to vector<16xi1>
        %reduce_sum3A_1812 = tpu.scan <sum>, %add3A_1809 masked %reduce_sum3A_1811 : vector<16xf32>, vector<16xi1> -> vector<16xf32>
        %reduce_sum3A_1813 = vector.extract %reduce_sum3A_1812[15] : f32 from vector<16xf32>
        %eq3A_1814 = arith.constant 9 : i32
        %eq3A_1815 = vector.broadcast %eq3A_1814 : i32 to vector<16xi32>
        %eq3A_1816 = arith.cmpi eq, %iota3A, %eq3A_1815 : vector<16xi32>
        %broadcast_in_dim3A_1817 = vector.broadcast %reduce_sum3A_1813 : f32 to vector<16xf32>
        %select_n3A_1818 = arith.select %eq3A_1816, %broadcast_in_dim3A_1817, %select_n3A_1786 : vector<16xi1>, vector<16xf32>
        %mul3A_1819 = arith.constant 50 : i32
        %mul3A_1820 = arith.muli %scan3A_431, %mul3A_1819 : i32
        %add3A_1821 = arith.constant 42 : i32
        %add3A_1822 = arith.addi %mul3A_1820, %add3A_1821 : i32
        %get3A_1823 = arith.index_cast %add3A_1822 : i32 to index
        %get3A_1824 = arith.constant 0 : index
        %get3A_1825 = tpu.vector_load %arg10[%get3A_1823, %get3A_1824] {strides = array<i32>} : memref<800x64xf32, #tpu.memory_space<vmem>>, vector<16xf32>,
        %mul3A_1826 = arith.mulf %get3A_433, %get3A_1825 : vector<16xf32>
        %get3A_1827 = arith.index_cast %add3A_1822 : i32 to index
        %get3A_1828 = arith.constant 16 : index
        %get3A_1829 = tpu.vector_load %arg10[%get3A_1827, %get3A_1828] {strides = array<i32>} : memref<800x64xf32, #tpu.memory_space<vmem>>, vector<16xf32>,
        %mul3A_1830 = arith.mulf %get3A_436, %get3A_1829 : vector<16xf32>
        %add3A_1831 = arith.addf %mul3A_1826, %mul3A_1830 : vector<16xf32>
        %get3A_1832 = arith.index_cast %add3A_1822 : i32 to index
        %get3A_1833 = arith.constant 32 : index
        %get3A_1834 = tpu.vector_load %arg10[%get3A_1832, %get3A_1833] {strides = array<i32>} : memref<800x64xf32, #tpu.memory_space<vmem>>, vector<16xf32>,
        %mul3A_1835 = arith.mulf %get3A_439, %get3A_1834 : vector<16xf32>
        %add3A_1836 = arith.addf %add3A_1831, %mul3A_1835 : vector<16xf32>
        %get3A_1837 = arith.index_cast %add3A_1822 : i32 to index
        %get3A_1838 = arith.constant 48 : index
        %get3A_1839 = tpu.vector_load %arg10[%get3A_1837, %get3A_1838] {strides = array<i32>} : memref<800x64xf32, #tpu.memory_space<vmem>>, vector<16xf32>,
        %mul3A_1840 = arith.mulf %get3A_442, %get3A_1839 : vector<16xf32>
        %add3A_1841 = arith.addf %add3A_1836, %mul3A_1840 : vector<16xf32>
        %reduce_sum3A_1842 = arith.constant true
        %reduce_sum3A_1843 = vector.broadcast %reduce_sum3A_1842 : i1 to vector<16xi1>
        %reduce_sum3A_1844 = tpu.scan <sum>, %add3A_1841 masked %reduce_sum3A_1843 : vector<16xf32>, vector<16xi1> -> vector<16xf32>
        %reduce_sum3A_1845 = vector.extract %reduce_sum3A_1844[15] : f32 from vector<16xf32>
        %eq3A_1846 = arith.constant 10 : i32
        %eq3A_1847 = vector.broadcast %eq3A_1846 : i32 to vector<16xi32>
        %eq3A_1848 = arith.cmpi eq, %iota3A, %eq3A_1847 : vector<16xi32>
        %broadcast_in_dim3A_1849 = vector.broadcast %reduce_sum3A_1845 : f32 to vector<16xf32>
        %select_n3A_1850 = arith.select %eq3A_1848, %broadcast_in_dim3A_1849, %select_n3A_1818 : vector<16xi1>, vector<16xf32>
        %mul3A_1851 = arith.constant 50 : i32
        %mul3A_1852 = arith.muli %scan3A_431, %mul3A_1851 : i32
        %add3A_1853 = arith.constant 43 : i32
        %add3A_1854 = arith.addi %mul3A_1852, %add3A_1853 : i32
        %get3A_1855 = arith.index_cast %add3A_1854 : i32 to index
        %get3A_1856 = arith.constant 0 : index
        %get3A_1857 = tpu.vector_load %arg10[%get3A_1855, %get3A_1856] {strides = array<i32>} : memref<800x64xf32, #tpu.memory_space<vmem>>, vector<16xf32>,
        %mul3A_1858 = arith.mulf %get3A_433, %get3A_1857 : vector<16xf32>
        %get3A_1859 = arith.index_cast %add3A_1854 : i32 to index
        %get3A_1860 = arith.constant 16 : index
        %get3A_1861 = tpu.vector_load %arg10[%get3A_1859, %get3A_1860] {strides = array<i32>} : memref<800x64xf32, #tpu.memory_space<vmem>>, vector<16xf32>,
        %mul3A_1862 = arith.mulf %get3A_436, %get3A_1861 : vector<16xf32>
        %add3A_1863 = arith.addf %mul3A_1858, %mul3A_1862 : vector<16xf32>
        %get3A_1864 = arith.index_cast %add3A_1854 : i32 to index
        %get3A_1865 = arith.constant 32 : index
        %get3A_1866 = tpu.vector_load %arg10[%get3A_1864, %get3A_1865] {strides = array<i32>} : memref<800x64xf32, #tpu.memory_space<vmem>>, vector<16xf32>,
        %mul3A_1867 = arith.mulf %get3A_439, %get3A_1866 : vector<16xf32>
        %add3A_1868 = arith.addf %add3A_1863, %mul3A_1867 : vector<16xf32>
        %get3A_1869 = arith.index_cast %add3A_1854 : i32 to index
        %get3A_1870 = arith.constant 48 : index
        %get3A_1871 = tpu.vector_load %arg10[%get3A_1869, %get3A_1870] {strides = array<i32>} : memref<800x64xf32, #tpu.memory_space<vmem>>, vector<16xf32>,
        %mul3A_1872 = arith.mulf %get3A_442, %get3A_1871 : vector<16xf32>
        %add3A_1873 = arith.addf %add3A_1868, %mul3A_1872 : vector<16xf32>
        %reduce_sum3A_1874 = arith.constant true
        %reduce_sum3A_1875 = vector.broadcast %reduce_sum3A_1874 : i1 to vector<16xi1>
        %reduce_sum3A_1876 = tpu.scan <sum>, %add3A_1873 masked %reduce_sum3A_1875 : vector<16xf32>, vector<16xi1> -> vector<16xf32>
        %reduce_sum3A_1877 = vector.extract %reduce_sum3A_1876[15] : f32 from vector<16xf32>
        %eq3A_1878 = arith.constant 11 : i32
        %eq3A_1879 = vector.broadcast %eq3A_1878 : i32 to vector<16xi32>
        %eq3A_1880 = arith.cmpi eq, %iota3A, %eq3A_1879 : vector<16xi32>
        %broadcast_in_dim3A_1881 = vector.broadcast %reduce_sum3A_1877 : f32 to vector<16xf32>
        %select_n3A_1882 = arith.select %eq3A_1880, %broadcast_in_dim3A_1881, %select_n3A_1850 : vector<16xi1>, vector<16xf32>
        %mul3A_1883 = arith.constant 50 : i32
        %mul3A_1884 = arith.muli %scan3A_431, %mul3A_1883 : i32
        %add3A_1885 = arith.constant 44 : i32
        %add3A_1886 = arith.addi %mul3A_1884, %add3A_1885 : i32
        %get3A_1887 = arith.index_cast %add3A_1886 : i32 to index
        %get3A_1888 = arith.constant 0 : index
        %get3A_1889 = tpu.vector_load %arg10[%get3A_1887, %get3A_1888] {strides = array<i32>} : memref<800x64xf32, #tpu.memory_space<vmem>>, vector<16xf32>,
        %mul3A_1890 = arith.mulf %get3A_433, %get3A_1889 : vector<16xf32>
        %get3A_1891 = arith.index_cast %add3A_1886 : i32 to index
        %get3A_1892 = arith.constant 16 : index
        %get3A_1893 = tpu.vector_load %arg10[%get3A_1891, %get3A_1892] {strides = array<i32>} : memref<800x64xf32, #tpu.memory_space<vmem>>, vector<16xf32>,
        %mul3A_1894 = arith.mulf %get3A_436, %get3A_1893 : vector<16xf32>
        %add3A_1895 = arith.addf %mul3A_1890, %mul3A_1894 : vector<16xf32>
        %get3A_1896 = arith.index_cast %add3A_1886 : i32 to index
        %get3A_1897 = arith.constant 32 : index
        %get3A_1898 = tpu.vector_load %arg10[%get3A_1896, %get3A_1897] {strides = array<i32>} : memref<800x64xf32, #tpu.memory_space<vmem>>, vector<16xf32>,
        %mul3A_1899 = arith.mulf %get3A_439, %get3A_1898 : vector<16xf32>
        %add3A_1900 = arith.addf %add3A_1895, %mul3A_1899 : vector<16xf32>
        %get3A_1901 = arith.index_cast %add3A_1886 : i32 to index
        %get3A_1902 = arith.constant 48 : index
        %get3A_1903 = tpu.vector_load %arg10[%get3A_1901, %get3A_1902] {strides = array<i32>} : memref<800x64xf32, #tpu.memory_space<vmem>>, vector<16xf32>,
        %mul3A_1904 = arith.mulf %get3A_442, %get3A_1903 : vector<16xf32>
        %add3A_1905 = arith.addf %add3A_1900, %mul3A_1904 : vector<16xf32>
        %reduce_sum3A_1906 = arith.constant true
        %reduce_sum3A_1907 = vector.broadcast %reduce_sum3A_1906 : i1 to vector<16xi1>
        %reduce_sum3A_1908 = tpu.scan <sum>, %add3A_1905 masked %reduce_sum3A_1907 : vector<16xf32>, vector<16xi1> -> vector<16xf32>
        %reduce_sum3A_1909 = vector.extract %reduce_sum3A_1908[15] : f32 from vector<16xf32>
        %eq3A_1910 = arith.constant 12 : i32
        %eq3A_1911 = vector.broadcast %eq3A_1910 : i32 to vector<16xi32>
        %eq3A_1912 = arith.cmpi eq, %iota3A, %eq3A_1911 : vector<16xi32>
        %broadcast_in_dim3A_1913 = vector.broadcast %reduce_sum3A_1909 : f32 to vector<16xf32>
        %select_n3A_1914 = arith.select %eq3A_1912, %broadcast_in_dim3A_1913, %select_n3A_1882 : vector<16xi1>, vector<16xf32>
        %mul3A_1915 = arith.constant 50 : i32
        %mul3A_1916 = arith.muli %scan3A_431, %mul3A_1915 : i32
        %add3A_1917 = arith.constant 45 : i32
        %add3A_1918 = arith.addi %mul3A_1916, %add3A_1917 : i32
        %get3A_1919 = arith.index_cast %add3A_1918 : i32 to index
        %get3A_1920 = arith.constant 0 : index
        %get3A_1921 = tpu.vector_load %arg10[%get3A_1919, %get3A_1920] {strides = array<i32>} : memref<800x64xf32, #tpu.memory_space<vmem>>, vector<16xf32>,
        %mul3A_1922 = arith.mulf %get3A_433, %get3A_1921 : vector<16xf32>
        %get3A_1923 = arith.index_cast %add3A_1918 : i32 to index
        %get3A_1924 = arith.constant 16 : index
        %get3A_1925 = tpu.vector_load %arg10[%get3A_1923, %get3A_1924] {strides = array<i32>} : memref<800x64xf32, #tpu.memory_space<vmem>>, vector<16xf32>,
        %mul3A_1926 = arith.mulf %get3A_436, %get3A_1925 : vector<16xf32>
        %add3A_1927 = arith.addf %mul3A_1922, %mul3A_1926 : vector<16xf32>
        %get3A_1928 = arith.index_cast %add3A_1918 : i32 to index
        %get3A_1929 = arith.constant 32 : index
        %get3A_1930 = tpu.vector_load %arg10[%get3A_1928, %get3A_1929] {strides = array<i32>} : memref<800x64xf32, #tpu.memory_space<vmem>>, vector<16xf32>,
        %mul3A_1931 = arith.mulf %get3A_439, %get3A_1930 : vector<16xf32>
        %add3A_1932 = arith.addf %add3A_1927, %mul3A_1931 : vector<16xf32>
        %get3A_1933 = arith.index_cast %add3A_1918 : i32 to index
        %get3A_1934 = arith.constant 48 : index
        %get3A_1935 = tpu.vector_load %arg10[%get3A_1933, %get3A_1934] {strides = array<i32>} : memref<800x64xf32, #tpu.memory_space<vmem>>, vector<16xf32>,
        %mul3A_1936 = arith.mulf %get3A_442, %get3A_1935 : vector<16xf32>
        %add3A_1937 = arith.addf %add3A_1932, %mul3A_1936 : vector<16xf32>
        %reduce_sum3A_1938 = arith.constant true
        %reduce_sum3A_1939 = vector.broadcast %reduce_sum3A_1938 : i1 to vector<16xi1>
        %reduce_sum3A_1940 = tpu.scan <sum>, %add3A_1937 masked %reduce_sum3A_1939 : vector<16xf32>, vector<16xi1> -> vector<16xf32>
        %reduce_sum3A_1941 = vector.extract %reduce_sum3A_1940[15] : f32 from vector<16xf32>
        %eq3A_1942 = arith.constant 13 : i32
        %eq3A_1943 = vector.broadcast %eq3A_1942 : i32 to vector<16xi32>
        %eq3A_1944 = arith.cmpi eq, %iota3A, %eq3A_1943 : vector<16xi32>
        %broadcast_in_dim3A_1945 = vector.broadcast %reduce_sum3A_1941 : f32 to vector<16xf32>
        %select_n3A_1946 = arith.select %eq3A_1944, %broadcast_in_dim3A_1945, %select_n3A_1914 : vector<16xi1>, vector<16xf32>
        %mul3A_1947 = arith.constant 50 : i32
        %mul3A_1948 = arith.muli %scan3A_431, %mul3A_1947 : i32
        %add3A_1949 = arith.constant 46 : i32
        %add3A_1950 = arith.addi %mul3A_1948, %add3A_1949 : i32
        %get3A_1951 = arith.index_cast %add3A_1950 : i32 to index
        %get3A_1952 = arith.constant 0 : index
        %get3A_1953 = tpu.vector_load %arg10[%get3A_1951, %get3A_1952] {strides = array<i32>} : memref<800x64xf32, #tpu.memory_space<vmem>>, vector<16xf32>,
        %mul3A_1954 = arith.mulf %get3A_433, %get3A_1953 : vector<16xf32>
        %get3A_1955 = arith.index_cast %add3A_1950 : i32 to index
        %get3A_1956 = arith.constant 16 : index
        %get3A_1957 = tpu.vector_load %arg10[%get3A_1955, %get3A_1956] {strides = array<i32>} : memref<800x64xf32, #tpu.memory_space<vmem>>, vector<16xf32>,
        %mul3A_1958 = arith.mulf %get3A_436, %get3A_1957 : vector<16xf32>
        %add3A_1959 = arith.addf %mul3A_1954, %mul3A_1958 : vector<16xf32>
        %get3A_1960 = arith.index_cast %add3A_1950 : i32 to index
        %get3A_1961 = arith.constant 32 : index
        %get3A_1962 = tpu.vector_load %arg10[%get3A_1960, %get3A_1961] {strides = array<i32>} : memref<800x64xf32, #tpu.memory_space<vmem>>, vector<16xf32>,
        %mul3A_1963 = arith.mulf %get3A_439, %get3A_1962 : vector<16xf32>
        %add3A_1964 = arith.addf %add3A_1959, %mul3A_1963 : vector<16xf32>
        %get3A_1965 = arith.index_cast %add3A_1950 : i32 to index
        %get3A_1966 = arith.constant 48 : index
        %get3A_1967 = tpu.vector_load %arg10[%get3A_1965, %get3A_1966] {strides = array<i32>} : memref<800x64xf32, #tpu.memory_space<vmem>>, vector<16xf32>,
        %mul3A_1968 = arith.mulf %get3A_442, %get3A_1967 : vector<16xf32>
        %add3A_1969 = arith.addf %add3A_1964, %mul3A_1968 : vector<16xf32>
        %reduce_sum3A_1970 = arith.constant true
        %reduce_sum3A_1971 = vector.broadcast %reduce_sum3A_1970 : i1 to vector<16xi1>
        %reduce_sum3A_1972 = tpu.scan <sum>, %add3A_1969 masked %reduce_sum3A_1971 : vector<16xf32>, vector<16xi1> -> vector<16xf32>
        %reduce_sum3A_1973 = vector.extract %reduce_sum3A_1972[15] : f32 from vector<16xf32>
        %eq3A_1974 = arith.constant 14 : i32
        %eq3A_1975 = vector.broadcast %eq3A_1974 : i32 to vector<16xi32>
        %eq3A_1976 = arith.cmpi eq, %iota3A, %eq3A_1975 : vector<16xi32>
        %broadcast_in_dim3A_1977 = vector.broadcast %reduce_sum3A_1973 : f32 to vector<16xf32>
        %select_n3A_1978 = arith.select %eq3A_1976, %broadcast_in_dim3A_1977, %select_n3A_1946 : vector<16xi1>, vector<16xf32>
        %mul3A_1979 = arith.constant 50 : i32
        %mul3A_1980 = arith.muli %scan3A_431, %mul3A_1979 : i32
        %add3A_1981 = arith.constant 47 : i32
        %add3A_1982 = arith.addi %mul3A_1980, %add3A_1981 : i32
        %get3A_1983 = arith.index_cast %add3A_1982 : i32 to index
        %get3A_1984 = arith.constant 0 : index
        %get3A_1985 = tpu.vector_load %arg10[%get3A_1983, %get3A_1984] {strides = array<i32>} : memref<800x64xf32, #tpu.memory_space<vmem>>, vector<16xf32>,
        %mul3A_1986 = arith.mulf %get3A_433, %get3A_1985 : vector<16xf32>
        %get3A_1987 = arith.index_cast %add3A_1982 : i32 to index
        %get3A_1988 = arith.constant 16 : index
        %get3A_1989 = tpu.vector_load %arg10[%get3A_1987, %get3A_1988] {strides = array<i32>} : memref<800x64xf32, #tpu.memory_space<vmem>>, vector<16xf32>,
        %mul3A_1990 = arith.mulf %get3A_436, %get3A_1989 : vector<16xf32>
        %add3A_1991 = arith.addf %mul3A_1986, %mul3A_1990 : vector<16xf32>
        %get3A_1992 = arith.index_cast %add3A_1982 : i32 to index
        %get3A_1993 = arith.constant 32 : index
        %get3A_1994 = tpu.vector_load %arg10[%get3A_1992, %get3A_1993] {strides = array<i32>} : memref<800x64xf32, #tpu.memory_space<vmem>>, vector<16xf32>,
        %mul3A_1995 = arith.mulf %get3A_439, %get3A_1994 : vector<16xf32>
        %add3A_1996 = arith.addf %add3A_1991, %mul3A_1995 : vector<16xf32>
        %get3A_1997 = arith.index_cast %add3A_1982 : i32 to index
        %get3A_1998 = arith.constant 48 : index
        %get3A_1999 = tpu.vector_load %arg10[%get3A_1997, %get3A_1998] {strides = array<i32>} : memref<800x64xf32, #tpu.memory_space<vmem>>, vector<16xf32>,
        %mul3A_2000 = arith.mulf %get3A_442, %get3A_1999 : vector<16xf32>
        %add3A_2001 = arith.addf %add3A_1996, %mul3A_2000 : vector<16xf32>
        %reduce_sum3A_2002 = arith.constant true
        %reduce_sum3A_2003 = vector.broadcast %reduce_sum3A_2002 : i1 to vector<16xi1>
        %reduce_sum3A_2004 = tpu.scan <sum>, %add3A_2001 masked %reduce_sum3A_2003 : vector<16xf32>, vector<16xi1> -> vector<16xf32>
        %reduce_sum3A_2005 = vector.extract %reduce_sum3A_2004[15] : f32 from vector<16xf32>
        %eq3A_2006 = arith.constant 15 : i32
        %eq3A_2007 = vector.broadcast %eq3A_2006 : i32 to vector<16xi32>
        %eq3A_2008 = arith.cmpi eq, %iota3A, %eq3A_2007 : vector<16xi32>
        %broadcast_in_dim3A_2009 = vector.broadcast %reduce_sum3A_2005 : f32 to vector<16xf32>
        %select_n3A_2010 = arith.select %eq3A_2008, %broadcast_in_dim3A_2009, %select_n3A_1978 : vector<16xi1>, vector<16xf32>
        %neg3A_2011 = arith.constant 0.000000e+00 : f32
        %neg3A_2012 = vector.broadcast %neg3A_2011 : f32 to vector<16xf32>
        %neg3A_2013 = arith.subf %neg3A_2012, %select_n3A_2010 : vector<16xf32>
        %exp3A_2014 = math.exp %neg3A_2013 : vector<16xf32>
        %add3A_2015 = arith.constant 1.000000e+00 : f32
        %add3A_2016 = vector.broadcast %add3A_2015 : f32 to vector<16xf32>
        %add3A_2017 = arith.addf %add3A_2016, %exp3A_2014 : vector<16xf32>
        %div3A_2018 = arith.constant 1.000000e+00 : f32
        %div3A_2019 = vector.broadcast %div3A_2018 : f32 to vector<16xf32>
        %div3A_2020 = arith.divf %div3A_2019, %add3A_2017 : vector<16xf32>
        %mul3A_2021 = arith.constant 50 : i32
        %mul3A_2022 = arith.muli %scan3A_431, %mul3A_2021 : i32
        %add3A_2023 = arith.constant 32 : i32
        %add3A_2024 = arith.addi %mul3A_2022, %add3A_2023 : i32
        %swap3A_2025 = arith.index_cast %add3A_2024 : i32 to index
        %swap3A_2026 = tpu.vector_load %arg14[%swap3A_2025] {strides = array<i32>} : memref<816xf32, #tpu.memory_space<vmem>>, vector<16xf32>,
        tpu.vector_store %arg14[%swap3A_2025], %div3A_2020 {strides = array<i32>} : memref<816xf32, #tpu.memory_space<vmem>>, vector<16xf32>,
        %broadcast_in_dim3A_2027 = arith.constant 0.000000e+00 : f32
        %broadcast_in_dim3A_2028 = vector.broadcast %broadcast_in_dim3A_2027 : f32 to vector<16xf32>
        %mul3A_2029 = arith.constant 50 : i32
        %mul3A_2030 = arith.muli %scan3A_431, %mul3A_2029 : i32
        %add3A_2031 = arith.constant 48 : i32
        %add3A_2032 = arith.addi %mul3A_2030, %add3A_2031 : i32
        %get3A_2033 = arith.index_cast %add3A_2032 : i32 to index
        %get3A_2034 = arith.constant 0 : index
        %get3A_2035 = tpu.vector_load %arg10[%get3A_2033, %get3A_2034] {strides = array<i32>} : memref<800x64xf32, #tpu.memory_space<vmem>>, vector<16xf32>,
        %mul3A_2036 = arith.mulf %get3A_433, %get3A_2035 : vector<16xf32>
        %get3A_2037 = arith.index_cast %add3A_2032 : i32 to index
        %get3A_2038 = arith.constant 16 : index
        %get3A_2039 = tpu.vector_load %arg10[%get3A_2037, %get3A_2038] {strides = array<i32>} : memref<800x64xf32, #tpu.memory_space<vmem>>, vector<16xf32>,
        %mul3A_2040 = arith.mulf %get3A_436, %get3A_2039 : vector<16xf32>
        %add3A_2041 = arith.addf %mul3A_2036, %mul3A_2040 : vector<16xf32>
        %get3A_2042 = arith.index_cast %add3A_2032 : i32 to index
        %get3A_2043 = arith.constant 32 : index
        %get3A_2044 = tpu.vector_load %arg10[%get3A_2042, %get3A_2043] {strides = array<i32>} : memref<800x64xf32, #tpu.memory_space<vmem>>, vector<16xf32>,
        %mul3A_2045 = arith.mulf %get3A_439, %get3A_2044 : vector<16xf32>
        %add3A_2046 = arith.addf %add3A_2041, %mul3A_2045 : vector<16xf32>
        %get3A_2047 = arith.index_cast %add3A_2032 : i32 to index
        %get3A_2048 = arith.constant 48 : index
        %get3A_2049 = tpu.vector_load %arg10[%get3A_2047, %get3A_2048] {strides = array<i32>} : memref<800x64xf32, #tpu.memory_space<vmem>>, vector<16xf32>,
        %mul3A_2050 = arith.mulf %get3A_442, %get3A_2049 : vector<16xf32>
        %add3A_2051 = arith.addf %add3A_2046, %mul3A_2050 : vector<16xf32>
        %reduce_sum3A_2052 = arith.constant true
        %reduce_sum3A_2053 = vector.broadcast %reduce_sum3A_2052 : i1 to vector<16xi1>
        %reduce_sum3A_2054 = tpu.scan <sum>, %add3A_2051 masked %reduce_sum3A_2053 : vector<16xf32>, vector<16xi1> -> vector<16xf32>
        %reduce_sum3A_2055 = vector.extract %reduce_sum3A_2054[15] : f32 from vector<16xf32>
        %eq3A_2056 = arith.constant 0 : i32
        %eq3A_2057 = vector.broadcast %eq3A_2056 : i32 to vector<16xi32>
        %eq3A_2058 = arith.cmpi eq, %iota3A, %eq3A_2057 : vector<16xi32>
        %broadcast_in_dim3A_2059 = vector.broadcast %reduce_sum3A_2055 : f32 to vector<16xf32>
        %select_n3A_2060 = arith.select %eq3A_2058, %broadcast_in_dim3A_2059, %broadcast_in_dim3A_2028 : vector<16xi1>, vector<16xf32>
        %mul3A_2061 = arith.constant 50 : i32
        %mul3A_2062 = arith.muli %scan3A_431, %mul3A_2061 : i32
        %add3A_2063 = arith.constant 49 : i32
        %add3A_2064 = arith.addi %mul3A_2062, %add3A_2063 : i32
        %get3A_2065 = arith.index_cast %add3A_2064 : i32 to index
        %get3A_2066 = arith.constant 0 : index
        %get3A_2067 = tpu.vector_load %arg10[%get3A_2065, %get3A_2066] {strides = array<i32>} : memref<800x64xf32, #tpu.memory_space<vmem>>, vector<16xf32>,
        %mul3A_2068 = arith.mulf %get3A_433, %get3A_2067 : vector<16xf32>
        %get3A_2069 = arith.index_cast %add3A_2064 : i32 to index
        %get3A_2070 = arith.constant 16 : index
        %get3A_2071 = tpu.vector_load %arg10[%get3A_2069, %get3A_2070] {strides = array<i32>} : memref<800x64xf32, #tpu.memory_space<vmem>>, vector<16xf32>,
        %mul3A_2072 = arith.mulf %get3A_436, %get3A_2071 : vector<16xf32>
        %add3A_2073 = arith.addf %mul3A_2068, %mul3A_2072 : vector<16xf32>
        %get3A_2074 = arith.index_cast %add3A_2064 : i32 to index
        %get3A_2075 = arith.constant 32 : index
        %get3A_2076 = tpu.vector_load %arg10[%get3A_2074, %get3A_2075] {strides = array<i32>} : memref<800x64xf32, #tpu.memory_space<vmem>>, vector<16xf32>,
        %mul3A_2077 = arith.mulf %get3A_439, %get3A_2076 : vector<16xf32>
        %add3A_2078 = arith.addf %add3A_2073, %mul3A_2077 : vector<16xf32>
        %get3A_2079 = arith.index_cast %add3A_2064 : i32 to index
        %get3A_2080 = arith.constant 48 : index
        %get3A_2081 = tpu.vector_load %arg10[%get3A_2079, %get3A_2080] {strides = array<i32>} : memref<800x64xf32, #tpu.memory_space<vmem>>, vector<16xf32>,
        %mul3A_2082 = arith.mulf %get3A_442, %get3A_2081 : vector<16xf32>
        %add3A_2083 = arith.addf %add3A_2078, %mul3A_2082 : vector<16xf32>
        %reduce_sum3A_2084 = arith.constant true
        %reduce_sum3A_2085 = vector.broadcast %reduce_sum3A_2084 : i1 to vector<16xi1>
        %reduce_sum3A_2086 = tpu.scan <sum>, %add3A_2083 masked %reduce_sum3A_2085 : vector<16xf32>, vector<16xi1> -> vector<16xf32>
        %reduce_sum3A_2087 = vector.extract %reduce_sum3A_2086[15] : f32 from vector<16xf32>
        %eq3A_2088 = arith.constant 1 : i32
        %eq3A_2089 = vector.broadcast %eq3A_2088 : i32 to vector<16xi32>
        %eq3A_2090 = arith.cmpi eq, %iota3A, %eq3A_2089 : vector<16xi32>
        %broadcast_in_dim3A_2091 = vector.broadcast %reduce_sum3A_2087 : f32 to vector<16xf32>
        %select_n3A_2092 = arith.select %eq3A_2090, %broadcast_in_dim3A_2091, %select_n3A_2060 : vector<16xi1>, vector<16xf32>
        %neg3A_2093 = arith.constant 0.000000e+00 : f32
        %neg3A_2094 = vector.broadcast %neg3A_2093 : f32 to vector<16xf32>
        %neg3A_2095 = arith.subf %neg3A_2094, %select_n3A_2092 : vector<16xf32>
        %exp3A_2096 = math.exp %neg3A_2095 : vector<16xf32>
        %add3A_2097 = arith.constant 1.000000e+00 : f32
        %add3A_2098 = vector.broadcast %add3A_2097 : f32 to vector<16xf32>
        %add3A_2099 = arith.addf %add3A_2098, %exp3A_2096 : vector<16xf32>
        %div3A_2100 = arith.constant 1.000000e+00 : f32
        %div3A_2101 = vector.broadcast %div3A_2100 : f32 to vector<16xf32>
        %div3A_2102 = arith.divf %div3A_2101, %add3A_2099 : vector<16xf32>
        %mul3A_2103 = arith.constant 50 : i32
        %mul3A_2104 = arith.muli %scan3A_431, %mul3A_2103 : i32
        %add3A_2105 = arith.constant 48 : i32
        %add3A_2106 = arith.addi %mul3A_2104, %add3A_2105 : i32
        %swap3A_2107 = arith.index_cast %add3A_2106 : i32 to index
        %swap3A_2108 = tpu.vector_load %arg14[%swap3A_2107] {strides = array<i32>} : memref<816xf32, #tpu.memory_space<vmem>>, vector<16xf32>,
        tpu.vector_store %arg14[%swap3A_2107], %div3A_2102 {strides = array<i32>} : memref<816xf32, #tpu.memory_space<vmem>>, vector<16xf32>,
      }
      %scan3A_324 = arith.constant 16 : i32
      %mul3A_325 = arith.constant 50 : i32
      %mul3A_326 = arith.muli %add3A_318, %mul3A_325 : i32
      %multiple_of3A_327 = tpu.assume_multiple %mul3A_326, 8 : i32
      "tpu.region"() ({
        %run_scoped3A = tpu.sem_alloc : memref<!tpu.dma_semaphore, #tpu.memory_space<semaphore_mem>>
        %dma_start3A_431 = arith.constant 0 : i32
        %dma_start3A_432 = tpu.memref_slice %arg14[%dma_start3A_431] : memref<816xf32, #tpu.memory_space<vmem>> -> memref<800xf32, #tpu.memory_space<vmem>>
        %dma_start3A_433 = tpu.memref_slice %arg5[%multiple_of3A_327] : memref<819200xf32, #tpu.memory_space<hbm>> -> memref<800xf32, #tpu.memory_space<hbm>>
        %dma_start3A_434 = tpu.memref_slice %arg5[%multiple_of3A_327] : memref<819200xf32, #tpu.memory_space<hbm>> -> memref<800xf32, #tpu.memory_space<hbm>>
        %dma_start3A_435 = arith.constant 0 : i32
        %dma_start3A_436 = tpu.memref_slice %arg14[%dma_start3A_435] : memref<816xf32, #tpu.memory_space<vmem>> -> memref<800xf32, #tpu.memory_space<vmem>>
        tpu.enqueue_dma source(%dma_start3A_436 : memref<800xf32, #tpu.memory_space<vmem>>) target(%dma_start3A_434 : memref<800xf32, #tpu.memory_space<hbm>>) target_semaphore(%run_scoped3A : memref<!tpu.dma_semaphore, #tpu.memory_space<semaphore_mem>>)
        %dma_wait3A_437 = arith.constant 0 : i32
        %dma_wait3A_438 = tpu.memref_slice %arg14[%dma_wait3A_437] : memref<816xf32, #tpu.memory_space<vmem>> -> memref<800xf32, #tpu.memory_space<vmem>>
        %dma_wait3A_439 = tpu.memref_slice %arg5[%multiple_of3A_327] : memref<819200xf32, #tpu.memory_space<hbm>> -> memref<800xf32, #tpu.memory_space<hbm>>
        %dma_wait3A_440 = tpu.memref_slice %arg5[%multiple_of3A_327] : memref<819200xf32, #tpu.memory_space<hbm>> -> memref<800xf32, #tpu.memory_space<hbm>>
        %dma_wait3A_441 = arith.constant 0 : i32
        %dma_wait3A_442 = tpu.memref_slice %arg14[%dma_wait3A_441] : memref<816xf32, #tpu.memory_space<vmem>> -> memref<800xf32, #tpu.memory_space<vmem>>
        tpu.wait_dma2 semaphore(%run_scoped3A : memref<!tpu.dma_semaphore, #tpu.memory_space<semaphore_mem>>) src(%dma_wait3A_442 : memref<800xf32, #tpu.memory_space<vmem>>) dst(%dma_wait3A_440 : memref<800xf32, #tpu.memory_space<hbm>>)
        tpu.yield
      }) : () -> ()
      %dma_wait3A_328 = arith.constant 0 : i32
      %dma_wait3A_329 = arith.constant 0 : i32
      %dma_wait3A_330 = arith.constant 0 : i32
      %dma_wait3A_331 = tpu.memref_slice %arg11[%dma_wait3A_329, %dma_wait3A_330] : memref<800x64xf32, #tpu.memory_space<vmem>> -> memref<100x64xf32, #tpu.memory_space<vmem>>
      %dma_wait3A_332 = arith.constant 0 : i32
      %dma_wait3A_333 = tpu.memref_slice %arg7[%dma_wait3A_328, %dma_wait3A_332] : memref<8x100xi32, #tpu.memory_space<vmem>> -> memref<1x100xi32, #tpu.memory_space<vmem>>
      %dma_wait3A_334 = tpu.memref_squeeze %dma_wait3A_333 : memref<1x100xi32, #tpu.memory_space<vmem>> -> memref<100xi32, #tpu.memory_space<vmem>>
      %dma_wait3A_335 = arith.constant 0 : i32
      %dma_wait3A_336 = arith.constant 0 : i32
      %dma_wait3A_337 = tpu.memref_slice %arg4[%dma_wait3A_335, %dma_wait3A_336] : memref<1000000x64xf32, #tpu.memory_space<hbm>> -> memref<1000000x64xf32, #tpu.memory_space<hbm>>
      tpu.wait_indirect_dma semaphore(%arg16 : memref<!tpu.dma_semaphore, #tpu.memory_space<semaphore_mem>>) src(%dma_wait3A_337 : memref<1000000x64xf32, #tpu.memory_space<hbm>>) dst(%dma_wait3A_331 : memref<100x64xf32, #tpu.memory_space<vmem>>)
      %dma_wait3A_338 = arith.constant 1 : i32
      %dma_wait3A_339 = arith.constant 100 : i32
      %dma_wait3A_340 = arith.constant 0 : i32
      %dma_wait3A_341 = tpu.memref_slice %arg11[%dma_wait3A_339, %dma_wait3A_340] : memref<800x64xf32, #tpu.memory_space<vmem>> -> memref<100x64xf32, #tpu.memory_space<vmem>>
      %dma_wait3A_342 = arith.constant 0 : i32
      %dma_wait3A_343 = tpu.memref_slice %arg7[%dma_wait3A_338, %dma_wait3A_342] : memref<8x100xi32, #tpu.memory_space<vmem>> -> memref<1x100xi32, #tpu.memory_space<vmem>>
      %dma_wait3A_344 = tpu.memref_squeeze %dma_wait3A_343 : memref<1x100xi32, #tpu.memory_space<vmem>> -> memref<100xi32, #tpu.memory_space<vmem>>
      %dma_wait3A_345 = arith.constant 0 : i32
      %dma_wait3A_346 = arith.constant 0 : i32
      %dma_wait3A_347 = tpu.memref_slice %arg4[%dma_wait3A_345, %dma_wait3A_346] : memref<1000000x64xf32, #tpu.memory_space<hbm>> -> memref<1000000x64xf32, #tpu.memory_space<hbm>>
      tpu.wait_indirect_dma semaphore(%arg16 : memref<!tpu.dma_semaphore, #tpu.memory_space<semaphore_mem>>) src(%dma_wait3A_347 : memref<1000000x64xf32, #tpu.memory_space<hbm>>) dst(%dma_wait3A_341 : memref<100x64xf32, #tpu.memory_space<vmem>>)
      %dma_wait3A_348 = arith.constant 2 : i32
      %dma_wait3A_349 = arith.constant 200 : i32
      %dma_wait3A_350 = arith.constant 0 : i32
      %dma_wait3A_351 = tpu.memref_slice %arg11[%dma_wait3A_349, %dma_wait3A_350] : memref<800x64xf32, #tpu.memory_space<vmem>> -> memref<100x64xf32, #tpu.memory_space<vmem>>
      %dma_wait3A_352 = arith.constant 0 : i32
      %dma_wait3A_353 = tpu.memref_slice %arg7[%dma_wait3A_348, %dma_wait3A_352] : memref<8x100xi32, #tpu.memory_space<vmem>> -> memref<1x100xi32, #tpu.memory_space<vmem>>
      %dma_wait3A_354 = tpu.memref_squeeze %dma_wait3A_353 : memref<1x100xi32, #tpu.memory_space<vmem>> -> memref<100xi32, #tpu.memory_space<vmem>>
      %dma_wait3A_355 = arith.constant 0 : i32
      %dma_wait3A_356 = arith.constant 0 : i32
      %dma_wait3A_357 = tpu.memref_slice %arg4[%dma_wait3A_355, %dma_wait3A_356] : memref<1000000x64xf32, #tpu.memory_space<hbm>> -> memref<1000000x64xf32, #tpu.memory_space<hbm>>
      tpu.wait_indirect_dma semaphore(%arg16 : memref<!tpu.dma_semaphore, #tpu.memory_space<semaphore_mem>>) src(%dma_wait3A_357 : memref<1000000x64xf32, #tpu.memory_space<hbm>>) dst(%dma_wait3A_351 : memref<100x64xf32, #tpu.memory_space<vmem>>)
      %dma_wait3A_358 = arith.constant 3 : i32
      %dma_wait3A_359 = arith.constant 300 : i32
      %dma_wait3A_360 = arith.constant 0 : i32
      %dma_wait3A_361 = tpu.memref_slice %arg11[%dma_wait3A_359, %dma_wait3A_360] : memref<800x64xf32, #tpu.memory_space<vmem>> -> memref<100x64xf32, #tpu.memory_space<vmem>>
      %dma_wait3A_362 = arith.constant 0 : i32
      %dma_wait3A_363 = tpu.memref_slice %arg7[%dma_wait3A_358, %dma_wait3A_362] : memref<8x100xi32, #tpu.memory_space<vmem>> -> memref<1x100xi32, #tpu.memory_space<vmem>>
      %dma_wait3A_364 = tpu.memref_squeeze %dma_wait3A_363 : memref<1x100xi32, #tpu.memory_space<vmem>> -> memref<100xi32, #tpu.memory_space<vmem>>
      %dma_wait3A_365 = arith.constant 0 : i32
      %dma_wait3A_366 = arith.constant 0 : i32
      %dma_wait3A_367 = tpu.memref_slice %arg4[%dma_wait3A_365, %dma_wait3A_366] : memref<1000000x64xf32, #tpu.memory_space<hbm>> -> memref<1000000x64xf32, #tpu.memory_space<hbm>>
      tpu.wait_indirect_dma semaphore(%arg16 : memref<!tpu.dma_semaphore, #tpu.memory_space<semaphore_mem>>) src(%dma_wait3A_367 : memref<1000000x64xf32, #tpu.memory_space<hbm>>) dst(%dma_wait3A_361 : memref<100x64xf32, #tpu.memory_space<vmem>>)
      %dma_wait3A_368 = arith.constant 4 : i32
      %dma_wait3A_369 = arith.constant 400 : i32
      %dma_wait3A_370 = arith.constant 0 : i32
      %dma_wait3A_371 = tpu.memref_slice %arg11[%dma_wait3A_369, %dma_wait3A_370] : memref<800x64xf32, #tpu.memory_space<vmem>> -> memref<100x64xf32, #tpu.memory_space<vmem>>
      %dma_wait3A_372 = arith.constant 0 : i32
      %dma_wait3A_373 = tpu.memref_slice %arg7[%dma_wait3A_368, %dma_wait3A_372] : memref<8x100xi32, #tpu.memory_space<vmem>> -> memref<1x100xi32, #tpu.memory_space<vmem>>
      %dma_wait3A_374 = tpu.memref_squeeze %dma_wait3A_373 : memref<1x100xi32, #tpu.memory_space<vmem>> -> memref<100xi32, #tpu.memory_space<vmem>>
      %dma_wait3A_375 = arith.constant 0 : i32
      %dma_wait3A_376 = arith.constant 0 : i32
      %dma_wait3A_377 = tpu.memref_slice %arg4[%dma_wait3A_375, %dma_wait3A_376] : memref<1000000x64xf32, #tpu.memory_space<hbm>> -> memref<1000000x64xf32, #tpu.memory_space<hbm>>
      tpu.wait_indirect_dma semaphore(%arg16 : memref<!tpu.dma_semaphore, #tpu.memory_space<semaphore_mem>>) src(%dma_wait3A_377 : memref<1000000x64xf32, #tpu.memory_space<hbm>>) dst(%dma_wait3A_371 : memref<100x64xf32, #tpu.memory_space<vmem>>)
      %dma_wait3A_378 = arith.constant 5 : i32
      %dma_wait3A_379 = arith.constant 500 : i32
      %dma_wait3A_380 = arith.constant 0 : i32
      %dma_wait3A_381 = tpu.memref_slice %arg11[%dma_wait3A_379, %dma_wait3A_380] : memref<800x64xf32, #tpu.memory_space<vmem>> -> memref<100x64xf32, #tpu.memory_space<vmem>>
      %dma_wait3A_382 = arith.constant 0 : i32
      %dma_wait3A_383 = tpu.memref_slice %arg7[%dma_wait3A_378, %dma_wait3A_382] : memref<8x100xi32, #tpu.memory_space<vmem>> -> memref<1x100xi32, #tpu.memory_space<vmem>>
      %dma_wait3A_384 = tpu.memref_squeeze %dma_wait3A_383 : memref<1x100xi32, #tpu.memory_space<vmem>> -> memref<100xi32, #tpu.memory_space<vmem>>
      %dma_wait3A_385 = arith.constant 0 : i32
      %dma_wait3A_386 = arith.constant 0 : i32
      %dma_wait3A_387 = tpu.memref_slice %arg4[%dma_wait3A_385, %dma_wait3A_386] : memref<1000000x64xf32, #tpu.memory_space<hbm>> -> memref<1000000x64xf32, #tpu.memory_space<hbm>>
      tpu.wait_indirect_dma semaphore(%arg16 : memref<!tpu.dma_semaphore, #tpu.memory_space<semaphore_mem>>) src(%dma_wait3A_387 : memref<1000000x64xf32, #tpu.memory_space<hbm>>) dst(%dma_wait3A_381 : memref<100x64xf32, #tpu.memory_space<vmem>>)
      %dma_wait3A_388 = arith.constant 6 : i32
      %dma_wait3A_389 = arith.constant 600 : i32
      %dma_wait3A_390 = arith.constant 0 : i32
      %dma_wait3A_391 = tpu.memref_slice %arg11[%dma_wait3A_389, %dma_wait3A_390] : memref<800x64xf32, #tpu.memory_space<vmem>> -> memref<100x64xf32, #tpu.memory_space<vmem>>
      %dma_wait3A_392 = arith.constant 0 : i32
      %dma_wait3A_393 = tpu.memref_slice %arg7[%dma_wait3A_388, %dma_wait3A_392] : memref<8x100xi32, #tpu.memory_space<vmem>> -> memref<1x100xi32, #tpu.memory_space<vmem>>
      %dma_wait3A_394 = tpu.memref_squeeze %dma_wait3A_393 : memref<1x100xi32, #tpu.memory_space<vmem>> -> memref<100xi32, #tpu.memory_space<vmem>>
      %dma_wait3A_395 = arith.constant 0 : i32
      %dma_wait3A_396 = arith.constant 0 : i32
      %dma_wait3A_397 = tpu.memref_slice %arg4[%dma_wait3A_395, %dma_wait3A_396] : memref<1000000x64xf32, #tpu.memory_space<hbm>> -> memref<1000000x64xf32, #tpu.memory_space<hbm>>
      tpu.wait_indirect_dma semaphore(%arg16 : memref<!tpu.dma_semaphore, #tpu.memory_space<semaphore_mem>>) src(%dma_wait3A_397 : memref<1000000x64xf32, #tpu.memory_space<hbm>>) dst(%dma_wait3A_391 : memref<100x64xf32, #tpu.memory_space<vmem>>)
      %dma_wait3A_398 = arith.constant 7 : i32
      %dma_wait3A_399 = arith.constant 700 : i32
      %dma_wait3A_400 = arith.constant 0 : i32
      %dma_wait3A_401 = tpu.memref_slice %arg11[%dma_wait3A_399, %dma_wait3A_400] : memref<800x64xf32, #tpu.memory_space<vmem>> -> memref<100x64xf32, #tpu.memory_space<vmem>>
      %dma_wait3A_402 = arith.constant 0 : i32
      %dma_wait3A_403 = tpu.memref_slice %arg7[%dma_wait3A_398, %dma_wait3A_402] : memref<8x100xi32, #tpu.memory_space<vmem>> -> memref<1x100xi32, #tpu.memory_space<vmem>>
      %dma_wait3A_404 = tpu.memref_squeeze %dma_wait3A_403 : memref<1x100xi32, #tpu.memory_space<vmem>> -> memref<100xi32, #tpu.memory_space<vmem>>
      %dma_wait3A_405 = arith.constant 0 : i32
      %dma_wait3A_406 = arith.constant 0 : i32
      %dma_wait3A_407 = tpu.memref_slice %arg4[%dma_wait3A_405, %dma_wait3A_406] : memref<1000000x64xf32, #tpu.memory_space<hbm>> -> memref<1000000x64xf32, #tpu.memory_space<hbm>>
      tpu.wait_indirect_dma semaphore(%arg16 : memref<!tpu.dma_semaphore, #tpu.memory_space<semaphore_mem>>) src(%dma_wait3A_407 : memref<1000000x64xf32, #tpu.memory_space<hbm>>) dst(%dma_wait3A_401 : memref<100x64xf32, #tpu.memory_space<vmem>>)
      %dma_wait3A_408 = arith.constant 0 : i32
      %dma_wait3A_409 = arith.constant 0 : i32
      %dma_wait3A_410 = tpu.memref_slice %arg4[%dma_wait3A_408, %dma_wait3A_409] : memref<1000000x64xf32, #tpu.memory_space<hbm>> -> memref<1000000x64xf32, #tpu.memory_space<hbm>>
      tpu.wait_indirect_dma semaphore(%arg16 : memref<!tpu.dma_semaphore, #tpu.memory_space<semaphore_mem>>) src(%dma_wait3A_410 : memref<1000000x64xf32, #tpu.memory_space<hbm>>) dst(%arg13 : memref<16x64xf32, #tpu.memory_space<vmem>>)
      %add3A_411 = arith.constant 1 : i32
      %add3A_412 = arith.addi %scan3A_111, %add3A_411 : i32
      %lt3A = arith.constant 16 : i32
      %lt3A_413 = arith.cmpi slt, %add3A_412, %lt3A : i32
      %convert_element_type3A = arith.extui %lt3A_413 : i1 to i32
      %cond3A = arith.constant 0 : i32
      %cond3A_414 = arith.cmpi ne, %convert_element_type3A, %cond3A : i32
      scf.if %cond3A_414 {
        %add3A_431 = arith.constant 2 : i32
        %add3A_432 = arith.addi %mul3A_113, %add3A_431 : i32
        %mul3A_433 = arith.constant 512 : i32
        %mul3A_434 = arith.muli %add3A, %mul3A_433 : i32
        %mul3A_435 = arith.constant 16 : i32
        %mul3A_436 = arith.muli %add3A_432, %mul3A_435 : i32
        %add3A_437 = arith.addi %mul3A_434, %mul3A_436 : i32
        %mul3A_438 = arith.constant 50 : i32
        %mul3A_439 = arith.muli %add3A_437, %mul3A_438 : i32
        %jit3A_440 = arith.constant 100 : i32
        %div3A_441 = arith.divsi %mul3A_439, %jit3A_440 : i32
        %sign3A_442 = arith.constant 0 : i32
        %sign3A_443 = arith.cmpi sgt, %mul3A_439, %sign3A_442 : i32
        %sign3A_444 = arith.extui %sign3A_443 : i1 to i32
        %sign3A_445 = arith.constant 0 : i32
        %sign3A_446 = arith.cmpi slt, %mul3A_439, %sign3A_445 : i32
        %sign3A_447 = arith.extui %sign3A_446 : i1 to i32
        %sign3A_448 = arith.subi %sign3A_444, %sign3A_447 : i32
        %sign3A_449 = arith.constant 0 : i32
        %sign3A_450 = arith.cmpi sgt, %jit3A_440, %sign3A_449 : i32
        %sign3A_451 = arith.extui %sign3A_450 : i1 to i32
        %sign3A_452 = arith.constant 0 : i32
        %sign3A_453 = arith.cmpi slt, %jit3A_440, %sign3A_452 : i32
        %sign3A_454 = arith.extui %sign3A_453 : i1 to i32
        %sign3A_455 = arith.subi %sign3A_451, %sign3A_454 : i32
        %ne3A_456 = arith.cmpi ne, %sign3A_448, %sign3A_455 : i32
        %rem3A_457 = arith.remsi %mul3A_439, %jit3A_440 : i32
        %ne3A_458 = arith.constant 0 : i32
        %ne3A_459 = arith.cmpi ne, %rem3A_457, %ne3A_458 : i32
        %and3A_460 = arith.andi %ne3A_456, %ne3A_459 : i1
        %sub3A_461 = arith.constant 1 : i32
        %sub3A_462 = arith.subi %div3A_441, %sub3A_461 : i32
        %select_n3A_463 = arith.select %and3A_460, %sub3A_462, %div3A_441 : i32
        %multiple_of3A_464 = tpu.assume_multiple %select_n3A_463, 8 : i32
        "tpu.region"() ({
          %run_scoped3A = tpu.sem_alloc : memref<!tpu.dma_semaphore, #tpu.memory_space<semaphore_mem>>
          %dma_start3A_549 = arith.constant 0 : i32
          %dma_start3A_550 = tpu.memref_slice %arg3[%multiple_of3A_464, %dma_start3A_549] : memref<8192x100xi32, #tpu.memory_space<hbm>> -> memref<8x100xi32, #tpu.memory_space<hbm>>
          %dma_start3A_551 = arith.constant 0 : i32
          %dma_start3A_552 = tpu.memref_slice %arg3[%multiple_of3A_464, %dma_start3A_551] : memref<8192x100xi32, #tpu.memory_space<hbm>> -> memref<8x100xi32, #tpu.memory_space<hbm>>
          tpu.enqueue_dma source(%dma_start3A_552 : memref<8x100xi32, #tpu.memory_space<hbm>>) target(%arg6 : memref<8x100xi32, #tpu.memory_space<vmem>>) target_semaphore(%run_scoped3A : memref<!tpu.dma_semaphore, #tpu.memory_space<semaphore_mem>>)
          %dma_wait3A_553 = arith.constant 0 : i32
          %dma_wait3A_554 = tpu.memref_slice %arg3[%multiple_of3A_464, %dma_wait3A_553] : memref<8192x100xi32, #tpu.memory_space<hbm>> -> memref<8x100xi32, #tpu.memory_space<hbm>>
          %dma_wait3A_555 = arith.constant 0 : i32
          %dma_wait3A_556 = tpu.memref_slice %arg3[%multiple_of3A_464, %dma_wait3A_555] : memref<8192x100xi32, #tpu.memory_space<hbm>> -> memref<8x100xi32, #tpu.memory_space<hbm>>
          tpu.wait_dma2 semaphore(%run_scoped3A : memref<!tpu.dma_semaphore, #tpu.memory_space<semaphore_mem>>) src(%dma_wait3A_556 : memref<8x100xi32, #tpu.memory_space<hbm>>) dst(%arg6 : memref<8x100xi32, #tpu.memory_space<vmem>>)
          tpu.yield
        }) : () -> ()
        %multiple_of3A_465 = tpu.assume_multiple %add3A_437, 8 : i32
        "tpu.region"() ({
          %run_scoped3A = tpu.sem_alloc : memref<!tpu.dma_semaphore, #tpu.memory_space<semaphore_mem>>
          %dma_start3A_549 = tpu.memref_slice %arg2[%multiple_of3A_465] : memref<16384xi32, #tpu.memory_space<hbm>> -> memref<16xi32, #tpu.memory_space<hbm>>
          %dma_start3A_550 = tpu.memref_slice %arg2[%multiple_of3A_465] : memref<16384xi32, #tpu.memory_space<hbm>> -> memref<16xi32, #tpu.memory_space<hbm>>
          tpu.enqueue_dma source(%dma_start3A_550 : memref<16xi32, #tpu.memory_space<hbm>>) target(%arg8 : memref<16xi32, #tpu.memory_space<vmem>>) target_semaphore(%run_scoped3A : memref<!tpu.dma_semaphore, #tpu.memory_space<semaphore_mem>>)
          %dma_wait3A_551 = tpu.memref_slice %arg2[%multiple_of3A_465] : memref<16384xi32, #tpu.memory_space<hbm>> -> memref<16xi32, #tpu.memory_space<hbm>>
          %dma_wait3A_552 = tpu.memref_slice %arg2[%multiple_of3A_465] : memref<16384xi32, #tpu.memory_space<hbm>> -> memref<16xi32, #tpu.memory_space<hbm>>
          tpu.wait_dma2 semaphore(%run_scoped3A : memref<!tpu.dma_semaphore, #tpu.memory_space<semaphore_mem>>) src(%dma_wait3A_552 : memref<16xi32, #tpu.memory_space<hbm>>) dst(%arg8 : memref<16xi32, #tpu.memory_space<vmem>>)
          tpu.yield
        }) : () -> ()
        %dma_start3A_466 = arith.constant 0 : i32
        %dma_start3A_467 = arith.constant 0 : i32
        %dma_start3A_468 = arith.constant 0 : i32
        %dma_start3A_469 = tpu.memref_slice %arg10[%dma_start3A_467, %dma_start3A_468] : memref<800x64xf32, #tpu.memory_space<vmem>> -> memref<100x64xf32, #tpu.memory_space<vmem>>
        %dma_start3A_470 = arith.constant 0 : i32
        %dma_start3A_471 = tpu.memref_slice %arg6[%dma_start3A_466, %dma_start3A_470] : memref<8x100xi32, #tpu.memory_space<vmem>> -> memref<1x100xi32, #tpu.memory_space<vmem>>
        %dma_start3A_472 = tpu.memref_squeeze %dma_start3A_471 : memref<1x100xi32, #tpu.memory_space<vmem>> -> memref<100xi32, #tpu.memory_space<vmem>>
        %dma_start3A_473 = arith.constant 0 : i32
        %dma_start3A_474 = arith.constant 0 : i32
        %dma_start3A_475 = tpu.memref_slice %arg4[%dma_start3A_473, %dma_start3A_474] : memref<1000000x64xf32, #tpu.memory_space<hbm>> -> memref<1000000x64xf32, #tpu.memory_space<hbm>>
        tpu.enqueue_indirect_dma source(%dma_start3A_475 : memref<1000000x64xf32, #tpu.memory_space<hbm>>) target(%dma_start3A_469 : memref<100x64xf32, #tpu.memory_space<vmem>>) offsets(%dma_start3A_472 : memref<100xi32, #tpu.memory_space<vmem>>) semaphore(%arg15 : memref<!tpu.dma_semaphore, #tpu.memory_space<semaphore_mem>>)
        %dma_start3A_476 = arith.constant 1 : i32
        %dma_start3A_477 = arith.constant 100 : i32
        %dma_start3A_478 = arith.constant 0 : i32
        %dma_start3A_479 = tpu.memref_slice %arg10[%dma_start3A_477, %dma_start3A_478] : memref<800x64xf32, #tpu.memory_space<vmem>> -> memref<100x64xf32, #tpu.memory_space<vmem>>
        %dma_start3A_480 = arith.constant 0 : i32
        %dma_start3A_481 = tpu.memref_slice %arg6[%dma_start3A_476, %dma_start3A_480] : memref<8x100xi32, #tpu.memory_space<vmem>> -> memref<1x100xi32, #tpu.memory_space<vmem>>
        %dma_start3A_482 = tpu.memref_squeeze %dma_start3A_481 : memref<1x100xi32, #tpu.memory_space<vmem>> -> memref<100xi32, #tpu.memory_space<vmem>>
        %dma_start3A_483 = arith.constant 0 : i32
        %dma_start3A_484 = arith.constant 0 : i32
        %dma_start3A_485 = tpu.memref_slice %arg4[%dma_start3A_483, %dma_start3A_484] : memref<1000000x64xf32, #tpu.memory_space<hbm>> -> memref<1000000x64xf32, #tpu.memory_space<hbm>>
        tpu.enqueue_indirect_dma source(%dma_start3A_485 : memref<1000000x64xf32, #tpu.memory_space<hbm>>) target(%dma_start3A_479 : memref<100x64xf32, #tpu.memory_space<vmem>>) offsets(%dma_start3A_482 : memref<100xi32, #tpu.memory_space<vmem>>) semaphore(%arg15 : memref<!tpu.dma_semaphore, #tpu.memory_space<semaphore_mem>>)
        %dma_start3A_486 = arith.constant 2 : i32
        %dma_start3A_487 = arith.constant 200 : i32
        %dma_start3A_488 = arith.constant 0 : i32
        %dma_start3A_489 = tpu.memref_slice %arg10[%dma_start3A_487, %dma_start3A_488] : memref<800x64xf32, #tpu.memory_space<vmem>> -> memref<100x64xf32, #tpu.memory_space<vmem>>
        %dma_start3A_490 = arith.constant 0 : i32
        %dma_start3A_491 = tpu.memref_slice %arg6[%dma_start3A_486, %dma_start3A_490] : memref<8x100xi32, #tpu.memory_space<vmem>> -> memref<1x100xi32, #tpu.memory_space<vmem>>
        %dma_start3A_492 = tpu.memref_squeeze %dma_start3A_491 : memref<1x100xi32, #tpu.memory_space<vmem>> -> memref<100xi32, #tpu.memory_space<vmem>>
        %dma_start3A_493 = arith.constant 0 : i32
        %dma_start3A_494 = arith.constant 0 : i32
        %dma_start3A_495 = tpu.memref_slice %arg4[%dma_start3A_493, %dma_start3A_494] : memref<1000000x64xf32, #tpu.memory_space<hbm>> -> memref<1000000x64xf32, #tpu.memory_space<hbm>>
        tpu.enqueue_indirect_dma source(%dma_start3A_495 : memref<1000000x64xf32, #tpu.memory_space<hbm>>) target(%dma_start3A_489 : memref<100x64xf32, #tpu.memory_space<vmem>>) offsets(%dma_start3A_492 : memref<100xi32, #tpu.memory_space<vmem>>) semaphore(%arg15 : memref<!tpu.dma_semaphore, #tpu.memory_space<semaphore_mem>>)
        %dma_start3A_496 = arith.constant 3 : i32
        %dma_start3A_497 = arith.constant 300 : i32
        %dma_start3A_498 = arith.constant 0 : i32
        %dma_start3A_499 = tpu.memref_slice %arg10[%dma_start3A_497, %dma_start3A_498] : memref<800x64xf32, #tpu.memory_space<vmem>> -> memref<100x64xf32, #tpu.memory_space<vmem>>
        %dma_start3A_500 = arith.constant 0 : i32
        %dma_start3A_501 = tpu.memref_slice %arg6[%dma_start3A_496, %dma_start3A_500] : memref<8x100xi32, #tpu.memory_space<vmem>> -> memref<1x100xi32, #tpu.memory_space<vmem>>
        %dma_start3A_502 = tpu.memref_squeeze %dma_start3A_501 : memref<1x100xi32, #tpu.memory_space<vmem>> -> memref<100xi32, #tpu.memory_space<vmem>>
        %dma_start3A_503 = arith.constant 0 : i32
        %dma_start3A_504 = arith.constant 0 : i32
        %dma_start3A_505 = tpu.memref_slice %arg4[%dma_start3A_503, %dma_start3A_504] : memref<1000000x64xf32, #tpu.memory_space<hbm>> -> memref<1000000x64xf32, #tpu.memory_space<hbm>>
        tpu.enqueue_indirect_dma source(%dma_start3A_505 : memref<1000000x64xf32, #tpu.memory_space<hbm>>) target(%dma_start3A_499 : memref<100x64xf32, #tpu.memory_space<vmem>>) offsets(%dma_start3A_502 : memref<100xi32, #tpu.memory_space<vmem>>) semaphore(%arg15 : memref<!tpu.dma_semaphore, #tpu.memory_space<semaphore_mem>>)
        %dma_start3A_506 = arith.constant 4 : i32
        %dma_start3A_507 = arith.constant 400 : i32
        %dma_start3A_508 = arith.constant 0 : i32
        %dma_start3A_509 = tpu.memref_slice %arg10[%dma_start3A_507, %dma_start3A_508] : memref<800x64xf32, #tpu.memory_space<vmem>> -> memref<100x64xf32, #tpu.memory_space<vmem>>
        %dma_start3A_510 = arith.constant 0 : i32
        %dma_start3A_511 = tpu.memref_slice %arg6[%dma_start3A_506, %dma_start3A_510] : memref<8x100xi32, #tpu.memory_space<vmem>> -> memref<1x100xi32, #tpu.memory_space<vmem>>
        %dma_start3A_512 = tpu.memref_squeeze %dma_start3A_511 : memref<1x100xi32, #tpu.memory_space<vmem>> -> memref<100xi32, #tpu.memory_space<vmem>>
        %dma_start3A_513 = arith.constant 0 : i32
        %dma_start3A_514 = arith.constant 0 : i32
        %dma_start3A_515 = tpu.memref_slice %arg4[%dma_start3A_513, %dma_start3A_514] : memref<1000000x64xf32, #tpu.memory_space<hbm>> -> memref<1000000x64xf32, #tpu.memory_space<hbm>>
        tpu.enqueue_indirect_dma source(%dma_start3A_515 : memref<1000000x64xf32, #tpu.memory_space<hbm>>) target(%dma_start3A_509 : memref<100x64xf32, #tpu.memory_space<vmem>>) offsets(%dma_start3A_512 : memref<100xi32, #tpu.memory_space<vmem>>) semaphore(%arg15 : memref<!tpu.dma_semaphore, #tpu.memory_space<semaphore_mem>>)
        %dma_start3A_516 = arith.constant 5 : i32
        %dma_start3A_517 = arith.constant 500 : i32
        %dma_start3A_518 = arith.constant 0 : i32
        %dma_start3A_519 = tpu.memref_slice %arg10[%dma_start3A_517, %dma_start3A_518] : memref<800x64xf32, #tpu.memory_space<vmem>> -> memref<100x64xf32, #tpu.memory_space<vmem>>
        %dma_start3A_520 = arith.constant 0 : i32
        %dma_start3A_521 = tpu.memref_slice %arg6[%dma_start3A_516, %dma_start3A_520] : memref<8x100xi32, #tpu.memory_space<vmem>> -> memref<1x100xi32, #tpu.memory_space<vmem>>
        %dma_start3A_522 = tpu.memref_squeeze %dma_start3A_521 : memref<1x100xi32, #tpu.memory_space<vmem>> -> memref<100xi32, #tpu.memory_space<vmem>>
        %dma_start3A_523 = arith.constant 0 : i32
        %dma_start3A_524 = arith.constant 0 : i32
        %dma_start3A_525 = tpu.memref_slice %arg4[%dma_start3A_523, %dma_start3A_524] : memref<1000000x64xf32, #tpu.memory_space<hbm>> -> memref<1000000x64xf32, #tpu.memory_space<hbm>>
        tpu.enqueue_indirect_dma source(%dma_start3A_525 : memref<1000000x64xf32, #tpu.memory_space<hbm>>) target(%dma_start3A_519 : memref<100x64xf32, #tpu.memory_space<vmem>>) offsets(%dma_start3A_522 : memref<100xi32, #tpu.memory_space<vmem>>) semaphore(%arg15 : memref<!tpu.dma_semaphore, #tpu.memory_space<semaphore_mem>>)
        %dma_start3A_526 = arith.constant 6 : i32
        %dma_start3A_527 = arith.constant 600 : i32
        %dma_start3A_528 = arith.constant 0 : i32
        %dma_start3A_529 = tpu.memref_slice %arg10[%dma_start3A_527, %dma_start3A_528] : memref<800x64xf32, #tpu.memory_space<vmem>> -> memref<100x64xf32, #tpu.memory_space<vmem>>
        %dma_start3A_530 = arith.constant 0 : i32
        %dma_start3A_531 = tpu.memref_slice %arg6[%dma_start3A_526, %dma_start3A_530] : memref<8x100xi32, #tpu.memory_space<vmem>> -> memref<1x100xi32, #tpu.memory_space<vmem>>
        %dma_start3A_532 = tpu.memref_squeeze %dma_start3A_531 : memref<1x100xi32, #tpu.memory_space<vmem>> -> memref<100xi32, #tpu.memory_space<vmem>>
        %dma_start3A_533 = arith.constant 0 : i32
        %dma_start3A_534 = arith.constant 0 : i32
        %dma_start3A_535 = tpu.memref_slice %arg4[%dma_start3A_533, %dma_start3A_534] : memref<1000000x64xf32, #tpu.memory_space<hbm>> -> memref<1000000x64xf32, #tpu.memory_space<hbm>>
        tpu.enqueue_indirect_dma source(%dma_start3A_535 : memref<1000000x64xf32, #tpu.memory_space<hbm>>) target(%dma_start3A_529 : memref<100x64xf32, #tpu.memory_space<vmem>>) offsets(%dma_start3A_532 : memref<100xi32, #tpu.memory_space<vmem>>) semaphore(%arg15 : memref<!tpu.dma_semaphore, #tpu.memory_space<semaphore_mem>>)
        %dma_start3A_536 = arith.constant 7 : i32
        %dma_start3A_537 = arith.constant 700 : i32
        %dma_start3A_538 = arith.constant 0 : i32
        %dma_start3A_539 = tpu.memref_slice %arg10[%dma_start3A_537, %dma_start3A_538] : memref<800x64xf32, #tpu.memory_space<vmem>> -> memref<100x64xf32, #tpu.memory_space<vmem>>
        %dma_start3A_540 = arith.constant 0 : i32
        %dma_start3A_541 = tpu.memref_slice %arg6[%dma_start3A_536, %dma_start3A_540] : memref<8x100xi32, #tpu.memory_space<vmem>> -> memref<1x100xi32, #tpu.memory_space<vmem>>
        %dma_start3A_542 = tpu.memref_squeeze %dma_start3A_541 : memref<1x100xi32, #tpu.memory_space<vmem>> -> memref<100xi32, #tpu.memory_space<vmem>>
        %dma_start3A_543 = arith.constant 0 : i32
        %dma_start3A_544 = arith.constant 0 : i32
        %dma_start3A_545 = tpu.memref_slice %arg4[%dma_start3A_543, %dma_start3A_544] : memref<1000000x64xf32, #tpu.memory_space<hbm>> -> memref<1000000x64xf32, #tpu.memory_space<hbm>>
        tpu.enqueue_indirect_dma source(%dma_start3A_545 : memref<1000000x64xf32, #tpu.memory_space<hbm>>) target(%dma_start3A_539 : memref<100x64xf32, #tpu.memory_space<vmem>>) offsets(%dma_start3A_542 : memref<100xi32, #tpu.memory_space<vmem>>) semaphore(%arg15 : memref<!tpu.dma_semaphore, #tpu.memory_space<semaphore_mem>>)
        %dma_start3A_546 = arith.constant 0 : i32
        %dma_start3A_547 = arith.constant 0 : i32
        %dma_start3A_548 = tpu.memref_slice %arg4[%dma_start3A_546, %dma_start3A_547] : memref<1000000x64xf32, #tpu.memory_space<hbm>> -> memref<1000000x64xf32, #tpu.memory_space<hbm>>
        tpu.enqueue_indirect_dma source(%dma_start3A_548 : memref<1000000x64xf32, #tpu.memory_space<hbm>>) target(%arg12 : memref<16x64xf32, #tpu.memory_space<vmem>>) offsets(%arg8 : memref<16xi32, #tpu.memory_space<vmem>>) semaphore(%arg15 : memref<!tpu.dma_semaphore, #tpu.memory_space<semaphore_mem>>)
      } else {
      }
      %add3A_415 = arith.constant 1 : i32
      %add3A_416 = arith.addi %mul3A_113, %add3A_415 : i32
      %mul3A_417 = arith.constant 512 : i32
      %mul3A_418 = arith.muli %add3A, %mul3A_417 : i32
      %mul3A_419 = arith.constant 16 : i32
      %mul3A_420 = arith.muli %add3A_416, %mul3A_419 : i32
      %add3A_421 = arith.addi %mul3A_418, %mul3A_420 : i32
      %scan3A_422 = arith.constant 0 : i32
      %scan3A_423 = arith.constant 0 : i32
      %scan3A_424 = arith.constant 16 : i32
      %scan3A_425 = arith.addi %scan3A_423, %scan3A_424 : i32
      %scan3A_426 = arith.constant 1 : i32
      scf.for %scan3A_431 = %scan3A_423 to %scan3A_425 step %scan3A_426  : i32 {
        %get3A = arith.index_cast %scan3A_431 : i32 to index
        %get3A_432 = arith.constant 0 : index
        %get3A_433 = tpu.vector_load %arg13[%get3A, %get3A_432] {strides = array<i32>} : memref<16x64xf32, #tpu.memory_space<vmem>>, vector<16xf32>,
        %get3A_434 = arith.index_cast %scan3A_431 : i32 to index
        %get3A_435 = arith.constant 16 : index
        %get3A_436 = tpu.vector_load %arg13[%get3A_434, %get3A_435] {strides = array<i32>} : memref<16x64xf32, #tpu.memory_space<vmem>>, vector<16xf32>,
        %get3A_437 = arith.index_cast %scan3A_431 : i32 to index
        %get3A_438 = arith.constant 32 : index
        %get3A_439 = tpu.vector_load %arg13[%get3A_437, %get3A_438] {strides = array<i32>} : memref<16x64xf32, #tpu.memory_space<vmem>>, vector<16xf32>,
        %get3A_440 = arith.index_cast %scan3A_431 : i32 to index
        %get3A_441 = arith.constant 48 : index
        %get3A_442 = tpu.vector_load %arg13[%get3A_440, %get3A_441] {strides = array<i32>} : memref<16x64xf32, #tpu.memory_space<vmem>>, vector<16xf32>,
        %broadcast_in_dim3A = arith.constant 0.000000e+00 : f32
        %broadcast_in_dim3A_443 = vector.broadcast %broadcast_in_dim3A : f32 to vector<16xf32>
        %mul3A_444 = arith.constant 50 : i32
        %mul3A_445 = arith.muli %scan3A_431, %mul3A_444 : i32
        %add3A_446 = arith.constant 0 : i32
        %add3A_447 = arith.addi %mul3A_445, %add3A_446 : i32
        %get3A_448 = arith.index_cast %add3A_447 : i32 to index
        %get3A_449 = arith.constant 0 : index
        %get3A_450 = tpu.vector_load %arg11[%get3A_448, %get3A_449] {strides = array<i32>} : memref<800x64xf32, #tpu.memory_space<vmem>>, vector<16xf32>,
        %mul3A_451 = arith.mulf %get3A_433, %get3A_450 : vector<16xf32>
        %get3A_452 = arith.index_cast %add3A_447 : i32 to index
        %get3A_453 = arith.constant 16 : index
        %get3A_454 = tpu.vector_load %arg11[%get3A_452, %get3A_453] {strides = array<i32>} : memref<800x64xf32, #tpu.memory_space<vmem>>, vector<16xf32>,
        %mul3A_455 = arith.mulf %get3A_436, %get3A_454 : vector<16xf32>
        %add3A_456 = arith.addf %mul3A_451, %mul3A_455 : vector<16xf32>
        %get3A_457 = arith.index_cast %add3A_447 : i32 to index
        %get3A_458 = arith.constant 32 : index
        %get3A_459 = tpu.vector_load %arg11[%get3A_457, %get3A_458] {strides = array<i32>} : memref<800x64xf32, #tpu.memory_space<vmem>>, vector<16xf32>,
        %mul3A_460 = arith.mulf %get3A_439, %get3A_459 : vector<16xf32>
        %add3A_461 = arith.addf %add3A_456, %mul3A_460 : vector<16xf32>
        %get3A_462 = arith.index_cast %add3A_447 : i32 to index
        %get3A_463 = arith.constant 48 : index
        %get3A_464 = tpu.vector_load %arg11[%get3A_462, %get3A_463] {strides = array<i32>} : memref<800x64xf32, #tpu.memory_space<vmem>>, vector<16xf32>,
        %mul3A_465 = arith.mulf %get3A_442, %get3A_464 : vector<16xf32>
        %add3A_466 = arith.addf %add3A_461, %mul3A_465 : vector<16xf32>
        %reduce_sum3A = arith.constant true
        %reduce_sum3A_467 = vector.broadcast %reduce_sum3A : i1 to vector<16xi1>
        %reduce_sum3A_468 = tpu.scan <sum>, %add3A_466 masked %reduce_sum3A_467 : vector<16xf32>, vector<16xi1> -> vector<16xf32>
        %reduce_sum3A_469 = vector.extract %reduce_sum3A_468[15] : f32 from vector<16xf32>
        %eq3A = arith.constant 0 : i32
        %eq3A_470 = vector.broadcast %eq3A : i32 to vector<16xi32>
        %eq3A_471 = arith.cmpi eq, %iota3A, %eq3A_470 : vector<16xi32>
        %broadcast_in_dim3A_472 = vector.broadcast %reduce_sum3A_469 : f32 to vector<16xf32>
        %select_n3A_473 = arith.select %eq3A_471, %broadcast_in_dim3A_472, %broadcast_in_dim3A_443 : vector<16xi1>, vector<16xf32>
        %mul3A_474 = arith.constant 50 : i32
        %mul3A_475 = arith.muli %scan3A_431, %mul3A_474 : i32
        %add3A_476 = arith.constant 1 : i32
        %add3A_477 = arith.addi %mul3A_475, %add3A_476 : i32
        %get3A_478 = arith.index_cast %add3A_477 : i32 to index
        %get3A_479 = arith.constant 0 : index
        %get3A_480 = tpu.vector_load %arg11[%get3A_478, %get3A_479] {strides = array<i32>} : memref<800x64xf32, #tpu.memory_space<vmem>>, vector<16xf32>,
        %mul3A_481 = arith.mulf %get3A_433, %get3A_480 : vector<16xf32>
        %get3A_482 = arith.index_cast %add3A_477 : i32 to index
        %get3A_483 = arith.constant 16 : index
        %get3A_484 = tpu.vector_load %arg11[%get3A_482, %get3A_483] {strides = array<i32>} : memref<800x64xf32, #tpu.memory_space<vmem>>, vector<16xf32>,
        %mul3A_485 = arith.mulf %get3A_436, %get3A_484 : vector<16xf32>
        %add3A_486 = arith.addf %mul3A_481, %mul3A_485 : vector<16xf32>
        %get3A_487 = arith.index_cast %add3A_477 : i32 to index
        %get3A_488 = arith.constant 32 : index
        %get3A_489 = tpu.vector_load %arg11[%get3A_487, %get3A_488] {strides = array<i32>} : memref<800x64xf32, #tpu.memory_space<vmem>>, vector<16xf32>,
        %mul3A_490 = arith.mulf %get3A_439, %get3A_489 : vector<16xf32>
        %add3A_491 = arith.addf %add3A_486, %mul3A_490 : vector<16xf32>
        %get3A_492 = arith.index_cast %add3A_477 : i32 to index
        %get3A_493 = arith.constant 48 : index
        %get3A_494 = tpu.vector_load %arg11[%get3A_492, %get3A_493] {strides = array<i32>} : memref<800x64xf32, #tpu.memory_space<vmem>>, vector<16xf32>,
        %mul3A_495 = arith.mulf %get3A_442, %get3A_494 : vector<16xf32>
        %add3A_496 = arith.addf %add3A_491, %mul3A_495 : vector<16xf32>
        %reduce_sum3A_497 = arith.constant true
        %reduce_sum3A_498 = vector.broadcast %reduce_sum3A_497 : i1 to vector<16xi1>
        %reduce_sum3A_499 = tpu.scan <sum>, %add3A_496 masked %reduce_sum3A_498 : vector<16xf32>, vector<16xi1> -> vector<16xf32>
        %reduce_sum3A_500 = vector.extract %reduce_sum3A_499[15] : f32 from vector<16xf32>
        %eq3A_501 = arith.constant 1 : i32
        %eq3A_502 = vector.broadcast %eq3A_501 : i32 to vector<16xi32>
        %eq3A_503 = arith.cmpi eq, %iota3A, %eq3A_502 : vector<16xi32>
        %broadcast_in_dim3A_504 = vector.broadcast %reduce_sum3A_500 : f32 to vector<16xf32>
        %select_n3A_505 = arith.select %eq3A_503, %broadcast_in_dim3A_504, %select_n3A_473 : vector<16xi1>, vector<16xf32>
        %mul3A_506 = arith.constant 50 : i32
        %mul3A_507 = arith.muli %scan3A_431, %mul3A_506 : i32
        %add3A_508 = arith.constant 2 : i32
        %add3A_509 = arith.addi %mul3A_507, %add3A_508 : i32
        %get3A_510 = arith.index_cast %add3A_509 : i32 to index
        %get3A_511 = arith.constant 0 : index
        %get3A_512 = tpu.vector_load %arg11[%get3A_510, %get3A_511] {strides = array<i32>} : memref<800x64xf32, #tpu.memory_space<vmem>>, vector<16xf32>,
        %mul3A_513 = arith.mulf %get3A_433, %get3A_512 : vector<16xf32>
        %get3A_514 = arith.index_cast %add3A_509 : i32 to index
        %get3A_515 = arith.constant 16 : index
        %get3A_516 = tpu.vector_load %arg11[%get3A_514, %get3A_515] {strides = array<i32>} : memref<800x64xf32, #tpu.memory_space<vmem>>, vector<16xf32>,
        %mul3A_517 = arith.mulf %get3A_436, %get3A_516 : vector<16xf32>
        %add3A_518 = arith.addf %mul3A_513, %mul3A_517 : vector<16xf32>
        %get3A_519 = arith.index_cast %add3A_509 : i32 to index
        %get3A_520 = arith.constant 32 : index
        %get3A_521 = tpu.vector_load %arg11[%get3A_519, %get3A_520] {strides = array<i32>} : memref<800x64xf32, #tpu.memory_space<vmem>>, vector<16xf32>,
        %mul3A_522 = arith.mulf %get3A_439, %get3A_521 : vector<16xf32>
        %add3A_523 = arith.addf %add3A_518, %mul3A_522 : vector<16xf32>
        %get3A_524 = arith.index_cast %add3A_509 : i32 to index
        %get3A_525 = arith.constant 48 : index
        %get3A_526 = tpu.vector_load %arg11[%get3A_524, %get3A_525] {strides = array<i32>} : memref<800x64xf32, #tpu.memory_space<vmem>>, vector<16xf32>,
        %mul3A_527 = arith.mulf %get3A_442, %get3A_526 : vector<16xf32>
        %add3A_528 = arith.addf %add3A_523, %mul3A_527 : vector<16xf32>
        %reduce_sum3A_529 = arith.constant true
        %reduce_sum3A_530 = vector.broadcast %reduce_sum3A_529 : i1 to vector<16xi1>
        %reduce_sum3A_531 = tpu.scan <sum>, %add3A_528 masked %reduce_sum3A_530 : vector<16xf32>, vector<16xi1> -> vector<16xf32>
        %reduce_sum3A_532 = vector.extract %reduce_sum3A_531[15] : f32 from vector<16xf32>
        %eq3A_533 = arith.constant 2 : i32
        %eq3A_534 = vector.broadcast %eq3A_533 : i32 to vector<16xi32>
        %eq3A_535 = arith.cmpi eq, %iota3A, %eq3A_534 : vector<16xi32>
        %broadcast_in_dim3A_536 = vector.broadcast %reduce_sum3A_532 : f32 to vector<16xf32>
        %select_n3A_537 = arith.select %eq3A_535, %broadcast_in_dim3A_536, %select_n3A_505 : vector<16xi1>, vector<16xf32>
        %mul3A_538 = arith.constant 50 : i32
        %mul3A_539 = arith.muli %scan3A_431, %mul3A_538 : i32
        %add3A_540 = arith.constant 3 : i32
        %add3A_541 = arith.addi %mul3A_539, %add3A_540 : i32
        %get3A_542 = arith.index_cast %add3A_541 : i32 to index
        %get3A_543 = arith.constant 0 : index
        %get3A_544 = tpu.vector_load %arg11[%get3A_542, %get3A_543] {strides = array<i32>} : memref<800x64xf32, #tpu.memory_space<vmem>>, vector<16xf32>,
        %mul3A_545 = arith.mulf %get3A_433, %get3A_544 : vector<16xf32>
        %get3A_546 = arith.index_cast %add3A_541 : i32 to index
        %get3A_547 = arith.constant 16 : index
        %get3A_548 = tpu.vector_load %arg11[%get3A_546, %get3A_547] {strides = array<i32>} : memref<800x64xf32, #tpu.memory_space<vmem>>, vector<16xf32>,
        %mul3A_549 = arith.mulf %get3A_436, %get3A_548 : vector<16xf32>
        %add3A_550 = arith.addf %mul3A_545, %mul3A_549 : vector<16xf32>
        %get3A_551 = arith.index_cast %add3A_541 : i32 to index
        %get3A_552 = arith.constant 32 : index
        %get3A_553 = tpu.vector_load %arg11[%get3A_551, %get3A_552] {strides = array<i32>} : memref<800x64xf32, #tpu.memory_space<vmem>>, vector<16xf32>,
        %mul3A_554 = arith.mulf %get3A_439, %get3A_553 : vector<16xf32>
        %add3A_555 = arith.addf %add3A_550, %mul3A_554 : vector<16xf32>
        %get3A_556 = arith.index_cast %add3A_541 : i32 to index
        %get3A_557 = arith.constant 48 : index
        %get3A_558 = tpu.vector_load %arg11[%get3A_556, %get3A_557] {strides = array<i32>} : memref<800x64xf32, #tpu.memory_space<vmem>>, vector<16xf32>,
        %mul3A_559 = arith.mulf %get3A_442, %get3A_558 : vector<16xf32>
        %add3A_560 = arith.addf %add3A_555, %mul3A_559 : vector<16xf32>
        %reduce_sum3A_561 = arith.constant true
        %reduce_sum3A_562 = vector.broadcast %reduce_sum3A_561 : i1 to vector<16xi1>
        %reduce_sum3A_563 = tpu.scan <sum>, %add3A_560 masked %reduce_sum3A_562 : vector<16xf32>, vector<16xi1> -> vector<16xf32>
        %reduce_sum3A_564 = vector.extract %reduce_sum3A_563[15] : f32 from vector<16xf32>
        %eq3A_565 = arith.constant 3 : i32
        %eq3A_566 = vector.broadcast %eq3A_565 : i32 to vector<16xi32>
        %eq3A_567 = arith.cmpi eq, %iota3A, %eq3A_566 : vector<16xi32>
        %broadcast_in_dim3A_568 = vector.broadcast %reduce_sum3A_564 : f32 to vector<16xf32>
        %select_n3A_569 = arith.select %eq3A_567, %broadcast_in_dim3A_568, %select_n3A_537 : vector<16xi1>, vector<16xf32>
        %mul3A_570 = arith.constant 50 : i32
        %mul3A_571 = arith.muli %scan3A_431, %mul3A_570 : i32
        %add3A_572 = arith.constant 4 : i32
        %add3A_573 = arith.addi %mul3A_571, %add3A_572 : i32
        %get3A_574 = arith.index_cast %add3A_573 : i32 to index
        %get3A_575 = arith.constant 0 : index
        %get3A_576 = tpu.vector_load %arg11[%get3A_574, %get3A_575] {strides = array<i32>} : memref<800x64xf32, #tpu.memory_space<vmem>>, vector<16xf32>,
        %mul3A_577 = arith.mulf %get3A_433, %get3A_576 : vector<16xf32>
        %get3A_578 = arith.index_cast %add3A_573 : i32 to index
        %get3A_579 = arith.constant 16 : index
        %get3A_580 = tpu.vector_load %arg11[%get3A_578, %get3A_579] {strides = array<i32>} : memref<800x64xf32, #tpu.memory_space<vmem>>, vector<16xf32>,
        %mul3A_581 = arith.mulf %get3A_436, %get3A_580 : vector<16xf32>
        %add3A_582 = arith.addf %mul3A_577, %mul3A_581 : vector<16xf32>
        %get3A_583 = arith.index_cast %add3A_573 : i32 to index
        %get3A_584 = arith.constant 32 : index
        %get3A_585 = tpu.vector_load %arg11[%get3A_583, %get3A_584] {strides = array<i32>} : memref<800x64xf32, #tpu.memory_space<vmem>>, vector<16xf32>,
        %mul3A_586 = arith.mulf %get3A_439, %get3A_585 : vector<16xf32>
        %add3A_587 = arith.addf %add3A_582, %mul3A_586 : vector<16xf32>
        %get3A_588 = arith.index_cast %add3A_573 : i32 to index
        %get3A_589 = arith.constant 48 : index
        %get3A_590 = tpu.vector_load %arg11[%get3A_588, %get3A_589] {strides = array<i32>} : memref<800x64xf32, #tpu.memory_space<vmem>>, vector<16xf32>,
        %mul3A_591 = arith.mulf %get3A_442, %get3A_590 : vector<16xf32>
        %add3A_592 = arith.addf %add3A_587, %mul3A_591 : vector<16xf32>
        %reduce_sum3A_593 = arith.constant true
        %reduce_sum3A_594 = vector.broadcast %reduce_sum3A_593 : i1 to vector<16xi1>
        %reduce_sum3A_595 = tpu.scan <sum>, %add3A_592 masked %reduce_sum3A_594 : vector<16xf32>, vector<16xi1> -> vector<16xf32>
        %reduce_sum3A_596 = vector.extract %reduce_sum3A_595[15] : f32 from vector<16xf32>
        %eq3A_597 = arith.constant 4 : i32
        %eq3A_598 = vector.broadcast %eq3A_597 : i32 to vector<16xi32>
        %eq3A_599 = arith.cmpi eq, %iota3A, %eq3A_598 : vector<16xi32>
        %broadcast_in_dim3A_600 = vector.broadcast %reduce_sum3A_596 : f32 to vector<16xf32>
        %select_n3A_601 = arith.select %eq3A_599, %broadcast_in_dim3A_600, %select_n3A_569 : vector<16xi1>, vector<16xf32>
        %mul3A_602 = arith.constant 50 : i32
        %mul3A_603 = arith.muli %scan3A_431, %mul3A_602 : i32
        %add3A_604 = arith.constant 5 : i32
        %add3A_605 = arith.addi %mul3A_603, %add3A_604 : i32
        %get3A_606 = arith.index_cast %add3A_605 : i32 to index
        %get3A_607 = arith.constant 0 : index
        %get3A_608 = tpu.vector_load %arg11[%get3A_606, %get3A_607] {strides = array<i32>} : memref<800x64xf32, #tpu.memory_space<vmem>>, vector<16xf32>,
        %mul3A_609 = arith.mulf %get3A_433, %get3A_608 : vector<16xf32>
        %get3A_610 = arith.index_cast %add3A_605 : i32 to index
        %get3A_611 = arith.constant 16 : index
        %get3A_612 = tpu.vector_load %arg11[%get3A_610, %get3A_611] {strides = array<i32>} : memref<800x64xf32, #tpu.memory_space<vmem>>, vector<16xf32>,
        %mul3A_613 = arith.mulf %get3A_436, %get3A_612 : vector<16xf32>
        %add3A_614 = arith.addf %mul3A_609, %mul3A_613 : vector<16xf32>
        %get3A_615 = arith.index_cast %add3A_605 : i32 to index
        %get3A_616 = arith.constant 32 : index
        %get3A_617 = tpu.vector_load %arg11[%get3A_615, %get3A_616] {strides = array<i32>} : memref<800x64xf32, #tpu.memory_space<vmem>>, vector<16xf32>,
        %mul3A_618 = arith.mulf %get3A_439, %get3A_617 : vector<16xf32>
        %add3A_619 = arith.addf %add3A_614, %mul3A_618 : vector<16xf32>
        %get3A_620 = arith.index_cast %add3A_605 : i32 to index
        %get3A_621 = arith.constant 48 : index
        %get3A_622 = tpu.vector_load %arg11[%get3A_620, %get3A_621] {strides = array<i32>} : memref<800x64xf32, #tpu.memory_space<vmem>>, vector<16xf32>,
        %mul3A_623 = arith.mulf %get3A_442, %get3A_622 : vector<16xf32>
        %add3A_624 = arith.addf %add3A_619, %mul3A_623 : vector<16xf32>
        %reduce_sum3A_625 = arith.constant true
        %reduce_sum3A_626 = vector.broadcast %reduce_sum3A_625 : i1 to vector<16xi1>
        %reduce_sum3A_627 = tpu.scan <sum>, %add3A_624 masked %reduce_sum3A_626 : vector<16xf32>, vector<16xi1> -> vector<16xf32>
        %reduce_sum3A_628 = vector.extract %reduce_sum3A_627[15] : f32 from vector<16xf32>
        %eq3A_629 = arith.constant 5 : i32
        %eq3A_630 = vector.broadcast %eq3A_629 : i32 to vector<16xi32>
        %eq3A_631 = arith.cmpi eq, %iota3A, %eq3A_630 : vector<16xi32>
        %broadcast_in_dim3A_632 = vector.broadcast %reduce_sum3A_628 : f32 to vector<16xf32>
        %select_n3A_633 = arith.select %eq3A_631, %broadcast_in_dim3A_632, %select_n3A_601 : vector<16xi1>, vector<16xf32>
        %mul3A_634 = arith.constant 50 : i32
        %mul3A_635 = arith.muli %scan3A_431, %mul3A_634 : i32
        %add3A_636 = arith.constant 6 : i32
        %add3A_637 = arith.addi %mul3A_635, %add3A_636 : i32
        %get3A_638 = arith.index_cast %add3A_637 : i32 to index
        %get3A_639 = arith.constant 0 : index
        %get3A_640 = tpu.vector_load %arg11[%get3A_638, %get3A_639] {strides = array<i32>} : memref<800x64xf32, #tpu.memory_space<vmem>>, vector<16xf32>,
        %mul3A_641 = arith.mulf %get3A_433, %get3A_640 : vector<16xf32>
        %get3A_642 = arith.index_cast %add3A_637 : i32 to index
        %get3A_643 = arith.constant 16 : index
        %get3A_644 = tpu.vector_load %arg11[%get3A_642, %get3A_643] {strides = array<i32>} : memref<800x64xf32, #tpu.memory_space<vmem>>, vector<16xf32>,
        %mul3A_645 = arith.mulf %get3A_436, %get3A_644 : vector<16xf32>
        %add3A_646 = arith.addf %mul3A_641, %mul3A_645 : vector<16xf32>
        %get3A_647 = arith.index_cast %add3A_637 : i32 to index
        %get3A_648 = arith.constant 32 : index
        %get3A_649 = tpu.vector_load %arg11[%get3A_647, %get3A_648] {strides = array<i32>} : memref<800x64xf32, #tpu.memory_space<vmem>>, vector<16xf32>,
        %mul3A_650 = arith.mulf %get3A_439, %get3A_649 : vector<16xf32>
        %add3A_651 = arith.addf %add3A_646, %mul3A_650 : vector<16xf32>
        %get3A_652 = arith.index_cast %add3A_637 : i32 to index
        %get3A_653 = arith.constant 48 : index
        %get3A_654 = tpu.vector_load %arg11[%get3A_652, %get3A_653] {strides = array<i32>} : memref<800x64xf32, #tpu.memory_space<vmem>>, vector<16xf32>,
        %mul3A_655 = arith.mulf %get3A_442, %get3A_654 : vector<16xf32>
        %add3A_656 = arith.addf %add3A_651, %mul3A_655 : vector<16xf32>
        %reduce_sum3A_657 = arith.constant true
        %reduce_sum3A_658 = vector.broadcast %reduce_sum3A_657 : i1 to vector<16xi1>
        %reduce_sum3A_659 = tpu.scan <sum>, %add3A_656 masked %reduce_sum3A_658 : vector<16xf32>, vector<16xi1> -> vector<16xf32>
        %reduce_sum3A_660 = vector.extract %reduce_sum3A_659[15] : f32 from vector<16xf32>
        %eq3A_661 = arith.constant 6 : i32
        %eq3A_662 = vector.broadcast %eq3A_661 : i32 to vector<16xi32>
        %eq3A_663 = arith.cmpi eq, %iota3A, %eq3A_662 : vector<16xi32>
        %broadcast_in_dim3A_664 = vector.broadcast %reduce_sum3A_660 : f32 to vector<16xf32>
        %select_n3A_665 = arith.select %eq3A_663, %broadcast_in_dim3A_664, %select_n3A_633 : vector<16xi1>, vector<16xf32>
        %mul3A_666 = arith.constant 50 : i32
        %mul3A_667 = arith.muli %scan3A_431, %mul3A_666 : i32
        %add3A_668 = arith.constant 7 : i32
        %add3A_669 = arith.addi %mul3A_667, %add3A_668 : i32
        %get3A_670 = arith.index_cast %add3A_669 : i32 to index
        %get3A_671 = arith.constant 0 : index
        %get3A_672 = tpu.vector_load %arg11[%get3A_670, %get3A_671] {strides = array<i32>} : memref<800x64xf32, #tpu.memory_space<vmem>>, vector<16xf32>,
        %mul3A_673 = arith.mulf %get3A_433, %get3A_672 : vector<16xf32>
        %get3A_674 = arith.index_cast %add3A_669 : i32 to index
        %get3A_675 = arith.constant 16 : index
        %get3A_676 = tpu.vector_load %arg11[%get3A_674, %get3A_675] {strides = array<i32>} : memref<800x64xf32, #tpu.memory_space<vmem>>, vector<16xf32>,
        %mul3A_677 = arith.mulf %get3A_436, %get3A_676 : vector<16xf32>
        %add3A_678 = arith.addf %mul3A_673, %mul3A_677 : vector<16xf32>
        %get3A_679 = arith.index_cast %add3A_669 : i32 to index
        %get3A_680 = arith.constant 32 : index
        %get3A_681 = tpu.vector_load %arg11[%get3A_679, %get3A_680] {strides = array<i32>} : memref<800x64xf32, #tpu.memory_space<vmem>>, vector<16xf32>,
        %mul3A_682 = arith.mulf %get3A_439, %get3A_681 : vector<16xf32>
        %add3A_683 = arith.addf %add3A_678, %mul3A_682 : vector<16xf32>
        %get3A_684 = arith.index_cast %add3A_669 : i32 to index
        %get3A_685 = arith.constant 48 : index
        %get3A_686 = tpu.vector_load %arg11[%get3A_684, %get3A_685] {strides = array<i32>} : memref<800x64xf32, #tpu.memory_space<vmem>>, vector<16xf32>,
        %mul3A_687 = arith.mulf %get3A_442, %get3A_686 : vector<16xf32>
        %add3A_688 = arith.addf %add3A_683, %mul3A_687 : vector<16xf32>
        %reduce_sum3A_689 = arith.constant true
        %reduce_sum3A_690 = vector.broadcast %reduce_sum3A_689 : i1 to vector<16xi1>
        %reduce_sum3A_691 = tpu.scan <sum>, %add3A_688 masked %reduce_sum3A_690 : vector<16xf32>, vector<16xi1> -> vector<16xf32>
        %reduce_sum3A_692 = vector.extract %reduce_sum3A_691[15] : f32 from vector<16xf32>
        %eq3A_693 = arith.constant 7 : i32
        %eq3A_694 = vector.broadcast %eq3A_693 : i32 to vector<16xi32>
        %eq3A_695 = arith.cmpi eq, %iota3A, %eq3A_694 : vector<16xi32>
        %broadcast_in_dim3A_696 = vector.broadcast %reduce_sum3A_692 : f32 to vector<16xf32>
        %select_n3A_697 = arith.select %eq3A_695, %broadcast_in_dim3A_696, %select_n3A_665 : vector<16xi1>, vector<16xf32>
        %mul3A_698 = arith.constant 50 : i32
        %mul3A_699 = arith.muli %scan3A_431, %mul3A_698 : i32
        %add3A_700 = arith.constant 8 : i32
        %add3A_701 = arith.addi %mul3A_699, %add3A_700 : i32
        %get3A_702 = arith.index_cast %add3A_701 : i32 to index
        %get3A_703 = arith.constant 0 : index
        %get3A_704 = tpu.vector_load %arg11[%get3A_702, %get3A_703] {strides = array<i32>} : memref<800x64xf32, #tpu.memory_space<vmem>>, vector<16xf32>,
        %mul3A_705 = arith.mulf %get3A_433, %get3A_704 : vector<16xf32>
        %get3A_706 = arith.index_cast %add3A_701 : i32 to index
        %get3A_707 = arith.constant 16 : index
        %get3A_708 = tpu.vector_load %arg11[%get3A_706, %get3A_707] {strides = array<i32>} : memref<800x64xf32, #tpu.memory_space<vmem>>, vector<16xf32>,
        %mul3A_709 = arith.mulf %get3A_436, %get3A_708 : vector<16xf32>
        %add3A_710 = arith.addf %mul3A_705, %mul3A_709 : vector<16xf32>
        %get3A_711 = arith.index_cast %add3A_701 : i32 to index
        %get3A_712 = arith.constant 32 : index
        %get3A_713 = tpu.vector_load %arg11[%get3A_711, %get3A_712] {strides = array<i32>} : memref<800x64xf32, #tpu.memory_space<vmem>>, vector<16xf32>,
        %mul3A_714 = arith.mulf %get3A_439, %get3A_713 : vector<16xf32>
        %add3A_715 = arith.addf %add3A_710, %mul3A_714 : vector<16xf32>
        %get3A_716 = arith.index_cast %add3A_701 : i32 to index
        %get3A_717 = arith.constant 48 : index
        %get3A_718 = tpu.vector_load %arg11[%get3A_716, %get3A_717] {strides = array<i32>} : memref<800x64xf32, #tpu.memory_space<vmem>>, vector<16xf32>,
        %mul3A_719 = arith.mulf %get3A_442, %get3A_718 : vector<16xf32>
        %add3A_720 = arith.addf %add3A_715, %mul3A_719 : vector<16xf32>
        %reduce_sum3A_721 = arith.constant true
        %reduce_sum3A_722 = vector.broadcast %reduce_sum3A_721 : i1 to vector<16xi1>
        %reduce_sum3A_723 = tpu.scan <sum>, %add3A_720 masked %reduce_sum3A_722 : vector<16xf32>, vector<16xi1> -> vector<16xf32>
        %reduce_sum3A_724 = vector.extract %reduce_sum3A_723[15] : f32 from vector<16xf32>
        %eq3A_725 = arith.constant 8 : i32
        %eq3A_726 = vector.broadcast %eq3A_725 : i32 to vector<16xi32>
        %eq3A_727 = arith.cmpi eq, %iota3A, %eq3A_726 : vector<16xi32>
        %broadcast_in_dim3A_728 = vector.broadcast %reduce_sum3A_724 : f32 to vector<16xf32>
        %select_n3A_729 = arith.select %eq3A_727, %broadcast_in_dim3A_728, %select_n3A_697 : vector<16xi1>, vector<16xf32>
        %mul3A_730 = arith.constant 50 : i32
        %mul3A_731 = arith.muli %scan3A_431, %mul3A_730 : i32
        %add3A_732 = arith.constant 9 : i32
        %add3A_733 = arith.addi %mul3A_731, %add3A_732 : i32
        %get3A_734 = arith.index_cast %add3A_733 : i32 to index
        %get3A_735 = arith.constant 0 : index
        %get3A_736 = tpu.vector_load %arg11[%get3A_734, %get3A_735] {strides = array<i32>} : memref<800x64xf32, #tpu.memory_space<vmem>>, vector<16xf32>,
        %mul3A_737 = arith.mulf %get3A_433, %get3A_736 : vector<16xf32>
        %get3A_738 = arith.index_cast %add3A_733 : i32 to index
        %get3A_739 = arith.constant 16 : index
        %get3A_740 = tpu.vector_load %arg11[%get3A_738, %get3A_739] {strides = array<i32>} : memref<800x64xf32, #tpu.memory_space<vmem>>, vector<16xf32>,
        %mul3A_741 = arith.mulf %get3A_436, %get3A_740 : vector<16xf32>
        %add3A_742 = arith.addf %mul3A_737, %mul3A_741 : vector<16xf32>
        %get3A_743 = arith.index_cast %add3A_733 : i32 to index
        %get3A_744 = arith.constant 32 : index
        %get3A_745 = tpu.vector_load %arg11[%get3A_743, %get3A_744] {strides = array<i32>} : memref<800x64xf32, #tpu.memory_space<vmem>>, vector<16xf32>,
        %mul3A_746 = arith.mulf %get3A_439, %get3A_745 : vector<16xf32>
        %add3A_747 = arith.addf %add3A_742, %mul3A_746 : vector<16xf32>
        %get3A_748 = arith.index_cast %add3A_733 : i32 to index
        %get3A_749 = arith.constant 48 : index
        %get3A_750 = tpu.vector_load %arg11[%get3A_748, %get3A_749] {strides = array<i32>} : memref<800x64xf32, #tpu.memory_space<vmem>>, vector<16xf32>,
        %mul3A_751 = arith.mulf %get3A_442, %get3A_750 : vector<16xf32>
        %add3A_752 = arith.addf %add3A_747, %mul3A_751 : vector<16xf32>
        %reduce_sum3A_753 = arith.constant true
        %reduce_sum3A_754 = vector.broadcast %reduce_sum3A_753 : i1 to vector<16xi1>
        %reduce_sum3A_755 = tpu.scan <sum>, %add3A_752 masked %reduce_sum3A_754 : vector<16xf32>, vector<16xi1> -> vector<16xf32>
        %reduce_sum3A_756 = vector.extract %reduce_sum3A_755[15] : f32 from vector<16xf32>
        %eq3A_757 = arith.constant 9 : i32
        %eq3A_758 = vector.broadcast %eq3A_757 : i32 to vector<16xi32>
        %eq3A_759 = arith.cmpi eq, %iota3A, %eq3A_758 : vector<16xi32>
        %broadcast_in_dim3A_760 = vector.broadcast %reduce_sum3A_756 : f32 to vector<16xf32>
        %select_n3A_761 = arith.select %eq3A_759, %broadcast_in_dim3A_760, %select_n3A_729 : vector<16xi1>, vector<16xf32>
        %mul3A_762 = arith.constant 50 : i32
        %mul3A_763 = arith.muli %scan3A_431, %mul3A_762 : i32
        %add3A_764 = arith.constant 10 : i32
        %add3A_765 = arith.addi %mul3A_763, %add3A_764 : i32
        %get3A_766 = arith.index_cast %add3A_765 : i32 to index
        %get3A_767 = arith.constant 0 : index
        %get3A_768 = tpu.vector_load %arg11[%get3A_766, %get3A_767] {strides = array<i32>} : memref<800x64xf32, #tpu.memory_space<vmem>>, vector<16xf32>,
        %mul3A_769 = arith.mulf %get3A_433, %get3A_768 : vector<16xf32>
        %get3A_770 = arith.index_cast %add3A_765 : i32 to index
        %get3A_771 = arith.constant 16 : index
        %get3A_772 = tpu.vector_load %arg11[%get3A_770, %get3A_771] {strides = array<i32>} : memref<800x64xf32, #tpu.memory_space<vmem>>, vector<16xf32>,
        %mul3A_773 = arith.mulf %get3A_436, %get3A_772 : vector<16xf32>
        %add3A_774 = arith.addf %mul3A_769, %mul3A_773 : vector<16xf32>
        %get3A_775 = arith.index_cast %add3A_765 : i32 to index
        %get3A_776 = arith.constant 32 : index
        %get3A_777 = tpu.vector_load %arg11[%get3A_775, %get3A_776] {strides = array<i32>} : memref<800x64xf32, #tpu.memory_space<vmem>>, vector<16xf32>,
        %mul3A_778 = arith.mulf %get3A_439, %get3A_777 : vector<16xf32>
        %add3A_779 = arith.addf %add3A_774, %mul3A_778 : vector<16xf32>
        %get3A_780 = arith.index_cast %add3A_765 : i32 to index
        %get3A_781 = arith.constant 48 : index
        %get3A_782 = tpu.vector_load %arg11[%get3A_780, %get3A_781] {strides = array<i32>} : memref<800x64xf32, #tpu.memory_space<vmem>>, vector<16xf32>,
        %mul3A_783 = arith.mulf %get3A_442, %get3A_782 : vector<16xf32>
        %add3A_784 = arith.addf %add3A_779, %mul3A_783 : vector<16xf32>
        %reduce_sum3A_785 = arith.constant true
        %reduce_sum3A_786 = vector.broadcast %reduce_sum3A_785 : i1 to vector<16xi1>
        %reduce_sum3A_787 = tpu.scan <sum>, %add3A_784 masked %reduce_sum3A_786 : vector<16xf32>, vector<16xi1> -> vector<16xf32>
        %reduce_sum3A_788 = vector.extract %reduce_sum3A_787[15] : f32 from vector<16xf32>
        %eq3A_789 = arith.constant 10 : i32
        %eq3A_790 = vector.broadcast %eq3A_789 : i32 to vector<16xi32>
        %eq3A_791 = arith.cmpi eq, %iota3A, %eq3A_790 : vector<16xi32>
        %broadcast_in_dim3A_792 = vector.broadcast %reduce_sum3A_788 : f32 to vector<16xf32>
        %select_n3A_793 = arith.select %eq3A_791, %broadcast_in_dim3A_792, %select_n3A_761 : vector<16xi1>, vector<16xf32>
        %mul3A_794 = arith.constant 50 : i32
        %mul3A_795 = arith.muli %scan3A_431, %mul3A_794 : i32
        %add3A_796 = arith.constant 11 : i32
        %add3A_797 = arith.addi %mul3A_795, %add3A_796 : i32
        %get3A_798 = arith.index_cast %add3A_797 : i32 to index
        %get3A_799 = arith.constant 0 : index
        %get3A_800 = tpu.vector_load %arg11[%get3A_798, %get3A_799] {strides = array<i32>} : memref<800x64xf32, #tpu.memory_space<vmem>>, vector<16xf32>,
        %mul3A_801 = arith.mulf %get3A_433, %get3A_800 : vector<16xf32>
        %get3A_802 = arith.index_cast %add3A_797 : i32 to index
        %get3A_803 = arith.constant 16 : index
        %get3A_804 = tpu.vector_load %arg11[%get3A_802, %get3A_803] {strides = array<i32>} : memref<800x64xf32, #tpu.memory_space<vmem>>, vector<16xf32>,
        %mul3A_805 = arith.mulf %get3A_436, %get3A_804 : vector<16xf32>
        %add3A_806 = arith.addf %mul3A_801, %mul3A_805 : vector<16xf32>
        %get3A_807 = arith.index_cast %add3A_797 : i32 to index
        %get3A_808 = arith.constant 32 : index
        %get3A_809 = tpu.vector_load %arg11[%get3A_807, %get3A_808] {strides = array<i32>} : memref<800x64xf32, #tpu.memory_space<vmem>>, vector<16xf32>,
        %mul3A_810 = arith.mulf %get3A_439, %get3A_809 : vector<16xf32>
        %add3A_811 = arith.addf %add3A_806, %mul3A_810 : vector<16xf32>
        %get3A_812 = arith.index_cast %add3A_797 : i32 to index
        %get3A_813 = arith.constant 48 : index
        %get3A_814 = tpu.vector_load %arg11[%get3A_812, %get3A_813] {strides = array<i32>} : memref<800x64xf32, #tpu.memory_space<vmem>>, vector<16xf32>,
        %mul3A_815 = arith.mulf %get3A_442, %get3A_814 : vector<16xf32>
        %add3A_816 = arith.addf %add3A_811, %mul3A_815 : vector<16xf32>
        %reduce_sum3A_817 = arith.constant true
        %reduce_sum3A_818 = vector.broadcast %reduce_sum3A_817 : i1 to vector<16xi1>
        %reduce_sum3A_819 = tpu.scan <sum>, %add3A_816 masked %reduce_sum3A_818 : vector<16xf32>, vector<16xi1> -> vector<16xf32>
        %reduce_sum3A_820 = vector.extract %reduce_sum3A_819[15] : f32 from vector<16xf32>
        %eq3A_821 = arith.constant 11 : i32
        %eq3A_822 = vector.broadcast %eq3A_821 : i32 to vector<16xi32>
        %eq3A_823 = arith.cmpi eq, %iota3A, %eq3A_822 : vector<16xi32>
        %broadcast_in_dim3A_824 = vector.broadcast %reduce_sum3A_820 : f32 to vector<16xf32>
        %select_n3A_825 = arith.select %eq3A_823, %broadcast_in_dim3A_824, %select_n3A_793 : vector<16xi1>, vector<16xf32>
        %mul3A_826 = arith.constant 50 : i32
        %mul3A_827 = arith.muli %scan3A_431, %mul3A_826 : i32
        %add3A_828 = arith.constant 12 : i32
        %add3A_829 = arith.addi %mul3A_827, %add3A_828 : i32
        %get3A_830 = arith.index_cast %add3A_829 : i32 to index
        %get3A_831 = arith.constant 0 : index
        %get3A_832 = tpu.vector_load %arg11[%get3A_830, %get3A_831] {strides = array<i32>} : memref<800x64xf32, #tpu.memory_space<vmem>>, vector<16xf32>,
        %mul3A_833 = arith.mulf %get3A_433, %get3A_832 : vector<16xf32>
        %get3A_834 = arith.index_cast %add3A_829 : i32 to index
        %get3A_835 = arith.constant 16 : index
        %get3A_836 = tpu.vector_load %arg11[%get3A_834, %get3A_835] {strides = array<i32>} : memref<800x64xf32, #tpu.memory_space<vmem>>, vector<16xf32>,
        %mul3A_837 = arith.mulf %get3A_436, %get3A_836 : vector<16xf32>
        %add3A_838 = arith.addf %mul3A_833, %mul3A_837 : vector<16xf32>
        %get3A_839 = arith.index_cast %add3A_829 : i32 to index
        %get3A_840 = arith.constant 32 : index
        %get3A_841 = tpu.vector_load %arg11[%get3A_839, %get3A_840] {strides = array<i32>} : memref<800x64xf32, #tpu.memory_space<vmem>>, vector<16xf32>,
        %mul3A_842 = arith.mulf %get3A_439, %get3A_841 : vector<16xf32>
        %add3A_843 = arith.addf %add3A_838, %mul3A_842 : vector<16xf32>
        %get3A_844 = arith.index_cast %add3A_829 : i32 to index
        %get3A_845 = arith.constant 48 : index
        %get3A_846 = tpu.vector_load %arg11[%get3A_844, %get3A_845] {strides = array<i32>} : memref<800x64xf32, #tpu.memory_space<vmem>>, vector<16xf32>,
        %mul3A_847 = arith.mulf %get3A_442, %get3A_846 : vector<16xf32>
        %add3A_848 = arith.addf %add3A_843, %mul3A_847 : vector<16xf32>
        %reduce_sum3A_849 = arith.constant true
        %reduce_sum3A_850 = vector.broadcast %reduce_sum3A_849 : i1 to vector<16xi1>
        %reduce_sum3A_851 = tpu.scan <sum>, %add3A_848 masked %reduce_sum3A_850 : vector<16xf32>, vector<16xi1> -> vector<16xf32>
        %reduce_sum3A_852 = vector.extract %reduce_sum3A_851[15] : f32 from vector<16xf32>
        %eq3A_853 = arith.constant 12 : i32
        %eq3A_854 = vector.broadcast %eq3A_853 : i32 to vector<16xi32>
        %eq3A_855 = arith.cmpi eq, %iota3A, %eq3A_854 : vector<16xi32>
        %broadcast_in_dim3A_856 = vector.broadcast %reduce_sum3A_852 : f32 to vector<16xf32>
        %select_n3A_857 = arith.select %eq3A_855, %broadcast_in_dim3A_856, %select_n3A_825 : vector<16xi1>, vector<16xf32>
        %mul3A_858 = arith.constant 50 : i32
        %mul3A_859 = arith.muli %scan3A_431, %mul3A_858 : i32
        %add3A_860 = arith.constant 13 : i32
        %add3A_861 = arith.addi %mul3A_859, %add3A_860 : i32
        %get3A_862 = arith.index_cast %add3A_861 : i32 to index
        %get3A_863 = arith.constant 0 : index
        %get3A_864 = tpu.vector_load %arg11[%get3A_862, %get3A_863] {strides = array<i32>} : memref<800x64xf32, #tpu.memory_space<vmem>>, vector<16xf32>,
        %mul3A_865 = arith.mulf %get3A_433, %get3A_864 : vector<16xf32>
        %get3A_866 = arith.index_cast %add3A_861 : i32 to index
        %get3A_867 = arith.constant 16 : index
        %get3A_868 = tpu.vector_load %arg11[%get3A_866, %get3A_867] {strides = array<i32>} : memref<800x64xf32, #tpu.memory_space<vmem>>, vector<16xf32>,
        %mul3A_869 = arith.mulf %get3A_436, %get3A_868 : vector<16xf32>
        %add3A_870 = arith.addf %mul3A_865, %mul3A_869 : vector<16xf32>
        %get3A_871 = arith.index_cast %add3A_861 : i32 to index
        %get3A_872 = arith.constant 32 : index
        %get3A_873 = tpu.vector_load %arg11[%get3A_871, %get3A_872] {strides = array<i32>} : memref<800x64xf32, #tpu.memory_space<vmem>>, vector<16xf32>,
        %mul3A_874 = arith.mulf %get3A_439, %get3A_873 : vector<16xf32>
        %add3A_875 = arith.addf %add3A_870, %mul3A_874 : vector<16xf32>
        %get3A_876 = arith.index_cast %add3A_861 : i32 to index
        %get3A_877 = arith.constant 48 : index
        %get3A_878 = tpu.vector_load %arg11[%get3A_876, %get3A_877] {strides = array<i32>} : memref<800x64xf32, #tpu.memory_space<vmem>>, vector<16xf32>,
        %mul3A_879 = arith.mulf %get3A_442, %get3A_878 : vector<16xf32>
        %add3A_880 = arith.addf %add3A_875, %mul3A_879 : vector<16xf32>
        %reduce_sum3A_881 = arith.constant true
        %reduce_sum3A_882 = vector.broadcast %reduce_sum3A_881 : i1 to vector<16xi1>
        %reduce_sum3A_883 = tpu.scan <sum>, %add3A_880 masked %reduce_sum3A_882 : vector<16xf32>, vector<16xi1> -> vector<16xf32>
        %reduce_sum3A_884 = vector.extract %reduce_sum3A_883[15] : f32 from vector<16xf32>
        %eq3A_885 = arith.constant 13 : i32
        %eq3A_886 = vector.broadcast %eq3A_885 : i32 to vector<16xi32>
        %eq3A_887 = arith.cmpi eq, %iota3A, %eq3A_886 : vector<16xi32>
        %broadcast_in_dim3A_888 = vector.broadcast %reduce_sum3A_884 : f32 to vector<16xf32>
        %select_n3A_889 = arith.select %eq3A_887, %broadcast_in_dim3A_888, %select_n3A_857 : vector<16xi1>, vector<16xf32>
        %mul3A_890 = arith.constant 50 : i32
        %mul3A_891 = arith.muli %scan3A_431, %mul3A_890 : i32
        %add3A_892 = arith.constant 14 : i32
        %add3A_893 = arith.addi %mul3A_891, %add3A_892 : i32
        %get3A_894 = arith.index_cast %add3A_893 : i32 to index
        %get3A_895 = arith.constant 0 : index
        %get3A_896 = tpu.vector_load %arg11[%get3A_894, %get3A_895] {strides = array<i32>} : memref<800x64xf32, #tpu.memory_space<vmem>>, vector<16xf32>,
        %mul3A_897 = arith.mulf %get3A_433, %get3A_896 : vector<16xf32>
        %get3A_898 = arith.index_cast %add3A_893 : i32 to index
        %get3A_899 = arith.constant 16 : index
        %get3A_900 = tpu.vector_load %arg11[%get3A_898, %get3A_899] {strides = array<i32>} : memref<800x64xf32, #tpu.memory_space<vmem>>, vector<16xf32>,
        %mul3A_901 = arith.mulf %get3A_436, %get3A_900 : vector<16xf32>
        %add3A_902 = arith.addf %mul3A_897, %mul3A_901 : vector<16xf32>
        %get3A_903 = arith.index_cast %add3A_893 : i32 to index
        %get3A_904 = arith.constant 32 : index
        %get3A_905 = tpu.vector_load %arg11[%get3A_903, %get3A_904] {strides = array<i32>} : memref<800x64xf32, #tpu.memory_space<vmem>>, vector<16xf32>,
        %mul3A_906 = arith.mulf %get3A_439, %get3A_905 : vector<16xf32>
        %add3A_907 = arith.addf %add3A_902, %mul3A_906 : vector<16xf32>
        %get3A_908 = arith.index_cast %add3A_893 : i32 to index
        %get3A_909 = arith.constant 48 : index
        %get3A_910 = tpu.vector_load %arg11[%get3A_908, %get3A_909] {strides = array<i32>} : memref<800x64xf32, #tpu.memory_space<vmem>>, vector<16xf32>,
        %mul3A_911 = arith.mulf %get3A_442, %get3A_910 : vector<16xf32>
        %add3A_912 = arith.addf %add3A_907, %mul3A_911 : vector<16xf32>
        %reduce_sum3A_913 = arith.constant true
        %reduce_sum3A_914 = vector.broadcast %reduce_sum3A_913 : i1 to vector<16xi1>
        %reduce_sum3A_915 = tpu.scan <sum>, %add3A_912 masked %reduce_sum3A_914 : vector<16xf32>, vector<16xi1> -> vector<16xf32>
        %reduce_sum3A_916 = vector.extract %reduce_sum3A_915[15] : f32 from vector<16xf32>
        %eq3A_917 = arith.constant 14 : i32
        %eq3A_918 = vector.broadcast %eq3A_917 : i32 to vector<16xi32>
        %eq3A_919 = arith.cmpi eq, %iota3A, %eq3A_918 : vector<16xi32>
        %broadcast_in_dim3A_920 = vector.broadcast %reduce_sum3A_916 : f32 to vector<16xf32>
        %select_n3A_921 = arith.select %eq3A_919, %broadcast_in_dim3A_920, %select_n3A_889 : vector<16xi1>, vector<16xf32>
        %mul3A_922 = arith.constant 50 : i32
        %mul3A_923 = arith.muli %scan3A_431, %mul3A_922 : i32
        %add3A_924 = arith.constant 15 : i32
        %add3A_925 = arith.addi %mul3A_923, %add3A_924 : i32
        %get3A_926 = arith.index_cast %add3A_925 : i32 to index
        %get3A_927 = arith.constant 0 : index
        %get3A_928 = tpu.vector_load %arg11[%get3A_926, %get3A_927] {strides = array<i32>} : memref<800x64xf32, #tpu.memory_space<vmem>>, vector<16xf32>,
        %mul3A_929 = arith.mulf %get3A_433, %get3A_928 : vector<16xf32>
        %get3A_930 = arith.index_cast %add3A_925 : i32 to index
        %get3A_931 = arith.constant 16 : index
        %get3A_932 = tpu.vector_load %arg11[%get3A_930, %get3A_931] {strides = array<i32>} : memref<800x64xf32, #tpu.memory_space<vmem>>, vector<16xf32>,
        %mul3A_933 = arith.mulf %get3A_436, %get3A_932 : vector<16xf32>
        %add3A_934 = arith.addf %mul3A_929, %mul3A_933 : vector<16xf32>
        %get3A_935 = arith.index_cast %add3A_925 : i32 to index
        %get3A_936 = arith.constant 32 : index
        %get3A_937 = tpu.vector_load %arg11[%get3A_935, %get3A_936] {strides = array<i32>} : memref<800x64xf32, #tpu.memory_space<vmem>>, vector<16xf32>,
        %mul3A_938 = arith.mulf %get3A_439, %get3A_937 : vector<16xf32>
        %add3A_939 = arith.addf %add3A_934, %mul3A_938 : vector<16xf32>
        %get3A_940 = arith.index_cast %add3A_925 : i32 to index
        %get3A_941 = arith.constant 48 : index
        %get3A_942 = tpu.vector_load %arg11[%get3A_940, %get3A_941] {strides = array<i32>} : memref<800x64xf32, #tpu.memory_space<vmem>>, vector<16xf32>,
        %mul3A_943 = arith.mulf %get3A_442, %get3A_942 : vector<16xf32>
        %add3A_944 = arith.addf %add3A_939, %mul3A_943 : vector<16xf32>
        %reduce_sum3A_945 = arith.constant true
        %reduce_sum3A_946 = vector.broadcast %reduce_sum3A_945 : i1 to vector<16xi1>
        %reduce_sum3A_947 = tpu.scan <sum>, %add3A_944 masked %reduce_sum3A_946 : vector<16xf32>, vector<16xi1> -> vector<16xf32>
        %reduce_sum3A_948 = vector.extract %reduce_sum3A_947[15] : f32 from vector<16xf32>
        %eq3A_949 = arith.constant 15 : i32
        %eq3A_950 = vector.broadcast %eq3A_949 : i32 to vector<16xi32>
        %eq3A_951 = arith.cmpi eq, %iota3A, %eq3A_950 : vector<16xi32>
        %broadcast_in_dim3A_952 = vector.broadcast %reduce_sum3A_948 : f32 to vector<16xf32>
        %select_n3A_953 = arith.select %eq3A_951, %broadcast_in_dim3A_952, %select_n3A_921 : vector<16xi1>, vector<16xf32>
        %neg3A = arith.constant 0.000000e+00 : f32
        %neg3A_954 = vector.broadcast %neg3A : f32 to vector<16xf32>
        %neg3A_955 = arith.subf %neg3A_954, %select_n3A_953 : vector<16xf32>
        %exp3A = math.exp %neg3A_955 : vector<16xf32>
        %add3A_956 = arith.constant 1.000000e+00 : f32
        %add3A_957 = vector.broadcast %add3A_956 : f32 to vector<16xf32>
        %add3A_958 = arith.addf %add3A_957, %exp3A : vector<16xf32>
        %div3A_959 = arith.constant 1.000000e+00 : f32
        %div3A_960 = vector.broadcast %div3A_959 : f32 to vector<16xf32>
        %div3A_961 = arith.divf %div3A_960, %add3A_958 : vector<16xf32>
        %mul3A_962 = arith.constant 50 : i32
        %mul3A_963 = arith.muli %scan3A_431, %mul3A_962 : i32
        %add3A_964 = arith.constant 0 : i32
        %add3A_965 = arith.addi %mul3A_963, %add3A_964 : i32
        %swap3A = arith.index_cast %add3A_965 : i32 to index
        %swap3A_966 = tpu.vector_load %arg14[%swap3A] {strides = array<i32>} : memref<816xf32, #tpu.memory_space<vmem>>, vector<16xf32>,
        tpu.vector_store %arg14[%swap3A], %div3A_961 {strides = array<i32>} : memref<816xf32, #tpu.memory_space<vmem>>, vector<16xf32>,
        %broadcast_in_dim3A_967 = arith.constant 0.000000e+00 : f32
        %broadcast_in_dim3A_968 = vector.broadcast %broadcast_in_dim3A_967 : f32 to vector<16xf32>
        %mul3A_969 = arith.constant 50 : i32
        %mul3A_970 = arith.muli %scan3A_431, %mul3A_969 : i32
        %add3A_971 = arith.constant 16 : i32
        %add3A_972 = arith.addi %mul3A_970, %add3A_971 : i32
        %get3A_973 = arith.index_cast %add3A_972 : i32 to index
        %get3A_974 = arith.constant 0 : index
        %get3A_975 = tpu.vector_load %arg11[%get3A_973, %get3A_974] {strides = array<i32>} : memref<800x64xf32, #tpu.memory_space<vmem>>, vector<16xf32>,
        %mul3A_976 = arith.mulf %get3A_433, %get3A_975 : vector<16xf32>
        %get3A_977 = arith.index_cast %add3A_972 : i32 to index
        %get3A_978 = arith.constant 16 : index
        %get3A_979 = tpu.vector_load %arg11[%get3A_977, %get3A_978] {strides = array<i32>} : memref<800x64xf32, #tpu.memory_space<vmem>>, vector<16xf32>,
        %mul3A_980 = arith.mulf %get3A_436, %get3A_979 : vector<16xf32>
        %add3A_981 = arith.addf %mul3A_976, %mul3A_980 : vector<16xf32>
        %get3A_982 = arith.index_cast %add3A_972 : i32 to index
        %get3A_983 = arith.constant 32 : index
        %get3A_984 = tpu.vector_load %arg11[%get3A_982, %get3A_983] {strides = array<i32>} : memref<800x64xf32, #tpu.memory_space<vmem>>, vector<16xf32>,
        %mul3A_985 = arith.mulf %get3A_439, %get3A_984 : vector<16xf32>
        %add3A_986 = arith.addf %add3A_981, %mul3A_985 : vector<16xf32>
        %get3A_987 = arith.index_cast %add3A_972 : i32 to index
        %get3A_988 = arith.constant 48 : index
        %get3A_989 = tpu.vector_load %arg11[%get3A_987, %get3A_988] {strides = array<i32>} : memref<800x64xf32, #tpu.memory_space<vmem>>, vector<16xf32>,
        %mul3A_990 = arith.mulf %get3A_442, %get3A_989 : vector<16xf32>
        %add3A_991 = arith.addf %add3A_986, %mul3A_990 : vector<16xf32>
        %reduce_sum3A_992 = arith.constant true
        %reduce_sum3A_993 = vector.broadcast %reduce_sum3A_992 : i1 to vector<16xi1>
        %reduce_sum3A_994 = tpu.scan <sum>, %add3A_991 masked %reduce_sum3A_993 : vector<16xf32>, vector<16xi1> -> vector<16xf32>
        %reduce_sum3A_995 = vector.extract %reduce_sum3A_994[15] : f32 from vector<16xf32>
        %eq3A_996 = arith.constant 0 : i32
        %eq3A_997 = vector.broadcast %eq3A_996 : i32 to vector<16xi32>
        %eq3A_998 = arith.cmpi eq, %iota3A, %eq3A_997 : vector<16xi32>
        %broadcast_in_dim3A_999 = vector.broadcast %reduce_sum3A_995 : f32 to vector<16xf32>
        %select_n3A_1000 = arith.select %eq3A_998, %broadcast_in_dim3A_999, %broadcast_in_dim3A_968 : vector<16xi1>, vector<16xf32>
        %mul3A_1001 = arith.constant 50 : i32
        %mul3A_1002 = arith.muli %scan3A_431, %mul3A_1001 : i32
        %add3A_1003 = arith.constant 17 : i32
        %add3A_1004 = arith.addi %mul3A_1002, %add3A_1003 : i32
        %get3A_1005 = arith.index_cast %add3A_1004 : i32 to index
        %get3A_1006 = arith.constant 0 : index
        %get3A_1007 = tpu.vector_load %arg11[%get3A_1005, %get3A_1006] {strides = array<i32>} : memref<800x64xf32, #tpu.memory_space<vmem>>, vector<16xf32>,
        %mul3A_1008 = arith.mulf %get3A_433, %get3A_1007 : vector<16xf32>
        %get3A_1009 = arith.index_cast %add3A_1004 : i32 to index
        %get3A_1010 = arith.constant 16 : index
        %get3A_1011 = tpu.vector_load %arg11[%get3A_1009, %get3A_1010] {strides = array<i32>} : memref<800x64xf32, #tpu.memory_space<vmem>>, vector<16xf32>,
        %mul3A_1012 = arith.mulf %get3A_436, %get3A_1011 : vector<16xf32>
        %add3A_1013 = arith.addf %mul3A_1008, %mul3A_1012 : vector<16xf32>
        %get3A_1014 = arith.index_cast %add3A_1004 : i32 to index
        %get3A_1015 = arith.constant 32 : index
        %get3A_1016 = tpu.vector_load %arg11[%get3A_1014, %get3A_1015] {strides = array<i32>} : memref<800x64xf32, #tpu.memory_space<vmem>>, vector<16xf32>,
        %mul3A_1017 = arith.mulf %get3A_439, %get3A_1016 : vector<16xf32>
        %add3A_1018 = arith.addf %add3A_1013, %mul3A_1017 : vector<16xf32>
        %get3A_1019 = arith.index_cast %add3A_1004 : i32 to index
        %get3A_1020 = arith.constant 48 : index
        %get3A_1021 = tpu.vector_load %arg11[%get3A_1019, %get3A_1020] {strides = array<i32>} : memref<800x64xf32, #tpu.memory_space<vmem>>, vector<16xf32>,
        %mul3A_1022 = arith.mulf %get3A_442, %get3A_1021 : vector<16xf32>
        %add3A_1023 = arith.addf %add3A_1018, %mul3A_1022 : vector<16xf32>
        %reduce_sum3A_1024 = arith.constant true
        %reduce_sum3A_1025 = vector.broadcast %reduce_sum3A_1024 : i1 to vector<16xi1>
        %reduce_sum3A_1026 = tpu.scan <sum>, %add3A_1023 masked %reduce_sum3A_1025 : vector<16xf32>, vector<16xi1> -> vector<16xf32>
        %reduce_sum3A_1027 = vector.extract %reduce_sum3A_1026[15] : f32 from vector<16xf32>
        %eq3A_1028 = arith.constant 1 : i32
        %eq3A_1029 = vector.broadcast %eq3A_1028 : i32 to vector<16xi32>
        %eq3A_1030 = arith.cmpi eq, %iota3A, %eq3A_1029 : vector<16xi32>
        %broadcast_in_dim3A_1031 = vector.broadcast %reduce_sum3A_1027 : f32 to vector<16xf32>
        %select_n3A_1032 = arith.select %eq3A_1030, %broadcast_in_dim3A_1031, %select_n3A_1000 : vector<16xi1>, vector<16xf32>
        %mul3A_1033 = arith.constant 50 : i32
        %mul3A_1034 = arith.muli %scan3A_431, %mul3A_1033 : i32
        %add3A_1035 = arith.constant 18 : i32
        %add3A_1036 = arith.addi %mul3A_1034, %add3A_1035 : i32
        %get3A_1037 = arith.index_cast %add3A_1036 : i32 to index
        %get3A_1038 = arith.constant 0 : index
        %get3A_1039 = tpu.vector_load %arg11[%get3A_1037, %get3A_1038] {strides = array<i32>} : memref<800x64xf32, #tpu.memory_space<vmem>>, vector<16xf32>,
        %mul3A_1040 = arith.mulf %get3A_433, %get3A_1039 : vector<16xf32>
        %get3A_1041 = arith.index_cast %add3A_1036 : i32 to index
        %get3A_1042 = arith.constant 16 : index
        %get3A_1043 = tpu.vector_load %arg11[%get3A_1041, %get3A_1042] {strides = array<i32>} : memref<800x64xf32, #tpu.memory_space<vmem>>, vector<16xf32>,
        %mul3A_1044 = arith.mulf %get3A_436, %get3A_1043 : vector<16xf32>
        %add3A_1045 = arith.addf %mul3A_1040, %mul3A_1044 : vector<16xf32>
        %get3A_1046 = arith.index_cast %add3A_1036 : i32 to index
        %get3A_1047 = arith.constant 32 : index
        %get3A_1048 = tpu.vector_load %arg11[%get3A_1046, %get3A_1047] {strides = array<i32>} : memref<800x64xf32, #tpu.memory_space<vmem>>, vector<16xf32>,
        %mul3A_1049 = arith.mulf %get3A_439, %get3A_1048 : vector<16xf32>
        %add3A_1050 = arith.addf %add3A_1045, %mul3A_1049 : vector<16xf32>
        %get3A_1051 = arith.index_cast %add3A_1036 : i32 to index
        %get3A_1052 = arith.constant 48 : index
        %get3A_1053 = tpu.vector_load %arg11[%get3A_1051, %get3A_1052] {strides = array<i32>} : memref<800x64xf32, #tpu.memory_space<vmem>>, vector<16xf32>,
        %mul3A_1054 = arith.mulf %get3A_442, %get3A_1053 : vector<16xf32>
        %add3A_1055 = arith.addf %add3A_1050, %mul3A_1054 : vector<16xf32>
        %reduce_sum3A_1056 = arith.constant true
        %reduce_sum3A_1057 = vector.broadcast %reduce_sum3A_1056 : i1 to vector<16xi1>
        %reduce_sum3A_1058 = tpu.scan <sum>, %add3A_1055 masked %reduce_sum3A_1057 : vector<16xf32>, vector<16xi1> -> vector<16xf32>
        %reduce_sum3A_1059 = vector.extract %reduce_sum3A_1058[15] : f32 from vector<16xf32>
        %eq3A_1060 = arith.constant 2 : i32
        %eq3A_1061 = vector.broadcast %eq3A_1060 : i32 to vector<16xi32>
        %eq3A_1062 = arith.cmpi eq, %iota3A, %eq3A_1061 : vector<16xi32>
        %broadcast_in_dim3A_1063 = vector.broadcast %reduce_sum3A_1059 : f32 to vector<16xf32>
        %select_n3A_1064 = arith.select %eq3A_1062, %broadcast_in_dim3A_1063, %select_n3A_1032 : vector<16xi1>, vector<16xf32>
        %mul3A_1065 = arith.constant 50 : i32
        %mul3A_1066 = arith.muli %scan3A_431, %mul3A_1065 : i32
        %add3A_1067 = arith.constant 19 : i32
        %add3A_1068 = arith.addi %mul3A_1066, %add3A_1067 : i32
        %get3A_1069 = arith.index_cast %add3A_1068 : i32 to index
        %get3A_1070 = arith.constant 0 : index
        %get3A_1071 = tpu.vector_load %arg11[%get3A_1069, %get3A_1070] {strides = array<i32>} : memref<800x64xf32, #tpu.memory_space<vmem>>, vector<16xf32>,
        %mul3A_1072 = arith.mulf %get3A_433, %get3A_1071 : vector<16xf32>
        %get3A_1073 = arith.index_cast %add3A_1068 : i32 to index
        %get3A_1074 = arith.constant 16 : index
        %get3A_1075 = tpu.vector_load %arg11[%get3A_1073, %get3A_1074] {strides = array<i32>} : memref<800x64xf32, #tpu.memory_space<vmem>>, vector<16xf32>,
        %mul3A_1076 = arith.mulf %get3A_436, %get3A_1075 : vector<16xf32>
        %add3A_1077 = arith.addf %mul3A_1072, %mul3A_1076 : vector<16xf32>
        %get3A_1078 = arith.index_cast %add3A_1068 : i32 to index
        %get3A_1079 = arith.constant 32 : index
        %get3A_1080 = tpu.vector_load %arg11[%get3A_1078, %get3A_1079] {strides = array<i32>} : memref<800x64xf32, #tpu.memory_space<vmem>>, vector<16xf32>,
        %mul3A_1081 = arith.mulf %get3A_439, %get3A_1080 : vector<16xf32>
        %add3A_1082 = arith.addf %add3A_1077, %mul3A_1081 : vector<16xf32>
        %get3A_1083 = arith.index_cast %add3A_1068 : i32 to index
        %get3A_1084 = arith.constant 48 : index
        %get3A_1085 = tpu.vector_load %arg11[%get3A_1083, %get3A_1084] {strides = array<i32>} : memref<800x64xf32, #tpu.memory_space<vmem>>, vector<16xf32>,
        %mul3A_1086 = arith.mulf %get3A_442, %get3A_1085 : vector<16xf32>
        %add3A_1087 = arith.addf %add3A_1082, %mul3A_1086 : vector<16xf32>
        %reduce_sum3A_1088 = arith.constant true
        %reduce_sum3A_1089 = vector.broadcast %reduce_sum3A_1088 : i1 to vector<16xi1>
        %reduce_sum3A_1090 = tpu.scan <sum>, %add3A_1087 masked %reduce_sum3A_1089 : vector<16xf32>, vector<16xi1> -> vector<16xf32>
        %reduce_sum3A_1091 = vector.extract %reduce_sum3A_1090[15] : f32 from vector<16xf32>
        %eq3A_1092 = arith.constant 3 : i32
        %eq3A_1093 = vector.broadcast %eq3A_1092 : i32 to vector<16xi32>
        %eq3A_1094 = arith.cmpi eq, %iota3A, %eq3A_1093 : vector<16xi32>
        %broadcast_in_dim3A_1095 = vector.broadcast %reduce_sum3A_1091 : f32 to vector<16xf32>
        %select_n3A_1096 = arith.select %eq3A_1094, %broadcast_in_dim3A_1095, %select_n3A_1064 : vector<16xi1>, vector<16xf32>
        %mul3A_1097 = arith.constant 50 : i32
        %mul3A_1098 = arith.muli %scan3A_431, %mul3A_1097 : i32
        %add3A_1099 = arith.constant 20 : i32
        %add3A_1100 = arith.addi %mul3A_1098, %add3A_1099 : i32
        %get3A_1101 = arith.index_cast %add3A_1100 : i32 to index
        %get3A_1102 = arith.constant 0 : index
        %get3A_1103 = tpu.vector_load %arg11[%get3A_1101, %get3A_1102] {strides = array<i32>} : memref<800x64xf32, #tpu.memory_space<vmem>>, vector<16xf32>,
        %mul3A_1104 = arith.mulf %get3A_433, %get3A_1103 : vector<16xf32>
        %get3A_1105 = arith.index_cast %add3A_1100 : i32 to index
        %get3A_1106 = arith.constant 16 : index
        %get3A_1107 = tpu.vector_load %arg11[%get3A_1105, %get3A_1106] {strides = array<i32>} : memref<800x64xf32, #tpu.memory_space<vmem>>, vector<16xf32>,
        %mul3A_1108 = arith.mulf %get3A_436, %get3A_1107 : vector<16xf32>
        %add3A_1109 = arith.addf %mul3A_1104, %mul3A_1108 : vector<16xf32>
        %get3A_1110 = arith.index_cast %add3A_1100 : i32 to index
        %get3A_1111 = arith.constant 32 : index
        %get3A_1112 = tpu.vector_load %arg11[%get3A_1110, %get3A_1111] {strides = array<i32>} : memref<800x64xf32, #tpu.memory_space<vmem>>, vector<16xf32>,
        %mul3A_1113 = arith.mulf %get3A_439, %get3A_1112 : vector<16xf32>
        %add3A_1114 = arith.addf %add3A_1109, %mul3A_1113 : vector<16xf32>
        %get3A_1115 = arith.index_cast %add3A_1100 : i32 to index
        %get3A_1116 = arith.constant 48 : index
        %get3A_1117 = tpu.vector_load %arg11[%get3A_1115, %get3A_1116] {strides = array<i32>} : memref<800x64xf32, #tpu.memory_space<vmem>>, vector<16xf32>,
        %mul3A_1118 = arith.mulf %get3A_442, %get3A_1117 : vector<16xf32>
        %add3A_1119 = arith.addf %add3A_1114, %mul3A_1118 : vector<16xf32>
        %reduce_sum3A_1120 = arith.constant true
        %reduce_sum3A_1121 = vector.broadcast %reduce_sum3A_1120 : i1 to vector<16xi1>
        %reduce_sum3A_1122 = tpu.scan <sum>, %add3A_1119 masked %reduce_sum3A_1121 : vector<16xf32>, vector<16xi1> -> vector<16xf32>
        %reduce_sum3A_1123 = vector.extract %reduce_sum3A_1122[15] : f32 from vector<16xf32>
        %eq3A_1124 = arith.constant 4 : i32
        %eq3A_1125 = vector.broadcast %eq3A_1124 : i32 to vector<16xi32>
        %eq3A_1126 = arith.cmpi eq, %iota3A, %eq3A_1125 : vector<16xi32>
        %broadcast_in_dim3A_1127 = vector.broadcast %reduce_sum3A_1123 : f32 to vector<16xf32>
        %select_n3A_1128 = arith.select %eq3A_1126, %broadcast_in_dim3A_1127, %select_n3A_1096 : vector<16xi1>, vector<16xf32>
        %mul3A_1129 = arith.constant 50 : i32
        %mul3A_1130 = arith.muli %scan3A_431, %mul3A_1129 : i32
        %add3A_1131 = arith.constant 21 : i32
        %add3A_1132 = arith.addi %mul3A_1130, %add3A_1131 : i32
        %get3A_1133 = arith.index_cast %add3A_1132 : i32 to index
        %get3A_1134 = arith.constant 0 : index
        %get3A_1135 = tpu.vector_load %arg11[%get3A_1133, %get3A_1134] {strides = array<i32>} : memref<800x64xf32, #tpu.memory_space<vmem>>, vector<16xf32>,
        %mul3A_1136 = arith.mulf %get3A_433, %get3A_1135 : vector<16xf32>
        %get3A_1137 = arith.index_cast %add3A_1132 : i32 to index
        %get3A_1138 = arith.constant 16 : index
        %get3A_1139 = tpu.vector_load %arg11[%get3A_1137, %get3A_1138] {strides = array<i32>} : memref<800x64xf32, #tpu.memory_space<vmem>>, vector<16xf32>,
        %mul3A_1140 = arith.mulf %get3A_436, %get3A_1139 : vector<16xf32>
        %add3A_1141 = arith.addf %mul3A_1136, %mul3A_1140 : vector<16xf32>
        %get3A_1142 = arith.index_cast %add3A_1132 : i32 to index
        %get3A_1143 = arith.constant 32 : index
        %get3A_1144 = tpu.vector_load %arg11[%get3A_1142, %get3A_1143] {strides = array<i32>} : memref<800x64xf32, #tpu.memory_space<vmem>>, vector<16xf32>,
        %mul3A_1145 = arith.mulf %get3A_439, %get3A_1144 : vector<16xf32>
        %add3A_1146 = arith.addf %add3A_1141, %mul3A_1145 : vector<16xf32>
        %get3A_1147 = arith.index_cast %add3A_1132 : i32 to index
        %get3A_1148 = arith.constant 48 : index
        %get3A_1149 = tpu.vector_load %arg11[%get3A_1147, %get3A_1148] {strides = array<i32>} : memref<800x64xf32, #tpu.memory_space<vmem>>, vector<16xf32>,
        %mul3A_1150 = arith.mulf %get3A_442, %get3A_1149 : vector<16xf32>
        %add3A_1151 = arith.addf %add3A_1146, %mul3A_1150 : vector<16xf32>
        %reduce_sum3A_1152 = arith.constant true
        %reduce_sum3A_1153 = vector.broadcast %reduce_sum3A_1152 : i1 to vector<16xi1>
        %reduce_sum3A_1154 = tpu.scan <sum>, %add3A_1151 masked %reduce_sum3A_1153 : vector<16xf32>, vector<16xi1> -> vector<16xf32>
        %reduce_sum3A_1155 = vector.extract %reduce_sum3A_1154[15] : f32 from vector<16xf32>
        %eq3A_1156 = arith.constant 5 : i32
        %eq3A_1157 = vector.broadcast %eq3A_1156 : i32 to vector<16xi32>
        %eq3A_1158 = arith.cmpi eq, %iota3A, %eq3A_1157 : vector<16xi32>
        %broadcast_in_dim3A_1159 = vector.broadcast %reduce_sum3A_1155 : f32 to vector<16xf32>
        %select_n3A_1160 = arith.select %eq3A_1158, %broadcast_in_dim3A_1159, %select_n3A_1128 : vector<16xi1>, vector<16xf32>
        %mul3A_1161 = arith.constant 50 : i32
        %mul3A_1162 = arith.muli %scan3A_431, %mul3A_1161 : i32
        %add3A_1163 = arith.constant 22 : i32
        %add3A_1164 = arith.addi %mul3A_1162, %add3A_1163 : i32
        %get3A_1165 = arith.index_cast %add3A_1164 : i32 to index
        %get3A_1166 = arith.constant 0 : index
        %get3A_1167 = tpu.vector_load %arg11[%get3A_1165, %get3A_1166] {strides = array<i32>} : memref<800x64xf32, #tpu.memory_space<vmem>>, vector<16xf32>,
        %mul3A_1168 = arith.mulf %get3A_433, %get3A_1167 : vector<16xf32>
        %get3A_1169 = arith.index_cast %add3A_1164 : i32 to index
        %get3A_1170 = arith.constant 16 : index
        %get3A_1171 = tpu.vector_load %arg11[%get3A_1169, %get3A_1170] {strides = array<i32>} : memref<800x64xf32, #tpu.memory_space<vmem>>, vector<16xf32>,
        %mul3A_1172 = arith.mulf %get3A_436, %get3A_1171 : vector<16xf32>
        %add3A_1173 = arith.addf %mul3A_1168, %mul3A_1172 : vector<16xf32>
        %get3A_1174 = arith.index_cast %add3A_1164 : i32 to index
        %get3A_1175 = arith.constant 32 : index
        %get3A_1176 = tpu.vector_load %arg11[%get3A_1174, %get3A_1175] {strides = array<i32>} : memref<800x64xf32, #tpu.memory_space<vmem>>, vector<16xf32>,
        %mul3A_1177 = arith.mulf %get3A_439, %get3A_1176 : vector<16xf32>
        %add3A_1178 = arith.addf %add3A_1173, %mul3A_1177 : vector<16xf32>
        %get3A_1179 = arith.index_cast %add3A_1164 : i32 to index
        %get3A_1180 = arith.constant 48 : index
        %get3A_1181 = tpu.vector_load %arg11[%get3A_1179, %get3A_1180] {strides = array<i32>} : memref<800x64xf32, #tpu.memory_space<vmem>>, vector<16xf32>,
        %mul3A_1182 = arith.mulf %get3A_442, %get3A_1181 : vector<16xf32>
        %add3A_1183 = arith.addf %add3A_1178, %mul3A_1182 : vector<16xf32>
        %reduce_sum3A_1184 = arith.constant true
        %reduce_sum3A_1185 = vector.broadcast %reduce_sum3A_1184 : i1 to vector<16xi1>
        %reduce_sum3A_1186 = tpu.scan <sum>, %add3A_1183 masked %reduce_sum3A_1185 : vector<16xf32>, vector<16xi1> -> vector<16xf32>
        %reduce_sum3A_1187 = vector.extract %reduce_sum3A_1186[15] : f32 from vector<16xf32>
        %eq3A_1188 = arith.constant 6 : i32
        %eq3A_1189 = vector.broadcast %eq3A_1188 : i32 to vector<16xi32>
        %eq3A_1190 = arith.cmpi eq, %iota3A, %eq3A_1189 : vector<16xi32>
        %broadcast_in_dim3A_1191 = vector.broadcast %reduce_sum3A_1187 : f32 to vector<16xf32>
        %select_n3A_1192 = arith.select %eq3A_1190, %broadcast_in_dim3A_1191, %select_n3A_1160 : vector<16xi1>, vector<16xf32>
        %mul3A_1193 = arith.constant 50 : i32
        %mul3A_1194 = arith.muli %scan3A_431, %mul3A_1193 : i32
        %add3A_1195 = arith.constant 23 : i32
        %add3A_1196 = arith.addi %mul3A_1194, %add3A_1195 : i32
        %get3A_1197 = arith.index_cast %add3A_1196 : i32 to index
        %get3A_1198 = arith.constant 0 : index
        %get3A_1199 = tpu.vector_load %arg11[%get3A_1197, %get3A_1198] {strides = array<i32>} : memref<800x64xf32, #tpu.memory_space<vmem>>, vector<16xf32>,
        %mul3A_1200 = arith.mulf %get3A_433, %get3A_1199 : vector<16xf32>
        %get3A_1201 = arith.index_cast %add3A_1196 : i32 to index
        %get3A_1202 = arith.constant 16 : index
        %get3A_1203 = tpu.vector_load %arg11[%get3A_1201, %get3A_1202] {strides = array<i32>} : memref<800x64xf32, #tpu.memory_space<vmem>>, vector<16xf32>,
        %mul3A_1204 = arith.mulf %get3A_436, %get3A_1203 : vector<16xf32>
        %add3A_1205 = arith.addf %mul3A_1200, %mul3A_1204 : vector<16xf32>
        %get3A_1206 = arith.index_cast %add3A_1196 : i32 to index
        %get3A_1207 = arith.constant 32 : index
        %get3A_1208 = tpu.vector_load %arg11[%get3A_1206, %get3A_1207] {strides = array<i32>} : memref<800x64xf32, #tpu.memory_space<vmem>>, vector<16xf32>,
        %mul3A_1209 = arith.mulf %get3A_439, %get3A_1208 : vector<16xf32>
        %add3A_1210 = arith.addf %add3A_1205, %mul3A_1209 : vector<16xf32>
        %get3A_1211 = arith.index_cast %add3A_1196 : i32 to index
        %get3A_1212 = arith.constant 48 : index
        %get3A_1213 = tpu.vector_load %arg11[%get3A_1211, %get3A_1212] {strides = array<i32>} : memref<800x64xf32, #tpu.memory_space<vmem>>, vector<16xf32>,
        %mul3A_1214 = arith.mulf %get3A_442, %get3A_1213 : vector<16xf32>
        %add3A_1215 = arith.addf %add3A_1210, %mul3A_1214 : vector<16xf32>
        %reduce_sum3A_1216 = arith.constant true
        %reduce_sum3A_1217 = vector.broadcast %reduce_sum3A_1216 : i1 to vector<16xi1>
        %reduce_sum3A_1218 = tpu.scan <sum>, %add3A_1215 masked %reduce_sum3A_1217 : vector<16xf32>, vector<16xi1> -> vector<16xf32>
        %reduce_sum3A_1219 = vector.extract %reduce_sum3A_1218[15] : f32 from vector<16xf32>
        %eq3A_1220 = arith.constant 7 : i32
        %eq3A_1221 = vector.broadcast %eq3A_1220 : i32 to vector<16xi32>
        %eq3A_1222 = arith.cmpi eq, %iota3A, %eq3A_1221 : vector<16xi32>
        %broadcast_in_dim3A_1223 = vector.broadcast %reduce_sum3A_1219 : f32 to vector<16xf32>
        %select_n3A_1224 = arith.select %eq3A_1222, %broadcast_in_dim3A_1223, %select_n3A_1192 : vector<16xi1>, vector<16xf32>
        %mul3A_1225 = arith.constant 50 : i32
        %mul3A_1226 = arith.muli %scan3A_431, %mul3A_1225 : i32
        %add3A_1227 = arith.constant 24 : i32
        %add3A_1228 = arith.addi %mul3A_1226, %add3A_1227 : i32
        %get3A_1229 = arith.index_cast %add3A_1228 : i32 to index
        %get3A_1230 = arith.constant 0 : index
        %get3A_1231 = tpu.vector_load %arg11[%get3A_1229, %get3A_1230] {strides = array<i32>} : memref<800x64xf32, #tpu.memory_space<vmem>>, vector<16xf32>,
        %mul3A_1232 = arith.mulf %get3A_433, %get3A_1231 : vector<16xf32>
        %get3A_1233 = arith.index_cast %add3A_1228 : i32 to index
        %get3A_1234 = arith.constant 16 : index
        %get3A_1235 = tpu.vector_load %arg11[%get3A_1233, %get3A_1234] {strides = array<i32>} : memref<800x64xf32, #tpu.memory_space<vmem>>, vector<16xf32>,
        %mul3A_1236 = arith.mulf %get3A_436, %get3A_1235 : vector<16xf32>
        %add3A_1237 = arith.addf %mul3A_1232, %mul3A_1236 : vector<16xf32>
        %get3A_1238 = arith.index_cast %add3A_1228 : i32 to index
        %get3A_1239 = arith.constant 32 : index
        %get3A_1240 = tpu.vector_load %arg11[%get3A_1238, %get3A_1239] {strides = array<i32>} : memref<800x64xf32, #tpu.memory_space<vmem>>, vector<16xf32>,
        %mul3A_1241 = arith.mulf %get3A_439, %get3A_1240 : vector<16xf32>
        %add3A_1242 = arith.addf %add3A_1237, %mul3A_1241 : vector<16xf32>
        %get3A_1243 = arith.index_cast %add3A_1228 : i32 to index
        %get3A_1244 = arith.constant 48 : index
        %get3A_1245 = tpu.vector_load %arg11[%get3A_1243, %get3A_1244] {strides = array<i32>} : memref<800x64xf32, #tpu.memory_space<vmem>>, vector<16xf32>,
        %mul3A_1246 = arith.mulf %get3A_442, %get3A_1245 : vector<16xf32>
        %add3A_1247 = arith.addf %add3A_1242, %mul3A_1246 : vector<16xf32>
        %reduce_sum3A_1248 = arith.constant true
        %reduce_sum3A_1249 = vector.broadcast %reduce_sum3A_1248 : i1 to vector<16xi1>
        %reduce_sum3A_1250 = tpu.scan <sum>, %add3A_1247 masked %reduce_sum3A_1249 : vector<16xf32>, vector<16xi1> -> vector<16xf32>
        %reduce_sum3A_1251 = vector.extract %reduce_sum3A_1250[15] : f32 from vector<16xf32>
        %eq3A_1252 = arith.constant 8 : i32
        %eq3A_1253 = vector.broadcast %eq3A_1252 : i32 to vector<16xi32>
        %eq3A_1254 = arith.cmpi eq, %iota3A, %eq3A_1253 : vector<16xi32>
        %broadcast_in_dim3A_1255 = vector.broadcast %reduce_sum3A_1251 : f32 to vector<16xf32>
        %select_n3A_1256 = arith.select %eq3A_1254, %broadcast_in_dim3A_1255, %select_n3A_1224 : vector<16xi1>, vector<16xf32>
        %mul3A_1257 = arith.constant 50 : i32
        %mul3A_1258 = arith.muli %scan3A_431, %mul3A_1257 : i32
        %add3A_1259 = arith.constant 25 : i32
        %add3A_1260 = arith.addi %mul3A_1258, %add3A_1259 : i32
        %get3A_1261 = arith.index_cast %add3A_1260 : i32 to index
        %get3A_1262 = arith.constant 0 : index
        %get3A_1263 = tpu.vector_load %arg11[%get3A_1261, %get3A_1262] {strides = array<i32>} : memref<800x64xf32, #tpu.memory_space<vmem>>, vector<16xf32>,
        %mul3A_1264 = arith.mulf %get3A_433, %get3A_1263 : vector<16xf32>
        %get3A_1265 = arith.index_cast %add3A_1260 : i32 to index
        %get3A_1266 = arith.constant 16 : index
        %get3A_1267 = tpu.vector_load %arg11[%get3A_1265, %get3A_1266] {strides = array<i32>} : memref<800x64xf32, #tpu.memory_space<vmem>>, vector<16xf32>,
        %mul3A_1268 = arith.mulf %get3A_436, %get3A_1267 : vector<16xf32>
        %add3A_1269 = arith.addf %mul3A_1264, %mul3A_1268 : vector<16xf32>
        %get3A_1270 = arith.index_cast %add3A_1260 : i32 to index
        %get3A_1271 = arith.constant 32 : index
        %get3A_1272 = tpu.vector_load %arg11[%get3A_1270, %get3A_1271] {strides = array<i32>} : memref<800x64xf32, #tpu.memory_space<vmem>>, vector<16xf32>,
        %mul3A_1273 = arith.mulf %get3A_439, %get3A_1272 : vector<16xf32>
        %add3A_1274 = arith.addf %add3A_1269, %mul3A_1273 : vector<16xf32>
        %get3A_1275 = arith.index_cast %add3A_1260 : i32 to index
        %get3A_1276 = arith.constant 48 : index
        %get3A_1277 = tpu.vector_load %arg11[%get3A_1275, %get3A_1276] {strides = array<i32>} : memref<800x64xf32, #tpu.memory_space<vmem>>, vector<16xf32>,
        %mul3A_1278 = arith.mulf %get3A_442, %get3A_1277 : vector<16xf32>
        %add3A_1279 = arith.addf %add3A_1274, %mul3A_1278 : vector<16xf32>
        %reduce_sum3A_1280 = arith.constant true
        %reduce_sum3A_1281 = vector.broadcast %reduce_sum3A_1280 : i1 to vector<16xi1>
        %reduce_sum3A_1282 = tpu.scan <sum>, %add3A_1279 masked %reduce_sum3A_1281 : vector<16xf32>, vector<16xi1> -> vector<16xf32>
        %reduce_sum3A_1283 = vector.extract %reduce_sum3A_1282[15] : f32 from vector<16xf32>
        %eq3A_1284 = arith.constant 9 : i32
        %eq3A_1285 = vector.broadcast %eq3A_1284 : i32 to vector<16xi32>
        %eq3A_1286 = arith.cmpi eq, %iota3A, %eq3A_1285 : vector<16xi32>
        %broadcast_in_dim3A_1287 = vector.broadcast %reduce_sum3A_1283 : f32 to vector<16xf32>
        %select_n3A_1288 = arith.select %eq3A_1286, %broadcast_in_dim3A_1287, %select_n3A_1256 : vector<16xi1>, vector<16xf32>
        %mul3A_1289 = arith.constant 50 : i32
        %mul3A_1290 = arith.muli %scan3A_431, %mul3A_1289 : i32
        %add3A_1291 = arith.constant 26 : i32
        %add3A_1292 = arith.addi %mul3A_1290, %add3A_1291 : i32
        %get3A_1293 = arith.index_cast %add3A_1292 : i32 to index
        %get3A_1294 = arith.constant 0 : index
        %get3A_1295 = tpu.vector_load %arg11[%get3A_1293, %get3A_1294] {strides = array<i32>} : memref<800x64xf32, #tpu.memory_space<vmem>>, vector<16xf32>,
        %mul3A_1296 = arith.mulf %get3A_433, %get3A_1295 : vector<16xf32>
        %get3A_1297 = arith.index_cast %add3A_1292 : i32 to index
        %get3A_1298 = arith.constant 16 : index
        %get3A_1299 = tpu.vector_load %arg11[%get3A_1297, %get3A_1298] {strides = array<i32>} : memref<800x64xf32, #tpu.memory_space<vmem>>, vector<16xf32>,
        %mul3A_1300 = arith.mulf %get3A_436, %get3A_1299 : vector<16xf32>
        %add3A_1301 = arith.addf %mul3A_1296, %mul3A_1300 : vector<16xf32>
        %get3A_1302 = arith.index_cast %add3A_1292 : i32 to index
        %get3A_1303 = arith.constant 32 : index
        %get3A_1304 = tpu.vector_load %arg11[%get3A_1302, %get3A_1303] {strides = array<i32>} : memref<800x64xf32, #tpu.memory_space<vmem>>, vector<16xf32>,
        %mul3A_1305 = arith.mulf %get3A_439, %get3A_1304 : vector<16xf32>
        %add3A_1306 = arith.addf %add3A_1301, %mul3A_1305 : vector<16xf32>
        %get3A_1307 = arith.index_cast %add3A_1292 : i32 to index
        %get3A_1308 = arith.constant 48 : index
        %get3A_1309 = tpu.vector_load %arg11[%get3A_1307, %get3A_1308] {strides = array<i32>} : memref<800x64xf32, #tpu.memory_space<vmem>>, vector<16xf32>,
        %mul3A_1310 = arith.mulf %get3A_442, %get3A_1309 : vector<16xf32>
        %add3A_1311 = arith.addf %add3A_1306, %mul3A_1310 : vector<16xf32>
        %reduce_sum3A_1312 = arith.constant true
        %reduce_sum3A_1313 = vector.broadcast %reduce_sum3A_1312 : i1 to vector<16xi1>
        %reduce_sum3A_1314 = tpu.scan <sum>, %add3A_1311 masked %reduce_sum3A_1313 : vector<16xf32>, vector<16xi1> -> vector<16xf32>
        %reduce_sum3A_1315 = vector.extract %reduce_sum3A_1314[15] : f32 from vector<16xf32>
        %eq3A_1316 = arith.constant 10 : i32
        %eq3A_1317 = vector.broadcast %eq3A_1316 : i32 to vector<16xi32>
        %eq3A_1318 = arith.cmpi eq, %iota3A, %eq3A_1317 : vector<16xi32>
        %broadcast_in_dim3A_1319 = vector.broadcast %reduce_sum3A_1315 : f32 to vector<16xf32>
        %select_n3A_1320 = arith.select %eq3A_1318, %broadcast_in_dim3A_1319, %select_n3A_1288 : vector<16xi1>, vector<16xf32>
        %mul3A_1321 = arith.constant 50 : i32
        %mul3A_1322 = arith.muli %scan3A_431, %mul3A_1321 : i32
        %add3A_1323 = arith.constant 27 : i32
        %add3A_1324 = arith.addi %mul3A_1322, %add3A_1323 : i32
        %get3A_1325 = arith.index_cast %add3A_1324 : i32 to index
        %get3A_1326 = arith.constant 0 : index
        %get3A_1327 = tpu.vector_load %arg11[%get3A_1325, %get3A_1326] {strides = array<i32>} : memref<800x64xf32, #tpu.memory_space<vmem>>, vector<16xf32>,
        %mul3A_1328 = arith.mulf %get3A_433, %get3A_1327 : vector<16xf32>
        %get3A_1329 = arith.index_cast %add3A_1324 : i32 to index
        %get3A_1330 = arith.constant 16 : index
        %get3A_1331 = tpu.vector_load %arg11[%get3A_1329, %get3A_1330] {strides = array<i32>} : memref<800x64xf32, #tpu.memory_space<vmem>>, vector<16xf32>,
        %mul3A_1332 = arith.mulf %get3A_436, %get3A_1331 : vector<16xf32>
        %add3A_1333 = arith.addf %mul3A_1328, %mul3A_1332 : vector<16xf32>
        %get3A_1334 = arith.index_cast %add3A_1324 : i32 to index
        %get3A_1335 = arith.constant 32 : index
        %get3A_1336 = tpu.vector_load %arg11[%get3A_1334, %get3A_1335] {strides = array<i32>} : memref<800x64xf32, #tpu.memory_space<vmem>>, vector<16xf32>,
        %mul3A_1337 = arith.mulf %get3A_439, %get3A_1336 : vector<16xf32>
        %add3A_1338 = arith.addf %add3A_1333, %mul3A_1337 : vector<16xf32>
        %get3A_1339 = arith.index_cast %add3A_1324 : i32 to index
        %get3A_1340 = arith.constant 48 : index
        %get3A_1341 = tpu.vector_load %arg11[%get3A_1339, %get3A_1340] {strides = array<i32>} : memref<800x64xf32, #tpu.memory_space<vmem>>, vector<16xf32>,
        %mul3A_1342 = arith.mulf %get3A_442, %get3A_1341 : vector<16xf32>
        %add3A_1343 = arith.addf %add3A_1338, %mul3A_1342 : vector<16xf32>
        %reduce_sum3A_1344 = arith.constant true
        %reduce_sum3A_1345 = vector.broadcast %reduce_sum3A_1344 : i1 to vector<16xi1>
        %reduce_sum3A_1346 = tpu.scan <sum>, %add3A_1343 masked %reduce_sum3A_1345 : vector<16xf32>, vector<16xi1> -> vector<16xf32>
        %reduce_sum3A_1347 = vector.extract %reduce_sum3A_1346[15] : f32 from vector<16xf32>
        %eq3A_1348 = arith.constant 11 : i32
        %eq3A_1349 = vector.broadcast %eq3A_1348 : i32 to vector<16xi32>
        %eq3A_1350 = arith.cmpi eq, %iota3A, %eq3A_1349 : vector<16xi32>
        %broadcast_in_dim3A_1351 = vector.broadcast %reduce_sum3A_1347 : f32 to vector<16xf32>
        %select_n3A_1352 = arith.select %eq3A_1350, %broadcast_in_dim3A_1351, %select_n3A_1320 : vector<16xi1>, vector<16xf32>
        %mul3A_1353 = arith.constant 50 : i32
        %mul3A_1354 = arith.muli %scan3A_431, %mul3A_1353 : i32
        %add3A_1355 = arith.constant 28 : i32
        %add3A_1356 = arith.addi %mul3A_1354, %add3A_1355 : i32
        %get3A_1357 = arith.index_cast %add3A_1356 : i32 to index
        %get3A_1358 = arith.constant 0 : index
        %get3A_1359 = tpu.vector_load %arg11[%get3A_1357, %get3A_1358] {strides = array<i32>} : memref<800x64xf32, #tpu.memory_space<vmem>>, vector<16xf32>,
        %mul3A_1360 = arith.mulf %get3A_433, %get3A_1359 : vector<16xf32>
        %get3A_1361 = arith.index_cast %add3A_1356 : i32 to index
        %get3A_1362 = arith.constant 16 : index
        %get3A_1363 = tpu.vector_load %arg11[%get3A_1361, %get3A_1362] {strides = array<i32>} : memref<800x64xf32, #tpu.memory_space<vmem>>, vector<16xf32>,
        %mul3A_1364 = arith.mulf %get3A_436, %get3A_1363 : vector<16xf32>
        %add3A_1365 = arith.addf %mul3A_1360, %mul3A_1364 : vector<16xf32>
        %get3A_1366 = arith.index_cast %add3A_1356 : i32 to index
        %get3A_1367 = arith.constant 32 : index
        %get3A_1368 = tpu.vector_load %arg11[%get3A_1366, %get3A_1367] {strides = array<i32>} : memref<800x64xf32, #tpu.memory_space<vmem>>, vector<16xf32>,
        %mul3A_1369 = arith.mulf %get3A_439, %get3A_1368 : vector<16xf32>
        %add3A_1370 = arith.addf %add3A_1365, %mul3A_1369 : vector<16xf32>
        %get3A_1371 = arith.index_cast %add3A_1356 : i32 to index
        %get3A_1372 = arith.constant 48 : index
        %get3A_1373 = tpu.vector_load %arg11[%get3A_1371, %get3A_1372] {strides = array<i32>} : memref<800x64xf32, #tpu.memory_space<vmem>>, vector<16xf32>,
        %mul3A_1374 = arith.mulf %get3A_442, %get3A_1373 : vector<16xf32>
        %add3A_1375 = arith.addf %add3A_1370, %mul3A_1374 : vector<16xf32>
        %reduce_sum3A_1376 = arith.constant true
        %reduce_sum3A_1377 = vector.broadcast %reduce_sum3A_1376 : i1 to vector<16xi1>
        %reduce_sum3A_1378 = tpu.scan <sum>, %add3A_1375 masked %reduce_sum3A_1377 : vector<16xf32>, vector<16xi1> -> vector<16xf32>
        %reduce_sum3A_1379 = vector.extract %reduce_sum3A_1378[15] : f32 from vector<16xf32>
        %eq3A_1380 = arith.constant 12 : i32
        %eq3A_1381 = vector.broadcast %eq3A_1380 : i32 to vector<16xi32>
        %eq3A_1382 = arith.cmpi eq, %iota3A, %eq3A_1381 : vector<16xi32>
        %broadcast_in_dim3A_1383 = vector.broadcast %reduce_sum3A_1379 : f32 to vector<16xf32>
        %select_n3A_1384 = arith.select %eq3A_1382, %broadcast_in_dim3A_1383, %select_n3A_1352 : vector<16xi1>, vector<16xf32>
        %mul3A_1385 = arith.constant 50 : i32
        %mul3A_1386 = arith.muli %scan3A_431, %mul3A_1385 : i32
        %add3A_1387 = arith.constant 29 : i32
        %add3A_1388 = arith.addi %mul3A_1386, %add3A_1387 : i32
        %get3A_1389 = arith.index_cast %add3A_1388 : i32 to index
        %get3A_1390 = arith.constant 0 : index
        %get3A_1391 = tpu.vector_load %arg11[%get3A_1389, %get3A_1390] {strides = array<i32>} : memref<800x64xf32, #tpu.memory_space<vmem>>, vector<16xf32>,
        %mul3A_1392 = arith.mulf %get3A_433, %get3A_1391 : vector<16xf32>
        %get3A_1393 = arith.index_cast %add3A_1388 : i32 to index
        %get3A_1394 = arith.constant 16 : index
        %get3A_1395 = tpu.vector_load %arg11[%get3A_1393, %get3A_1394] {strides = array<i32>} : memref<800x64xf32, #tpu.memory_space<vmem>>, vector<16xf32>,
        %mul3A_1396 = arith.mulf %get3A_436, %get3A_1395 : vector<16xf32>
        %add3A_1397 = arith.addf %mul3A_1392, %mul3A_1396 : vector<16xf32>
        %get3A_1398 = arith.index_cast %add3A_1388 : i32 to index
        %get3A_1399 = arith.constant 32 : index
        %get3A_1400 = tpu.vector_load %arg11[%get3A_1398, %get3A_1399] {strides = array<i32>} : memref<800x64xf32, #tpu.memory_space<vmem>>, vector<16xf32>,
        %mul3A_1401 = arith.mulf %get3A_439, %get3A_1400 : vector<16xf32>
        %add3A_1402 = arith.addf %add3A_1397, %mul3A_1401 : vector<16xf32>
        %get3A_1403 = arith.index_cast %add3A_1388 : i32 to index
        %get3A_1404 = arith.constant 48 : index
        %get3A_1405 = tpu.vector_load %arg11[%get3A_1403, %get3A_1404] {strides = array<i32>} : memref<800x64xf32, #tpu.memory_space<vmem>>, vector<16xf32>,
        %mul3A_1406 = arith.mulf %get3A_442, %get3A_1405 : vector<16xf32>
        %add3A_1407 = arith.addf %add3A_1402, %mul3A_1406 : vector<16xf32>
        %reduce_sum3A_1408 = arith.constant true
        %reduce_sum3A_1409 = vector.broadcast %reduce_sum3A_1408 : i1 to vector<16xi1>
        %reduce_sum3A_1410 = tpu.scan <sum>, %add3A_1407 masked %reduce_sum3A_1409 : vector<16xf32>, vector<16xi1> -> vector<16xf32>
        %reduce_sum3A_1411 = vector.extract %reduce_sum3A_1410[15] : f32 from vector<16xf32>
        %eq3A_1412 = arith.constant 13 : i32
        %eq3A_1413 = vector.broadcast %eq3A_1412 : i32 to vector<16xi32>
        %eq3A_1414 = arith.cmpi eq, %iota3A, %eq3A_1413 : vector<16xi32>
        %broadcast_in_dim3A_1415 = vector.broadcast %reduce_sum3A_1411 : f32 to vector<16xf32>
        %select_n3A_1416 = arith.select %eq3A_1414, %broadcast_in_dim3A_1415, %select_n3A_1384 : vector<16xi1>, vector<16xf32>
        %mul3A_1417 = arith.constant 50 : i32
        %mul3A_1418 = arith.muli %scan3A_431, %mul3A_1417 : i32
        %add3A_1419 = arith.constant 30 : i32
        %add3A_1420 = arith.addi %mul3A_1418, %add3A_1419 : i32
        %get3A_1421 = arith.index_cast %add3A_1420 : i32 to index
        %get3A_1422 = arith.constant 0 : index
        %get3A_1423 = tpu.vector_load %arg11[%get3A_1421, %get3A_1422] {strides = array<i32>} : memref<800x64xf32, #tpu.memory_space<vmem>>, vector<16xf32>,
        %mul3A_1424 = arith.mulf %get3A_433, %get3A_1423 : vector<16xf32>
        %get3A_1425 = arith.index_cast %add3A_1420 : i32 to index
        %get3A_1426 = arith.constant 16 : index
        %get3A_1427 = tpu.vector_load %arg11[%get3A_1425, %get3A_1426] {strides = array<i32>} : memref<800x64xf32, #tpu.memory_space<vmem>>, vector<16xf32>,
        %mul3A_1428 = arith.mulf %get3A_436, %get3A_1427 : vector<16xf32>
        %add3A_1429 = arith.addf %mul3A_1424, %mul3A_1428 : vector<16xf32>
        %get3A_1430 = arith.index_cast %add3A_1420 : i32 to index
        %get3A_1431 = arith.constant 32 : index
        %get3A_1432 = tpu.vector_load %arg11[%get3A_1430, %get3A_1431] {strides = array<i32>} : memref<800x64xf32, #tpu.memory_space<vmem>>, vector<16xf32>,
        %mul3A_1433 = arith.mulf %get3A_439, %get3A_1432 : vector<16xf32>
        %add3A_1434 = arith.addf %add3A_1429, %mul3A_1433 : vector<16xf32>
        %get3A_1435 = arith.index_cast %add3A_1420 : i32 to index
        %get3A_1436 = arith.constant 48 : index
        %get3A_1437 = tpu.vector_load %arg11[%get3A_1435, %get3A_1436] {strides = array<i32>} : memref<800x64xf32, #tpu.memory_space<vmem>>, vector<16xf32>,
        %mul3A_1438 = arith.mulf %get3A_442, %get3A_1437 : vector<16xf32>
        %add3A_1439 = arith.addf %add3A_1434, %mul3A_1438 : vector<16xf32>
        %reduce_sum3A_1440 = arith.constant true
        %reduce_sum3A_1441 = vector.broadcast %reduce_sum3A_1440 : i1 to vector<16xi1>
        %reduce_sum3A_1442 = tpu.scan <sum>, %add3A_1439 masked %reduce_sum3A_1441 : vector<16xf32>, vector<16xi1> -> vector<16xf32>
        %reduce_sum3A_1443 = vector.extract %reduce_sum3A_1442[15] : f32 from vector<16xf32>
        %eq3A_1444 = arith.constant 14 : i32
        %eq3A_1445 = vector.broadcast %eq3A_1444 : i32 to vector<16xi32>
        %eq3A_1446 = arith.cmpi eq, %iota3A, %eq3A_1445 : vector<16xi32>
        %broadcast_in_dim3A_1447 = vector.broadcast %reduce_sum3A_1443 : f32 to vector<16xf32>
        %select_n3A_1448 = arith.select %eq3A_1446, %broadcast_in_dim3A_1447, %select_n3A_1416 : vector<16xi1>, vector<16xf32>
        %mul3A_1449 = arith.constant 50 : i32
        %mul3A_1450 = arith.muli %scan3A_431, %mul3A_1449 : i32
        %add3A_1451 = arith.constant 31 : i32
        %add3A_1452 = arith.addi %mul3A_1450, %add3A_1451 : i32
        %get3A_1453 = arith.index_cast %add3A_1452 : i32 to index
        %get3A_1454 = arith.constant 0 : index
        %get3A_1455 = tpu.vector_load %arg11[%get3A_1453, %get3A_1454] {strides = array<i32>} : memref<800x64xf32, #tpu.memory_space<vmem>>, vector<16xf32>,
        %mul3A_1456 = arith.mulf %get3A_433, %get3A_1455 : vector<16xf32>
        %get3A_1457 = arith.index_cast %add3A_1452 : i32 to index
        %get3A_1458 = arith.constant 16 : index
        %get3A_1459 = tpu.vector_load %arg11[%get3A_1457, %get3A_1458] {strides = array<i32>} : memref<800x64xf32, #tpu.memory_space<vmem>>, vector<16xf32>,
        %mul3A_1460 = arith.mulf %get3A_436, %get3A_1459 : vector<16xf32>
        %add3A_1461 = arith.addf %mul3A_1456, %mul3A_1460 : vector<16xf32>
        %get3A_1462 = arith.index_cast %add3A_1452 : i32 to index
        %get3A_1463 = arith.constant 32 : index
        %get3A_1464 = tpu.vector_load %arg11[%get3A_1462, %get3A_1463] {strides = array<i32>} : memref<800x64xf32, #tpu.memory_space<vmem>>, vector<16xf32>,
        %mul3A_1465 = arith.mulf %get3A_439, %get3A_1464 : vector<16xf32>
        %add3A_1466 = arith.addf %add3A_1461, %mul3A_1465 : vector<16xf32>
        %get3A_1467 = arith.index_cast %add3A_1452 : i32 to index
        %get3A_1468 = arith.constant 48 : index
        %get3A_1469 = tpu.vector_load %arg11[%get3A_1467, %get3A_1468] {strides = array<i32>} : memref<800x64xf32, #tpu.memory_space<vmem>>, vector<16xf32>,
        %mul3A_1470 = arith.mulf %get3A_442, %get3A_1469 : vector<16xf32>
        %add3A_1471 = arith.addf %add3A_1466, %mul3A_1470 : vector<16xf32>
        %reduce_sum3A_1472 = arith.constant true
        %reduce_sum3A_1473 = vector.broadcast %reduce_sum3A_1472 : i1 to vector<16xi1>
        %reduce_sum3A_1474 = tpu.scan <sum>, %add3A_1471 masked %reduce_sum3A_1473 : vector<16xf32>, vector<16xi1> -> vector<16xf32>
        %reduce_sum3A_1475 = vector.extract %reduce_sum3A_1474[15] : f32 from vector<16xf32>
        %eq3A_1476 = arith.constant 15 : i32
        %eq3A_1477 = vector.broadcast %eq3A_1476 : i32 to vector<16xi32>
        %eq3A_1478 = arith.cmpi eq, %iota3A, %eq3A_1477 : vector<16xi32>
        %broadcast_in_dim3A_1479 = vector.broadcast %reduce_sum3A_1475 : f32 to vector<16xf32>
        %select_n3A_1480 = arith.select %eq3A_1478, %broadcast_in_dim3A_1479, %select_n3A_1448 : vector<16xi1>, vector<16xf32>
        %neg3A_1481 = arith.constant 0.000000e+00 : f32
        %neg3A_1482 = vector.broadcast %neg3A_1481 : f32 to vector<16xf32>
        %neg3A_1483 = arith.subf %neg3A_1482, %select_n3A_1480 : vector<16xf32>
        %exp3A_1484 = math.exp %neg3A_1483 : vector<16xf32>
        %add3A_1485 = arith.constant 1.000000e+00 : f32
        %add3A_1486 = vector.broadcast %add3A_1485 : f32 to vector<16xf32>
        %add3A_1487 = arith.addf %add3A_1486, %exp3A_1484 : vector<16xf32>
        %div3A_1488 = arith.constant 1.000000e+00 : f32
        %div3A_1489 = vector.broadcast %div3A_1488 : f32 to vector<16xf32>
        %div3A_1490 = arith.divf %div3A_1489, %add3A_1487 : vector<16xf32>
        %mul3A_1491 = arith.constant 50 : i32
        %mul3A_1492 = arith.muli %scan3A_431, %mul3A_1491 : i32
        %add3A_1493 = arith.constant 16 : i32
        %add3A_1494 = arith.addi %mul3A_1492, %add3A_1493 : i32
        %swap3A_1495 = arith.index_cast %add3A_1494 : i32 to index
        %swap3A_1496 = tpu.vector_load %arg14[%swap3A_1495] {strides = array<i32>} : memref<816xf32, #tpu.memory_space<vmem>>, vector<16xf32>,
        tpu.vector_store %arg14[%swap3A_1495], %div3A_1490 {strides = array<i32>} : memref<816xf32, #tpu.memory_space<vmem>>, vector<16xf32>,
        %broadcast_in_dim3A_1497 = arith.constant 0.000000e+00 : f32
        %broadcast_in_dim3A_1498 = vector.broadcast %broadcast_in_dim3A_1497 : f32 to vector<16xf32>
        %mul3A_1499 = arith.constant 50 : i32
        %mul3A_1500 = arith.muli %scan3A_431, %mul3A_1499 : i32
        %add3A_1501 = arith.constant 32 : i32
        %add3A_1502 = arith.addi %mul3A_1500, %add3A_1501 : i32
        %get3A_1503 = arith.index_cast %add3A_1502 : i32 to index
        %get3A_1504 = arith.constant 0 : index
        %get3A_1505 = tpu.vector_load %arg11[%get3A_1503, %get3A_1504] {strides = array<i32>} : memref<800x64xf32, #tpu.memory_space<vmem>>, vector<16xf32>,
        %mul3A_1506 = arith.mulf %get3A_433, %get3A_1505 : vector<16xf32>
        %get3A_1507 = arith.index_cast %add3A_1502 : i32 to index
        %get3A_1508 = arith.constant 16 : index
        %get3A_1509 = tpu.vector_load %arg11[%get3A_1507, %get3A_1508] {strides = array<i32>} : memref<800x64xf32, #tpu.memory_space<vmem>>, vector<16xf32>,
        %mul3A_1510 = arith.mulf %get3A_436, %get3A_1509 : vector<16xf32>
        %add3A_1511 = arith.addf %mul3A_1506, %mul3A_1510 : vector<16xf32>
        %get3A_1512 = arith.index_cast %add3A_1502 : i32 to index
        %get3A_1513 = arith.constant 32 : index
        %get3A_1514 = tpu.vector_load %arg11[%get3A_1512, %get3A_1513] {strides = array<i32>} : memref<800x64xf32, #tpu.memory_space<vmem>>, vector<16xf32>,
        %mul3A_1515 = arith.mulf %get3A_439, %get3A_1514 : vector<16xf32>
        %add3A_1516 = arith.addf %add3A_1511, %mul3A_1515 : vector<16xf32>
        %get3A_1517 = arith.index_cast %add3A_1502 : i32 to index
        %get3A_1518 = arith.constant 48 : index
        %get3A_1519 = tpu.vector_load %arg11[%get3A_1517, %get3A_1518] {strides = array<i32>} : memref<800x64xf32, #tpu.memory_space<vmem>>, vector<16xf32>,
        %mul3A_1520 = arith.mulf %get3A_442, %get3A_1519 : vector<16xf32>
        %add3A_1521 = arith.addf %add3A_1516, %mul3A_1520 : vector<16xf32>
        %reduce_sum3A_1522 = arith.constant true
        %reduce_sum3A_1523 = vector.broadcast %reduce_sum3A_1522 : i1 to vector<16xi1>
        %reduce_sum3A_1524 = tpu.scan <sum>, %add3A_1521 masked %reduce_sum3A_1523 : vector<16xf32>, vector<16xi1> -> vector<16xf32>
        %reduce_sum3A_1525 = vector.extract %reduce_sum3A_1524[15] : f32 from vector<16xf32>
        %eq3A_1526 = arith.constant 0 : i32
        %eq3A_1527 = vector.broadcast %eq3A_1526 : i32 to vector<16xi32>
        %eq3A_1528 = arith.cmpi eq, %iota3A, %eq3A_1527 : vector<16xi32>
        %broadcast_in_dim3A_1529 = vector.broadcast %reduce_sum3A_1525 : f32 to vector<16xf32>
        %select_n3A_1530 = arith.select %eq3A_1528, %broadcast_in_dim3A_1529, %broadcast_in_dim3A_1498 : vector<16xi1>, vector<16xf32>
        %mul3A_1531 = arith.constant 50 : i32
        %mul3A_1532 = arith.muli %scan3A_431, %mul3A_1531 : i32
        %add3A_1533 = arith.constant 33 : i32
        %add3A_1534 = arith.addi %mul3A_1532, %add3A_1533 : i32
        %get3A_1535 = arith.index_cast %add3A_1534 : i32 to index
        %get3A_1536 = arith.constant 0 : index
        %get3A_1537 = tpu.vector_load %arg11[%get3A_1535, %get3A_1536] {strides = array<i32>} : memref<800x64xf32, #tpu.memory_space<vmem>>, vector<16xf32>,
        %mul3A_1538 = arith.mulf %get3A_433, %get3A_1537 : vector<16xf32>
        %get3A_1539 = arith.index_cast %add3A_1534 : i32 to index
        %get3A_1540 = arith.constant 16 : index
        %get3A_1541 = tpu.vector_load %arg11[%get3A_1539, %get3A_1540] {strides = array<i32>} : memref<800x64xf32, #tpu.memory_space<vmem>>, vector<16xf32>,
        %mul3A_1542 = arith.mulf %get3A_436, %get3A_1541 : vector<16xf32>
        %add3A_1543 = arith.addf %mul3A_1538, %mul3A_1542 : vector<16xf32>
        %get3A_1544 = arith.index_cast %add3A_1534 : i32 to index
        %get3A_1545 = arith.constant 32 : index
        %get3A_1546 = tpu.vector_load %arg11[%get3A_1544, %get3A_1545] {strides = array<i32>} : memref<800x64xf32, #tpu.memory_space<vmem>>, vector<16xf32>,
        %mul3A_1547 = arith.mulf %get3A_439, %get3A_1546 : vector<16xf32>
        %add3A_1548 = arith.addf %add3A_1543, %mul3A_1547 : vector<16xf32>
        %get3A_1549 = arith.index_cast %add3A_1534 : i32 to index
        %get3A_1550 = arith.constant 48 : index
        %get3A_1551 = tpu.vector_load %arg11[%get3A_1549, %get3A_1550] {strides = array<i32>} : memref<800x64xf32, #tpu.memory_space<vmem>>, vector<16xf32>,
        %mul3A_1552 = arith.mulf %get3A_442, %get3A_1551 : vector<16xf32>
        %add3A_1553 = arith.addf %add3A_1548, %mul3A_1552 : vector<16xf32>
        %reduce_sum3A_1554 = arith.constant true
        %reduce_sum3A_1555 = vector.broadcast %reduce_sum3A_1554 : i1 to vector<16xi1>
        %reduce_sum3A_1556 = tpu.scan <sum>, %add3A_1553 masked %reduce_sum3A_1555 : vector<16xf32>, vector<16xi1> -> vector<16xf32>
        %reduce_sum3A_1557 = vector.extract %reduce_sum3A_1556[15] : f32 from vector<16xf32>
        %eq3A_1558 = arith.constant 1 : i32
        %eq3A_1559 = vector.broadcast %eq3A_1558 : i32 to vector<16xi32>
        %eq3A_1560 = arith.cmpi eq, %iota3A, %eq3A_1559 : vector<16xi32>
        %broadcast_in_dim3A_1561 = vector.broadcast %reduce_sum3A_1557 : f32 to vector<16xf32>
        %select_n3A_1562 = arith.select %eq3A_1560, %broadcast_in_dim3A_1561, %select_n3A_1530 : vector<16xi1>, vector<16xf32>
        %mul3A_1563 = arith.constant 50 : i32
        %mul3A_1564 = arith.muli %scan3A_431, %mul3A_1563 : i32
        %add3A_1565 = arith.constant 34 : i32
        %add3A_1566 = arith.addi %mul3A_1564, %add3A_1565 : i32
        %get3A_1567 = arith.index_cast %add3A_1566 : i32 to index
        %get3A_1568 = arith.constant 0 : index
        %get3A_1569 = tpu.vector_load %arg11[%get3A_1567, %get3A_1568] {strides = array<i32>} : memref<800x64xf32, #tpu.memory_space<vmem>>, vector<16xf32>,
        %mul3A_1570 = arith.mulf %get3A_433, %get3A_1569 : vector<16xf32>
        %get3A_1571 = arith.index_cast %add3A_1566 : i32 to index
        %get3A_1572 = arith.constant 16 : index
        %get3A_1573 = tpu.vector_load %arg11[%get3A_1571, %get3A_1572] {strides = array<i32>} : memref<800x64xf32, #tpu.memory_space<vmem>>, vector<16xf32>,
        %mul3A_1574 = arith.mulf %get3A_436, %get3A_1573 : vector<16xf32>
        %add3A_1575 = arith.addf %mul3A_1570, %mul3A_1574 : vector<16xf32>
        %get3A_1576 = arith.index_cast %add3A_1566 : i32 to index
        %get3A_1577 = arith.constant 32 : index
        %get3A_1578 = tpu.vector_load %arg11[%get3A_1576, %get3A_1577] {strides = array<i32>} : memref<800x64xf32, #tpu.memory_space<vmem>>, vector<16xf32>,
        %mul3A_1579 = arith.mulf %get3A_439, %get3A_1578 : vector<16xf32>
        %add3A_1580 = arith.addf %add3A_1575, %mul3A_1579 : vector<16xf32>
        %get3A_1581 = arith.index_cast %add3A_1566 : i32 to index
        %get3A_1582 = arith.constant 48 : index
        %get3A_1583 = tpu.vector_load %arg11[%get3A_1581, %get3A_1582] {strides = array<i32>} : memref<800x64xf32, #tpu.memory_space<vmem>>, vector<16xf32>,
        %mul3A_1584 = arith.mulf %get3A_442, %get3A_1583 : vector<16xf32>
        %add3A_1585 = arith.addf %add3A_1580, %mul3A_1584 : vector<16xf32>
        %reduce_sum3A_1586 = arith.constant true
        %reduce_sum3A_1587 = vector.broadcast %reduce_sum3A_1586 : i1 to vector<16xi1>
        %reduce_sum3A_1588 = tpu.scan <sum>, %add3A_1585 masked %reduce_sum3A_1587 : vector<16xf32>, vector<16xi1> -> vector<16xf32>
        %reduce_sum3A_1589 = vector.extract %reduce_sum3A_1588[15] : f32 from vector<16xf32>
        %eq3A_1590 = arith.constant 2 : i32
        %eq3A_1591 = vector.broadcast %eq3A_1590 : i32 to vector<16xi32>
        %eq3A_1592 = arith.cmpi eq, %iota3A, %eq3A_1591 : vector<16xi32>
        %broadcast_in_dim3A_1593 = vector.broadcast %reduce_sum3A_1589 : f32 to vector<16xf32>
        %select_n3A_1594 = arith.select %eq3A_1592, %broadcast_in_dim3A_1593, %select_n3A_1562 : vector<16xi1>, vector<16xf32>
        %mul3A_1595 = arith.constant 50 : i32
        %mul3A_1596 = arith.muli %scan3A_431, %mul3A_1595 : i32
        %add3A_1597 = arith.constant 35 : i32
        %add3A_1598 = arith.addi %mul3A_1596, %add3A_1597 : i32
        %get3A_1599 = arith.index_cast %add3A_1598 : i32 to index
        %get3A_1600 = arith.constant 0 : index
        %get3A_1601 = tpu.vector_load %arg11[%get3A_1599, %get3A_1600] {strides = array<i32>} : memref<800x64xf32, #tpu.memory_space<vmem>>, vector<16xf32>,
        %mul3A_1602 = arith.mulf %get3A_433, %get3A_1601 : vector<16xf32>
        %get3A_1603 = arith.index_cast %add3A_1598 : i32 to index
        %get3A_1604 = arith.constant 16 : index
        %get3A_1605 = tpu.vector_load %arg11[%get3A_1603, %get3A_1604] {strides = array<i32>} : memref<800x64xf32, #tpu.memory_space<vmem>>, vector<16xf32>,
        %mul3A_1606 = arith.mulf %get3A_436, %get3A_1605 : vector<16xf32>
        %add3A_1607 = arith.addf %mul3A_1602, %mul3A_1606 : vector<16xf32>
        %get3A_1608 = arith.index_cast %add3A_1598 : i32 to index
        %get3A_1609 = arith.constant 32 : index
        %get3A_1610 = tpu.vector_load %arg11[%get3A_1608, %get3A_1609] {strides = array<i32>} : memref<800x64xf32, #tpu.memory_space<vmem>>, vector<16xf32>,
        %mul3A_1611 = arith.mulf %get3A_439, %get3A_1610 : vector<16xf32>
        %add3A_1612 = arith.addf %add3A_1607, %mul3A_1611 : vector<16xf32>
        %get3A_1613 = arith.index_cast %add3A_1598 : i32 to index
        %get3A_1614 = arith.constant 48 : index
        %get3A_1615 = tpu.vector_load %arg11[%get3A_1613, %get3A_1614] {strides = array<i32>} : memref<800x64xf32, #tpu.memory_space<vmem>>, vector<16xf32>,
        %mul3A_1616 = arith.mulf %get3A_442, %get3A_1615 : vector<16xf32>
        %add3A_1617 = arith.addf %add3A_1612, %mul3A_1616 : vector<16xf32>
        %reduce_sum3A_1618 = arith.constant true
        %reduce_sum3A_1619 = vector.broadcast %reduce_sum3A_1618 : i1 to vector<16xi1>
        %reduce_sum3A_1620 = tpu.scan <sum>, %add3A_1617 masked %reduce_sum3A_1619 : vector<16xf32>, vector<16xi1> -> vector<16xf32>
        %reduce_sum3A_1621 = vector.extract %reduce_sum3A_1620[15] : f32 from vector<16xf32>
        %eq3A_1622 = arith.constant 3 : i32
        %eq3A_1623 = vector.broadcast %eq3A_1622 : i32 to vector<16xi32>
        %eq3A_1624 = arith.cmpi eq, %iota3A, %eq3A_1623 : vector<16xi32>
        %broadcast_in_dim3A_1625 = vector.broadcast %reduce_sum3A_1621 : f32 to vector<16xf32>
        %select_n3A_1626 = arith.select %eq3A_1624, %broadcast_in_dim3A_1625, %select_n3A_1594 : vector<16xi1>, vector<16xf32>
        %mul3A_1627 = arith.constant 50 : i32
        %mul3A_1628 = arith.muli %scan3A_431, %mul3A_1627 : i32
        %add3A_1629 = arith.constant 36 : i32
        %add3A_1630 = arith.addi %mul3A_1628, %add3A_1629 : i32
        %get3A_1631 = arith.index_cast %add3A_1630 : i32 to index
        %get3A_1632 = arith.constant 0 : index
        %get3A_1633 = tpu.vector_load %arg11[%get3A_1631, %get3A_1632] {strides = array<i32>} : memref<800x64xf32, #tpu.memory_space<vmem>>, vector<16xf32>,
        %mul3A_1634 = arith.mulf %get3A_433, %get3A_1633 : vector<16xf32>
        %get3A_1635 = arith.index_cast %add3A_1630 : i32 to index
        %get3A_1636 = arith.constant 16 : index
        %get3A_1637 = tpu.vector_load %arg11[%get3A_1635, %get3A_1636] {strides = array<i32>} : memref<800x64xf32, #tpu.memory_space<vmem>>, vector<16xf32>,
        %mul3A_1638 = arith.mulf %get3A_436, %get3A_1637 : vector<16xf32>
        %add3A_1639 = arith.addf %mul3A_1634, %mul3A_1638 : vector<16xf32>
        %get3A_1640 = arith.index_cast %add3A_1630 : i32 to index
        %get3A_1641 = arith.constant 32 : index
        %get3A_1642 = tpu.vector_load %arg11[%get3A_1640, %get3A_1641] {strides = array<i32>} : memref<800x64xf32, #tpu.memory_space<vmem>>, vector<16xf32>,
        %mul3A_1643 = arith.mulf %get3A_439, %get3A_1642 : vector<16xf32>
        %add3A_1644 = arith.addf %add3A_1639, %mul3A_1643 : vector<16xf32>
        %get3A_1645 = arith.index_cast %add3A_1630 : i32 to index
        %get3A_1646 = arith.constant 48 : index
        %get3A_1647 = tpu.vector_load %arg11[%get3A_1645, %get3A_1646] {strides = array<i32>} : memref<800x64xf32, #tpu.memory_space<vmem>>, vector<16xf32>,
        %mul3A_1648 = arith.mulf %get3A_442, %get3A_1647 : vector<16xf32>
        %add3A_1649 = arith.addf %add3A_1644, %mul3A_1648 : vector<16xf32>
        %reduce_sum3A_1650 = arith.constant true
        %reduce_sum3A_1651 = vector.broadcast %reduce_sum3A_1650 : i1 to vector<16xi1>
        %reduce_sum3A_1652 = tpu.scan <sum>, %add3A_1649 masked %reduce_sum3A_1651 : vector<16xf32>, vector<16xi1> -> vector<16xf32>
        %reduce_sum3A_1653 = vector.extract %reduce_sum3A_1652[15] : f32 from vector<16xf32>
        %eq3A_1654 = arith.constant 4 : i32
        %eq3A_1655 = vector.broadcast %eq3A_1654 : i32 to vector<16xi32>
        %eq3A_1656 = arith.cmpi eq, %iota3A, %eq3A_1655 : vector<16xi32>
        %broadcast_in_dim3A_1657 = vector.broadcast %reduce_sum3A_1653 : f32 to vector<16xf32>
        %select_n3A_1658 = arith.select %eq3A_1656, %broadcast_in_dim3A_1657, %select_n3A_1626 : vector<16xi1>, vector<16xf32>
        %mul3A_1659 = arith.constant 50 : i32
        %mul3A_1660 = arith.muli %scan3A_431, %mul3A_1659 : i32
        %add3A_1661 = arith.constant 37 : i32
        %add3A_1662 = arith.addi %mul3A_1660, %add3A_1661 : i32
        %get3A_1663 = arith.index_cast %add3A_1662 : i32 to index
        %get3A_1664 = arith.constant 0 : index
        %get3A_1665 = tpu.vector_load %arg11[%get3A_1663, %get3A_1664] {strides = array<i32>} : memref<800x64xf32, #tpu.memory_space<vmem>>, vector<16xf32>,
        %mul3A_1666 = arith.mulf %get3A_433, %get3A_1665 : vector<16xf32>
        %get3A_1667 = arith.index_cast %add3A_1662 : i32 to index
        %get3A_1668 = arith.constant 16 : index
        %get3A_1669 = tpu.vector_load %arg11[%get3A_1667, %get3A_1668] {strides = array<i32>} : memref<800x64xf32, #tpu.memory_space<vmem>>, vector<16xf32>,
        %mul3A_1670 = arith.mulf %get3A_436, %get3A_1669 : vector<16xf32>
        %add3A_1671 = arith.addf %mul3A_1666, %mul3A_1670 : vector<16xf32>
        %get3A_1672 = arith.index_cast %add3A_1662 : i32 to index
        %get3A_1673 = arith.constant 32 : index
        %get3A_1674 = tpu.vector_load %arg11[%get3A_1672, %get3A_1673] {strides = array<i32>} : memref<800x64xf32, #tpu.memory_space<vmem>>, vector<16xf32>,
        %mul3A_1675 = arith.mulf %get3A_439, %get3A_1674 : vector<16xf32>
        %add3A_1676 = arith.addf %add3A_1671, %mul3A_1675 : vector<16xf32>
        %get3A_1677 = arith.index_cast %add3A_1662 : i32 to index
        %get3A_1678 = arith.constant 48 : index
        %get3A_1679 = tpu.vector_load %arg11[%get3A_1677, %get3A_1678] {strides = array<i32>} : memref<800x64xf32, #tpu.memory_space<vmem>>, vector<16xf32>,
        %mul3A_1680 = arith.mulf %get3A_442, %get3A_1679 : vector<16xf32>
        %add3A_1681 = arith.addf %add3A_1676, %mul3A_1680 : vector<16xf32>
        %reduce_sum3A_1682 = arith.constant true
        %reduce_sum3A_1683 = vector.broadcast %reduce_sum3A_1682 : i1 to vector<16xi1>
        %reduce_sum3A_1684 = tpu.scan <sum>, %add3A_1681 masked %reduce_sum3A_1683 : vector<16xf32>, vector<16xi1> -> vector<16xf32>
        %reduce_sum3A_1685 = vector.extract %reduce_sum3A_1684[15] : f32 from vector<16xf32>
        %eq3A_1686 = arith.constant 5 : i32
        %eq3A_1687 = vector.broadcast %eq3A_1686 : i32 to vector<16xi32>
        %eq3A_1688 = arith.cmpi eq, %iota3A, %eq3A_1687 : vector<16xi32>
        %broadcast_in_dim3A_1689 = vector.broadcast %reduce_sum3A_1685 : f32 to vector<16xf32>
        %select_n3A_1690 = arith.select %eq3A_1688, %broadcast_in_dim3A_1689, %select_n3A_1658 : vector<16xi1>, vector<16xf32>
        %mul3A_1691 = arith.constant 50 : i32
        %mul3A_1692 = arith.muli %scan3A_431, %mul3A_1691 : i32
        %add3A_1693 = arith.constant 38 : i32
        %add3A_1694 = arith.addi %mul3A_1692, %add3A_1693 : i32
        %get3A_1695 = arith.index_cast %add3A_1694 : i32 to index
        %get3A_1696 = arith.constant 0 : index
        %get3A_1697 = tpu.vector_load %arg11[%get3A_1695, %get3A_1696] {strides = array<i32>} : memref<800x64xf32, #tpu.memory_space<vmem>>, vector<16xf32>,
        %mul3A_1698 = arith.mulf %get3A_433, %get3A_1697 : vector<16xf32>
        %get3A_1699 = arith.index_cast %add3A_1694 : i32 to index
        %get3A_1700 = arith.constant 16 : index
        %get3A_1701 = tpu.vector_load %arg11[%get3A_1699, %get3A_1700] {strides = array<i32>} : memref<800x64xf32, #tpu.memory_space<vmem>>, vector<16xf32>,
        %mul3A_1702 = arith.mulf %get3A_436, %get3A_1701 : vector<16xf32>
        %add3A_1703 = arith.addf %mul3A_1698, %mul3A_1702 : vector<16xf32>
        %get3A_1704 = arith.index_cast %add3A_1694 : i32 to index
        %get3A_1705 = arith.constant 32 : index
        %get3A_1706 = tpu.vector_load %arg11[%get3A_1704, %get3A_1705] {strides = array<i32>} : memref<800x64xf32, #tpu.memory_space<vmem>>, vector<16xf32>,
        %mul3A_1707 = arith.mulf %get3A_439, %get3A_1706 : vector<16xf32>
        %add3A_1708 = arith.addf %add3A_1703, %mul3A_1707 : vector<16xf32>
        %get3A_1709 = arith.index_cast %add3A_1694 : i32 to index
        %get3A_1710 = arith.constant 48 : index
        %get3A_1711 = tpu.vector_load %arg11[%get3A_1709, %get3A_1710] {strides = array<i32>} : memref<800x64xf32, #tpu.memory_space<vmem>>, vector<16xf32>,
        %mul3A_1712 = arith.mulf %get3A_442, %get3A_1711 : vector<16xf32>
        %add3A_1713 = arith.addf %add3A_1708, %mul3A_1712 : vector<16xf32>
        %reduce_sum3A_1714 = arith.constant true
        %reduce_sum3A_1715 = vector.broadcast %reduce_sum3A_1714 : i1 to vector<16xi1>
        %reduce_sum3A_1716 = tpu.scan <sum>, %add3A_1713 masked %reduce_sum3A_1715 : vector<16xf32>, vector<16xi1> -> vector<16xf32>
        %reduce_sum3A_1717 = vector.extract %reduce_sum3A_1716[15] : f32 from vector<16xf32>
        %eq3A_1718 = arith.constant 6 : i32
        %eq3A_1719 = vector.broadcast %eq3A_1718 : i32 to vector<16xi32>
        %eq3A_1720 = arith.cmpi eq, %iota3A, %eq3A_1719 : vector<16xi32>
        %broadcast_in_dim3A_1721 = vector.broadcast %reduce_sum3A_1717 : f32 to vector<16xf32>
        %select_n3A_1722 = arith.select %eq3A_1720, %broadcast_in_dim3A_1721, %select_n3A_1690 : vector<16xi1>, vector<16xf32>
        %mul3A_1723 = arith.constant 50 : i32
        %mul3A_1724 = arith.muli %scan3A_431, %mul3A_1723 : i32
        %add3A_1725 = arith.constant 39 : i32
        %add3A_1726 = arith.addi %mul3A_1724, %add3A_1725 : i32
        %get3A_1727 = arith.index_cast %add3A_1726 : i32 to index
        %get3A_1728 = arith.constant 0 : index
        %get3A_1729 = tpu.vector_load %arg11[%get3A_1727, %get3A_1728] {strides = array<i32>} : memref<800x64xf32, #tpu.memory_space<vmem>>, vector<16xf32>,
        %mul3A_1730 = arith.mulf %get3A_433, %get3A_1729 : vector<16xf32>
        %get3A_1731 = arith.index_cast %add3A_1726 : i32 to index
        %get3A_1732 = arith.constant 16 : index
        %get3A_1733 = tpu.vector_load %arg11[%get3A_1731, %get3A_1732] {strides = array<i32>} : memref<800x64xf32, #tpu.memory_space<vmem>>, vector<16xf32>,
        %mul3A_1734 = arith.mulf %get3A_436, %get3A_1733 : vector<16xf32>
        %add3A_1735 = arith.addf %mul3A_1730, %mul3A_1734 : vector<16xf32>
        %get3A_1736 = arith.index_cast %add3A_1726 : i32 to index
        %get3A_1737 = arith.constant 32 : index
        %get3A_1738 = tpu.vector_load %arg11[%get3A_1736, %get3A_1737] {strides = array<i32>} : memref<800x64xf32, #tpu.memory_space<vmem>>, vector<16xf32>,
        %mul3A_1739 = arith.mulf %get3A_439, %get3A_1738 : vector<16xf32>
        %add3A_1740 = arith.addf %add3A_1735, %mul3A_1739 : vector<16xf32>
        %get3A_1741 = arith.index_cast %add3A_1726 : i32 to index
        %get3A_1742 = arith.constant 48 : index
        %get3A_1743 = tpu.vector_load %arg11[%get3A_1741, %get3A_1742] {strides = array<i32>} : memref<800x64xf32, #tpu.memory_space<vmem>>, vector<16xf32>,
        %mul3A_1744 = arith.mulf %get3A_442, %get3A_1743 : vector<16xf32>
        %add3A_1745 = arith.addf %add3A_1740, %mul3A_1744 : vector<16xf32>
        %reduce_sum3A_1746 = arith.constant true
        %reduce_sum3A_1747 = vector.broadcast %reduce_sum3A_1746 : i1 to vector<16xi1>
        %reduce_sum3A_1748 = tpu.scan <sum>, %add3A_1745 masked %reduce_sum3A_1747 : vector<16xf32>, vector<16xi1> -> vector<16xf32>
        %reduce_sum3A_1749 = vector.extract %reduce_sum3A_1748[15] : f32 from vector<16xf32>
        %eq3A_1750 = arith.constant 7 : i32
        %eq3A_1751 = vector.broadcast %eq3A_1750 : i32 to vector<16xi32>
        %eq3A_1752 = arith.cmpi eq, %iota3A, %eq3A_1751 : vector<16xi32>
        %broadcast_in_dim3A_1753 = vector.broadcast %reduce_sum3A_1749 : f32 to vector<16xf32>
        %select_n3A_1754 = arith.select %eq3A_1752, %broadcast_in_dim3A_1753, %select_n3A_1722 : vector<16xi1>, vector<16xf32>
        %mul3A_1755 = arith.constant 50 : i32
        %mul3A_1756 = arith.muli %scan3A_431, %mul3A_1755 : i32
        %add3A_1757 = arith.constant 40 : i32
        %add3A_1758 = arith.addi %mul3A_1756, %add3A_1757 : i32
        %get3A_1759 = arith.index_cast %add3A_1758 : i32 to index
        %get3A_1760 = arith.constant 0 : index
        %get3A_1761 = tpu.vector_load %arg11[%get3A_1759, %get3A_1760] {strides = array<i32>} : memref<800x64xf32, #tpu.memory_space<vmem>>, vector<16xf32>,
        %mul3A_1762 = arith.mulf %get3A_433, %get3A_1761 : vector<16xf32>
        %get3A_1763 = arith.index_cast %add3A_1758 : i32 to index
        %get3A_1764 = arith.constant 16 : index
        %get3A_1765 = tpu.vector_load %arg11[%get3A_1763, %get3A_1764] {strides = array<i32>} : memref<800x64xf32, #tpu.memory_space<vmem>>, vector<16xf32>,
        %mul3A_1766 = arith.mulf %get3A_436, %get3A_1765 : vector<16xf32>
        %add3A_1767 = arith.addf %mul3A_1762, %mul3A_1766 : vector<16xf32>
        %get3A_1768 = arith.index_cast %add3A_1758 : i32 to index
        %get3A_1769 = arith.constant 32 : index
        %get3A_1770 = tpu.vector_load %arg11[%get3A_1768, %get3A_1769] {strides = array<i32>} : memref<800x64xf32, #tpu.memory_space<vmem>>, vector<16xf32>,
        %mul3A_1771 = arith.mulf %get3A_439, %get3A_1770 : vector<16xf32>
        %add3A_1772 = arith.addf %add3A_1767, %mul3A_1771 : vector<16xf32>
        %get3A_1773 = arith.index_cast %add3A_1758 : i32 to index
        %get3A_1774 = arith.constant 48 : index
        %get3A_1775 = tpu.vector_load %arg11[%get3A_1773, %get3A_1774] {strides = array<i32>} : memref<800x64xf32, #tpu.memory_space<vmem>>, vector<16xf32>,
        %mul3A_1776 = arith.mulf %get3A_442, %get3A_1775 : vector<16xf32>
        %add3A_1777 = arith.addf %add3A_1772, %mul3A_1776 : vector<16xf32>
        %reduce_sum3A_1778 = arith.constant true
        %reduce_sum3A_1779 = vector.broadcast %reduce_sum3A_1778 : i1 to vector<16xi1>
        %reduce_sum3A_1780 = tpu.scan <sum>, %add3A_1777 masked %reduce_sum3A_1779 : vector<16xf32>, vector<16xi1> -> vector<16xf32>
        %reduce_sum3A_1781 = vector.extract %reduce_sum3A_1780[15] : f32 from vector<16xf32>
        %eq3A_1782 = arith.constant 8 : i32
        %eq3A_1783 = vector.broadcast %eq3A_1782 : i32 to vector<16xi32>
        %eq3A_1784 = arith.cmpi eq, %iota3A, %eq3A_1783 : vector<16xi32>
        %broadcast_in_dim3A_1785 = vector.broadcast %reduce_sum3A_1781 : f32 to vector<16xf32>
        %select_n3A_1786 = arith.select %eq3A_1784, %broadcast_in_dim3A_1785, %select_n3A_1754 : vector<16xi1>, vector<16xf32>
        %mul3A_1787 = arith.constant 50 : i32
        %mul3A_1788 = arith.muli %scan3A_431, %mul3A_1787 : i32
        %add3A_1789 = arith.constant 41 : i32
        %add3A_1790 = arith.addi %mul3A_1788, %add3A_1789 : i32
        %get3A_1791 = arith.index_cast %add3A_1790 : i32 to index
        %get3A_1792 = arith.constant 0 : index
        %get3A_1793 = tpu.vector_load %arg11[%get3A_1791, %get3A_1792] {strides = array<i32>} : memref<800x64xf32, #tpu.memory_space<vmem>>, vector<16xf32>,
        %mul3A_1794 = arith.mulf %get3A_433, %get3A_1793 : vector<16xf32>
        %get3A_1795 = arith.index_cast %add3A_1790 : i32 to index
        %get3A_1796 = arith.constant 16 : index
        %get3A_1797 = tpu.vector_load %arg11[%get3A_1795, %get3A_1796] {strides = array<i32>} : memref<800x64xf32, #tpu.memory_space<vmem>>, vector<16xf32>,
        %mul3A_1798 = arith.mulf %get3A_436, %get3A_1797 : vector<16xf32>
        %add3A_1799 = arith.addf %mul3A_1794, %mul3A_1798 : vector<16xf32>
        %get3A_1800 = arith.index_cast %add3A_1790 : i32 to index
        %get3A_1801 = arith.constant 32 : index
        %get3A_1802 = tpu.vector_load %arg11[%get3A_1800, %get3A_1801] {strides = array<i32>} : memref<800x64xf32, #tpu.memory_space<vmem>>, vector<16xf32>,
        %mul3A_1803 = arith.mulf %get3A_439, %get3A_1802 : vector<16xf32>
        %add3A_1804 = arith.addf %add3A_1799, %mul3A_1803 : vector<16xf32>
        %get3A_1805 = arith.index_cast %add3A_1790 : i32 to index
        %get3A_1806 = arith.constant 48 : index
        %get3A_1807 = tpu.vector_load %arg11[%get3A_1805, %get3A_1806] {strides = array<i32>} : memref<800x64xf32, #tpu.memory_space<vmem>>, vector<16xf32>,
        %mul3A_1808 = arith.mulf %get3A_442, %get3A_1807 : vector<16xf32>
        %add3A_1809 = arith.addf %add3A_1804, %mul3A_1808 : vector<16xf32>
        %reduce_sum3A_1810 = arith.constant true
        %reduce_sum3A_1811 = vector.broadcast %reduce_sum3A_1810 : i1 to vector<16xi1>
        %reduce_sum3A_1812 = tpu.scan <sum>, %add3A_1809 masked %reduce_sum3A_1811 : vector<16xf32>, vector<16xi1> -> vector<16xf32>
        %reduce_sum3A_1813 = vector.extract %reduce_sum3A_1812[15] : f32 from vector<16xf32>
        %eq3A_1814 = arith.constant 9 : i32
        %eq3A_1815 = vector.broadcast %eq3A_1814 : i32 to vector<16xi32>
        %eq3A_1816 = arith.cmpi eq, %iota3A, %eq3A_1815 : vector<16xi32>
        %broadcast_in_dim3A_1817 = vector.broadcast %reduce_sum3A_1813 : f32 to vector<16xf32>
        %select_n3A_1818 = arith.select %eq3A_1816, %broadcast_in_dim3A_1817, %select_n3A_1786 : vector<16xi1>, vector<16xf32>
        %mul3A_1819 = arith.constant 50 : i32
        %mul3A_1820 = arith.muli %scan3A_431, %mul3A_1819 : i32
        %add3A_1821 = arith.constant 42 : i32
        %add3A_1822 = arith.addi %mul3A_1820, %add3A_1821 : i32
        %get3A_1823 = arith.index_cast %add3A_1822 : i32 to index
        %get3A_1824 = arith.constant 0 : index
        %get3A_1825 = tpu.vector_load %arg11[%get3A_1823, %get3A_1824] {strides = array<i32>} : memref<800x64xf32, #tpu.memory_space<vmem>>, vector<16xf32>,
        %mul3A_1826 = arith.mulf %get3A_433, %get3A_1825 : vector<16xf32>
        %get3A_1827 = arith.index_cast %add3A_1822 : i32 to index
        %get3A_1828 = arith.constant 16 : index
        %get3A_1829 = tpu.vector_load %arg11[%get3A_1827, %get3A_1828] {strides = array<i32>} : memref<800x64xf32, #tpu.memory_space<vmem>>, vector<16xf32>,
        %mul3A_1830 = arith.mulf %get3A_436, %get3A_1829 : vector<16xf32>
        %add3A_1831 = arith.addf %mul3A_1826, %mul3A_1830 : vector<16xf32>
        %get3A_1832 = arith.index_cast %add3A_1822 : i32 to index
        %get3A_1833 = arith.constant 32 : index
        %get3A_1834 = tpu.vector_load %arg11[%get3A_1832, %get3A_1833] {strides = array<i32>} : memref<800x64xf32, #tpu.memory_space<vmem>>, vector<16xf32>,
        %mul3A_1835 = arith.mulf %get3A_439, %get3A_1834 : vector<16xf32>
        %add3A_1836 = arith.addf %add3A_1831, %mul3A_1835 : vector<16xf32>
        %get3A_1837 = arith.index_cast %add3A_1822 : i32 to index
        %get3A_1838 = arith.constant 48 : index
        %get3A_1839 = tpu.vector_load %arg11[%get3A_1837, %get3A_1838] {strides = array<i32>} : memref<800x64xf32, #tpu.memory_space<vmem>>, vector<16xf32>,
        %mul3A_1840 = arith.mulf %get3A_442, %get3A_1839 : vector<16xf32>
        %add3A_1841 = arith.addf %add3A_1836, %mul3A_1840 : vector<16xf32>
        %reduce_sum3A_1842 = arith.constant true
        %reduce_sum3A_1843 = vector.broadcast %reduce_sum3A_1842 : i1 to vector<16xi1>
        %reduce_sum3A_1844 = tpu.scan <sum>, %add3A_1841 masked %reduce_sum3A_1843 : vector<16xf32>, vector<16xi1> -> vector<16xf32>
        %reduce_sum3A_1845 = vector.extract %reduce_sum3A_1844[15] : f32 from vector<16xf32>
        %eq3A_1846 = arith.constant 10 : i32
        %eq3A_1847 = vector.broadcast %eq3A_1846 : i32 to vector<16xi32>
        %eq3A_1848 = arith.cmpi eq, %iota3A, %eq3A_1847 : vector<16xi32>
        %broadcast_in_dim3A_1849 = vector.broadcast %reduce_sum3A_1845 : f32 to vector<16xf32>
        %select_n3A_1850 = arith.select %eq3A_1848, %broadcast_in_dim3A_1849, %select_n3A_1818 : vector<16xi1>, vector<16xf32>
        %mul3A_1851 = arith.constant 50 : i32
        %mul3A_1852 = arith.muli %scan3A_431, %mul3A_1851 : i32
        %add3A_1853 = arith.constant 43 : i32
        %add3A_1854 = arith.addi %mul3A_1852, %add3A_1853 : i32
        %get3A_1855 = arith.index_cast %add3A_1854 : i32 to index
        %get3A_1856 = arith.constant 0 : index
        %get3A_1857 = tpu.vector_load %arg11[%get3A_1855, %get3A_1856] {strides = array<i32>} : memref<800x64xf32, #tpu.memory_space<vmem>>, vector<16xf32>,
        %mul3A_1858 = arith.mulf %get3A_433, %get3A_1857 : vector<16xf32>
        %get3A_1859 = arith.index_cast %add3A_1854 : i32 to index
        %get3A_1860 = arith.constant 16 : index
        %get3A_1861 = tpu.vector_load %arg11[%get3A_1859, %get3A_1860] {strides = array<i32>} : memref<800x64xf32, #tpu.memory_space<vmem>>, vector<16xf32>,
        %mul3A_1862 = arith.mulf %get3A_436, %get3A_1861 : vector<16xf32>
        %add3A_1863 = arith.addf %mul3A_1858, %mul3A_1862 : vector<16xf32>
        %get3A_1864 = arith.index_cast %add3A_1854 : i32 to index
        %get3A_1865 = arith.constant 32 : index
        %get3A_1866 = tpu.vector_load %arg11[%get3A_1864, %get3A_1865] {strides = array<i32>} : memref<800x64xf32, #tpu.memory_space<vmem>>, vector<16xf32>,
        %mul3A_1867 = arith.mulf %get3A_439, %get3A_1866 : vector<16xf32>
        %add3A_1868 = arith.addf %add3A_1863, %mul3A_1867 : vector<16xf32>
        %get3A_1869 = arith.index_cast %add3A_1854 : i32 to index
        %get3A_1870 = arith.constant 48 : index
        %get3A_1871 = tpu.vector_load %arg11[%get3A_1869, %get3A_1870] {strides = array<i32>} : memref<800x64xf32, #tpu.memory_space<vmem>>, vector<16xf32>,
        %mul3A_1872 = arith.mulf %get3A_442, %get3A_1871 : vector<16xf32>
        %add3A_1873 = arith.addf %add3A_1868, %mul3A_1872 : vector<16xf32>
        %reduce_sum3A_1874 = arith.constant true
        %reduce_sum3A_1875 = vector.broadcast %reduce_sum3A_1874 : i1 to vector<16xi1>
        %reduce_sum3A_1876 = tpu.scan <sum>, %add3A_1873 masked %reduce_sum3A_1875 : vector<16xf32>, vector<16xi1> -> vector<16xf32>
        %reduce_sum3A_1877 = vector.extract %reduce_sum3A_1876[15] : f32 from vector<16xf32>
        %eq3A_1878 = arith.constant 11 : i32
        %eq3A_1879 = vector.broadcast %eq3A_1878 : i32 to vector<16xi32>
        %eq3A_1880 = arith.cmpi eq, %iota3A, %eq3A_1879 : vector<16xi32>
        %broadcast_in_dim3A_1881 = vector.broadcast %reduce_sum3A_1877 : f32 to vector<16xf32>
        %select_n3A_1882 = arith.select %eq3A_1880, %broadcast_in_dim3A_1881, %select_n3A_1850 : vector<16xi1>, vector<16xf32>
        %mul3A_1883 = arith.constant 50 : i32
        %mul3A_1884 = arith.muli %scan3A_431, %mul3A_1883 : i32
        %add3A_1885 = arith.constant 44 : i32
        %add3A_1886 = arith.addi %mul3A_1884, %add3A_1885 : i32
        %get3A_1887 = arith.index_cast %add3A_1886 : i32 to index
        %get3A_1888 = arith.constant 0 : index
        %get3A_1889 = tpu.vector_load %arg11[%get3A_1887, %get3A_1888] {strides = array<i32>} : memref<800x64xf32, #tpu.memory_space<vmem>>, vector<16xf32>,
        %mul3A_1890 = arith.mulf %get3A_433, %get3A_1889 : vector<16xf32>
        %get3A_1891 = arith.index_cast %add3A_1886 : i32 to index
        %get3A_1892 = arith.constant 16 : index
        %get3A_1893 = tpu.vector_load %arg11[%get3A_1891, %get3A_1892] {strides = array<i32>} : memref<800x64xf32, #tpu.memory_space<vmem>>, vector<16xf32>,
        %mul3A_1894 = arith.mulf %get3A_436, %get3A_1893 : vector<16xf32>
        %add3A_1895 = arith.addf %mul3A_1890, %mul3A_1894 : vector<16xf32>
        %get3A_1896 = arith.index_cast %add3A_1886 : i32 to index
        %get3A_1897 = arith.constant 32 : index
        %get3A_1898 = tpu.vector_load %arg11[%get3A_1896, %get3A_1897] {strides = array<i32>} : memref<800x64xf32, #tpu.memory_space<vmem>>, vector<16xf32>,
        %mul3A_1899 = arith.mulf %get3A_439, %get3A_1898 : vector<16xf32>
        %add3A_1900 = arith.addf %add3A_1895, %mul3A_1899 : vector<16xf32>
        %get3A_1901 = arith.index_cast %add3A_1886 : i32 to index
        %get3A_1902 = arith.constant 48 : index
        %get3A_1903 = tpu.vector_load %arg11[%get3A_1901, %get3A_1902] {strides = array<i32>} : memref<800x64xf32, #tpu.memory_space<vmem>>, vector<16xf32>,
        %mul3A_1904 = arith.mulf %get3A_442, %get3A_1903 : vector<16xf32>
        %add3A_1905 = arith.addf %add3A_1900, %mul3A_1904 : vector<16xf32>
        %reduce_sum3A_1906 = arith.constant true
        %reduce_sum3A_1907 = vector.broadcast %reduce_sum3A_1906 : i1 to vector<16xi1>
        %reduce_sum3A_1908 = tpu.scan <sum>, %add3A_1905 masked %reduce_sum3A_1907 : vector<16xf32>, vector<16xi1> -> vector<16xf32>
        %reduce_sum3A_1909 = vector.extract %reduce_sum3A_1908[15] : f32 from vector<16xf32>
        %eq3A_1910 = arith.constant 12 : i32
        %eq3A_1911 = vector.broadcast %eq3A_1910 : i32 to vector<16xi32>
        %eq3A_1912 = arith.cmpi eq, %iota3A, %eq3A_1911 : vector<16xi32>
        %broadcast_in_dim3A_1913 = vector.broadcast %reduce_sum3A_1909 : f32 to vector<16xf32>
        %select_n3A_1914 = arith.select %eq3A_1912, %broadcast_in_dim3A_1913, %select_n3A_1882 : vector<16xi1>, vector<16xf32>
        %mul3A_1915 = arith.constant 50 : i32
        %mul3A_1916 = arith.muli %scan3A_431, %mul3A_1915 : i32
        %add3A_1917 = arith.constant 45 : i32
        %add3A_1918 = arith.addi %mul3A_1916, %add3A_1917 : i32
        %get3A_1919 = arith.index_cast %add3A_1918 : i32 to index
        %get3A_1920 = arith.constant 0 : index
        %get3A_1921 = tpu.vector_load %arg11[%get3A_1919, %get3A_1920] {strides = array<i32>} : memref<800x64xf32, #tpu.memory_space<vmem>>, vector<16xf32>,
        %mul3A_1922 = arith.mulf %get3A_433, %get3A_1921 : vector<16xf32>
        %get3A_1923 = arith.index_cast %add3A_1918 : i32 to index
        %get3A_1924 = arith.constant 16 : index
        %get3A_1925 = tpu.vector_load %arg11[%get3A_1923, %get3A_1924] {strides = array<i32>} : memref<800x64xf32, #tpu.memory_space<vmem>>, vector<16xf32>,
        %mul3A_1926 = arith.mulf %get3A_436, %get3A_1925 : vector<16xf32>
        %add3A_1927 = arith.addf %mul3A_1922, %mul3A_1926 : vector<16xf32>
        %get3A_1928 = arith.index_cast %add3A_1918 : i32 to index
        %get3A_1929 = arith.constant 32 : index
        %get3A_1930 = tpu.vector_load %arg11[%get3A_1928, %get3A_1929] {strides = array<i32>} : memref<800x64xf32, #tpu.memory_space<vmem>>, vector<16xf32>,
        %mul3A_1931 = arith.mulf %get3A_439, %get3A_1930 : vector<16xf32>
        %add3A_1932 = arith.addf %add3A_1927, %mul3A_1931 : vector<16xf32>
        %get3A_1933 = arith.index_cast %add3A_1918 : i32 to index
        %get3A_1934 = arith.constant 48 : index
        %get3A_1935 = tpu.vector_load %arg11[%get3A_1933, %get3A_1934] {strides = array<i32>} : memref<800x64xf32, #tpu.memory_space<vmem>>, vector<16xf32>,
        %mul3A_1936 = arith.mulf %get3A_442, %get3A_1935 : vector<16xf32>
        %add3A_1937 = arith.addf %add3A_1932, %mul3A_1936 : vector<16xf32>
        %reduce_sum3A_1938 = arith.constant true
        %reduce_sum3A_1939 = vector.broadcast %reduce_sum3A_1938 : i1 to vector<16xi1>
        %reduce_sum3A_1940 = tpu.scan <sum>, %add3A_1937 masked %reduce_sum3A_1939 : vector<16xf32>, vector<16xi1> -> vector<16xf32>
        %reduce_sum3A_1941 = vector.extract %reduce_sum3A_1940[15] : f32 from vector<16xf32>
        %eq3A_1942 = arith.constant 13 : i32
        %eq3A_1943 = vector.broadcast %eq3A_1942 : i32 to vector<16xi32>
        %eq3A_1944 = arith.cmpi eq, %iota3A, %eq3A_1943 : vector<16xi32>
        %broadcast_in_dim3A_1945 = vector.broadcast %reduce_sum3A_1941 : f32 to vector<16xf32>
        %select_n3A_1946 = arith.select %eq3A_1944, %broadcast_in_dim3A_1945, %select_n3A_1914 : vector<16xi1>, vector<16xf32>
        %mul3A_1947 = arith.constant 50 : i32
        %mul3A_1948 = arith.muli %scan3A_431, %mul3A_1947 : i32
        %add3A_1949 = arith.constant 46 : i32
        %add3A_1950 = arith.addi %mul3A_1948, %add3A_1949 : i32
        %get3A_1951 = arith.index_cast %add3A_1950 : i32 to index
        %get3A_1952 = arith.constant 0 : index
        %get3A_1953 = tpu.vector_load %arg11[%get3A_1951, %get3A_1952] {strides = array<i32>} : memref<800x64xf32, #tpu.memory_space<vmem>>, vector<16xf32>,
        %mul3A_1954 = arith.mulf %get3A_433, %get3A_1953 : vector<16xf32>
        %get3A_1955 = arith.index_cast %add3A_1950 : i32 to index
        %get3A_1956 = arith.constant 16 : index
        %get3A_1957 = tpu.vector_load %arg11[%get3A_1955, %get3A_1956] {strides = array<i32>} : memref<800x64xf32, #tpu.memory_space<vmem>>, vector<16xf32>,
        %mul3A_1958 = arith.mulf %get3A_436, %get3A_1957 : vector<16xf32>
        %add3A_1959 = arith.addf %mul3A_1954, %mul3A_1958 : vector<16xf32>
        %get3A_1960 = arith.index_cast %add3A_1950 : i32 to index
        %get3A_1961 = arith.constant 32 : index
        %get3A_1962 = tpu.vector_load %arg11[%get3A_1960, %get3A_1961] {strides = array<i32>} : memref<800x64xf32, #tpu.memory_space<vmem>>, vector<16xf32>,
        %mul3A_1963 = arith.mulf %get3A_439, %get3A_1962 : vector<16xf32>
        %add3A_1964 = arith.addf %add3A_1959, %mul3A_1963 : vector<16xf32>
        %get3A_1965 = arith.index_cast %add3A_1950 : i32 to index
        %get3A_1966 = arith.constant 48 : index
        %get3A_1967 = tpu.vector_load %arg11[%get3A_1965, %get3A_1966] {strides = array<i32>} : memref<800x64xf32, #tpu.memory_space<vmem>>, vector<16xf32>,
        %mul3A_1968 = arith.mulf %get3A_442, %get3A_1967 : vector<16xf32>
        %add3A_1969 = arith.addf %add3A_1964, %mul3A_1968 : vector<16xf32>
        %reduce_sum3A_1970 = arith.constant true
        %reduce_sum3A_1971 = vector.broadcast %reduce_sum3A_1970 : i1 to vector<16xi1>
        %reduce_sum3A_1972 = tpu.scan <sum>, %add3A_1969 masked %reduce_sum3A_1971 : vector<16xf32>, vector<16xi1> -> vector<16xf32>
        %reduce_sum3A_1973 = vector.extract %reduce_sum3A_1972[15] : f32 from vector<16xf32>
        %eq3A_1974 = arith.constant 14 : i32
        %eq3A_1975 = vector.broadcast %eq3A_1974 : i32 to vector<16xi32>
        %eq3A_1976 = arith.cmpi eq, %iota3A, %eq3A_1975 : vector<16xi32>
        %broadcast_in_dim3A_1977 = vector.broadcast %reduce_sum3A_1973 : f32 to vector<16xf32>
        %select_n3A_1978 = arith.select %eq3A_1976, %broadcast_in_dim3A_1977, %select_n3A_1946 : vector<16xi1>, vector<16xf32>
        %mul3A_1979 = arith.constant 50 : i32
        %mul3A_1980 = arith.muli %scan3A_431, %mul3A_1979 : i32
        %add3A_1981 = arith.constant 47 : i32
        %add3A_1982 = arith.addi %mul3A_1980, %add3A_1981 : i32
        %get3A_1983 = arith.index_cast %add3A_1982 : i32 to index
        %get3A_1984 = arith.constant 0 : index
        %get3A_1985 = tpu.vector_load %arg11[%get3A_1983, %get3A_1984] {strides = array<i32>} : memref<800x64xf32, #tpu.memory_space<vmem>>, vector<16xf32>,
        %mul3A_1986 = arith.mulf %get3A_433, %get3A_1985 : vector<16xf32>
        %get3A_1987 = arith.index_cast %add3A_1982 : i32 to index
        %get3A_1988 = arith.constant 16 : index
        %get3A_1989 = tpu.vector_load %arg11[%get3A_1987, %get3A_1988] {strides = array<i32>} : memref<800x64xf32, #tpu.memory_space<vmem>>, vector<16xf32>,
        %mul3A_1990 = arith.mulf %get3A_436, %get3A_1989 : vector<16xf32>
        %add3A_1991 = arith.addf %mul3A_1986, %mul3A_1990 : vector<16xf32>
        %get3A_1992 = arith.index_cast %add3A_1982 : i32 to index
        %get3A_1993 = arith.constant 32 : index
        %get3A_1994 = tpu.vector_load %arg11[%get3A_1992, %get3A_1993] {strides = array<i32>} : memref<800x64xf32, #tpu.memory_space<vmem>>, vector<16xf32>,
        %mul3A_1995 = arith.mulf %get3A_439, %get3A_1994 : vector<16xf32>
        %add3A_1996 = arith.addf %add3A_1991, %mul3A_1995 : vector<16xf32>
        %get3A_1997 = arith.index_cast %add3A_1982 : i32 to index
        %get3A_1998 = arith.constant 48 : index
        %get3A_1999 = tpu.vector_load %arg11[%get3A_1997, %get3A_1998] {strides = array<i32>} : memref<800x64xf32, #tpu.memory_space<vmem>>, vector<16xf32>,
        %mul3A_2000 = arith.mulf %get3A_442, %get3A_1999 : vector<16xf32>
        %add3A_2001 = arith.addf %add3A_1996, %mul3A_2000 : vector<16xf32>
        %reduce_sum3A_2002 = arith.constant true
        %reduce_sum3A_2003 = vector.broadcast %reduce_sum3A_2002 : i1 to vector<16xi1>
        %reduce_sum3A_2004 = tpu.scan <sum>, %add3A_2001 masked %reduce_sum3A_2003 : vector<16xf32>, vector<16xi1> -> vector<16xf32>
        %reduce_sum3A_2005 = vector.extract %reduce_sum3A_2004[15] : f32 from vector<16xf32>
        %eq3A_2006 = arith.constant 15 : i32
        %eq3A_2007 = vector.broadcast %eq3A_2006 : i32 to vector<16xi32>
        %eq3A_2008 = arith.cmpi eq, %iota3A, %eq3A_2007 : vector<16xi32>
        %broadcast_in_dim3A_2009 = vector.broadcast %reduce_sum3A_2005 : f32 to vector<16xf32>
        %select_n3A_2010 = arith.select %eq3A_2008, %broadcast_in_dim3A_2009, %select_n3A_1978 : vector<16xi1>, vector<16xf32>
        %neg3A_2011 = arith.constant 0.000000e+00 : f32
        %neg3A_2012 = vector.broadcast %neg3A_2011 : f32 to vector<16xf32>
        %neg3A_2013 = arith.subf %neg3A_2012, %select_n3A_2010 : vector<16xf32>
        %exp3A_2014 = math.exp %neg3A_2013 : vector<16xf32>
        %add3A_2015 = arith.constant 1.000000e+00 : f32
        %add3A_2016 = vector.broadcast %add3A_2015 : f32 to vector<16xf32>
        %add3A_2017 = arith.addf %add3A_2016, %exp3A_2014 : vector<16xf32>
        %div3A_2018 = arith.constant 1.000000e+00 : f32
        %div3A_2019 = vector.broadcast %div3A_2018 : f32 to vector<16xf32>
        %div3A_2020 = arith.divf %div3A_2019, %add3A_2017 : vector<16xf32>
        %mul3A_2021 = arith.constant 50 : i32
        %mul3A_2022 = arith.muli %scan3A_431, %mul3A_2021 : i32
        %add3A_2023 = arith.constant 32 : i32
        %add3A_2024 = arith.addi %mul3A_2022, %add3A_2023 : i32
        %swap3A_2025 = arith.index_cast %add3A_2024 : i32 to index
        %swap3A_2026 = tpu.vector_load %arg14[%swap3A_2025] {strides = array<i32>} : memref<816xf32, #tpu.memory_space<vmem>>, vector<16xf32>,
        tpu.vector_store %arg14[%swap3A_2025], %div3A_2020 {strides = array<i32>} : memref<816xf32, #tpu.memory_space<vmem>>, vector<16xf32>,
        %broadcast_in_dim3A_2027 = arith.constant 0.000000e+00 : f32
        %broadcast_in_dim3A_2028 = vector.broadcast %broadcast_in_dim3A_2027 : f32 to vector<16xf32>
        %mul3A_2029 = arith.constant 50 : i32
        %mul3A_2030 = arith.muli %scan3A_431, %mul3A_2029 : i32
        %add3A_2031 = arith.constant 48 : i32
        %add3A_2032 = arith.addi %mul3A_2030, %add3A_2031 : i32
        %get3A_2033 = arith.index_cast %add3A_2032 : i32 to index
        %get3A_2034 = arith.constant 0 : index
        %get3A_2035 = tpu.vector_load %arg11[%get3A_2033, %get3A_2034] {strides = array<i32>} : memref<800x64xf32, #tpu.memory_space<vmem>>, vector<16xf32>,
        %mul3A_2036 = arith.mulf %get3A_433, %get3A_2035 : vector<16xf32>
        %get3A_2037 = arith.index_cast %add3A_2032 : i32 to index
        %get3A_2038 = arith.constant 16 : index
        %get3A_2039 = tpu.vector_load %arg11[%get3A_2037, %get3A_2038] {strides = array<i32>} : memref<800x64xf32, #tpu.memory_space<vmem>>, vector<16xf32>,
        %mul3A_2040 = arith.mulf %get3A_436, %get3A_2039 : vector<16xf32>
        %add3A_2041 = arith.addf %mul3A_2036, %mul3A_2040 : vector<16xf32>
        %get3A_2042 = arith.index_cast %add3A_2032 : i32 to index
        %get3A_2043 = arith.constant 32 : index
        %get3A_2044 = tpu.vector_load %arg11[%get3A_2042, %get3A_2043] {strides = array<i32>} : memref<800x64xf32, #tpu.memory_space<vmem>>, vector<16xf32>,
        %mul3A_2045 = arith.mulf %get3A_439, %get3A_2044 : vector<16xf32>
        %add3A_2046 = arith.addf %add3A_2041, %mul3A_2045 : vector<16xf32>
        %get3A_2047 = arith.index_cast %add3A_2032 : i32 to index
        %get3A_2048 = arith.constant 48 : index
        %get3A_2049 = tpu.vector_load %arg11[%get3A_2047, %get3A_2048] {strides = array<i32>} : memref<800x64xf32, #tpu.memory_space<vmem>>, vector<16xf32>,
        %mul3A_2050 = arith.mulf %get3A_442, %get3A_2049 : vector<16xf32>
        %add3A_2051 = arith.addf %add3A_2046, %mul3A_2050 : vector<16xf32>
        %reduce_sum3A_2052 = arith.constant true
        %reduce_sum3A_2053 = vector.broadcast %reduce_sum3A_2052 : i1 to vector<16xi1>
        %reduce_sum3A_2054 = tpu.scan <sum>, %add3A_2051 masked %reduce_sum3A_2053 : vector<16xf32>, vector<16xi1> -> vector<16xf32>
        %reduce_sum3A_2055 = vector.extract %reduce_sum3A_2054[15] : f32 from vector<16xf32>
        %eq3A_2056 = arith.constant 0 : i32
        %eq3A_2057 = vector.broadcast %eq3A_2056 : i32 to vector<16xi32>
        %eq3A_2058 = arith.cmpi eq, %iota3A, %eq3A_2057 : vector<16xi32>
        %broadcast_in_dim3A_2059 = vector.broadcast %reduce_sum3A_2055 : f32 to vector<16xf32>
        %select_n3A_2060 = arith.select %eq3A_2058, %broadcast_in_dim3A_2059, %broadcast_in_dim3A_2028 : vector<16xi1>, vector<16xf32>
        %mul3A_2061 = arith.constant 50 : i32
        %mul3A_2062 = arith.muli %scan3A_431, %mul3A_2061 : i32
        %add3A_2063 = arith.constant 49 : i32
        %add3A_2064 = arith.addi %mul3A_2062, %add3A_2063 : i32
        %get3A_2065 = arith.index_cast %add3A_2064 : i32 to index
        %get3A_2066 = arith.constant 0 : index
        %get3A_2067 = tpu.vector_load %arg11[%get3A_2065, %get3A_2066] {strides = array<i32>} : memref<800x64xf32, #tpu.memory_space<vmem>>, vector<16xf32>,
        %mul3A_2068 = arith.mulf %get3A_433, %get3A_2067 : vector<16xf32>
        %get3A_2069 = arith.index_cast %add3A_2064 : i32 to index
        %get3A_2070 = arith.constant 16 : index
        %get3A_2071 = tpu.vector_load %arg11[%get3A_2069, %get3A_2070] {strides = array<i32>} : memref<800x64xf32, #tpu.memory_space<vmem>>, vector<16xf32>,
        %mul3A_2072 = arith.mulf %get3A_436, %get3A_2071 : vector<16xf32>
        %add3A_2073 = arith.addf %mul3A_2068, %mul3A_2072 : vector<16xf32>
        %get3A_2074 = arith.index_cast %add3A_2064 : i32 to index
        %get3A_2075 = arith.constant 32 : index
        %get3A_2076 = tpu.vector_load %arg11[%get3A_2074, %get3A_2075] {strides = array<i32>} : memref<800x64xf32, #tpu.memory_space<vmem>>, vector<16xf32>,
        %mul3A_2077 = arith.mulf %get3A_439, %get3A_2076 : vector<16xf32>
        %add3A_2078 = arith.addf %add3A_2073, %mul3A_2077 : vector<16xf32>
        %get3A_2079 = arith.index_cast %add3A_2064 : i32 to index
        %get3A_2080 = arith.constant 48 : index
        %get3A_2081 = tpu.vector_load %arg11[%get3A_2079, %get3A_2080] {strides = array<i32>} : memref<800x64xf32, #tpu.memory_space<vmem>>, vector<16xf32>,
        %mul3A_2082 = arith.mulf %get3A_442, %get3A_2081 : vector<16xf32>
        %add3A_2083 = arith.addf %add3A_2078, %mul3A_2082 : vector<16xf32>
        %reduce_sum3A_2084 = arith.constant true
        %reduce_sum3A_2085 = vector.broadcast %reduce_sum3A_2084 : i1 to vector<16xi1>
        %reduce_sum3A_2086 = tpu.scan <sum>, %add3A_2083 masked %reduce_sum3A_2085 : vector<16xf32>, vector<16xi1> -> vector<16xf32>
        %reduce_sum3A_2087 = vector.extract %reduce_sum3A_2086[15] : f32 from vector<16xf32>
        %eq3A_2088 = arith.constant 1 : i32
        %eq3A_2089 = vector.broadcast %eq3A_2088 : i32 to vector<16xi32>
        %eq3A_2090 = arith.cmpi eq, %iota3A, %eq3A_2089 : vector<16xi32>
        %broadcast_in_dim3A_2091 = vector.broadcast %reduce_sum3A_2087 : f32 to vector<16xf32>
        %select_n3A_2092 = arith.select %eq3A_2090, %broadcast_in_dim3A_2091, %select_n3A_2060 : vector<16xi1>, vector<16xf32>
        %neg3A_2093 = arith.constant 0.000000e+00 : f32
        %neg3A_2094 = vector.broadcast %neg3A_2093 : f32 to vector<16xf32>
        %neg3A_2095 = arith.subf %neg3A_2094, %select_n3A_2092 : vector<16xf32>
        %exp3A_2096 = math.exp %neg3A_2095 : vector<16xf32>
        %add3A_2097 = arith.constant 1.000000e+00 : f32
        %add3A_2098 = vector.broadcast %add3A_2097 : f32 to vector<16xf32>
        %add3A_2099 = arith.addf %add3A_2098, %exp3A_2096 : vector<16xf32>
        %div3A_2100 = arith.constant 1.000000e+00 : f32
        %div3A_2101 = vector.broadcast %div3A_2100 : f32 to vector<16xf32>
        %div3A_2102 = arith.divf %div3A_2101, %add3A_2099 : vector<16xf32>
        %mul3A_2103 = arith.constant 50 : i32
        %mul3A_2104 = arith.muli %scan3A_431, %mul3A_2103 : i32
        %add3A_2105 = arith.constant 48 : i32
        %add3A_2106 = arith.addi %mul3A_2104, %add3A_2105 : i32
        %swap3A_2107 = arith.index_cast %add3A_2106 : i32 to index
        %swap3A_2108 = tpu.vector_load %arg14[%swap3A_2107] {strides = array<i32>} : memref<816xf32, #tpu.memory_space<vmem>>, vector<16xf32>,
        tpu.vector_store %arg14[%swap3A_2107], %div3A_2102 {strides = array<i32>} : memref<816xf32, #tpu.memory_space<vmem>>, vector<16xf32>,
      }
      %scan3A_427 = arith.constant 16 : i32
      %mul3A_428 = arith.constant 50 : i32
      %mul3A_429 = arith.muli %add3A_421, %mul3A_428 : i32
      %multiple_of3A_430 = tpu.assume_multiple %mul3A_429, 8 : i32
      "tpu.region"() ({
        %run_scoped3A = tpu.sem_alloc : memref<!tpu.dma_semaphore, #tpu.memory_space<semaphore_mem>>
        %dma_start3A_431 = arith.constant 0 : i32
        %dma_start3A_432 = tpu.memref_slice %arg14[%dma_start3A_431] : memref<816xf32, #tpu.memory_space<vmem>> -> memref<800xf32, #tpu.memory_space<vmem>>
        %dma_start3A_433 = tpu.memref_slice %arg5[%multiple_of3A_430] : memref<819200xf32, #tpu.memory_space<hbm>> -> memref<800xf32, #tpu.memory_space<hbm>>
        %dma_start3A_434 = tpu.memref_slice %arg5[%multiple_of3A_430] : memref<819200xf32, #tpu.memory_space<hbm>> -> memref<800xf32, #tpu.memory_space<hbm>>
        %dma_start3A_435 = arith.constant 0 : i32
        %dma_start3A_436 = tpu.memref_slice %arg14[%dma_start3A_435] : memref<816xf32, #tpu.memory_space<vmem>> -> memref<800xf32, #tpu.memory_space<vmem>>
        tpu.enqueue_dma source(%dma_start3A_436 : memref<800xf32, #tpu.memory_space<vmem>>) target(%dma_start3A_434 : memref<800xf32, #tpu.memory_space<hbm>>) target_semaphore(%run_scoped3A : memref<!tpu.dma_semaphore, #tpu.memory_space<semaphore_mem>>)
        %dma_wait3A_437 = arith.constant 0 : i32
        %dma_wait3A_438 = tpu.memref_slice %arg14[%dma_wait3A_437] : memref<816xf32, #tpu.memory_space<vmem>> -> memref<800xf32, #tpu.memory_space<vmem>>
        %dma_wait3A_439 = tpu.memref_slice %arg5[%multiple_of3A_430] : memref<819200xf32, #tpu.memory_space<hbm>> -> memref<800xf32, #tpu.memory_space<hbm>>
        %dma_wait3A_440 = tpu.memref_slice %arg5[%multiple_of3A_430] : memref<819200xf32, #tpu.memory_space<hbm>> -> memref<800xf32, #tpu.memory_space<hbm>>
        %dma_wait3A_441 = arith.constant 0 : i32
        %dma_wait3A_442 = tpu.memref_slice %arg14[%dma_wait3A_441] : memref<816xf32, #tpu.memory_space<vmem>> -> memref<800xf32, #tpu.memory_space<vmem>>
        tpu.wait_dma2 semaphore(%run_scoped3A : memref<!tpu.dma_semaphore, #tpu.memory_space<semaphore_mem>>) src(%dma_wait3A_442 : memref<800xf32, #tpu.memory_space<vmem>>) dst(%dma_wait3A_440 : memref<800xf32, #tpu.memory_space<hbm>>)
        tpu.yield
      }) : () -> ()
    }
    %scan3A_110 = arith.constant 16 : i32
    return
  }
}

</mosaic_0001>

<sc_bundles>
// kernel: _frame.3.cloned.1.call-start
scs
__scs_entry_jumppad:
0x0: {  	(pc) =	sbr.rel $0x88, $3  }
0x1: {  	(tag) =	ssettag $0x0;
	lr =	simm.s32 $0x1  }
0x2: {  	[smem:$0x3F9E] =	sst lr;
	_ =	strace $0xD0000000  }
0x3: {  	_ = 	snop  }
0x4: {  	_ = 	snop  }
0x5: {  	_ = 	snop  }
0x6: {  	_ = 	snop  }
0x7: {  	_ = 	snop  }
__scs_overlays_trampoline_lowered:
0x8: {  	[smem:$0x3FAD] =	sst s0  }
0x9: {  	[smem:$0x3FAE] =	sst s1  }
0xa: {  	[smem:$0x3FAF] =	sst s2  }
0xb: {  	[smem:$0x3FB0] =	sst s3  }
0xc: {  	[smem:$0x3FB1] =	sst s4  }
0xd: {  	[smem:$0x3FB2] =	sst s5  }
0xe: {  	[smem:$0x3FB3] =	sst s6  }
0xf: {  	[smem:$0x3FB4] =	sst s7  }
0x10: {  	[smem:$0x3FB5] =	sst s8  }
0x11: {  	[smem:$0x3FB6] =	sst s9;
	s0 =	simm.s32 @!p0 $0x0  }
0x12: {  	s1 =	sld [smem:$0x3F9C];
	s0 =	simm.s32 @p0 $0x1  }
0x13: {  	[smem:$0x3FB7] =	sst s0;
	s0 =	simm.s32 @!p1 $0x0  }
0x14: {  	s2 =	sld [smem:$0x3F9B];
	s0 =	simm.s32 @p1 $0x1  }
0x15: {  	[smem:$0x3FB8] =	sst s0;
	s0 =	simm.s32 @!p2 $0x0  }
0x16: {  	s3 =	sld [smem:$0x3FDB];
	s0 =	simm.s32 @p2 $0x1  }
0x17: {  	s4 =	simm.s32 $0x1BF5;
	[smem:$0x3FBA] =	sst s0  }
0x18: {  	s0 =	sld [smem:$0x3F9D];
	_ =	swait.ge [sflag:s4], $0x0  }
0x19: {  	s7 =	sld [smem:$0x3F9E]  }
0x1a: {  	s8 =	sadd.s32 $0xFFFFE003, lr  }
0x1b: {  	s9 =	sadd.s32 $0xFFFFFEF7, lr;
	s5 =	simm.s32 $0xFFFFFFFF;
	p2 =	slt.u32 s8, $0xFFFFF086  }
0x1c: {  	p1 =	slt.u32 s9, $0xF7A;
	s5 =	simm.s32 @!p2 $0x0  }
0x1d: {  	s5 =	simm.s32 @p1 $0x1;
	p0 =	seq.s32 s7, s2  }
0x1e: {  	s7 =	smul.u32 @!p0 $0xF7A, s2;
	p2 =	seq.s32 @!p0 s5, $0x0  }
0x1f: {  	s9 =	smul.u32 $0xF7A, s1;
	s8 =	simm.s32 @!p0 $0x1BF5;
	p2 =	por !p2, p0  }
0x20: {  	[sflag:s8] =	ssyncset.s32 @!p0 $0xFFFFF086;
	s6 =	sadd.s32 @!p0 s3, s7;
	s7 =	simm.s32 @!p0 $0x108  }
0x21: {  	s3 =	sadd.s32 s3, s9;
	s6 =	sadd.s32 @!p0 $0x88, s6;
	s7 =	simm.s32 @p2 $0x1082  }
0x22: {  	[simem:s7], [sflag:s8] =	dma.local @!p0 [hbm:s6], $0xF7A  }
0x23: {  	s9 =	sor.u32 $0xD0000000, s2;
	s6 =	simm.s32 $0x108;
	_ =	swait.ge @!p0 [sflag:s8], $0x0  }
0x24: {  	s3 =	sadd.s32 $0x88, s3;
	s6 =	simm.s32 @!p1 $0x1082;
	[sflag:s4] =	ssyncset.s32 $0xFFFFF086  }
0x25: {  	[simem:s6], [sflag:s4] =	dma.local [hbm:s3], $0xF7A  }
0x26: {  	[smem:$0x3F9E] =	sst s1;
	(tag) =	ssettag s2;
	_ =	strace s9  }
0x27: {  	s1 =	sld [smem:$0x3FAE]  }
0x28: {  	s2 =	sld [smem:$0x3FAF]  }
0x29: {  	s4 =	sld [smem:$0x3FB1]  }
0x2a: {  	p0 =	seq.s32 s5, $0x0;
	s5 =	sld [smem:$0x3FB2]  }
0x2b: {  	s6 =	sld [smem:$0x3FB3]  }
0x2c: {  	s7 =	sld [smem:$0x3FB4]  }
0x2d: {  	s3 =	simm.s32 $0x108;
	s8 =	sld [smem:$0x3FB5]  }
0x2e: {  	s3 =	simm.s32 @!p0 $0x1082;
	s9 =	sld [smem:$0x3FB6]  }
0x2f: {  	lr =	sadd.s32 s0, s3;
	s0 =	sld [smem:$0x3FAD]  }
0x30: {  	s3 =	sld [smem:$0x3FB0]  }
0x31: {  	[smem:$0x3FB9] =	sst s10  }
0x32: {  	s10 =	sld [smem:$0x3FB7];
	_ =	sdelay $0x3  }
0x33: {  	p0 =	seq.s32 s10, $0x1;
	s10 =	sld [smem:$0x3FB9];
	_ =	sdelay $0x3  }
0x34: {  	[smem:$0x3FB9] =	sst s10  }
0x35: {  	s10 =	sld [smem:$0x3FB8];
	_ =	sdelay $0x3  }
0x36: {  	p1 =	seq.s32 s10, $0x1;
	s10 =	sld [smem:$0x3FB9];
	_ =	sdelay $0x3  }
0x37: {  	[smem:$0x3FB9] =	sst s10  }
0x38: {  	s10 =	sld [smem:$0x3FBA]  }
0x39: {  	_ = 	snop;
	(pc) =	sbr.ind lr, $3  }
0x3a: {  	_ = 	snop  }
0x3b: {  	_ = 	snop  }
0x3c: {  	p2 =	seq.s32 s10, $0x1;
	s10 =	sld [smem:$0x3FB9]  }
0x3d: {  	_ =	shalt  }
0x3e: {  	_ =	shalt  }
0x3f: {  	_ =	shalt  }
0x40: {  	_ =	shalt  }
0x41: {  	_ =	shalt  }
0x42: {  	_ =	shalt  }
0x43: {  	_ =	shalt  }
0x44: {  	_ =	shalt  }
0x45: {  	_ =	shalt  }
0x46: {  	_ =	shalt  }
0x47: {  	_ =	shalt  }
0x48: {  	_ =	shalt  }
0x49: {  	_ =	shalt  }
0x4a: {  	_ =	shalt  }
0x4b: {  	_ =	shalt  }
0x4c: {  	_ =	shalt  }
0x4d: {  	_ =	shalt  }
0x4e: {  	_ =	shalt  }
0x4f: {  	_ =	shalt  }
0x50: {  	_ =	shalt  }
0x51: {  	_ =	shalt  }
0x52: {  	_ =	shalt  }
0x53: {  	_ =	shalt  }
0x54: {  	_ =	shalt  }
0x55: {  	_ =	shalt  }
0x56: {  	_ =	shalt  }
0x57: {  	_ =	shalt  }
0x58: {  	_ =	shalt  }
0x59: {  	_ =	shalt  }
0x5a: {  	_ =	shalt  }
0x5b: {  	_ =	shalt  }
0x5c: {  	_ =	shalt  }
0x5d: {  	_ =	shalt  }
0x5e: {  	_ =	shalt  }
0x5f: {  	_ =	shalt  }
0x60: {  	_ =	shalt  }
0x61: {  	_ =	shalt  }
0x62: {  	_ =	shalt  }
0x63: {  	_ =	shalt  }
0x64: {  	_ =	shalt  }
0x65: {  	_ =	shalt  }
0x66: {  	_ =	shalt  }
0x67: {  	_ =	shalt  }
0x68: {  	_ =	shalt  }
0x69: {  	_ =	shalt  }
0x6a: {  	_ =	shalt  }
0x6b: {  	_ =	shalt  }
0x6c: {  	_ =	shalt  }
0x6d: {  	_ =	shalt  }
0x6e: {  	_ =	shalt  }
0x6f: {  	_ =	shalt  }
0x70: {  	_ =	shalt  }
0x71: {  	_ =	shalt  }
0x72: {  	_ =	shalt  }
0x73: {  	_ =	shalt  }
0x74: {  	_ =	shalt  }
0x75: {  	_ =	shalt  }
0x76: {  	_ =	shalt  }
0x77: {  	_ =	shalt  }
0x78: {  	_ =	shalt  }
0x79: {  	_ =	shalt  }
0x7a: {  	_ =	shalt  }
0x7b: {  	_ =	shalt  }
0x7c: {  	_ =	shalt  }
0x7d: {  	_ =	shalt  }
0x7e: {  	_ =	shalt  }
0x7f: {  	_ =	shalt  }
0x80: {  	_ =	shalt  }
0x81: {  	_ =	shalt  }
0x82: {  	_ =	shalt  }
0x83: {  	_ =	shalt  }
0x84: {  	_ =	shalt  }
0x85: {  	_ =	shalt  }
0x86: {  	_ =	shalt  }
0x87: {  	_ =	shalt  }
.Lfunc_end0:
.L_simem_size_0:
called_computation_lowered:
.L_overlay_start_0:
0x88: {  	s2 =	sld [smem:$0x3FD9]  }
0x89: {  	s3 =	sld [smem:$0x3FFE];
	_ =	sdelay $0x1  }
0x8a: {  	s1 =	srdreg.scid  }
0x8b: {  	s0 =	sand.u32 $0x1, s1  }
0x8c: {  	s17 =	sshll.u32 s0, $0xA;
	s2 =	sadd.s32 s3, s2  }
0x8d: {  	s2 =	sadd.s32 s2, s17  }
0x8e: {  	[smem:$0x3FC5] =	sst s2  }
0x8f: {  	_ = 	snop  }
0x90: {  	s2 =	sld [smem:$0x3FC9]  }
0x91: {  	s18 =	sld [smem:$0x3FD0];
	(tm) =	ssettm $0x1  }
0x92: {  	s4 =	sld [smem:$0x3FFB];
	_ =	sdelay $0x3  }
0x93: {  	_ =	strace s4  }
0x94: {  	s4 =	sld [smem:$0x3FFC];
	_ =	sdelay $0x3  }
0x95: {  	_ =	strace s4  }
0x96: {  	s4 =	sld [smem:$0x3FFD];
	_ =	sdelay $0x3  }
0x97: {  	_ =	strace s4  }
0x98: {  	_ =	strace $0x8FFFFFFF  }
0x99: {  	s19 =	sld [smem:$0x3FDB];
	_ =	sdelay $0x1  }
0x9a: {  	s5 =	simm.s32 $_scs_section_size  }
0x9b: {  	s6 =	simm.s32 $_size__tile_overlayer_lowered;
	s7 =	simm.s32 $_tile_overlayer_lowered  }
0x9c: {  	s22 =	simm.s32 $0x1BFF;
	s21 =	sshll.u32 s7, $0x1;
	s4 =	sadd.s32 s5, s19  }
0x9d: {  	s8 =	simm.s32 $0x0;
	s20 =	sshll.u32 s6, $0x1;
	s6 =	sadd.s32 s21, s4  }
0x9e: {  	[timem:s8], [sflag:s22] =	dma.local [hbm:s6], s20  }
0x9f: {  	_ =	swait.ge [sflag:s22], s20  }
0xa0: {  	s5 =	ssub.s32 $0x0, s20;
	[sflag:s22] =	ssyncset.done $0x0  }
0xa1: {  	[sflag:s22] =	ssyncadd.s32 s5;
	_ =	sdelay $0x1  }
0xa2: {  	s23 =	simm.s32 $0x1B8B  }
0xa3: {  	_ =	swait.ge [sflag:s23], $0x1  }
0xa4: {  	[sflag:s23] =	ssyncset.done $0x0  }
0xa5: {  	s25 =	simm.s32 $0x1B8E;
	s24 =	sld [smem:$0x3FFE];
	[sflag:s23] =	ssyncadd.s32 $0xFFFFFFFF  }
0xa6: {  	s26 =	simm.s32 $execute0_lowered;
	[smem:$0x3FD2] =	sst s25  }
0xa7: {  	s6 =	sshll.u32 s26, $0x1;
	_ =	strace $0x80000046;
	[dreg:$0x1] =	wrdreg $0xFFFFFFFF  }
0xa8: {  	s28 =	simm.s32 $_size_execute0_lowered;
	s4 =	sadd.s32 s4, s6;
	[dreg:$0x0] =	wrdreg $0x0  }
0xa9: {  	s6 =	sshll.u32 s28, $0x1;
	[dreg:$0x2] =	wrdreg s4  }
0xaa: {  	[dreg:$0x3] =	wrdreg s6  }
0xab: {  	[dreg:$0x4] =	wrdreg $0xC0  }
0xac: {  	_ =	task [dreg:s8], $0x5FFFF  }
0xad: {  	[dreg:$0x1] =	wrdreg $0xFFFFFFFF  }
0xae: {  	[dreg:$0x0] =	wrdreg $0x60  }
0xaf: {  	[dreg:$0x2] =	wrdreg s2  }
0xb0: {  	[dreg:$0x3] =	wrdreg s24  }
0xb1: {  	[dreg:$0x4] =	wrdreg s18  }
0xb2: {  	[dreg:$0x5] =	wrdreg $0x9  }
0xb3: {  	_ =	task.clear_ibuf [dreg:s8], $0x6FFFF;
	_ =	strace $0x90000046  }
0xb4: {  	s29 =	simm.s32 $0x9;
	_ =	strace $0x80000048  }
0xb5: {  	_ =	swait.ge [sflag:s29], $0x1  }
0xb6: {  	[sflag:s29] =	ssyncadd.s32 $0xFFFFFFFF  }
0xb7: {  	_ =	strace $0x90000048  }
0xb8: {  	_ =	sfence  }
0xb9: {  	s30 =	sld [smem:$0x0];
	_ =	sdelay $0x2  }
0xba: {  	s31 =	sshll.u32 s1, $0xD;
	s1 =	sshrl.u32 s1, $0x2  }
0xbb: {  	s3 =	sand.u32 $0x4000, s31;
	s1 =	sadd.s32 s1, s30  }
0xbc: {  	s0 =	sor.u32 s3, s0;
	s1 =	sshll.u32 s1, $0x11  }
0xbd: {  	s0 =	sor.u32 s1, s0  }
0xbe: {  	s0 =	sadd.s32 $0x8F2B, s0  }
0xbf: {  	[sflag:s0] =	ssyncadd.remote.s32 $0x1  }
0xc0: {  	_ =	sfence.sel $0xFFFF  }
0xc1: {  	[dreg:$0x0] =	wrdreg $0xFFFFFFFF;
	(pc) =	sbr.abs _section_cstart, $3  }
0xc2: {  	[dreg:$0x1] =	wrdreg $0xFFFFFFFF  }
0xc3: {  	_ =	task.clear_ibuf [dreg:s8], $0x2FFFF;
	_ =	strace $0x9FFFFFFF  }
0xc4: {  	(tm) =	ssettm $0x7FFFFFFF  }
0xc5: {  	_ =	shalt  }
tec
execute0_lowered:
.L_overlay_start_1:
0x0: {  	(tag) =	ssettag $0x1  }
0x1: {  	s1 =	rddreg [dreg:$0x0]  }
0x2: {  	s0 =	rddreg [dreg:$0x1]  }
0x3: {  	s3 =	rddreg [dreg:$0x2];
	s4 =	simm.s32 $0x0;
	s2 =	srdreg.scid  }
0x4: {  	s5 =	stileid.u32;
	s13 =	simm.s32 $0x3;
	s15 =	simm.s32 $0x64  }
0x5: {  	s16 =	simm.s32 $0x1;
	s17 =	simm.s32 $0x340;
	s18 =	simm.s32 $0x690  }
0x6: {  	s31 =	simm.s32 $0x5B0;
	s14 =	simm.s32 $0x618;
	s11 =	simm.s32 $0x19EA0  }
0x7: {  	s19 =	simm.s32 $0x2;
	s21 =	simm.s32 $0x0;
	[smem:$0x7FF] =	sst s4  }
0x8: {  	s2 =	sand.u32 $0x1, s2;
	s5 =	sshll.u32 s5, $0x1;
	s6 =	sadd.s32 $0xF42A00, s0  }
0x9: {  	_ =	strace $0x80000047;
	s7 =	ssub.s32 $0x2, s2;
	s2 =	sor.u32 s2, s5  }
0xa: {  	vm0 =	vmmov $0x1;
	s5 =	sadd.s32 $0x600, s0;
	s8 =	sshrl.u32 s7, $0x1;
	s9 =	smul.u32 $0xD00, s2  }
0xb: {  	vm1 =	vmmov $0x3;
	vm2 =	vmmov $0x7;
	vm3 =	vmmov $0xf;
	s28 =	sshll.u32 s2, $0x6;
	s26 =	ssub.s32 s7, s8;
	s7 =	sshll.u32 s2, $0x9  }
0xc: {  	vm4 =	vmmov $0x1f;
	vm5 =	vmmov $0x3f;
	vm6 =	vmmov $0x7f;
	s30 =	sadd.s32 s1, s28;
	s2 =	simm.s32 $0x164A0;
	s8 =	simm.s32 $0x17DA0  }
0xd: {  	vm7 =	vmmov $0xff;
	vm8 =	vmmov $0x1ff;
	vm9 =	vmmov $0x3ff;
	s29 =	sadd.s32 s5, s9;
	[dreg:$0x5] =	wrdreg s30;
	s10 =	sor.u32 $0x20, s7  }
0xe: {  	vm10 =	vmmov $0x7ff;
	vm11 =	vmmov $0xfff;
	vm12 =	vmmov $0x1fff;
	s0 =	smax.u32 s26, $0x1;
	s12 =	sor.u32 $0x10, s7;
	[dreg:$0x4] =	wrdreg s29  }
0xf: {  	vm13 =	vmmov $0x3fff;
	vm14 =	vmmov $0x7fff;
	vm15 =	vcmask $0x308;
	s9 =	simm.s32 $0x19AA0;
	[dreg:$0x6] =	wrdreg s0;
	s0 =	simm.s32 $0x10  }
.LBB2_1:
0x10: {  	[dreg:$0x7] =	wrdreg s21  }
0x11: {  	s20 =	rddreg [dreg:$0x4]  }
0x12: {  	[tilespmem:s4], [sflag:$0x3] =	stream.linear.gather [hbm4b:s20+s4], $0x340, $0x38;
	[tilespmem:$0x1A1D0] =	vst v63  }
0x13: {  	_ =	swait.ge [sflag:s13], $0x340  }
0x14: {  	[sflag:s13] =	ssyncset.done $0x0  }
0x15: {  	s21 =	simm.s32 $0x680;
	s30 =	rddreg [dreg:$0x5];
	[sflag:s13] =	ssyncadd.s32 $0xFFFFFCC0  }
0x16: {  	[tilespmem:s21], [sflag:$0x3] =	stream.linear.gather [hbm4b:s30+s4], $0x10, $0x38;
	[tilespmem:$0x1A1D0] =	vst v63  }
0x17: {  	_ =	swait.ge [sflag:s13], $0x10  }
0x18: {  	[sflag:s13] =	ssyncset.done $0x0  }
0x19: {  	s22 =	simm.s32 $0x6A0;
	[sflag:s13] =	ssyncadd.s32 $0xFFFFFFF0  }
0x1a: {  	[tilespmem:s22], [sflag:$0x1] =	stream.indirect.gather [hbm4b:s6+s15], $0x40, s4, s15, $0xb8;
	[tilespmem:$0x1A1D0] =	vst v63  }
0x1b: {  	s23 =	simm.s32 $0x68;
	s22 =	simm.s32 $0x1FA0  }
0x1c: {  	[tilespmem:s22], [sflag:$0x1] =	stream.indirect.gather [hbm4b:s6+s15], $0x40, s23, s15, $0xb8;
	[tilespmem:$0x1A1D0] =	vst v63  }
0x1d: {  	s24 =	simm.s32 $0xD0;
	s25 =	simm.s32 $0x38A0  }
0x1e: {  	[tilespmem:s25], [sflag:$0x1] =	stream.indirect.gather [hbm4b:s6+s15], $0x40, s24, s15, $0xb8;
	[tilespmem:$0x1A1D0] =	vst v63  }
0x1f: {  	s26 =	simm.s32 $0x138;
	s28 =	simm.s32 $0x51A0  }
0x20: {  	[tilespmem:s28], [sflag:$0x1] =	stream.indirect.gather [hbm4b:s6+s15], $0x40, s26, s15, $0xb8;
	[tilespmem:$0x1A1D0] =	vst v63  }
0x21: {  	s29 =	simm.s32 $0x1A0;
	s30 =	simm.s32 $0x6AA0  }
0x22: {  	[tilespmem:s30], [sflag:$0x1] =	stream.indirect.gather [hbm4b:s6+s15], $0x40, s29, s15, $0xb8;
	[tilespmem:$0x1A1D0] =	vst v63  }
0x23: {  	s23 =	simm.s32 $0x208;
	s24 =	simm.s32 $0x83A0  }
0x24: {  	[tilespmem:s24], [sflag:$0x1] =	stream.indirect.gather [hbm4b:s6+s15], $0x40, s23, s15, $0xb8;
	[tilespmem:$0x1A1D0] =	vst v63  }
0x25: {  	s25 =	simm.s32 $0x270;
	s26 =	simm.s32 $0x9CA0  }
0x26: {  	[tilespmem:s26], [sflag:$0x1] =	stream.indirect.gather [hbm4b:s6+s15], $0x40, s25, s15, $0xb8;
	[tilespmem:$0x1A1D0] =	vst v63  }
0x27: {  	s28 =	simm.s32 $0x2D8;
	s29 =	simm.s32 $0xB5A0  }
0x28: {  	[tilespmem:s29], [sflag:$0x1] =	stream.indirect.gather [hbm4b:s6+s15], $0x40, s28, s15, $0xb8;
	[tilespmem:$0x1A1D0] =	vst v63  }
0x29: {  	s20 =	simm.s32 $0x0;
	s30 =	simm.s32 $0x196A0  }
0x2a: {  	[tilespmem:s30], [sflag:$0x1] =	stream.indirect.gather [hbm4b:s6+s0], $0x40, s21, s0, $0xb8;
	[tilespmem:$0x1A1D0] =	vst v63  }
.LBB2_2:
0x2b: {  	_ =	swait.ge [sflag:s16], $0x1900  }
0x2c: {  	[sflag:s16] =	ssyncset.done $0x0  }
0x2d: {  	[sflag:s16] =	ssyncadd.s32 $0xFFFFE700  }
0x2e: {  	_ =	swait.ge [sflag:s16], $0x1900  }
0x2f: {  	[sflag:s16] =	ssyncset.done $0x0  }
0x30: {  	[sflag:s16] =	ssyncadd.s32 $0xFFFFE700  }
0x31: {  	_ =	swait.ge [sflag:s16], $0x1900  }
0x32: {  	[sflag:s16] =	ssyncset.done $0x0  }
0x33: {  	[sflag:s16] =	ssyncadd.s32 $0xFFFFE700  }
0x34: {  	_ =	swait.ge [sflag:s16], $0x1900  }
0x35: {  	[sflag:s16] =	ssyncset.done $0x0  }
0x36: {  	[sflag:s16] =	ssyncadd.s32 $0xFFFFE700  }
0x37: {  	_ =	swait.ge [sflag:s16], $0x1900  }
0x38: {  	[sflag:s16] =	ssyncset.done $0x0  }
0x39: {  	[sflag:s16] =	ssyncadd.s32 $0xFFFFE700  }
0x3a: {  	_ =	swait.ge [sflag:s16], $0x1900  }
0x3b: {  	[sflag:s16] =	ssyncset.done $0x0  }
0x3c: {  	[sflag:s16] =	ssyncadd.s32 $0xFFFFE700  }
0x3d: {  	_ =	swait.ge [sflag:s16], $0x1900  }
0x3e: {  	[sflag:s16] =	ssyncset.done $0x0  }
0x3f: {  	[sflag:s16] =	ssyncadd.s32 $0xFFFFE700  }
0x40: {  	s22 =	sshll.u32 s20, $0x5;
	_ =	swait.ge [sflag:s16], $0x1900  }
0x41: {  	s21 =	sor.u32 s12, s22;
	[sflag:s16] =	ssyncset.done $0x0  }
0x42: {  	s23 =	sshrl.u32 s21, $0x1;
	[sflag:s16] =	ssyncadd.s32 $0xFFFFE700  }
0x43: {  	s23 =	smul.u32 $0xD, s23;
	_ =	swait.ge [sflag:s16], $0x400  }
0x44: {  	[sflag:s16] =	ssyncset.done $0x0  }
0x45: {  	s24 =	sadd.s32 s5, s23;
	s23 =	simm.s32 $0x0;
	[sflag:s16] =	ssyncadd.s32 $0xFFFFFC00  }
0x46: {  	[tilespmem:s17], [sflag:$0x3] =	stream.linear.gather [hbm4b:s24+s23], $0x340, $0x38;
	[tilespmem:$0x1A1D0] =	vst v63  }
0x47: {  	_ =	swait.ge [sflag:s13], $0x340  }
0x48: {  	s28 =	sshrl.u32 s21, $0x3;
	[sflag:s13] =	ssyncset.done $0x0  }
0x49: {  	s24 =	sadd.s32 s1, s28;
	[sflag:s13] =	ssyncadd.s32 $0xFFFFFCC0  }
0x4a: {  	[tilespmem:s18], [sflag:$0x3] =	stream.linear.gather [hbm4b:s24+s23], $0x10, $0x38;
	[tilespmem:$0x1A1D0] =	vst v63  }
0x4b: {  	_ =	swait.ge [sflag:s13], $0x10  }
0x4c: {  	[sflag:s13] =	ssyncset.done $0x0  }
0x4d: {  	s29 =	simm.s32 $0xCEA0;
	[sflag:s13] =	ssyncadd.s32 $0xFFFFFFF0  }
0x4e: {  	[tilespmem:s29], [sflag:$0x2] =	stream.indirect.gather [hbm4b:s6+s15], $0x40, s17, s15, $0xb8;
	[tilespmem:$0x1A1D0] =	vst v63  }
0x4f: {  	s30 =	simm.s32 $0x3A8;
	s25 =	simm.s32 $0xE7A0  }
0x50: {  	[tilespmem:s25], [sflag:$0x2] =	stream.indirect.gather [hbm4b:s6+s15], $0x40, s30, s15, $0xb8;
	[tilespmem:$0x1A1D0] =	vst v63  }
0x51: {  	s26 =	simm.s32 $0x410;
	s28 =	simm.s32 $0x100A0  }
0x52: {  	[tilespmem:s28], [sflag:$0x2] =	stream.indirect.gather [hbm4b:s6+s15], $0x40, s26, s15, $0xb8;
	[tilespmem:$0x1A1D0] =	vst v63  }
0x53: {  	s29 =	simm.s32 $0x478;
	s30 =	simm.s32 $0x119A0  }
0x54: {  	[tilespmem:s30], [sflag:$0x2] =	stream.indirect.gather [hbm4b:s6+s15], $0x40, s29, s15, $0xb8;
	[tilespmem:$0x1A1D0] =	vst v63  }
0x55: {  	s26 =	simm.s32 $0x4E0;
	s28 =	simm.s32 $0x132A0  }
0x56: {  	[tilespmem:s28], [sflag:$0x2] =	stream.indirect.gather [hbm4b:s6+s15], $0x40, s26, s15, $0xb8;
	[tilespmem:$0x1A1D0] =	vst v63  }
0x57: {  	s29 =	simm.s32 $0x548;
	s30 =	simm.s32 $0x14BA0  }
0x58: {  	[tilespmem:s30], [sflag:$0x2] =	stream.indirect.gather [hbm4b:s6+s15], $0x40, s29, s15, $0xb8;
	[tilespmem:$0x1A1D0] =	vst v63  }
0x59: {  	_ = 	snop  }
0x5a: {  	[tilespmem:s2], [sflag:$0x2] =	stream.indirect.gather [hbm4b:s6+s15], $0x40, s31, s15, $0xb8;
	[tilespmem:$0x1A1D0] =	vst v63  }
0x5b: {  	_ = 	snop  }
0x5c: {  	[tilespmem:s8], [sflag:$0x2] =	stream.indirect.gather [hbm4b:s6+s15], $0x40, s14, s15, $0xb8;
	[tilespmem:$0x1A1D0] =	vst v63  }
0x5d: {  	_ = 	snop  }
0x5e: {  	[tilespmem:s9], [sflag:$0x2] =	stream.indirect.gather [hbm4b:s6+s0], $0x40, s18, s0, $0xb8;
	[tilespmem:$0x1A1D0] =	vst v63  }
.LBB2_3:
0x5f: {  	s24 =	sshll.u32 s23, $0x6  }
0x60: {  	s24 =	sand.u32 $0x3FFFFFC0, s24  }
0x61: {  	v2 =	vld [tilespmem:s24+$0x196A0]  }
0x62: {  	s25 =	smul.u32 $0x3200, s23;
	v3 =	vld [tilespmem:s24+$0x196B0]  }
0x63: {  	v1 =	vld [tilespmem:s24+$0x196C0]  }
0x64: {  	v0 =	vld [tilespmem:s24+$0x196D0];
	s24 =	sshra.s32 s25, $0x2  }
0x65: {  	v4 =	vld [tilespmem:s24+$0x6A0]  }
0x66: {  	v5 =	vld [tilespmem:s24+$0x6B0]  }
0x67: {  	v6 =	vld [tilespmem:s24+$0x6C0]  }
0x68: {  	v7 =	vld [tilespmem:s24+$0x6D0]  }
0x69: {  	v8 =	vld [tilespmem:s24+$0x6E0]  }
0x6a: {  	v9 =	vld [tilespmem:s24+$0x6F0]  }
0x6b: {  	v10 =	vld [tilespmem:s24+$0x700]  }
0x6c: {  	v11 =	vld [tilespmem:s24+$0x710]  }
0x6d: {  	v12 =	vld [tilespmem:s24+$0x720]  }
0x6e: {  	v13 =	vld [tilespmem:s24+$0x730]  }
0x6f: {  	v14 =	vld [tilespmem:s24+$0x740]  }
0x70: {  	v15 =	vld [tilespmem:s24+$0x750]  }
0x71: {  	v16 =	vld [tilespmem:s24+$0x760]  }
0x72: {  	v17 =	vld [tilespmem:s24+$0x770]  }
0x73: {  	v18 =	vld [tilespmem:s24+$0x780]  }
0x74: {  	v19 =	vld [tilespmem:s24+$0x790]  }
0x75: {  	v20 =	vld [tilespmem:s24+$0x7A0]  }
0x76: {  	v21 =	vld [tilespmem:s24+$0x7B0]  }
0x77: {  	v22 =	vld [tilespmem:s24+$0x7C0]  }
0x78: {  	v23 =	vld [tilespmem:s24+$0x7D0]  }
0x79: {  	v24 =	vld [tilespmem:s24+$0x7E0]  }
0x7a: {  	v25 =	vld [tilespmem:s24+$0x7F0]  }
0x7b: {  	v26 =	vld [tilespmem:s24+$0x800]  }
0x7c: {  	v27 =	vld [tilespmem:s24+$0x810]  }
0x7d: {  	v28 =	vld [tilespmem:s24+$0x820]  }
0x7e: {  	v29 =	vld [tilespmem:s24+$0x830]  }
0x7f: {  	v30 =	vld [tilespmem:s24+$0x840]  }
0x80: {  	v31 =	vld [tilespmem:s24+$0x850];
	v4 =	vmul.f32 v4, v2;
	v5 =	vmul.f32 v5, v3  }
0x81: {  	v32 =	vld [tilespmem:s24+$0x860];
	v41 =	vmul.f32 v6, v1;
	v8 =	vmul.f32 v8, v2  }
0x82: {  	v33 =	vld [tilespmem:s24+$0x870];
	v9 =	vmul.f32 v9, v3;
	v43 =	vmul.f32 v12, v2  }
0x83: {  	v34 =	vld [tilespmem:s24+$0x880];
	v44 =	vmul.f32 v13, v3;
	v7 =	vmul.f32 v7, v0  }
0x84: {  	v35 =	vld [tilespmem:s24+$0x890];
	v45 =	vmul.f32 v10, v1;
	v11 =	vmul.f32 v11, v0  }
0x85: {  	v42 =	vld [tilespmem:s24+$0x8A0];
	v46 =	vmul.f32 v14, v1;
	v47 =	vmul.f32 v16, v2  }
0x86: {  	v36 =	vld [tilespmem:s24+$0x8B0];
	v48 =	vmul.f32 v17, v3;
	v49 =	vmul.f32 v15, v0  }
0x87: {  	v53 =	vld [tilespmem:s24+$0x920];
	v50 =	vmul.f32 v18, v1;
	v51 =	vmul.f32 v20, v2  }
0x88: {  	v56 =	vld [tilespmem:s24+$0x930];
	v52 =	vmul.f32 v21, v3;
	v54 =	vmul.f32 v24, v2  }
0x89: {  	v61 =	vld [tilespmem:s24+$0x960];
	v55 =	vmul.f32 v25, v3;
	v19 =	vmul.f32 v19, v0  }
0x8a: {  	v63 =	vld [tilespmem:s24+$0x970];
	v57 =	vmul.f32 v22, v1;
	v23 =	vmul.f32 v23, v0  }
0x8b: {  	v38 =	vld [tilespmem:s24+$0x980];
	v58 =	vmul.f32 v26, v1;
	v59 =	vmul.f32 v28, v2  }
0x8c: {  	v13 =	vld [tilespmem:s24+$0x8C0];
	v60 =	vmul.f32 v29, v3;
	v62 =	vmul.f32 v27, v0  }
0x8d: {  	v10 =	vld [tilespmem:s24+$0x8D0];
	v37 =	vmul.f32 v30, v1;
	v39 =	vmul.f32 v32, v2  }
0x8e: {  	v14 =	vld [tilespmem:s24+$0x8E0];
	v40 =	vmul.f32 v33, v3;
	v6 =	vmul.f32 v42, v2  }
0x8f: {  	v17 =	vld [tilespmem:s24+$0x8F0];
	v42 =	vmul.f32 v36, v3;
	v4 =	vadd.f32 v5, v4;
	v8 =	vadd.f32 v9, v8  }
0x90: {  	v12 =	vld [tilespmem:s24+$0x900];
	v20 =	vmul.f32 v63, v3;
	v5 =	vadd.f32 v44, v43;
	v9 =	vadd.f32 v48, v47  }
0x91: {  	v15 =	vld [tilespmem:s24+$0x910];
	v16 =	vadd.f32 v60, v59;
	v44 =	vmul.f32 v31, v0;
	v6 =	vadd.f32 v42, v6  }
0x92: {  	v24 =	vld [tilespmem:s24+$0x950];
	v47 =	vmul.f32 v35, v0;
	v4 =	vadd.f32 v41, v4;
	v8 =	vadd.f32 v45, v8  }
0x93: {  	v22 =	vld [tilespmem:s24+$0x940];
	v5 =	vadd.f32 v46, v5;
	v9 =	vadd.f32 v50, v9;
	v45 =	vmul.f32 v34, v1  }
0x94: {  	v36 =	vld [tilespmem:s24+$0xA60];
	v16 =	vadd.f32 v37, v16;
	v13 =	vmul.f32 v13, v1;
	v14 =	vmul.f32 v14, v2  }
0x95: {  	v43 =	vld [tilespmem:s24+$0x9A0];
	v17 =	vmul.f32 v17, v3;
	v10 =	vmul.f32 v10, v0;
	v4 =	vadd.f32 v7, v4  }
0x96: {  	v48 =	vld [tilespmem:s24+$0x9C0];
	v12 =	vmul.f32 v12, v1;
	v8 =	vadd.f32 v11, v8;
	v5 =	vadd.f32 v49, v5  }
0x97: {  	v59 =	vld [tilespmem:s24+$0xA20];
	v60 =	vmul.f32 v24, v0;
	v7 =	vadd.f32 v52, v51;
	v11 =	vadd.f32 v55, v54  }
0x98: {  	v41 =	vld [tilespmem:s24+$0x990];
	v9 =	vadd.f32 v19, v9;
	v19 =	vadd.f32 v40, v39;
	v52 =	vmul.f32 v53, v2  }
0x99: {  	v46 =	vld [tilespmem:s24+$0x9B0];
	v16 =	vadd.f32 v44, v16;
	v53 =	vmul.f32 v56, v3;
	v55 =	vmul.f32 v61, v2  }
0x9a: {  	v50 =	vld [tilespmem:s24+$0x9E0];
	v61 =	vmul.f32 v38, v1;
	v6 =	vadd.f32 v13, v6;
	v14 =	vadd.f32 v17, v14  }
0x9b: {  	v49 =	vld [tilespmem:s24+$0x9D0];
	v30 =	vmul.f32 v43, v2;
	v38 =	vmul.f32 v48, v1;
	v7 =	vadd.f32 v57, v7  }
0x9c: {  	v51 =	vld [tilespmem:s24+$0x9F0];
	v43 =	vmul.f32 v59, v2;
	v11 =	vadd.f32 v58, v11;
	v19 =	vadd.f32 v45, v19  }
0x9d: {  	v54 =	vld [tilespmem:s24+$0xA00];
	(xrf2) =	vadd.scan.msk.f32 $0xffff, v4;
	v57 =	vmul.f32 v15, v0;
	v6 =	vadd.f32 v10, v6;
	v12 =	vadd.f32 v12, v14  }
0x9e: {  	v58 =	vmul.f32 v22, v1;
	v10 =	vadd.f32 v53, v52;
	(xrf2) =	vadd.scan.msk.f32 $0xffff, v8;
	v11 =	vadd.f32 v62, v11;
	v62 =	vld [tilespmem:s24+$0xA30]  }
0x9f: {  	v56 =	vld [tilespmem:s24+$0xA10];
	v14 =	vadd.f32 v20, v55;
	v32 =	vmul.f32 v46, v3;
	v7 =	vadd.f32 v23, v7;
	(xrf2) =	vadd.scan.msk.f32 $0xffff, v5  }
0xa0: {  	v33 =	vld [tilespmem:s24+$0xA40];
	v35 =	vmul.f32 v41, v0;
	v40 =	vmul.f32 v50, v2;
	v19 =	vadd.f32 v47, v19;
	(xrf2) =	vadd.scan.msk.f32 $0xffff, v9  }
0xa1: {  	v39 =	vld [tilespmem:s24+$0xA70];
	v52 =	vmul.f32 v36, v2;
	v63 =	vadd.f32 v58, v10;
	v4 =	vadd.f32 v57, v12;
	(xrf2) =	vadd.scan.msk.f32 $0xffff, v7  }
0xa2: {  	v42 =	vld [tilespmem:s24+$0xA50];
	v34 =	vadd.f32 v61, v14;
	v41 =	vmul.f32 v51, v3;
	v46 =	vmul.f32 v49, v0;
	(xrf2) =	vadd.scan.msk.f32 $0xffff, v11  }
0xa3: {  	v45 =	vld [tilespmem:s24+$0xA80];
	v37 =	vadd.f32 v32, v30;
	v47 =	vmul.f32 v54, v1;
	(xrf2) =	vadd.scan.msk.f32 $0xffff, v16;
	v44 =	vmul.f32 v62, v3  }
0xa4: {  	v48 =	vmul.f32 v56, v0;
	v5 =	vadd.f32 v60, v63;
	v11 =	vadd.f32 v41, v40;
	(xrf2) =	vadd.scan.msk.f32 $0xffff, v19  }
0xa5: {  	v50 =	vld [tilespmem:s24+$0xA90];
	v49 =	vmul.f32 v33, v1;
	v7 =	vadd.f32 v38, v37;
	(xrf2) =	vadd.scan.msk.f32 $0xffff, v6;
	v8 =	vadd.f32 v44, v43  }
0xa6: {  	v10 =	vmul.f32 v39, v3;
	v9 =	vadd.f32 v35, v34;
	v51 =	vadd.f32 v47, v11;
	(xrf2) =	vadd.scan.msk.f32 $0xffff, v4  }
0xa7: {  	v56 =	vmul.f32 v42, v0;
	v54 =	vadd.f32 v46, v7;
	v53, _, _ =	vpop (xrf2);
	(xrf2) =	vadd.scan.msk.f32 $0xffff, v5;
	v55 =	vadd.f32 v49, v8  }
0xa8: {  	v58 =	vadd.f32 v10, v52;
	v59 =	vmul.f32 v45, v1;
	v4 =	vadd.f32 v48, v51;
	v57, _, _ =	vpop (xrf2);
	(xrf2) =	vadd.scan.msk.f32 $0xffff, v9  }
0xa9: {  	v60 =	vbroadcast v53, $0xF;
	v61 =	vbroadcast v57, $0xF;
	v62, _, _ =	vpop (xrf2);
	(xrf2) =	vadd.scan.msk.f32 $0xffff, v54;
	v63 =	vadd.f32 v56, v55  }
0xaa: {  	v16 =	vmul.f32 v50, v0;
	v15 =	vadd.f32 v59, v58;
	v13 =	vbroadcast v62, $0xF;
	v14, _, _ =	vpop (xrf2);
	(xrf2) =	vadd.scan.msk.f32 $0xffff, v4  }
0xab: {  	v17 =	vsel vm0, v60, v61;
	v8 =	vbroadcast v14, $0xF;
	v18, _, _ =	vpop (xrf2);
	(xrf2) =	vadd.scan.msk.f32 $0xffff, v63  }
0xac: {  	v4 =	vadd.f32 v16, v15;
	v19 =	vsel vm1, v17, v13;
	v20 =	vbroadcast v18, $0xF;
	v21, _, _ =	vpop (xrf2)  }
0xad: {  	v5 =	vsel vm2, v19, v8;
	v22 =	vbroadcast v21, $0xF;
	v23, _, _ =	vpop (xrf2)  }
0xae: {  	(xrf2) =	vadd.scan.msk.f32 $0xffff, v4;
	v5 =	vsel vm3, v5, v20;
	v24 =	vbroadcast v23, $0xF;
	v25, _, _ =	vpop (xrf2)  }
0xaf: {  	v26 =	vsel vm4, v5, v22;
	v27 =	vbroadcast v25, $0xF;
	v28, _, _ =	vpop (xrf2)  }
0xb0: {  	v4 =	vsel vm5, v26, v24;
	v6 =	vbroadcast v28, $0xF;
	v29, _, _ =	vpop (xrf2)  }
0xb1: {  	v4 =	vsel vm6, v4, v27;
	v30 =	vbroadcast v29, $0xF;
	v31, _, _ =	vpop (xrf2)  }
0xb2: {  	v4 =	vsel vm7, v4, v6;
	v32 =	vbroadcast v31, $0xF;
	v33, _, _ =	vpop (xrf2)  }
0xb3: {  	v4 =	vsel vm8, v4, v30;
	v34 =	vbroadcast v33, $0xF;
	v35, _, _ =	vpop (xrf2)  }
0xb4: {  	v4 =	vsel vm9, v4, v32;
	v36 =	vbroadcast v35, $0xF;
	v37, _, _ =	vpop (xrf2)  }
0xb5: {  	v4 =	vsel vm10, v4, v34;
	v38 =	vbroadcast v37, $0xF;
	v39, _, _ =	vpop (xrf2)  }
0xb6: {  	v4 =	vsel vm11, v4, v36;
	v40 =	vbroadcast v39, $0xF  }
0xb7: {  	v4 =	vsel vm12, v4, v38  }
0xb8: {  	v41, _, _ =	vpop (xrf2);
	v4 =	vsel vm13, v4, v40  }
0xb9: {  	v4 =	vsel vm14, v4, v41  }
0xba: {  	v4 =	vsub.f32 $0.0e+00, v4;
	_ =	sdelay $0x1  }
0xbb: {  	v4 =	vmul.f32 $1.442695020e+00, v4;
	_ =	sdelay $0x1  }
0xbc: {  	(erf) = vpow2.f32 v4;
	_ =	sdelay $0x8  }
0xbd: {  	v4 =	vpop (erf)  }
0xbe: {  	v4 =	vadd.f32 $1.000000000e+00, v4;
	_ =	sdelay $0x1  }
0xbf: {  	(erf) = vrcp.f32 v4;
	_ =	sdelay $0x5  }
0xc0: {  	s25 =	smul.u32 $0x32, s23;
	_ =	sdelay $0x1  }
0xc1: {  	s26 =	sadd.s32 $0x10, s25  }
0xc2: {  	s28 =	sshll.u32 s26, $0x6;
	v4 =	vpop (erf)  }
0xc3: {  	s28 =	sand.u32 $0x3FFFFF80, s28;
	[tilespmem:s25+$0x19EA0] =	vst v4  }
0xc4: {  	v4 =	vld [tilespmem:s28+$0x6A0]  }
0xc5: {  	v42 =	vld [tilespmem:s28+$0x6B0]  }
0xc6: {  	v43 =	vld [tilespmem:s28+$0x6C0]  }
0xc7: {  	v7 =	vld [tilespmem:s28+$0x6D0]  }
0xc8: {  	v44 =	vld [tilespmem:s24+$0xAE0]  }
0xc9: {  	v45 =	vld [tilespmem:s24+$0xAF0]  }
0xca: {  	v46 =	vld [tilespmem:s24+$0xB00]  }
0xcb: {  	v47 =	vld [tilespmem:s24+$0xB10]  }
0xcc: {  	v48 =	vld [tilespmem:s24+$0xB20]  }
0xcd: {  	v49 =	vld [tilespmem:s24+$0xB30]  }
0xce: {  	v50 =	vld [tilespmem:s24+$0xB40]  }
0xcf: {  	v51 =	vld [tilespmem:s24+$0xB50]  }
0xd0: {  	v52 =	vld [tilespmem:s24+$0xB60]  }
0xd1: {  	v53 =	vld [tilespmem:s24+$0xB70]  }
0xd2: {  	v54 =	vld [tilespmem:s24+$0xB80]  }
0xd3: {  	v19 =	vld [tilespmem:s24+$0xB90]  }
0xd4: {  	v55 =	vld [tilespmem:s24+$0xBA0]  }
0xd5: {  	v56 =	vld [tilespmem:s24+$0xBB0]  }
0xd6: {  	v57 =	vld [tilespmem:s24+$0xBC0]  }
0xd7: {  	v58 =	vld [tilespmem:s24+$0xBD0]  }
0xd8: {  	v59 =	vld [tilespmem:s24+$0xBE0]  }
0xd9: {  	v60 =	vld [tilespmem:s24+$0xBF0]  }
0xda: {  	v61 =	vld [tilespmem:s24+$0xC00]  }
0xdb: {  	v27 =	vld [tilespmem:s24+$0xC10]  }
0xdc: {  	v62 =	vld [tilespmem:s24+$0xC20]  }
0xdd: {  	v63 =	vld [tilespmem:s24+$0xC30]  }
0xde: {  	v30 =	vld [tilespmem:s24+$0xC40]  }
0xdf: {  	v31 =	vld [tilespmem:s24+$0xC50];
	v4 =	vmul.f32 v4, v2;
	v5 =	vmul.f32 v42, v3  }
0xe0: {  	v32 =	vld [tilespmem:s24+$0xC60];
	v41 =	vmul.f32 v43, v1;
	v8 =	vmul.f32 v44, v2  }
0xe1: {  	v40 =	vld [tilespmem:s24+$0xC70];
	v9 =	vmul.f32 v45, v3;
	v43 =	vmul.f32 v48, v2  }
0xe2: {  	v34 =	vld [tilespmem:s24+$0xC80];
	v44 =	vmul.f32 v49, v3;
	v7 =	vmul.f32 v7, v0  }
0xe3: {  	v35 =	vld [tilespmem:s24+$0xC90];
	v45 =	vmul.f32 v46, v1;
	v11 =	vmul.f32 v47, v0  }
0xe4: {  	v6 =	vld [tilespmem:s24+$0xCA0];
	v46 =	vmul.f32 v50, v1;
	v47 =	vmul.f32 v52, v2  }
0xe5: {  	v13 =	vld [tilespmem:s24+$0xCC0];
	v48 =	vmul.f32 v53, v3;
	v49 =	vmul.f32 v51, v0  }
0xe6: {  	v10 =	vld [tilespmem:s24+$0xCD0];
	v50 =	vmul.f32 v54, v1;
	v51 =	vmul.f32 v55, v2  }
0xe7: {  	v14 =	vld [tilespmem:s24+$0xCE0];
	v52 =	vmul.f32 v56, v3;
	v54 =	vmul.f32 v59, v2  }
0xe8: {  	v17 =	vld [tilespmem:s24+$0xCF0];
	v55 =	vmul.f32 v60, v3;
	v19 =	vmul.f32 v19, v0  }
0xe9: {  	v12 =	vld [tilespmem:s24+$0xD00];
	v57 =	vmul.f32 v57, v1;
	v23 =	vmul.f32 v58, v0  }
0xea: {  	v15 =	vld [tilespmem:s24+$0xD10];
	v58 =	vmul.f32 v61, v1;
	v59 =	vmul.f32 v62, v2  }
0xeb: {  	v22 =	vld [tilespmem:s24+$0xD40];
	v60 =	vmul.f32 v63, v3;
	v62 =	vmul.f32 v27, v0  }
0xec: {  	v24 =	vld [tilespmem:s24+$0xD50];
	v37 =	vmul.f32 v30, v1;
	v39 =	vmul.f32 v32, v2  }
0xed: {  	v38 =	vld [tilespmem:s24+$0xD80];
	v40 =	vmul.f32 v40, v3;
	v6 =	vmul.f32 v6, v2  }
0xee: {  	v42 =	vld [tilespmem:s24+$0xCB0];
	v13 =	vmul.f32 v13, v1;
	v14 =	vmul.f32 v14, v2;
	v4 =	vadd.f32 v5, v4  }
0xef: {  	v53 =	vld [tilespmem:s24+$0xD20];
	v17 =	vmul.f32 v17, v3;
	v8 =	vadd.f32 v9, v8;
	v5 =	vadd.f32 v44, v43  }
0xf0: {  	v56 =	vld [tilespmem:s24+$0xD30];
	v10 =	vmul.f32 v10, v0;
	v9 =	vadd.f32 v48, v47;
	v16 =	vadd.f32 v60, v59  }
0xf1: {  	v61 =	vld [tilespmem:s24+$0xD60];
	v12 =	vmul.f32 v12, v1;
	v14 =	vadd.f32 v17, v14;
	v4 =	vadd.f32 v41, v4  }
0xf2: {  	v63 =	vld [tilespmem:s24+$0xD70];
	v44 =	vmul.f32 v31, v0;
	v8 =	vadd.f32 v45, v8;
	v5 =	vadd.f32 v46, v5  }
0xf3: {  	v43 =	vld [tilespmem:s24+$0xDA0];
	v47 =	vmul.f32 v35, v0;
	v9 =	vadd.f32 v50, v9;
	v16 =	vadd.f32 v37, v16  }
0xf4: {  	v48 =	vld [tilespmem:s24+$0xDC0];
	v60 =	vmul.f32 v24, v0;
	v12 =	vadd.f32 v12, v14;
	v4 =	vadd.f32 v7, v4  }
0xf5: {  	v59 =	vld [tilespmem:s24+$0xE20];
	v45 =	vmul.f32 v34, v1;
	v8 =	vadd.f32 v11, v8;
	v5 =	vadd.f32 v49, v5  }
0xf6: {  	v31 =	vld [tilespmem:s24+$0xE40];
	v42 =	vmul.f32 v42, v3;
	v7 =	vadd.f32 v52, v51;
	v11 =	vadd.f32 v55, v54  }
0xf7: {  	v41 =	vld [tilespmem:s24+$0xD90];
	v20 =	vmul.f32 v63, v3;
	v9 =	vadd.f32 v19, v9;
	v19 =	vadd.f32 v40, v39  }
0xf8: {  	v46 =	vld [tilespmem:s24+$0xDB0];
	v16 =	vadd.f32 v44, v16;
	v52 =	vmul.f32 v53, v2;
	v53 =	vmul.f32 v56, v3  }
0xf9: {  	v50 =	vld [tilespmem:s24+$0xDE0];
	v55 =	vmul.f32 v61, v2;
	v61 =	vmul.f32 v38, v1;
	v6 =	vadd.f32 v42, v6  }
0xfa: {  	v34 =	vld [tilespmem:s24+$0xE60];
	v29 =	vmul.f32 v43, v2;
	v36 =	vmul.f32 v48, v1;
	v7 =	vadd.f32 v57, v7  }
0xfb: {  	v49 =	vld [tilespmem:s24+$0xDD0];
	v11 =	vadd.f32 v58, v11;
	v19 =	vadd.f32 v45, v19;
	v57 =	vmul.f32 v15, v0  }
0xfc: {  	v51 =	vld [tilespmem:s24+$0xDF0];
	(xrf2) =	vadd.scan.msk.f32 $0xffff, v4;
	v58 =	vmul.f32 v22, v1;
	v14 =	vadd.f32 v20, v55;
	v6 =	vadd.f32 v13, v6  }
0xfd: {  	(xrf2) =	vadd.scan.msk.f32 $0xffff, v8;
	v30 =	vmul.f32 v46, v3;
	v33 =	vmul.f32 v41, v0;
	v11 =	vadd.f32 v62, v11;
	v62 =	vld [tilespmem:s24+$0xE30]  }
0xfe: {  	v54 =	vld [tilespmem:s24+$0xE00];
	v38 =	vmul.f32 v50, v2;
	v7 =	vadd.f32 v23, v7;
	v19 =	vadd.f32 v47, v19;
	(xrf2) =	vadd.scan.msk.f32 $0xffff, v5  }
0xff: {  	v56 =	vld [tilespmem:s24+$0xE10];
	v41 =	vmul.f32 v59, v2;
	v4 =	vadd.f32 v57, v12;
	v32 =	vadd.f32 v61, v14;
	(xrf2) =	vadd.scan.msk.f32 $0xffff, v9  }
0x100: {  	v37 =	vld [tilespmem:s24+$0xE70];
	v50 =	vmul.f32 v34, v2;
	v6 =	vadd.f32 v10, v6;
	v10 =	vadd.f32 v53, v52;
	(xrf2) =	vadd.scan.msk.f32 $0xffff, v7  }
0x101: {  	v40 =	vld [tilespmem:s24+$0xE50];
	v47 =	vmul.f32 v31, v1;
	v35 =	vadd.f32 v30, v29;
	v39 =	vmul.f32 v51, v3;
	(xrf2) =	vadd.scan.msk.f32 $0xffff, v11  }
0x102: {  	v43 =	vld [tilespmem:s24+$0xE80];
	v44 =	vmul.f32 v49, v0;
	v63 =	vadd.f32 v58, v10;
	(xrf2) =	vadd.scan.msk.f32 $0xffff, v16;
	v42 =	vmul.f32 v62, v3  }
0x103: {  	v45 =	vmul.f32 v54, v1;
	v7 =	vadd.f32 v36, v35;
	v11 =	vadd.f32 v39, v38;
	(xrf2) =	vadd.scan.msk.f32 $0xffff, v19  }
0x104: {  	v48 =	vld [tilespmem:s24+$0xE90];
	v46 =	vmul.f32 v56, v0;
	v5 =	vadd.f32 v60, v63;
	(xrf2) =	vadd.scan.msk.f32 $0xffff, v6;
	v8 =	vadd.f32 v42, v41  }
0x105: {  	v9 =	vadd.f32 v33, v32;
	v10 =	vmul.f32 v37, v3;
	v49 =	vadd.f32 v45, v11;
	(xrf2) =	vadd.scan.msk.f32 $0xffff, v4  }
0x106: {  	v54 =	vmul.f32 v40, v0;
	v52 =	vadd.f32 v44, v7;
	v51, _, _ =	vpop (xrf2);
	(xrf2) =	vadd.scan.msk.f32 $0xffff, v5;
	v53 =	vadd.f32 v47, v8  }
0x107: {  	v57 =	vmul.f32 v43, v1;
	v56 =	vadd.f32 v10, v50;
	v4 =	vadd.f32 v46, v49;
	v55, _, _ =	vpop (xrf2);
	(xrf2) =	vadd.scan.msk.f32 $0xffff, v9  }
0x108: {  	v58 =	vbroadcast v51, $0xF;
	v59 =	vbroadcast v55, $0xF;
	v60, _, _ =	vpop (xrf2);
	(xrf2) =	vadd.scan.msk.f32 $0xffff, v52;
	v61 =	vadd.f32 v54, v53  }
0x109: {  	v13 =	vmul.f32 v48, v0;
	v12 =	vadd.f32 v57, v56;
	v62 =	vbroadcast v60, $0xF;
	v63, _, _ =	vpop (xrf2);
	(xrf2) =	vadd.scan.msk.f32 $0xffff, v4  }
0x10a: {  	v14 =	vsel vm0, v58, v59;
	v8 =	vbroadcast v63, $0xF;
	v15, _, _ =	vpop (xrf2);
	(xrf2) =	vadd.scan.msk.f32 $0xffff, v61  }
0x10b: {  	v4 =	vadd.f32 v13, v12;
	v16 =	vsel vm1, v14, v62;
	v17 =	vbroadcast v15, $0xF;
	v18, _, _ =	vpop (xrf2)  }
0x10c: {  	v5 =	vsel vm2, v16, v8;
	v19 =	vbroadcast v18, $0xF;
	v20, _, _ =	vpop (xrf2)  }
0x10d: {  	v5 =	vsel vm3, v5, v17;
	v21 =	vbroadcast v20, $0xF;
	v22, _, _ =	vpop (xrf2);
	(xrf2) =	vadd.scan.msk.f32 $0xffff, v4  }
0x10e: {  	v23 =	vsel vm4, v5, v19;
	v24 =	vbroadcast v22, $0xF;
	v25, _, _ =	vpop (xrf2)  }
0x10f: {  	v4 =	vsel vm5, v23, v21;
	v6 =	vbroadcast v25, $0xF;
	v26, _, _ =	vpop (xrf2)  }
0x110: {  	v4 =	vsel vm6, v4, v24;
	v27 =	vbroadcast v26, $0xF;
	v28, _, _ =	vpop (xrf2)  }
0x111: {  	v4 =	vsel vm7, v4, v6;
	v29 =	vbroadcast v28, $0xF;
	v30, _, _ =	vpop (xrf2)  }
0x112: {  	v4 =	vsel vm8, v4, v27;
	v31 =	vbroadcast v30, $0xF;
	v32, _, _ =	vpop (xrf2)  }
0x113: {  	v4 =	vsel vm9, v4, v29;
	v33 =	vbroadcast v32, $0xF;
	v34, _, _ =	vpop (xrf2)  }
0x114: {  	v4 =	vsel vm10, v4, v31;
	v35 =	vbroadcast v34, $0xF;
	v36, _, _ =	vpop (xrf2)  }
0x115: {  	v4 =	vsel vm11, v4, v33;
	v37 =	vbroadcast v36, $0xF  }
0x116: {  	v4 =	vsel vm12, v4, v35  }
0x117: {  	v38, _, _ =	vpop (xrf2);
	v4 =	vsel vm13, v4, v37  }
0x118: {  	v4 =	vsel vm14, v4, v38  }
0x119: {  	v4 =	vsub.f32 $0.0e+00, v4;
	_ =	sdelay $0x1  }
0x11a: {  	v4 =	vmul.f32 $1.442695020e+00, v4;
	_ =	sdelay $0x1  }
0x11b: {  	(erf) = vpow2.f32 v4;
	_ =	sdelay $0x8  }
0x11c: {  	v4 =	vpop (erf)  }
0x11d: {  	v4 =	vadd.f32 $1.000000000e+00, v4;
	_ =	sdelay $0x1  }
0x11e: {  	(erf) = vrcp.f32 v4;
	_ =	sdelay $0x7  }
0x11f: {  	s29 =	sand.u32 $0x7F8, s26;
	s26 =	sand.u32 $0x6, s25;
	s28 =	sadd.s32 $0x20, s25  }
0x120: {  	s29 =	sor.u32 s26, s29;
	s30 =	sshll.u32 s28, $0x6;
	v4 =	vpop (erf)  }
0x121: {  	s30 =	sand.u32 $0x3FFFFF80, s30;
	[tilespmem:s29+$0x19EA0] =	vst v4  }
0x122: {  	v4 =	vld [tilespmem:s30+$0x6A0]  }
0x123: {  	v39 =	vld [tilespmem:s30+$0x6B0]  }
0x124: {  	v50 =	vld [tilespmem:s30+$0x6C0]  }
0x125: {  	v7 =	vld [tilespmem:s30+$0x6D0]  }
0x126: {  	v51 =	vld [tilespmem:s24+$0xEE0]  }
0x127: {  	v52 =	vld [tilespmem:s24+$0xEF0]  }
0x128: {  	v53 =	vld [tilespmem:s24+$0xF00]  }
0x129: {  	v54 =	vld [tilespmem:s24+$0xF10]  }
0x12a: {  	v55 =	vld [tilespmem:s24+$0xF20]  }
0x12b: {  	v56 =	vld [tilespmem:s24+$0xF30]  }
0x12c: {  	v57 =	vld [tilespmem:s24+$0xF40]  }
0x12d: {  	v58 =	vld [tilespmem:s24+$0xF50]  }
0x12e: {  	v59 =	vld [tilespmem:s24+$0xF60]  }
0x12f: {  	v60 =	vld [tilespmem:s24+$0xF70]  }
0x130: {  	v61 =	vld [tilespmem:s24+$0xF80]  }
0x131: {  	v19 =	vld [tilespmem:s24+$0xF90]  }
0x132: {  	v62 =	vld [tilespmem:s24+$0xFA0]  }
0x133: {  	v63 =	vld [tilespmem:s24+$0xFB0]  }
0x134: {  	v22 =	vld [tilespmem:s24+$0xFC0]  }
0x135: {  	v40 =	vld [tilespmem:s24+$0xFD0]  }
0x136: {  	v41 =	vld [tilespmem:s24+$0xFE0]  }
0x137: {  	v42 =	vld [tilespmem:s24+$0xFF0]  }
0x138: {  	v43 =	vld [tilespmem:s24+$0x1000]  }
0x139: {  	v44 =	vld [tilespmem:s24+$0x1010]  }
0x13a: {  	v45 =	vld [tilespmem:s24+$0x1020]  }
0x13b: {  	v46 =	vld [tilespmem:s24+$0x1030]  }
0x13c: {  	v47 =	vld [tilespmem:s24+$0x1040];
	v4 =	vmul.f32 v4, v2  }
0x13d: {  	v31 =	vld [tilespmem:s24+$0x1050];
	v5 =	vmul.f32 v39, v3;
	v50 =	vmul.f32 v50, v1  }
0x13e: {  	v48 =	vld [tilespmem:s24+$0x1060];
	v8 =	vmul.f32 v51, v2;
	v9 =	vmul.f32 v52, v3  }
0x13f: {  	v49 =	vld [tilespmem:s24+$0x1070];
	v51 =	vmul.f32 v55, v2;
	v52 =	vmul.f32 v56, v3  }
0x140: {  	v34 =	vld [tilespmem:s24+$0x1080];
	v7 =	vmul.f32 v7, v0;
	v53 =	vmul.f32 v53, v1  }
0x141: {  	v35 =	vld [tilespmem:s24+$0x1090];
	v11 =	vmul.f32 v54, v0;
	v54 =	vmul.f32 v57, v1  }
0x142: {  	v6 =	vld [tilespmem:s24+$0x10A0];
	v55 =	vmul.f32 v59, v2;
	v56 =	vmul.f32 v60, v3  }
0x143: {  	v36 =	vld [tilespmem:s24+$0x10B0];
	v57 =	vmul.f32 v58, v0;
	v58 =	vmul.f32 v61, v1  }
0x144: {  	v13 =	vld [tilespmem:s24+$0x10C0];
	v59 =	vmul.f32 v62, v2;
	v60 =	vmul.f32 v63, v3  }
0x145: {  	v10 =	vld [tilespmem:s24+$0x10D0];
	v61 =	vmul.f32 v41, v2;
	v62 =	vmul.f32 v42, v3  }
0x146: {  	v14 =	vld [tilespmem:s24+$0x10E0];
	v19 =	vmul.f32 v19, v0;
	v37 =	vmul.f32 v22, v1  }
0x147: {  	v17 =	vld [tilespmem:s24+$0x10F0];
	v23 =	vmul.f32 v40, v0;
	v39 =	vmul.f32 v43, v1  }
0x148: {  	v12 =	vld [tilespmem:s24+$0x1100];
	v41 =	vmul.f32 v45, v2;
	v42 =	vmul.f32 v46, v3  }
0x149: {  	v15 =	vld [tilespmem:s24+$0x1110];
	v44 =	vmul.f32 v44, v0;
	v46 =	vmul.f32 v47, v1  }
0x14a: {  	v18 =	vld [tilespmem:s24+$0x1120];
	v48 =	vmul.f32 v48, v2;
	v49 =	vmul.f32 v49, v3  }
0x14b: {  	v38 =	vld [tilespmem:s24+$0x1140];
	v6 =	vmul.f32 v6, v2;
	v13 =	vmul.f32 v13, v1  }
0x14c: {  	v63 =	vld [tilespmem:s24+$0x1130];
	v14 =	vmul.f32 v14, v2;
	v17 =	vmul.f32 v17, v3  }
0x14d: {  	v40 =	vld [tilespmem:s24+$0x1150];
	v10 =	vmul.f32 v10, v0;
	v4 =	vadd.f32 v5, v4;
	v8 =	vadd.f32 v9, v8  }
0x14e: {  	v43 =	vld [tilespmem:s24+$0x1160];
	v12 =	vmul.f32 v12, v1;
	v5 =	vadd.f32 v52, v51;
	v9 =	vadd.f32 v56, v55  }
0x14f: {  	v45 =	vld [tilespmem:s24+$0x1170];
	v33 =	vmul.f32 v15, v0;
	v16 =	vadd.f32 v42, v41;
	v14 =	vadd.f32 v17, v14  }
0x150: {  	v47 =	vld [tilespmem:s24+$0x1180];
	v51 =	vmul.f32 v36, v3;
	v4 =	vadd.f32 v50, v4;
	v8 =	vadd.f32 v53, v8  }
0x151: {  	v52 =	vld [tilespmem:s24+$0x11A0];
	v56 =	vmul.f32 v35, v0;
	v5 =	vadd.f32 v54, v5;
	v9 =	vadd.f32 v58, v9  }
0x152: {  	v55 =	vld [tilespmem:s24+$0x11B0];
	v16 =	vadd.f32 v46, v16;
	v53 =	vmul.f32 v31, v0;
	v6 =	vadd.f32 v51, v6  }
0x153: {  	v35 =	vld [tilespmem:s24+$0x1220];
	v54 =	vmul.f32 v34, v1;
	v12 =	vadd.f32 v12, v14;
	v4 =	vadd.f32 v7, v4  }
0x154: {  	v42 =	vld [tilespmem:s24+$0x1240];
	v34 =	vmul.f32 v38, v1;
	v8 =	vadd.f32 v11, v8;
	v5 =	vadd.f32 v57, v5  }
0x155: {  	v50 =	vld [tilespmem:s24+$0x1190];
	v30 =	vmul.f32 v43, v2;
	v7 =	vadd.f32 v60, v59;
	v11 =	vadd.f32 v62, v61  }
0x156: {  	v58 =	vld [tilespmem:s24+$0x11D0];
	v20 =	vmul.f32 v45, v3;
	v9 =	vadd.f32 v19, v9;
	v19 =	vadd.f32 v49, v48  }
0x157: {  	v38 =	vld [tilespmem:s24+$0x1230];
	v36 =	vmul.f32 v40, v0;
	v16 =	vadd.f32 v53, v16;
	v6 =	vadd.f32 v13, v6  }
0x158: {  	v45 =	vld [tilespmem:s24+$0x1260];
	v61 =	vmul.f32 v18, v2;
	v62 =	vmul.f32 v63, v3;
	v14 =	vadd.f32 v20, v30  }
0x159: {  	v59 =	vld [tilespmem:s24+$0x11E0];
	v40 =	vmul.f32 v52, v2;
	v7 =	vadd.f32 v37, v7;
	v11 =	vadd.f32 v39, v11  }
0x15a: {  	v60 =	vld [tilespmem:s24+$0x11F0];
	v41 =	vmul.f32 v55, v3;
	v19 =	vadd.f32 v54, v19;
	v6 =	vadd.f32 v10, v6;
	(xrf2) =	vadd.scan.msk.f32 $0xffff, v4  }
0x15b: {  	v57 =	vld [tilespmem:s24+$0x11C0];
	v52 =	vmul.f32 v35, v2;
	v10 =	vadd.f32 v62, v61;
	v4 =	vadd.f32 v33, v12;
	(xrf2) =	vadd.scan.msk.f32 $0xffff, v8  }
0x15c: {  	v63 =	vld [tilespmem:s24+$0x1200];
	v37 =	vmul.f32 v47, v1;
	v46 =	vadd.f32 v41, v40;
	v7 =	vadd.f32 v23, v7;
	(xrf2) =	vadd.scan.msk.f32 $0xffff, v5  }
0x15d: {  	v32 =	vld [tilespmem:s24+$0x1210];
	v53 =	vmul.f32 v38, v3;
	v55 =	vmul.f32 v58, v0;
	v11 =	vadd.f32 v44, v11;
	(xrf2) =	vadd.scan.msk.f32 $0xffff, v9  }
0x15e: {  	v48 =	vld [tilespmem:s24+$0x1270];
	v58 =	vmul.f32 v42, v1;
	v19 =	vadd.f32 v56, v19;
	v44 =	vmul.f32 v50, v0;
	(xrf2) =	vadd.scan.msk.f32 $0xffff, v7  }
0x15f: {  	v51 =	vld [tilespmem:s24+$0x1250];
	v39 =	vadd.f32 v34, v10;
	v49 =	vmul.f32 v59, v2;
	v50 =	vmul.f32 v60, v3;
	(xrf2) =	vadd.scan.msk.f32 $0xffff, v11  }
0x160: {  	v54 =	vld [tilespmem:s24+$0x1280];
	v43 =	vadd.f32 v37, v14;
	v61 =	vmul.f32 v45, v2;
	v47 =	vmul.f32 v57, v1;
	(xrf2) =	vadd.scan.msk.f32 $0xffff, v16  }
0x161: {  	v56 =	vmul.f32 v63, v1;
	v8 =	vadd.f32 v53, v52;
	v11 =	vadd.f32 v50, v49;
	(xrf2) =	vadd.scan.msk.f32 $0xffff, v19  }
0x162: {  	v57 =	vmul.f32 v32, v0;
	v59 =	vld [tilespmem:s24+$0x1290];
	v5 =	vadd.f32 v36, v39;
	v7 =	vadd.f32 v47, v46;
	(xrf2) =	vadd.scan.msk.f32 $0xffff, v6  }
0x163: {  	v10 =	vmul.f32 v48, v3;
	v9 =	vadd.f32 v44, v43;
	v60 =	vadd.f32 v56, v11;
	(xrf2) =	vadd.scan.msk.f32 $0xffff, v4  }
0x164: {  	v17 =	vadd.f32 v58, v8;
	v63 =	vadd.f32 v55, v7;
	v19 =	vmul.f32 v51, v0;
	v62, _, _ =	vpop (xrf2);
	(xrf2) =	vadd.scan.msk.f32 $0xffff, v5  }
0x165: {  	v21 =	vadd.f32 v10, v61;
	v22 =	vmul.f32 v54, v1;
	v4 =	vadd.f32 v57, v60;
	v20, _, _ =	vpop (xrf2);
	(xrf2) =	vadd.scan.msk.f32 $0xffff, v9  }
0x166: {  	v7 =	vadd.f32 v19, v17;
	v24 =	vbroadcast v62, $0xF;
	v23, _, _ =	vpop (xrf2);
	(xrf2) =	vadd.scan.msk.f32 $0xffff, v63;
	v25 =	vbroadcast v20, $0xF  }
0x167: {  	v6 =	vadd.f32 v22, v21;
	v28 =	vmul.f32 v59, v0;
	v26, _, _ =	vpop (xrf2);
	(xrf2) =	vadd.scan.msk.f32 $0xffff, v4;
	v27 =	vbroadcast v23, $0xF  }
0x168: {  	v5 =	vsel vm0, v24, v25;
	v8 =	vbroadcast v26, $0xF;
	v29, _, _ =	vpop (xrf2);
	(xrf2) =	vadd.scan.msk.f32 $0xffff, v7  }
0x169: {  	v6 =	vadd.f32 v28, v6;
	v30, _, _ =	vpop (xrf2);
	v4 =	vsel vm1, v5, v27;
	v31 =	vbroadcast v29, $0xF  }
0x16a: {  	v32, _, _ =	vpop (xrf2);
	v4 =	vsel vm2, v4, v8;
	v7 =	vbroadcast v30, $0xF  }
0x16b: {  	(xrf2) =	vadd.scan.msk.f32 $0xffff, v6;
	v4 =	vsel vm3, v4, v31;
	v33 =	vbroadcast v32, $0xF;
	v34, _, _ =	vpop (xrf2)  }
0x16c: {  	v35, _, _ =	vpop (xrf2);
	v4 =	vsel vm4, v4, v7;
	v36 =	vbroadcast v34, $0xF  }
0x16d: {  	v37, _, _ =	vpop (xrf2);
	v4 =	vsel vm5, v4, v33;
	v38 =	vbroadcast v35, $0xF  }
0x16e: {  	v39, _, _ =	vpop (xrf2);
	v4 =	vsel vm6, v4, v36;
	v40 =	vbroadcast v37, $0xF  }
0x16f: {  	v41, _, _ =	vpop (xrf2);
	v4 =	vsel vm7, v4, v38;
	v42 =	vbroadcast v39, $0xF  }
0x170: {  	v43, _, _ =	vpop (xrf2);
	v4 =	vsel vm8, v4, v40;
	v44 =	vbroadcast v41, $0xF  }
0x171: {  	v45, _, _ =	vpop (xrf2);
	v4 =	vsel vm9, v4, v42;
	v46 =	vbroadcast v43, $0xF  }
0x172: {  	v4 =	vsel vm10, v4, v44;
	v47 =	vbroadcast v45, $0xF;
	v48, _, _ =	vpop (xrf2)  }
0x173: {  	v4 =	vsel vm11, v4, v46;
	v49 =	vbroadcast v48, $0xF  }
0x174: {  	v4 =	vsel vm12, v4, v47  }
0x175: {  	v50, _, _ =	vpop (xrf2);
	v4 =	vsel vm13, v4, v49  }
0x176: {  	v4 =	vsel vm14, v4, v50  }
0x177: {  	v4 =	vsub.f32 $0.0e+00, v4;
	_ =	sdelay $0x1  }
0x178: {  	v4 =	vmul.f32 $1.442695020e+00, v4;
	_ =	sdelay $0x1  }
0x179: {  	(erf) = vpow2.f32 v4;
	_ =	sdelay $0x8  }
0x17a: {  	v4 =	vpop (erf)  }
0x17b: {  	v4 =	vadd.f32 $1.000000000e+00, v4;
	_ =	sdelay $0x1  }
0x17c: {  	(erf) = vrcp.f32 v4;
	_ =	sdelay $0x7  }
0x17d: {  	s25 =	sadd.s32 $0x30, s25;
	s28 =	sand.u32 $0x7F8, s28  }
0x17e: {  	s28 =	sor.u32 s26, s28;
	s30 =	sshll.u32 s25, $0x6;
	v4 =	vpop (erf)  }
0x17f: {  	s29 =	sand.u32 $0x3FFFFF80, s30;
	[tilespmem:s28+$0x19EA0] =	vst v4  }
0x180: {  	v4 =	vld [tilespmem:s29+$0x6A0]  }
0x181: {  	v51 =	vld [tilespmem:s29+$0x6B0]  }
0x182: {  	v52 =	vld [tilespmem:s24+$0x12E0]  }
0x183: {  	v53 =	vld [tilespmem:s24+$0x12F0]  }
0x184: {  	v54 =	vld [tilespmem:s29+$0x6C0]  }
0x185: {  	v55 =	vld [tilespmem:s24+$0x1300]  }
0x186: {  	v56 =	vld [tilespmem:s29+$0x6D0]  }
0x187: {  	v57 =	vld [tilespmem:s24+$0x1310];
	v4 =	vmul.f32 v4, v2;
	v5 =	vmul.f32 v51, v3  }
0x188: {  	v2 =	vmul.f32 v52, v2;
	v3 =	vmul.f32 v53, v3  }
0x189: {  	v58 =	vmul.f32 v54, v1;
	v4 =	vadd.f32 v5, v4  }
0x18a: {  	v1 =	vmul.f32 v55, v1;
	v2 =	vadd.f32 v3, v2  }
0x18b: {  	v60 =	vmul.f32 v56, v0;
	v59 =	vadd.f32 v58, v4  }
0x18c: {  	v0 =	vmul.f32 v57, v0;
	v1 =	vadd.f32 v1, v2  }
0x18d: {  	v61 =	vadd.f32 v60, v59  }
0x18e: {  	v0 =	vadd.f32 v0, v1  }
0x18f: {  	(xrf2) =	vadd.scan.msk.f32 $0xffff, v61  }
0x190: {  	(xrf2) =	vadd.scan.msk.f32 $0xffff, v0;
	_ =	sdelay $0x8  }
0x191: {  	v62, _, _ =	vpop (xrf2)  }
0x192: {  	v0 =	vbroadcast v62, $0xF;
	v63, _, _ =	vpop (xrf2)  }
0x193: {  	v1 =	vbroadcast v63, $0xF  }
0x194: {  	v0 =	vnsel vm0, $0x0, v0  }
0x195: {  	v0 =	vsel vm15, v0, v1  }
0x196: {  	v0 =	vsub.f32 $0.0e+00, v0;
	_ =	sdelay $0x1  }
0x197: {  	v0 =	vmul.f32 $1.442695020e+00, v0;
	_ =	sdelay $0x1  }
0x198: {  	(erf) = vpow2.f32 v0;
	_ =	sdelay $0x8  }
0x199: {  	v0 =	vpop (erf)  }
0x19a: {  	v0 =	vadd.f32 $1.000000000e+00, v0;
	_ =	sdelay $0x1  }
0x19b: {  	(erf) = vrcp.f32 v0;
	_ =	sdelay $0x4  }
0x19c: {  	p0 =	sne.s32 s23, $0xF  }
.Ltmp0:
0x19d: {  	_ = 	snop;
	(pc) =	sbr.rel @p0 .LBB2_3-.Ltmp0, $4  }
0x19e: {  	_ = 	snop  }
0x19f: {  	s30 =	sand.u32 $0x7F8, s25  }
0x1a0: {  	s24 =	sor.u32 s26, s30;
	v0 =	vpop (erf)  }
0x1a1: {  	s23 =	sadd.s32 $0x1, s23;
	[tilespmem:s24+$0x19EA0] =	vst v0  }
0x1a2: {  	s23 =	sadd.s32 s7, s22  }
0x1a3: {  	s23 =	smul.u32 $0x32, s23;
	_ =	sdelay $0x1  }
0x1a4: {  	s23 =	sshrl.u32 s23, $0x3  }
0x1a5: {  	s23 =	sadd.s32 s3, s23  }
0x1a6: {  	[hbm4b:s23+s4] =	stream.linear.scatter [tilespmem:s11], [sflag:$0x3], $0x320, $0x38;
	[tilespmem:$0x1A1D0] =	vst v63  }
0x1a7: {  	_ =	swait.ge [sflag:s13], $0x320  }
0x1a8: {  	[sflag:s13] =	ssyncset.done $0x0  }
0x1a9: {  	[sflag:s13] =	ssyncadd.s32 $0xFFFFFCE0  }
0x1aa: {  	_ =	swait.ge [sflag:s19], $0x1900  }
0x1ab: {  	[sflag:s19] =	ssyncset.done $0x0  }
0x1ac: {  	[sflag:s19] =	ssyncadd.s32 $0xFFFFE700  }
0x1ad: {  	_ =	swait.ge [sflag:s19], $0x1900  }
0x1ae: {  	[sflag:s19] =	ssyncset.done $0x0  }
0x1af: {  	[sflag:s19] =	ssyncadd.s32 $0xFFFFE700  }
0x1b0: {  	_ =	swait.ge [sflag:s19], $0x1900  }
0x1b1: {  	[sflag:s19] =	ssyncset.done $0x0  }
0x1b2: {  	[sflag:s19] =	ssyncadd.s32 $0xFFFFE700  }
0x1b3: {  	_ =	swait.ge [sflag:s19], $0x1900  }
0x1b4: {  	[sflag:s19] =	ssyncset.done $0x0  }
0x1b5: {  	[sflag:s19] =	ssyncadd.s32 $0xFFFFE700  }
0x1b6: {  	_ =	swait.ge [sflag:s19], $0x1900  }
0x1b7: {  	[sflag:s19] =	ssyncset.done $0x0  }
0x1b8: {  	[sflag:s19] =	ssyncadd.s32 $0xFFFFE700  }
0x1b9: {  	_ =	swait.ge [sflag:s19], $0x1900  }
0x1ba: {  	[sflag:s19] =	ssyncset.done $0x0  }
0x1bb: {  	[sflag:s19] =	ssyncadd.s32 $0xFFFFE700  }
0x1bc: {  	_ =	swait.ge [sflag:s19], $0x1900  }
0x1bd: {  	[sflag:s19] =	ssyncset.done $0x0  }
0x1be: {  	[sflag:s19] =	ssyncadd.s32 $0xFFFFE700  }
0x1bf: {  	p0 =	seq.s32 s20, $0xF;
	_ =	swait.ge [sflag:s19], $0x1900  }
0x1c0: {  	s22 =	sadd.s32 @!p0 s22, s10;
	[sflag:s19] =	ssyncset.done $0x0  }
0x1c1: {  	s23 =	sshrl.u32 @!p0 s22, $0x1;
	[sflag:s19] =	ssyncadd.s32 $0xFFFFE700  }
0x1c2: {  	s23 =	smul.u32 @!p0 $0xD, s23;
	_ =	swait.ge [sflag:s19], $0x400  }
0x1c3: {  	[sflag:s19] =	ssyncset.done $0x0  }
0x1c4: {  	s24 =	simm.s32 @!p0 $0x0;
	s23 =	sadd.s32 @!p0 s5, s23;
	[sflag:s19] =	ssyncadd.s32 $0xFFFFFC00  }
0x1c5: {  	[tilespmem:s24], [sflag:$0x3] =	stream.linear.gather @!p0 [hbm4b:s23+s24], $0x340, $0x38;
	[tilespmem:$0x1A1D0] =	vst v63  }
0x1c6: {  	s23 =	simm.s32 @!p0 $0x3  }
0x1c7: {  	_ =	swait.ge @!p0 [sflag:s23], $0x340  }
0x1c8: {  	s22 =	sshrl.u32 @!p0 s22, $0x3;
	[sflag:s23] =	ssyncset.done @!p0 $0x0  }
0x1c9: {  	s25 =	simm.s32 @!p0 $0x680;
	s22 =	sadd.s32 @!p0 s1, s22;
	[sflag:s23] =	ssyncadd.s32 @!p0 $0xFFFFFCC0  }
0x1ca: {  	[tilespmem:s25], [sflag:$0x3] =	stream.linear.gather @!p0 [hbm4b:s22+s24], $0x10, $0x38;
	[tilespmem:$0x1A1D0] =	vst v63  }
0x1cb: {  	_ =	swait.ge @!p0 [sflag:s23], $0x10  }
0x1cc: {  	[sflag:s23] =	ssyncset.done @!p0 $0x0  }
0x1cd: {  	s22 =	simm.s32 @!p0 $0x64;
	[sflag:s23] =	ssyncadd.s32 @!p0 $0xFFFFFFF0;
	s23 =	simm.s32 @!p0 $0x6A0  }
0x1ce: {  	[tilespmem:s23], [sflag:$0x1] =	stream.indirect.gather @!p0 [hbm4b:s6+s22], $0x40, s24, s22, $0xb8;
	[tilespmem:$0x1A1D0] =	vst v63  }
0x1cf: {  	s23 =	simm.s32 @!p0 $0x68;
	s24 =	simm.s32 @!p0 $0x1FA0  }
0x1d0: {  	[tilespmem:s24], [sflag:$0x1] =	stream.indirect.gather @!p0 [hbm4b:s6+s22], $0x40, s23, s22, $0xb8;
	[tilespmem:$0x1A1D0] =	vst v63  }
0x1d1: {  	s23 =	simm.s32 @!p0 $0xD0;
	s24 =	simm.s32 @!p0 $0x38A0  }
0x1d2: {  	[tilespmem:s24], [sflag:$0x1] =	stream.indirect.gather @!p0 [hbm4b:s6+s22], $0x40, s23, s22, $0xb8;
	[tilespmem:$0x1A1D0] =	vst v63  }
0x1d3: {  	s23 =	simm.s32 @!p0 $0x138;
	s24 =	simm.s32 @!p0 $0x51A0  }
0x1d4: {  	[tilespmem:s24], [sflag:$0x1] =	stream.indirect.gather @!p0 [hbm4b:s6+s22], $0x40, s23, s22, $0xb8;
	[tilespmem:$0x1A1D0] =	vst v63  }
0x1d5: {  	s23 =	simm.s32 @!p0 $0x1A0;
	s24 =	simm.s32 @!p0 $0x6AA0  }
0x1d6: {  	[tilespmem:s24], [sflag:$0x1] =	stream.indirect.gather @!p0 [hbm4b:s6+s22], $0x40, s23, s22, $0xb8;
	[tilespmem:$0x1A1D0] =	vst v63  }
0x1d7: {  	s23 =	simm.s32 @!p0 $0x208;
	s24 =	simm.s32 @!p0 $0x83A0  }
0x1d8: {  	[tilespmem:s24], [sflag:$0x1] =	stream.indirect.gather @!p0 [hbm4b:s6+s22], $0x40, s23, s22, $0xb8;
	[tilespmem:$0x1A1D0] =	vst v63  }
0x1d9: {  	s23 =	simm.s32 @!p0 $0x270;
	s24 =	simm.s32 @!p0 $0x9CA0  }
0x1da: {  	[tilespmem:s24], [sflag:$0x1] =	stream.indirect.gather @!p0 [hbm4b:s6+s22], $0x40, s23, s22, $0xb8;
	[tilespmem:$0x1A1D0] =	vst v63  }
0x1db: {  	s23 =	simm.s32 @!p0 $0x2D8;
	s24 =	simm.s32 @!p0 $0xB5A0  }
0x1dc: {  	[tilespmem:s24], [sflag:$0x1] =	stream.indirect.gather @!p0 [hbm4b:s6+s22], $0x40, s23, s22, $0xb8;
	[tilespmem:$0x1A1D0] =	vst v63  }
0x1dd: {  	s22 =	simm.s32 @!p0 $0x10;
	s23 =	simm.s32 @!p0 $0x196A0  }
0x1de: {  	[tilespmem:s23], [sflag:$0x1] =	stream.indirect.gather @!p0 [hbm4b:s6+s22], $0x40, s25, s22, $0xb8;
	[tilespmem:$0x1A1D0] =	vst v63  }
0x1df: {  	s21 =	smul.u32 $0x32, s21;
	s20 =	sadd.s32 $0x1, s20;
	s22 =	simm.s32 $0x0  }
.LBB2_5:
0x1e0: {  	s23 =	sshll.u32 s22, $0x6  }
0x1e1: {  	s23 =	sand.u32 $0x3FFFFFC0, s23  }
0x1e2: {  	v2 =	vld [tilespmem:s23+$0x19AA0]  }
0x1e3: {  	s24 =	smul.u32 $0x3200, s22;
	v3 =	vld [tilespmem:s23+$0x19AB0]  }
0x1e4: {  	v1 =	vld [tilespmem:s23+$0x19AC0]  }
0x1e5: {  	v0 =	vld [tilespmem:s23+$0x19AD0];
	s23 =	sshra.s32 s24, $0x2  }
0x1e6: {  	v4 =	vld [tilespmem:s23+$0xCEA0]  }
0x1e7: {  	v5 =	vld [tilespmem:s23+$0xCEB0]  }
0x1e8: {  	v6 =	vld [tilespmem:s23+$0xCEC0]  }
0x1e9: {  	v7 =	vld [tilespmem:s23+$0xCED0]  }
0x1ea: {  	v8 =	vld [tilespmem:s23+$0xCEE0]  }
0x1eb: {  	v9 =	vld [tilespmem:s23+$0xCEF0]  }
0x1ec: {  	v10 =	vld [tilespmem:s23+$0xCF00]  }
0x1ed: {  	v11 =	vld [tilespmem:s23+$0xCF10]  }
0x1ee: {  	v12 =	vld [tilespmem:s23+$0xCF20]  }
0x1ef: {  	v13 =	vld [tilespmem:s23+$0xCF30]  }
0x1f0: {  	v14 =	vld [tilespmem:s23+$0xCF40]  }
0x1f1: {  	v15 =	vld [tilespmem:s23+$0xCF50]  }
0x1f2: {  	v16 =	vld [tilespmem:s23+$0xCF60]  }
0x1f3: {  	v17 =	vld [tilespmem:s23+$0xCF70]  }
0x1f4: {  	v18 =	vld [tilespmem:s23+$0xCF80]  }
0x1f5: {  	v19 =	vld [tilespmem:s23+$0xCF90]  }
0x1f6: {  	v20 =	vld [tilespmem:s23+$0xCFA0]  }
0x1f7: {  	v21 =	vld [tilespmem:s23+$0xCFB0]  }
0x1f8: {  	v22 =	vld [tilespmem:s23+$0xCFC0]  }
0x1f9: {  	v23 =	vld [tilespmem:s23+$0xCFD0]  }
0x1fa: {  	v24 =	vld [tilespmem:s23+$0xCFE0]  }
0x1fb: {  	v25 =	vld [tilespmem:s23+$0xCFF0]  }
0x1fc: {  	v26 =	vld [tilespmem:s23+$0xD000]  }
0x1fd: {  	v27 =	vld [tilespmem:s23+$0xD010]  }
0x1fe: {  	v28 =	vld [tilespmem:s23+$0xD020]  }
0x1ff: {  	v29 =	vld [tilespmem:s23+$0xD030]  }
0x200: {  	v30 =	vld [tilespmem:s23+$0xD040]  }
0x201: {  	v31 =	vld [tilespmem:s23+$0xD050];
	v4 =	vmul.f32 v4, v2;
	v5 =	vmul.f32 v5, v3  }
0x202: {  	v32 =	vld [tilespmem:s23+$0xD060];
	v41 =	vmul.f32 v6, v1;
	v8 =	vmul.f32 v8, v2  }
0x203: {  	v33 =	vld [tilespmem:s23+$0xD070];
	v9 =	vmul.f32 v9, v3;
	v43 =	vmul.f32 v12, v2  }
0x204: {  	v34 =	vld [tilespmem:s23+$0xD080];
	v44 =	vmul.f32 v13, v3;
	v7 =	vmul.f32 v7, v0  }
0x205: {  	v35 =	vld [tilespmem:s23+$0xD090];
	v45 =	vmul.f32 v10, v1;
	v11 =	vmul.f32 v11, v0  }
0x206: {  	v42 =	vld [tilespmem:s23+$0xD0A0];
	v46 =	vmul.f32 v14, v1;
	v47 =	vmul.f32 v16, v2  }
0x207: {  	v36 =	vld [tilespmem:s23+$0xD0B0];
	v48 =	vmul.f32 v17, v3;
	v49 =	vmul.f32 v15, v0  }
0x208: {  	v53 =	vld [tilespmem:s23+$0xD120];
	v50 =	vmul.f32 v18, v1;
	v51 =	vmul.f32 v20, v2  }
0x209: {  	v56 =	vld [tilespmem:s23+$0xD130];
	v52 =	vmul.f32 v21, v3;
	v54 =	vmul.f32 v24, v2  }
0x20a: {  	v61 =	vld [tilespmem:s23+$0xD160];
	v55 =	vmul.f32 v25, v3;
	v19 =	vmul.f32 v19, v0  }
0x20b: {  	v63 =	vld [tilespmem:s23+$0xD170];
	v57 =	vmul.f32 v22, v1;
	v23 =	vmul.f32 v23, v0  }
0x20c: {  	v38 =	vld [tilespmem:s23+$0xD180];
	v58 =	vmul.f32 v26, v1;
	v59 =	vmul.f32 v28, v2  }
0x20d: {  	v13 =	vld [tilespmem:s23+$0xD0C0];
	v60 =	vmul.f32 v29, v3;
	v62 =	vmul.f32 v27, v0  }
0x20e: {  	v10 =	vld [tilespmem:s23+$0xD0D0];
	v37 =	vmul.f32 v30, v1;
	v39 =	vmul.f32 v32, v2  }
0x20f: {  	v14 =	vld [tilespmem:s23+$0xD0E0];
	v40 =	vmul.f32 v33, v3;
	v6 =	vmul.f32 v42, v2  }
0x210: {  	v17 =	vld [tilespmem:s23+$0xD0F0];
	v42 =	vmul.f32 v36, v3;
	v4 =	vadd.f32 v5, v4;
	v8 =	vadd.f32 v9, v8  }
0x211: {  	v12 =	vld [tilespmem:s23+$0xD100];
	v20 =	vmul.f32 v63, v3;
	v5 =	vadd.f32 v44, v43;
	v9 =	vadd.f32 v48, v47  }
0x212: {  	v15 =	vld [tilespmem:s23+$0xD110];
	v16 =	vadd.f32 v60, v59;
	v44 =	vmul.f32 v31, v0;
	v6 =	vadd.f32 v42, v6  }
0x213: {  	v24 =	vld [tilespmem:s23+$0xD150];
	v47 =	vmul.f32 v35, v0;
	v4 =	vadd.f32 v41, v4;
	v8 =	vadd.f32 v45, v8  }
0x214: {  	v22 =	vld [tilespmem:s23+$0xD140];
	v5 =	vadd.f32 v46, v5;
	v9 =	vadd.f32 v50, v9;
	v45 =	vmul.f32 v34, v1  }
0x215: {  	v36 =	vld [tilespmem:s23+$0xD260];
	v16 =	vadd.f32 v37, v16;
	v13 =	vmul.f32 v13, v1;
	v14 =	vmul.f32 v14, v2  }
0x216: {  	v43 =	vld [tilespmem:s23+$0xD1A0];
	v17 =	vmul.f32 v17, v3;
	v10 =	vmul.f32 v10, v0;
	v4 =	vadd.f32 v7, v4  }
0x217: {  	v48 =	vld [tilespmem:s23+$0xD1C0];
	v12 =	vmul.f32 v12, v1;
	v8 =	vadd.f32 v11, v8;
	v5 =	vadd.f32 v49, v5  }
0x218: {  	v59 =	vld [tilespmem:s23+$0xD220];
	v60 =	vmul.f32 v24, v0;
	v7 =	vadd.f32 v52, v51;
	v11 =	vadd.f32 v55, v54  }
0x219: {  	v41 =	vld [tilespmem:s23+$0xD190];
	v9 =	vadd.f32 v19, v9;
	v19 =	vadd.f32 v40, v39;
	v52 =	vmul.f32 v53, v2  }
0x21a: {  	v46 =	vld [tilespmem:s23+$0xD1B0];
	v16 =	vadd.f32 v44, v16;
	v53 =	vmul.f32 v56, v3;
	v55 =	vmul.f32 v61, v2  }
0x21b: {  	v50 =	vld [tilespmem:s23+$0xD1E0];
	v61 =	vmul.f32 v38, v1;
	v6 =	vadd.f32 v13, v6;
	v14 =	vadd.f32 v17, v14  }
0x21c: {  	v49 =	vld [tilespmem:s23+$0xD1D0];
	v30 =	vmul.f32 v43, v2;
	v38 =	vmul.f32 v48, v1;
	v7 =	vadd.f32 v57, v7  }
0x21d: {  	v51 =	vld [tilespmem:s23+$0xD1F0];
	v43 =	vmul.f32 v59, v2;
	v11 =	vadd.f32 v58, v11;
	v19 =	vadd.f32 v45, v19  }
0x21e: {  	v54 =	vld [tilespmem:s23+$0xD200];
	(xrf2) =	vadd.scan.msk.f32 $0xffff, v4;
	v57 =	vmul.f32 v15, v0;
	v6 =	vadd.f32 v10, v6;
	v12 =	vadd.f32 v12, v14  }
0x21f: {  	v58 =	vmul.f32 v22, v1;
	v10 =	vadd.f32 v53, v52;
	(xrf2) =	vadd.scan.msk.f32 $0xffff, v8;
	v11 =	vadd.f32 v62, v11;
	v62 =	vld [tilespmem:s23+$0xD230]  }
0x220: {  	v56 =	vld [tilespmem:s23+$0xD210];
	v14 =	vadd.f32 v20, v55;
	v32 =	vmul.f32 v46, v3;
	v7 =	vadd.f32 v23, v7;
	(xrf2) =	vadd.scan.msk.f32 $0xffff, v5  }
0x221: {  	v33 =	vld [tilespmem:s23+$0xD240];
	v35 =	vmul.f32 v41, v0;
	v40 =	vmul.f32 v50, v2;
	v19 =	vadd.f32 v47, v19;
	(xrf2) =	vadd.scan.msk.f32 $0xffff, v9  }
0x222: {  	v39 =	vld [tilespmem:s23+$0xD270];
	v52 =	vmul.f32 v36, v2;
	v63 =	vadd.f32 v58, v10;
	v4 =	vadd.f32 v57, v12;
	(xrf2) =	vadd.scan.msk.f32 $0xffff, v7  }
0x223: {  	v42 =	vld [tilespmem:s23+$0xD250];
	v34 =	vadd.f32 v61, v14;
	v41 =	vmul.f32 v51, v3;
	v46 =	vmul.f32 v49, v0;
	(xrf2) =	vadd.scan.msk.f32 $0xffff, v11  }
0x224: {  	v45 =	vld [tilespmem:s23+$0xD280];
	v37 =	vadd.f32 v32, v30;
	v47 =	vmul.f32 v54, v1;
	(xrf2) =	vadd.scan.msk.f32 $0xffff, v16;
	v44 =	vmul.f32 v62, v3  }
0x225: {  	v48 =	vmul.f32 v56, v0;
	v5 =	vadd.f32 v60, v63;
	v11 =	vadd.f32 v41, v40;
	(xrf2) =	vadd.scan.msk.f32 $0xffff, v19  }
0x226: {  	v50 =	vld [tilespmem:s23+$0xD290];
	v49 =	vmul.f32 v33, v1;
	v7 =	vadd.f32 v38, v37;
	(xrf2) =	vadd.scan.msk.f32 $0xffff, v6;
	v8 =	vadd.f32 v44, v43  }
0x227: {  	v10 =	vmul.f32 v39, v3;
	v9 =	vadd.f32 v35, v34;
	v51 =	vadd.f32 v47, v11;
	(xrf2) =	vadd.scan.msk.f32 $0xffff, v4  }
0x228: {  	v56 =	vmul.f32 v42, v0;
	v54 =	vadd.f32 v46, v7;
	v53, _, _ =	vpop (xrf2);
	(xrf2) =	vadd.scan.msk.f32 $0xffff, v5;
	v55 =	vadd.f32 v49, v8  }
0x229: {  	v58 =	vadd.f32 v10, v52;
	v59 =	vmul.f32 v45, v1;
	v4 =	vadd.f32 v48, v51;
	v57, _, _ =	vpop (xrf2);
	(xrf2) =	vadd.scan.msk.f32 $0xffff, v9  }
0x22a: {  	v60 =	vbroadcast v53, $0xF;
	v61 =	vbroadcast v57, $0xF;
	v62, _, _ =	vpop (xrf2);
	(xrf2) =	vadd.scan.msk.f32 $0xffff, v54;
	v63 =	vadd.f32 v56, v55  }
0x22b: {  	v16 =	vmul.f32 v50, v0;
	v15 =	vadd.f32 v59, v58;
	v13 =	vbroadcast v62, $0xF;
	v14, _, _ =	vpop (xrf2);
	(xrf2) =	vadd.scan.msk.f32 $0xffff, v4  }
0x22c: {  	v17 =	vsel vm0, v60, v61;
	v8 =	vbroadcast v14, $0xF;
	v18, _, _ =	vpop (xrf2);
	(xrf2) =	vadd.scan.msk.f32 $0xffff, v63  }
0x22d: {  	v4 =	vadd.f32 v16, v15;
	v19 =	vsel vm1, v17, v13;
	v20 =	vbroadcast v18, $0xF;
	v21, _, _ =	vpop (xrf2)  }
0x22e: {  	v5 =	vsel vm2, v19, v8;
	v22 =	vbroadcast v21, $0xF;
	v23, _, _ =	vpop (xrf2)  }
0x22f: {  	(xrf2) =	vadd.scan.msk.f32 $0xffff, v4;
	v5 =	vsel vm3, v5, v20;
	v24 =	vbroadcast v23, $0xF;
	v25, _, _ =	vpop (xrf2)  }
0x230: {  	v26 =	vsel vm4, v5, v22;
	v27 =	vbroadcast v25, $0xF;
	v28, _, _ =	vpop (xrf2)  }
0x231: {  	v4 =	vsel vm5, v26, v24;
	v6 =	vbroadcast v28, $0xF;
	v29, _, _ =	vpop (xrf2)  }
0x232: {  	v4 =	vsel vm6, v4, v27;
	v30 =	vbroadcast v29, $0xF;
	v31, _, _ =	vpop (xrf2)  }
0x233: {  	v4 =	vsel vm7, v4, v6;
	v32 =	vbroadcast v31, $0xF;
	v33, _, _ =	vpop (xrf2)  }
0x234: {  	v4 =	vsel vm8, v4, v30;
	v34 =	vbroadcast v33, $0xF;
	v35, _, _ =	vpop (xrf2)  }
0x235: {  	v4 =	vsel vm9, v4, v32;
	v36 =	vbroadcast v35, $0xF;
	v37, _, _ =	vpop (xrf2)  }
0x236: {  	v4 =	vsel vm10, v4, v34;
	v38 =	vbroadcast v37, $0xF;
	v39, _, _ =	vpop (xrf2)  }
0x237: {  	v4 =	vsel vm11, v4, v36;
	v40 =	vbroadcast v39, $0xF  }
0x238: {  	v4 =	vsel vm12, v4, v38  }
0x239: {  	v41, _, _ =	vpop (xrf2);
	v4 =	vsel vm13, v4, v40  }
0x23a: {  	v4 =	vsel vm14, v4, v41  }
0x23b: {  	v4 =	vsub.f32 $0.0e+00, v4;
	_ =	sdelay $0x1  }
0x23c: {  	v4 =	vmul.f32 $1.442695020e+00, v4;
	_ =	sdelay $0x1  }
0x23d: {  	(erf) = vpow2.f32 v4;
	_ =	sdelay $0x8  }
0x23e: {  	v4 =	vpop (erf)  }
0x23f: {  	v4 =	vadd.f32 $1.000000000e+00, v4;
	_ =	sdelay $0x1  }
0x240: {  	(erf) = vrcp.f32 v4;
	_ =	sdelay $0x5  }
0x241: {  	s24 =	smul.u32 $0x32, s22;
	_ =	sdelay $0x1  }
0x242: {  	s25 =	sadd.s32 $0x10, s24  }
0x243: {  	s26 =	sshll.u32 s25, $0x6;
	v4 =	vpop (erf)  }
0x244: {  	s26 =	sand.u32 $0x3FFFFF80, s26;
	[tilespmem:s24+$0x19EA0] =	vst v4  }
0x245: {  	v4 =	vld [tilespmem:s26+$0xCEA0]  }
0x246: {  	v42 =	vld [tilespmem:s26+$0xCEB0]  }
0x247: {  	v43 =	vld [tilespmem:s26+$0xCEC0]  }
0x248: {  	v7 =	vld [tilespmem:s26+$0xCED0]  }
0x249: {  	v44 =	vld [tilespmem:s23+$0xD2E0]  }
0x24a: {  	v45 =	vld [tilespmem:s23+$0xD2F0]  }
0x24b: {  	v46 =	vld [tilespmem:s23+$0xD300]  }
0x24c: {  	v47 =	vld [tilespmem:s23+$0xD310]  }
0x24d: {  	v48 =	vld [tilespmem:s23+$0xD320]  }
0x24e: {  	v49 =	vld [tilespmem:s23+$0xD330]  }
0x24f: {  	v50 =	vld [tilespmem:s23+$0xD340]  }
0x250: {  	v51 =	vld [tilespmem:s23+$0xD350]  }
0x251: {  	v52 =	vld [tilespmem:s23+$0xD360]  }
0x252: {  	v53 =	vld [tilespmem:s23+$0xD370]  }
0x253: {  	v54 =	vld [tilespmem:s23+$0xD380]  }
0x254: {  	v19 =	vld [tilespmem:s23+$0xD390]  }
0x255: {  	v55 =	vld [tilespmem:s23+$0xD3A0]  }
0x256: {  	v56 =	vld [tilespmem:s23+$0xD3B0]  }
0x257: {  	v57 =	vld [tilespmem:s23+$0xD3C0]  }
0x258: {  	v58 =	vld [tilespmem:s23+$0xD3D0]  }
0x259: {  	v59 =	vld [tilespmem:s23+$0xD3E0]  }
0x25a: {  	v60 =	vld [tilespmem:s23+$0xD3F0]  }
0x25b: {  	v61 =	vld [tilespmem:s23+$0xD400]  }
0x25c: {  	v27 =	vld [tilespmem:s23+$0xD410]  }
0x25d: {  	v62 =	vld [tilespmem:s23+$0xD420]  }
0x25e: {  	v63 =	vld [tilespmem:s23+$0xD430]  }
0x25f: {  	v30 =	vld [tilespmem:s23+$0xD440]  }
0x260: {  	v31 =	vld [tilespmem:s23+$0xD450];
	v4 =	vmul.f32 v4, v2;
	v5 =	vmul.f32 v42, v3  }
0x261: {  	v32 =	vld [tilespmem:s23+$0xD460];
	v41 =	vmul.f32 v43, v1;
	v8 =	vmul.f32 v44, v2  }
0x262: {  	v40 =	vld [tilespmem:s23+$0xD470];
	v9 =	vmul.f32 v45, v3;
	v43 =	vmul.f32 v48, v2  }
0x263: {  	v34 =	vld [tilespmem:s23+$0xD480];
	v44 =	vmul.f32 v49, v3;
	v7 =	vmul.f32 v7, v0  }
0x264: {  	v35 =	vld [tilespmem:s23+$0xD490];
	v45 =	vmul.f32 v46, v1;
	v11 =	vmul.f32 v47, v0  }
0x265: {  	v6 =	vld [tilespmem:s23+$0xD4A0];
	v46 =	vmul.f32 v50, v1;
	v47 =	vmul.f32 v52, v2  }
0x266: {  	v13 =	vld [tilespmem:s23+$0xD4C0];
	v48 =	vmul.f32 v53, v3;
	v49 =	vmul.f32 v51, v0  }
0x267: {  	v10 =	vld [tilespmem:s23+$0xD4D0];
	v50 =	vmul.f32 v54, v1;
	v51 =	vmul.f32 v55, v2  }
0x268: {  	v14 =	vld [tilespmem:s23+$0xD4E0];
	v52 =	vmul.f32 v56, v3;
	v54 =	vmul.f32 v59, v2  }
0x269: {  	v17 =	vld [tilespmem:s23+$0xD4F0];
	v55 =	vmul.f32 v60, v3;
	v19 =	vmul.f32 v19, v0  }
0x26a: {  	v12 =	vld [tilespmem:s23+$0xD500];
	v57 =	vmul.f32 v57, v1;
	v23 =	vmul.f32 v58, v0  }
0x26b: {  	v15 =	vld [tilespmem:s23+$0xD510];
	v58 =	vmul.f32 v61, v1;
	v59 =	vmul.f32 v62, v2  }
0x26c: {  	v22 =	vld [tilespmem:s23+$0xD540];
	v60 =	vmul.f32 v63, v3;
	v62 =	vmul.f32 v27, v0  }
0x26d: {  	v24 =	vld [tilespmem:s23+$0xD550];
	v37 =	vmul.f32 v30, v1;
	v39 =	vmul.f32 v32, v2  }
0x26e: {  	v38 =	vld [tilespmem:s23+$0xD580];
	v40 =	vmul.f32 v40, v3;
	v6 =	vmul.f32 v6, v2  }
0x26f: {  	v42 =	vld [tilespmem:s23+$0xD4B0];
	v13 =	vmul.f32 v13, v1;
	v14 =	vmul.f32 v14, v2;
	v4 =	vadd.f32 v5, v4  }
0x270: {  	v53 =	vld [tilespmem:s23+$0xD520];
	v17 =	vmul.f32 v17, v3;
	v8 =	vadd.f32 v9, v8;
	v5 =	vadd.f32 v44, v43  }
0x271: {  	v56 =	vld [tilespmem:s23+$0xD530];
	v10 =	vmul.f32 v10, v0;
	v9 =	vadd.f32 v48, v47;
	v16 =	vadd.f32 v60, v59  }
0x272: {  	v61 =	vld [tilespmem:s23+$0xD560];
	v12 =	vmul.f32 v12, v1;
	v14 =	vadd.f32 v17, v14;
	v4 =	vadd.f32 v41, v4  }
0x273: {  	v63 =	vld [tilespmem:s23+$0xD570];
	v44 =	vmul.f32 v31, v0;
	v8 =	vadd.f32 v45, v8;
	v5 =	vadd.f32 v46, v5  }
0x274: {  	v43 =	vld [tilespmem:s23+$0xD5A0];
	v47 =	vmul.f32 v35, v0;
	v9 =	vadd.f32 v50, v9;
	v16 =	vadd.f32 v37, v16  }
0x275: {  	v48 =	vld [tilespmem:s23+$0xD5C0];
	v60 =	vmul.f32 v24, v0;
	v12 =	vadd.f32 v12, v14;
	v4 =	vadd.f32 v7, v4  }
0x276: {  	v59 =	vld [tilespmem:s23+$0xD620];
	v45 =	vmul.f32 v34, v1;
	v8 =	vadd.f32 v11, v8;
	v5 =	vadd.f32 v49, v5  }
0x277: {  	v31 =	vld [tilespmem:s23+$0xD640];
	v42 =	vmul.f32 v42, v3;
	v7 =	vadd.f32 v52, v51;
	v11 =	vadd.f32 v55, v54  }
0x278: {  	v41 =	vld [tilespmem:s23+$0xD590];
	v20 =	vmul.f32 v63, v3;
	v9 =	vadd.f32 v19, v9;
	v19 =	vadd.f32 v40, v39  }
0x279: {  	v46 =	vld [tilespmem:s23+$0xD5B0];
	v16 =	vadd.f32 v44, v16;
	v52 =	vmul.f32 v53, v2;
	v53 =	vmul.f32 v56, v3  }
0x27a: {  	v50 =	vld [tilespmem:s23+$0xD5E0];
	v55 =	vmul.f32 v61, v2;
	v61 =	vmul.f32 v38, v1;
	v6 =	vadd.f32 v42, v6  }
0x27b: {  	v34 =	vld [tilespmem:s23+$0xD660];
	v29 =	vmul.f32 v43, v2;
	v36 =	vmul.f32 v48, v1;
	v7 =	vadd.f32 v57, v7  }
0x27c: {  	v49 =	vld [tilespmem:s23+$0xD5D0];
	v11 =	vadd.f32 v58, v11;
	v19 =	vadd.f32 v45, v19;
	v57 =	vmul.f32 v15, v0  }
0x27d: {  	v51 =	vld [tilespmem:s23+$0xD5F0];
	(xrf2) =	vadd.scan.msk.f32 $0xffff, v4;
	v58 =	vmul.f32 v22, v1;
	v14 =	vadd.f32 v20, v55;
	v6 =	vadd.f32 v13, v6  }
0x27e: {  	(xrf2) =	vadd.scan.msk.f32 $0xffff, v8;
	v30 =	vmul.f32 v46, v3;
	v33 =	vmul.f32 v41, v0;
	v11 =	vadd.f32 v62, v11;
	v62 =	vld [tilespmem:s23+$0xD630]  }
0x27f: {  	v54 =	vld [tilespmem:s23+$0xD600];
	v38 =	vmul.f32 v50, v2;
	v7 =	vadd.f32 v23, v7;
	v19 =	vadd.f32 v47, v19;
	(xrf2) =	vadd.scan.msk.f32 $0xffff, v5  }
0x280: {  	v56 =	vld [tilespmem:s23+$0xD610];
	v41 =	vmul.f32 v59, v2;
	v4 =	vadd.f32 v57, v12;
	v32 =	vadd.f32 v61, v14;
	(xrf2) =	vadd.scan.msk.f32 $0xffff, v9  }
0x281: {  	v37 =	vld [tilespmem:s23+$0xD670];
	v50 =	vmul.f32 v34, v2;
	v6 =	vadd.f32 v10, v6;
	v10 =	vadd.f32 v53, v52;
	(xrf2) =	vadd.scan.msk.f32 $0xffff, v7  }
0x282: {  	v40 =	vld [tilespmem:s23+$0xD650];
	v47 =	vmul.f32 v31, v1;
	v35 =	vadd.f32 v30, v29;
	v39 =	vmul.f32 v51, v3;
	(xrf2) =	vadd.scan.msk.f32 $0xffff, v11  }
0x283: {  	v43 =	vld [tilespmem:s23+$0xD680];
	v44 =	vmul.f32 v49, v0;
	v63 =	vadd.f32 v58, v10;
	(xrf2) =	vadd.scan.msk.f32 $0xffff, v16;
	v42 =	vmul.f32 v62, v3  }
0x284: {  	v45 =	vmul.f32 v54, v1;
	v7 =	vadd.f32 v36, v35;
	v11 =	vadd.f32 v39, v38;
	(xrf2) =	vadd.scan.msk.f32 $0xffff, v19  }
0x285: {  	v48 =	vld [tilespmem:s23+$0xD690];
	v46 =	vmul.f32 v56, v0;
	v5 =	vadd.f32 v60, v63;
	(xrf2) =	vadd.scan.msk.f32 $0xffff, v6;
	v8 =	vadd.f32 v42, v41  }
0x286: {  	v9 =	vadd.f32 v33, v32;
	v10 =	vmul.f32 v37, v3;
	v49 =	vadd.f32 v45, v11;
	(xrf2) =	vadd.scan.msk.f32 $0xffff, v4  }
0x287: {  	v54 =	vmul.f32 v40, v0;
	v52 =	vadd.f32 v44, v7;
	v51, _, _ =	vpop (xrf2);
	(xrf2) =	vadd.scan.msk.f32 $0xffff, v5;
	v53 =	vadd.f32 v47, v8  }
0x288: {  	v57 =	vmul.f32 v43, v1;
	v56 =	vadd.f32 v10, v50;
	v4 =	vadd.f32 v46, v49;
	v55, _, _ =	vpop (xrf2);
	(xrf2) =	vadd.scan.msk.f32 $0xffff, v9  }
0x289: {  	v58 =	vbroadcast v51, $0xF;
	v59 =	vbroadcast v55, $0xF;
	v60, _, _ =	vpop (xrf2);
	(xrf2) =	vadd.scan.msk.f32 $0xffff, v52;
	v61 =	vadd.f32 v54, v53  }
0x28a: {  	v13 =	vmul.f32 v48, v0;
	v12 =	vadd.f32 v57, v56;
	v62 =	vbroadcast v60, $0xF;
	v63, _, _ =	vpop (xrf2);
	(xrf2) =	vadd.scan.msk.f32 $0xffff, v4  }
0x28b: {  	v14 =	vsel vm0, v58, v59;
	v8 =	vbroadcast v63, $0xF;
	v15, _, _ =	vpop (xrf2);
	(xrf2) =	vadd.scan.msk.f32 $0xffff, v61  }
0x28c: {  	v4 =	vadd.f32 v13, v12;
	v16 =	vsel vm1, v14, v62;
	v17 =	vbroadcast v15, $0xF;
	v18, _, _ =	vpop (xrf2)  }
0x28d: {  	v5 =	vsel vm2, v16, v8;
	v19 =	vbroadcast v18, $0xF;
	v20, _, _ =	vpop (xrf2)  }
0x28e: {  	v5 =	vsel vm3, v5, v17;
	v21 =	vbroadcast v20, $0xF;
	v22, _, _ =	vpop (xrf2);
	(xrf2) =	vadd.scan.msk.f32 $0xffff, v4  }
0x28f: {  	v23 =	vsel vm4, v5, v19;
	v24 =	vbroadcast v22, $0xF;
	v25, _, _ =	vpop (xrf2)  }
0x290: {  	v4 =	vsel vm5, v23, v21;
	v6 =	vbroadcast v25, $0xF;
	v26, _, _ =	vpop (xrf2)  }
0x291: {  	v4 =	vsel vm6, v4, v24;
	v27 =	vbroadcast v26, $0xF;
	v28, _, _ =	vpop (xrf2)  }
0x292: {  	v4 =	vsel vm7, v4, v6;
	v29 =	vbroadcast v28, $0xF;
	v30, _, _ =	vpop (xrf2)  }
0x293: {  	v4 =	vsel vm8, v4, v27;
	v31 =	vbroadcast v30, $0xF;
	v32, _, _ =	vpop (xrf2)  }
0x294: {  	v4 =	vsel vm9, v4, v29;
	v33 =	vbroadcast v32, $0xF;
	v34, _, _ =	vpop (xrf2)  }
0x295: {  	v4 =	vsel vm10, v4, v31;
	v35 =	vbroadcast v34, $0xF;
	v36, _, _ =	vpop (xrf2)  }
0x296: {  	v4 =	vsel vm11, v4, v33;
	v37 =	vbroadcast v36, $0xF  }
0x297: {  	v4 =	vsel vm12, v4, v35  }
0x298: {  	v38, _, _ =	vpop (xrf2);
	v4 =	vsel vm13, v4, v37  }
0x299: {  	v4 =	vsel vm14, v4, v38  }
0x29a: {  	v4 =	vsub.f32 $0.0e+00, v4;
	_ =	sdelay $0x1  }
0x29b: {  	v4 =	vmul.f32 $1.442695020e+00, v4;
	_ =	sdelay $0x1  }
0x29c: {  	(erf) = vpow2.f32 v4;
	_ =	sdelay $0x8  }
0x29d: {  	v4 =	vpop (erf)  }
0x29e: {  	v4 =	vadd.f32 $1.000000000e+00, v4;
	_ =	sdelay $0x1  }
0x29f: {  	(erf) = vrcp.f32 v4;
	_ =	sdelay $0x7  }
0x2a0: {  	s30 =	sadd.s32 $0x20, s24;
	s28 =	sand.u32 $0x7F8, s25;
	s25 =	sand.u32 $0x6, s24  }
0x2a1: {  	s29 =	sshll.u32 s30, $0x6;
	s28 =	sor.u32 s25, s28;
	v4 =	vpop (erf)  }
0x2a2: {  	s29 =	sand.u32 $0x3FFFFF80, s29;
	[tilespmem:s28+$0x19EA0] =	vst v4  }
0x2a3: {  	v4 =	vld [tilespmem:s29+$0xCEA0]  }
0x2a4: {  	v39 =	vld [tilespmem:s29+$0xCEB0]  }
0x2a5: {  	v50 =	vld [tilespmem:s29+$0xCEC0]  }
0x2a6: {  	v7 =	vld [tilespmem:s29+$0xCED0]  }
0x2a7: {  	v51 =	vld [tilespmem:s23+$0xD6E0]  }
0x2a8: {  	v52 =	vld [tilespmem:s23+$0xD6F0]  }
0x2a9: {  	v53 =	vld [tilespmem:s23+$0xD700]  }
0x2aa: {  	v54 =	vld [tilespmem:s23+$0xD710]  }
0x2ab: {  	v55 =	vld [tilespmem:s23+$0xD720]  }
0x2ac: {  	v56 =	vld [tilespmem:s23+$0xD730]  }
0x2ad: {  	v57 =	vld [tilespmem:s23+$0xD740]  }
0x2ae: {  	v58 =	vld [tilespmem:s23+$0xD750]  }
0x2af: {  	v59 =	vld [tilespmem:s23+$0xD760]  }
0x2b0: {  	v60 =	vld [tilespmem:s23+$0xD770]  }
0x2b1: {  	v61 =	vld [tilespmem:s23+$0xD780]  }
0x2b2: {  	v19 =	vld [tilespmem:s23+$0xD790]  }
0x2b3: {  	v62 =	vld [tilespmem:s23+$0xD7A0]  }
0x2b4: {  	v63 =	vld [tilespmem:s23+$0xD7B0]  }
0x2b5: {  	v22 =	vld [tilespmem:s23+$0xD7C0]  }
0x2b6: {  	v40 =	vld [tilespmem:s23+$0xD7D0]  }
0x2b7: {  	v41 =	vld [tilespmem:s23+$0xD7E0]  }
0x2b8: {  	v42 =	vld [tilespmem:s23+$0xD7F0]  }
0x2b9: {  	v43 =	vld [tilespmem:s23+$0xD800]  }
0x2ba: {  	v44 =	vld [tilespmem:s23+$0xD810]  }
0x2bb: {  	v45 =	vld [tilespmem:s23+$0xD820]  }
0x2bc: {  	v46 =	vld [tilespmem:s23+$0xD830]  }
0x2bd: {  	v47 =	vld [tilespmem:s23+$0xD840];
	v4 =	vmul.f32 v4, v2  }
0x2be: {  	v31 =	vld [tilespmem:s23+$0xD850];
	v5 =	vmul.f32 v39, v3;
	v50 =	vmul.f32 v50, v1  }
0x2bf: {  	v48 =	vld [tilespmem:s23+$0xD860];
	v8 =	vmul.f32 v51, v2;
	v9 =	vmul.f32 v52, v3  }
0x2c0: {  	v49 =	vld [tilespmem:s23+$0xD870];
	v51 =	vmul.f32 v55, v2;
	v52 =	vmul.f32 v56, v3  }
0x2c1: {  	v34 =	vld [tilespmem:s23+$0xD880];
	v7 =	vmul.f32 v7, v0;
	v53 =	vmul.f32 v53, v1  }
0x2c2: {  	v35 =	vld [tilespmem:s23+$0xD890];
	v11 =	vmul.f32 v54, v0;
	v54 =	vmul.f32 v57, v1  }
0x2c3: {  	v6 =	vld [tilespmem:s23+$0xD8A0];
	v55 =	vmul.f32 v59, v2;
	v56 =	vmul.f32 v60, v3  }
0x2c4: {  	v36 =	vld [tilespmem:s23+$0xD8B0];
	v57 =	vmul.f32 v58, v0;
	v58 =	vmul.f32 v61, v1  }
0x2c5: {  	v13 =	vld [tilespmem:s23+$0xD8C0];
	v59 =	vmul.f32 v62, v2;
	v60 =	vmul.f32 v63, v3  }
0x2c6: {  	v10 =	vld [tilespmem:s23+$0xD8D0];
	v61 =	vmul.f32 v41, v2;
	v62 =	vmul.f32 v42, v3  }
0x2c7: {  	v14 =	vld [tilespmem:s23+$0xD8E0];
	v19 =	vmul.f32 v19, v0;
	v37 =	vmul.f32 v22, v1  }
0x2c8: {  	v17 =	vld [tilespmem:s23+$0xD8F0];
	v23 =	vmul.f32 v40, v0;
	v39 =	vmul.f32 v43, v1  }
0x2c9: {  	v12 =	vld [tilespmem:s23+$0xD900];
	v41 =	vmul.f32 v45, v2;
	v42 =	vmul.f32 v46, v3  }
0x2ca: {  	v15 =	vld [tilespmem:s23+$0xD910];
	v44 =	vmul.f32 v44, v0;
	v46 =	vmul.f32 v47, v1  }
0x2cb: {  	v18 =	vld [tilespmem:s23+$0xD920];
	v48 =	vmul.f32 v48, v2;
	v49 =	vmul.f32 v49, v3  }
0x2cc: {  	v38 =	vld [tilespmem:s23+$0xD940];
	v6 =	vmul.f32 v6, v2;
	v13 =	vmul.f32 v13, v1  }
0x2cd: {  	v63 =	vld [tilespmem:s23+$0xD930];
	v14 =	vmul.f32 v14, v2;
	v17 =	vmul.f32 v17, v3  }
0x2ce: {  	v40 =	vld [tilespmem:s23+$0xD950];
	v10 =	vmul.f32 v10, v0;
	v4 =	vadd.f32 v5, v4;
	v8 =	vadd.f32 v9, v8  }
0x2cf: {  	v43 =	vld [tilespmem:s23+$0xD960];
	v12 =	vmul.f32 v12, v1;
	v5 =	vadd.f32 v52, v51;
	v9 =	vadd.f32 v56, v55  }
0x2d0: {  	v45 =	vld [tilespmem:s23+$0xD970];
	v33 =	vmul.f32 v15, v0;
	v16 =	vadd.f32 v42, v41;
	v14 =	vadd.f32 v17, v14  }
0x2d1: {  	v47 =	vld [tilespmem:s23+$0xD980];
	v51 =	vmul.f32 v36, v3;
	v4 =	vadd.f32 v50, v4;
	v8 =	vadd.f32 v53, v8  }
0x2d2: {  	v52 =	vld [tilespmem:s23+$0xD9A0];
	v56 =	vmul.f32 v35, v0;
	v5 =	vadd.f32 v54, v5;
	v9 =	vadd.f32 v58, v9  }
0x2d3: {  	v55 =	vld [tilespmem:s23+$0xD9B0];
	v16 =	vadd.f32 v46, v16;
	v53 =	vmul.f32 v31, v0;
	v6 =	vadd.f32 v51, v6  }
0x2d4: {  	v35 =	vld [tilespmem:s23+$0xDA20];
	v54 =	vmul.f32 v34, v1;
	v12 =	vadd.f32 v12, v14;
	v4 =	vadd.f32 v7, v4  }
0x2d5: {  	v42 =	vld [tilespmem:s23+$0xDA40];
	v34 =	vmul.f32 v38, v1;
	v8 =	vadd.f32 v11, v8;
	v5 =	vadd.f32 v57, v5  }
0x2d6: {  	v50 =	vld [tilespmem:s23+$0xD990];
	v30 =	vmul.f32 v43, v2;
	v7 =	vadd.f32 v60, v59;
	v11 =	vadd.f32 v62, v61  }
0x2d7: {  	v58 =	vld [tilespmem:s23+$0xD9D0];
	v20 =	vmul.f32 v45, v3;
	v9 =	vadd.f32 v19, v9;
	v19 =	vadd.f32 v49, v48  }
0x2d8: {  	v38 =	vld [tilespmem:s23+$0xDA30];
	v36 =	vmul.f32 v40, v0;
	v16 =	vadd.f32 v53, v16;
	v6 =	vadd.f32 v13, v6  }
0x2d9: {  	v45 =	vld [tilespmem:s23+$0xDA60];
	v61 =	vmul.f32 v18, v2;
	v62 =	vmul.f32 v63, v3;
	v14 =	vadd.f32 v20, v30  }
0x2da: {  	v59 =	vld [tilespmem:s23+$0xD9E0];
	v40 =	vmul.f32 v52, v2;
	v7 =	vadd.f32 v37, v7;
	v11 =	vadd.f32 v39, v11  }
0x2db: {  	v60 =	vld [tilespmem:s23+$0xD9F0];
	v41 =	vmul.f32 v55, v3;
	v19 =	vadd.f32 v54, v19;
	v6 =	vadd.f32 v10, v6;
	(xrf2) =	vadd.scan.msk.f32 $0xffff, v4  }
0x2dc: {  	v57 =	vld [tilespmem:s23+$0xD9C0];
	v52 =	vmul.f32 v35, v2;
	v10 =	vadd.f32 v62, v61;
	v4 =	vadd.f32 v33, v12;
	(xrf2) =	vadd.scan.msk.f32 $0xffff, v8  }
0x2dd: {  	v63 =	vld [tilespmem:s23+$0xDA00];
	v37 =	vmul.f32 v47, v1;
	v46 =	vadd.f32 v41, v40;
	v7 =	vadd.f32 v23, v7;
	(xrf2) =	vadd.scan.msk.f32 $0xffff, v5  }
0x2de: {  	v32 =	vld [tilespmem:s23+$0xDA10];
	v53 =	vmul.f32 v38, v3;
	v55 =	vmul.f32 v58, v0;
	v11 =	vadd.f32 v44, v11;
	(xrf2) =	vadd.scan.msk.f32 $0xffff, v9  }
0x2df: {  	v48 =	vld [tilespmem:s23+$0xDA70];
	v58 =	vmul.f32 v42, v1;
	v19 =	vadd.f32 v56, v19;
	v44 =	vmul.f32 v50, v0;
	(xrf2) =	vadd.scan.msk.f32 $0xffff, v7  }
0x2e0: {  	v51 =	vld [tilespmem:s23+$0xDA50];
	v39 =	vadd.f32 v34, v10;
	v49 =	vmul.f32 v59, v2;
	v50 =	vmul.f32 v60, v3;
	(xrf2) =	vadd.scan.msk.f32 $0xffff, v11  }
0x2e1: {  	v54 =	vld [tilespmem:s23+$0xDA80];
	v43 =	vadd.f32 v37, v14;
	v61 =	vmul.f32 v45, v2;
	v47 =	vmul.f32 v57, v1;
	(xrf2) =	vadd.scan.msk.f32 $0xffff, v16  }
0x2e2: {  	v56 =	vmul.f32 v63, v1;
	v8 =	vadd.f32 v53, v52;
	v11 =	vadd.f32 v50, v49;
	(xrf2) =	vadd.scan.msk.f32 $0xffff, v19  }
0x2e3: {  	v57 =	vmul.f32 v32, v0;
	v59 =	vld [tilespmem:s23+$0xDA90];
	v5 =	vadd.f32 v36, v39;
	v7 =	vadd.f32 v47, v46;
	(xrf2) =	vadd.scan.msk.f32 $0xffff, v6  }
0x2e4: {  	v10 =	vmul.f32 v48, v3;
	v9 =	vadd.f32 v44, v43;
	v60 =	vadd.f32 v56, v11;
	(xrf2) =	vadd.scan.msk.f32 $0xffff, v4  }
0x2e5: {  	v17 =	vadd.f32 v58, v8;
	v63 =	vadd.f32 v55, v7;
	v19 =	vmul.f32 v51, v0;
	v62, _, _ =	vpop (xrf2);
	(xrf2) =	vadd.scan.msk.f32 $0xffff, v5  }
0x2e6: {  	v21 =	vadd.f32 v10, v61;
	v22 =	vmul.f32 v54, v1;
	v4 =	vadd.f32 v57, v60;
	v20, _, _ =	vpop (xrf2);
	(xrf2) =	vadd.scan.msk.f32 $0xffff, v9  }
0x2e7: {  	v7 =	vadd.f32 v19, v17;
	v24 =	vbroadcast v62, $0xF;
	v23, _, _ =	vpop (xrf2);
	(xrf2) =	vadd.scan.msk.f32 $0xffff, v63;
	v25 =	vbroadcast v20, $0xF  }
0x2e8: {  	v6 =	vadd.f32 v22, v21;
	v28 =	vmul.f32 v59, v0;
	v26, _, _ =	vpop (xrf2);
	(xrf2) =	vadd.scan.msk.f32 $0xffff, v4;
	v27 =	vbroadcast v23, $0xF  }
0x2e9: {  	v5 =	vsel vm0, v24, v25;
	v8 =	vbroadcast v26, $0xF;
	v29, _, _ =	vpop (xrf2);
	(xrf2) =	vadd.scan.msk.f32 $0xffff, v7  }
0x2ea: {  	v6 =	vadd.f32 v28, v6;
	v30, _, _ =	vpop (xrf2);
	v4 =	vsel vm1, v5, v27;
	v31 =	vbroadcast v29, $0xF  }
0x2eb: {  	v32, _, _ =	vpop (xrf2);
	v4 =	vsel vm2, v4, v8;
	v7 =	vbroadcast v30, $0xF  }
0x2ec: {  	(xrf2) =	vadd.scan.msk.f32 $0xffff, v6;
	v4 =	vsel vm3, v4, v31;
	v33 =	vbroadcast v32, $0xF;
	v34, _, _ =	vpop (xrf2)  }
0x2ed: {  	v35, _, _ =	vpop (xrf2);
	v4 =	vsel vm4, v4, v7;
	v36 =	vbroadcast v34, $0xF  }
0x2ee: {  	v37, _, _ =	vpop (xrf2);
	v4 =	vsel vm5, v4, v33;
	v38 =	vbroadcast v35, $0xF  }
0x2ef: {  	v39, _, _ =	vpop (xrf2);
	v4 =	vsel vm6, v4, v36;
	v40 =	vbroadcast v37, $0xF  }
0x2f0: {  	v41, _, _ =	vpop (xrf2);
	v4 =	vsel vm7, v4, v38;
	v42 =	vbroadcast v39, $0xF  }
0x2f1: {  	v43, _, _ =	vpop (xrf2);
	v4 =	vsel vm8, v4, v40;
	v44 =	vbroadcast v41, $0xF  }
0x2f2: {  	v45, _, _ =	vpop (xrf2);
	v4 =	vsel vm9, v4, v42;
	v46 =	vbroadcast v43, $0xF  }
0x2f3: {  	v4 =	vsel vm10, v4, v44;
	v47 =	vbroadcast v45, $0xF;
	v48, _, _ =	vpop (xrf2)  }
0x2f4: {  	v4 =	vsel vm11, v4, v46;
	v49 =	vbroadcast v48, $0xF  }
0x2f5: {  	v4 =	vsel vm12, v4, v47  }
0x2f6: {  	v50, _, _ =	vpop (xrf2);
	v4 =	vsel vm13, v4, v49  }
0x2f7: {  	v4 =	vsel vm14, v4, v50  }
0x2f8: {  	v4 =	vsub.f32 $0.0e+00, v4;
	_ =	sdelay $0x1  }
0x2f9: {  	v4 =	vmul.f32 $1.442695020e+00, v4;
	_ =	sdelay $0x1  }
0x2fa: {  	(erf) = vpow2.f32 v4;
	_ =	sdelay $0x8  }
0x2fb: {  	v4 =	vpop (erf)  }
0x2fc: {  	v4 =	vadd.f32 $1.000000000e+00, v4;
	_ =	sdelay $0x1  }
0x2fd: {  	(erf) = vrcp.f32 v4;
	_ =	sdelay $0x7  }
0x2fe: {  	s24 =	sadd.s32 $0x30, s24;
	s26 =	sand.u32 $0x7F8, s30  }
0x2ff: {  	s30 =	sshll.u32 s24, $0x6;
	s26 =	sor.u32 s25, s26;
	v4 =	vpop (erf)  }
0x300: {  	s29 =	sand.u32 $0x3FFFFF80, s30;
	[tilespmem:s26+$0x19EA0] =	vst v4  }
0x301: {  	v4 =	vld [tilespmem:s29+$0xCEA0]  }
0x302: {  	v51 =	vld [tilespmem:s29+$0xCEB0]  }
0x303: {  	v52 =	vld [tilespmem:s23+$0xDAE0]  }
0x304: {  	v53 =	vld [tilespmem:s23+$0xDAF0]  }
0x305: {  	v54 =	vld [tilespmem:s29+$0xCEC0]  }
0x306: {  	v55 =	vld [tilespmem:s23+$0xDB00]  }
0x307: {  	v56 =	vld [tilespmem:s29+$0xCED0]  }
0x308: {  	v57 =	vld [tilespmem:s23+$0xDB10];
	v4 =	vmul.f32 v4, v2;
	v5 =	vmul.f32 v51, v3  }
0x309: {  	v2 =	vmul.f32 v52, v2;
	v3 =	vmul.f32 v53, v3  }
0x30a: {  	v58 =	vmul.f32 v54, v1;
	v4 =	vadd.f32 v5, v4  }
0x30b: {  	v1 =	vmul.f32 v55, v1;
	v2 =	vadd.f32 v3, v2  }
0x30c: {  	v60 =	vmul.f32 v56, v0;
	v59 =	vadd.f32 v58, v4  }
0x30d: {  	v0 =	vmul.f32 v57, v0;
	v1 =	vadd.f32 v1, v2  }
0x30e: {  	v61 =	vadd.f32 v60, v59  }
0x30f: {  	v0 =	vadd.f32 v0, v1  }
0x310: {  	(xrf2) =	vadd.scan.msk.f32 $0xffff, v61  }
0x311: {  	(xrf2) =	vadd.scan.msk.f32 $0xffff, v0;
	_ =	sdelay $0x8  }
0x312: {  	v62, _, _ =	vpop (xrf2)  }
0x313: {  	v0 =	vbroadcast v62, $0xF;
	v63, _, _ =	vpop (xrf2)  }
0x314: {  	v1 =	vbroadcast v63, $0xF  }
0x315: {  	v0 =	vnsel vm0, $0x0, v0  }
0x316: {  	v0 =	vsel vm15, v0, v1  }
0x317: {  	v0 =	vsub.f32 $0.0e+00, v0;
	_ =	sdelay $0x1  }
0x318: {  	v0 =	vmul.f32 $1.442695020e+00, v0;
	_ =	sdelay $0x1  }
0x319: {  	(erf) = vpow2.f32 v0;
	_ =	sdelay $0x8  }
0x31a: {  	v0 =	vpop (erf)  }
0x31b: {  	v0 =	vadd.f32 $1.000000000e+00, v0;
	_ =	sdelay $0x1  }
0x31c: {  	(erf) = vrcp.f32 v0;
	_ =	sdelay $0x4  }
0x31d: {  	p0 =	sne.s32 s22, $0xF  }
.Ltmp1:
0x31e: {  	_ = 	snop;
	(pc) =	sbr.rel @p0 .LBB2_5-.Ltmp1, $4  }
0x31f: {  	_ = 	snop  }
0x320: {  	s30 =	sand.u32 $0x7F8, s24  }
0x321: {  	s23 =	sor.u32 s25, s30;
	v0 =	vpop (erf)  }
0x322: {  	s22 =	sadd.s32 $0x1, s22;
	[tilespmem:s23+$0x19EA0] =	vst v0  }
0x323: {  	s21 =	sshrl.u32 s21, $0x3;
	p0 =	sne.s32 s20, $0x10  }
.Ltmp2:
0x324: {  	s21 =	sadd.s32 s3, s21;
	(pc) =	sbr.rel @p0 .LBB2_2-.Ltmp2, $4  }
0x325: {  	[hbm4b:s21+s4] =	stream.linear.scatter [tilespmem:s11], [sflag:$0x3], $0x320, $0x38;
	[tilespmem:$0x1A1D0] =	vst v63  }
0x326: {  	_ =	swait.ge [sflag:s13], $0x320  }
0x327: {  	[sflag:s13] =	ssyncset.done $0x0  }
0x328: {  	[sflag:s13] =	ssyncadd.s32 $0xFFFFFCE0  }
0x329: {  	s21 =	rddreg [dreg:$0x7]  }
0x32a: {  	s20 =	rddreg [dreg:$0x6];
	s21 =	sadd.s32 $0x1, s21  }
0x32b: {  	p0 =	sne.s32 s21, s20  }
.Ltmp3:
0x32c: {  	_ = 	snop;
	(pc) =	sbr.rel @p0 .LBB2_1-.Ltmp3, $1  }
0x32d: {  	_ =	sdelay $0x3  }
0x32e: {  	_ =	sfence.sel $0x180000  }
0x32f: {  	[bflag:$0x0] =	sbarrier.arrive $0xFFFF  }
0x330: {  	_ =	strace $0x90000047  }
0x331: {  	s0 =	stileid.u32;
	[bflag:$0x2] =	sbarrier.arrive $0xFFFF  }
0x332: {  	p0 =	sne.s32 s0, $0x0;
	s0 =	rddreg [dreg:$0x3]  }
0x333: {  	s0 =	sadd.s32 @!p0 $0x100000, s0  }
0x334: {  	[sflag:s0] =	ssyncadd.tile.s32 @!p0 $0x1;
	_ =	shalt  }
.Lfunc_end2:
_tile_overlayer_lowered:
.L_overlay_start_2:
0x335: {  	(tag) =	ssettag $0x2  }
0x336: {  	s0 =	rddreg [dreg:$0x0];
	s2 =	stileid.u32  }
0x337: {  	s1 =	rddreg [dreg:$0x1];
	p0 =	sne.s32 s2, $0x0  }
0x338: {  	s3 =	rddreg [dreg:$0x2];
	[bflag:$0x3] =	sbarrier.arrive $0xFFFF;
	s2 =	simm.s32 @!p0 $0x1C03  }
0x339: {  	[timem:s3], [sflag:s2] =	dma.local @!p0 [hbm:s0], s1  }
0x33a: {  	s0 =	simm.s32 @!p0 $0x3  }
0x33b: {  	_ =	swait.ge @!p0 [sflag:s0], s1  }
0x33c: {  	s1 =	ssub.s32 @!p0 $0x0, s1;
	[sflag:s0] =	ssyncset.done @!p0 $0x0  }
0x33d: {  	[sflag:s0] =	ssyncadd.s32 @!p0 s1  }
0x33e: {  	[bflag:$0x3] =	sbarrier.arrive $0xFFFF  }
0x33f: {  	_ =	shalt  }

</sc_bundles>
